<compile_context>
chip_gen: v7x
topology: tpu7x:2x2x1
jax: 0.10.2.dev20260603
libtpu: 0.0.44.dev20260713+nightly
codegen_flags: <defaults>
</compile_context>

<pallas_src>
import functools

import jax
import jax.numpy as jnp
from jax import lax
from jax.experimental import pallas as pl
from jax.experimental.pallas import tpu as pltpu
from jax.experimental.pallas import tpu_sc as plsc

NUM_NODES = 100000
D = 128
DV = D // 16
W = 16384
C = 10
R = C - 1
EPS = 1e-15
NC = 2
NS = 16
NW = NC * NS
WPW = W // NW
CHUNK = 16
HIDX = CHUNK * C // 2
NCHUNK = WPW // CHUNK
CDOTS = CHUNK * R
DOTS = W * R
DPW = WPW * R


TCHUNK = 2 * NCHUNK


def _tree_sum(vs):
    while len(vs) > 1:
        vs = [a + b for a, b in zip(vs[::2], vs[1::2])]
    return vs[0]


def _sc_body(pos_hbm, neg_hbm, emb_hbm, out_hbm,
             idx_v, rows0, rows1, part_v, dots_v, sem0, sem1):
    cid = lax.axis_index("c")
    sid = lax.axis_index("s")
    wid = sid * NC + cid
    walk_base = wid * WPW
    lane = jax.lax.iota(jnp.int32, 16)

    pltpu.sync_copy(pos_hbm.at[pl.ds(walk_base * C, WPW * C)],
                    idx_v.at[pl.ds(0, WPW * C)])
    pltpu.sync_copy(neg_hbm.at[pl.ds(walk_base * C, WPW * C)],
                    idx_v.at[pl.ds(WPW * C, WPW * C)])

    rows = (rows0, rows1)
    sems = (sem0, sem1)

    def fetch(ch, buf):
        off = ch * (CHUNK * C)
        pltpu.async_copy(
            emb_hbm.at[idx_v.at[pl.ds(off, HIDX)]],
            rows[buf].at[pl.ds(0, HIDX)], sems[buf])
        pltpu.async_copy(
            emb_hbm.at[idx_v.at[pl.ds(off + HIDX, HIDX)]],
            rows[buf].at[pl.ds(HIDX, HIDX)], sems[buf])

    def wait_fetch(buf):
        pltpu.make_async_copy(
            emb_hbm.at[pl.ds(0, HIDX)],
            rows[buf].at[pl.ds(0, HIDX)], sems[buf]).wait()
        pltpu.make_async_copy(
            emb_hbm.at[pl.ds(0, HIDX)],
            rows[buf].at[pl.ds(HIDX, HIDX)], sems[buf]).wait()

    def compute(ch, buf):
        rows_v = rows[buf]

        def walk_body(w, carry2):
            row0 = w * C
            s = [rows_v[row0, pl.ds(k * 16, 16)] for k in range(DV)]
            for j in range(R):
                rrow = row0 + 1 + j
                acc = _tree_sum(
                    [s[k] * rows_v[rrow, pl.ds(k * 16, 16)]
                     for k in range(DV)])
                part_v[pl.ds((w * R + j) * 16, 16)] = acc
            return carry2

        lax.fori_loop(0, CHUNK, walk_body, 0)

        for g in range(CDOTS // 16):
            rows_idx = (lane + (16 * g)) * 16
            tot = _tree_sum(
                [plsc.load_gather(part_v, [rows_idx + c])
                 for c in range(16)])
            dots_v[pl.ds(ch * CDOTS + 16 * g, 16)] = tot

    fetch(0, 0)

    def chunk_pair(cp, carry):
        ch = 2 * cp
        fetch(ch + 1, 1)
        wait_fetch(0)
        compute(ch, 0)

        @pl.when(cp + 1 < TCHUNK // 2)
        def _():
            fetch(ch + 2, 0)
        wait_fetch(1)
        compute(ch + 1, 1)
        return carry

    lax.fori_loop(0, TCHUNK // 2, chunk_pair, 0)

    pltpu.sync_copy(dots_v.at[pl.ds(0, DPW)],
                    out_hbm.at[pl.ds(walk_base * R, DPW)])
    pltpu.sync_copy(dots_v.at[pl.ds(DPW, DPW)],
                    out_hbm.at[pl.ds(DOTS + walk_base * R, DPW)])


def _make_sc_dots():
    return pl.kernel(
        _sc_body,
        out_type=jax.ShapeDtypeStruct((2 * DOTS,), jnp.float32),
        mesh=plsc.VectorSubcoreMesh(
            core_axis_name="c", subcore_axis_name="s"),
        compiler_params=pltpu.CompilerParams(needs_layout_passes=False),
        scratch_types=[
            pltpu.VMEM((2 * WPW * C,), jnp.int32),
            pltpu.VMEM((CHUNK * C, D), jnp.float32),
            pltpu.VMEM((CHUNK * C, D), jnp.float32),
            pltpu.VMEM((CDOTS * 16,), jnp.float32),
            pltpu.VMEM((2 * DPW,), jnp.float32),
            pltpu.SemaphoreType.DMA,
            pltpu.SemaphoreType.DMA,
        ],
    )


_ROWS = 2 * DOTS // 128
_HALF = _ROWS // 2


def _tc_loss_body(dots_ref, out_ref):
    x = dots_ref[...]
    sig = 1.0 / (1.0 + jnp.exp(-x))
    pos = sig[:_HALF]
    neg = sig[_HALF:]
    pos_loss = -jnp.sum(jnp.log(pos + EPS))
    neg_loss = -jnp.sum(jnp.log(1.0 - neg + EPS))
    out_ref[0, 0] = (pos_loss + neg_loss) * (1.0 / DOTS)


_tc_loss = pl.pallas_call(
    _tc_loss_body,
    out_shape=jax.ShapeDtypeStruct((1, 1), jnp.float32),
    out_specs=pl.BlockSpec(memory_space=pltpu.SMEM),
)


def kernel(pos_rw, neg_rw, embedding):
    pos_flat = pos_rw.astype(jnp.int32).reshape(-1)
    neg_flat = neg_rw.astype(jnp.int32).reshape(-1)
    dots = _make_sc_dots()(pos_flat, neg_flat, embedding)
    loss = _tc_loss(dots.reshape(_ROWS, 128))
    return loss[0, 0]

# --- scband reference (transcript-rebuilt; emitter-appended) ---
"""Pipeline reference for scband-node2-vec-trainer-61117384622854 (READ-ONLY COPY).

The authoritative reference and input builder live on the scoring server;
editing this copy changes nothing except your own understanding.
"""

import jax, jax.numpy as jnp
import numpy as np

NUM_NODES = 100000
EMBED_DIM = 128
NUM_WALKS = 16384
CONTEXT = 10
EPS = 1e-15


def setup_inputs(seed: int = 0) -> dict:
    key = jax.random.key(seed)
    k1, k2, k3 = jax.random.split(key, 3)
    pos_rw = jax.random.randint(k1, (NUM_WALKS, CONTEXT), 0, NUM_NODES, dtype=jnp.int64 if jax.config.jax_enable_x64 else jnp.int32)
    neg_rw = jax.random.randint(k2, (NUM_WALKS, CONTEXT), 0, NUM_NODES, dtype=jnp.int64 if jax.config.jax_enable_x64 else jnp.int32)
    # learned parameter: embedding table (truncated-normal init approximated by normal)
    embedding = jax.random.truncated_normal(k3, -2.0, 2.0, (NUM_NODES, EMBED_DIM), dtype=jnp.float32)
    return {"pos_rw": pos_rw, "neg_rw": neg_rw, "embedding": embedding}


def _loss_term(rw, embedding):
    start = rw[:, 0].astype(jnp.int32)
    rest = rw[:, 1:].astype(jnp.int32)
    D = embedding.shape[1]
    h_start = jnp.take(embedding, start, axis=0).reshape(rw.shape[0], 1, D)
    h_rest = jnp.take(embedding, rest.reshape(-1), axis=0).reshape(rw.shape[0], -1, D)
    out = (h_start * h_rest).sum(axis=-1).reshape(-1)
    return out


def reference(pos_rw, neg_rw, embedding):
    out_pos = _loss_term(pos_rw, embedding)
    pos_loss = -jnp.log(jax.nn.sigmoid(out_pos) + EPS).mean()
    out_neg = _loss_term(neg_rw, embedding)
    neg_loss = -jnp.log(1.0 - jax.nn.sigmoid(out_neg) + EPS).mean()
    return pos_loss + neg_loss

if __name__ == "__main__":
    import jax
    _d = setup_inputs()
    print(jax.jit(kernel)(*tuple(_d.values())))

</pallas_src>

<mosaic_0001>
#map = affine_map<(d0, d1) -> (0)>
#map1 = affine_map<(d0, d1) -> (0, 0)>
module attributes {stable_mosaic.version = 14 : i64} {
  func.func @_sc_body(%arg0: i32, %arg1: i32, %arg2: memref<163840xi32, #tpu.memory_space<hbm>>, %arg3: memref<163840xi32, #tpu.memory_space<hbm>>, %arg4: memref<100000x128xf32, #tpu.memory_space<hbm>>, %arg5: memref<294912xf32, #tpu.memory_space<hbm>>, %arg6: memref<10240xi32, #tpu.memory_space<vmem>>, %arg7: memref<160x128xf32, #tpu.memory_space<vmem>>, %arg8: memref<160x128xf32, #tpu.memory_space<vmem>>, %arg9: memref<2304xf32, #tpu.memory_space<vmem>>, %arg10: memref<9216xf32, #tpu.memory_space<vmem>>, %arg11: memref<!tpu.dma_semaphore, #tpu.memory_space<semaphore_mem>>, %arg12: memref<!tpu.dma_semaphore, #tpu.memory_space<semaphore_mem>>) attributes {dimension_semantics = [#tpu.dimension_semantics<core_parallel>, #tpu.dimension_semantics<subcore_parallel>], iteration_bounds = array<i64: 2, 16>, scalar_prefetch = 0 : i64, scratch_operands = 7 : i64, tpu.core_type = #tpu.core_type<sc_vector_subcore>, window_params = [{transform_indices = #map}, {transform_indices = #map}, {transform_indices = #map1}, {transform_indices = #map}]} {
    %mul3A = arith.constant 2 : i32
    %mul3A_0 = arith.muli %arg1, %mul3A : i32
    %add3A = arith.addi %mul3A_0, %arg0 : i32
    %mul3A_1 = arith.constant 512 : i32
    %mul3A_2 = arith.muli %add3A, %mul3A_1 : i32
    %iota3A = tpu.iota {dimensions = array<i32: 0>} : vector<16xi32>
    %mul3A_3 = arith.constant 10 : i32
    %mul3A_4 = arith.muli %mul3A_2, %mul3A_3 : i32
    "tpu.region"() ({
      %run_scoped3A = tpu.sem_alloc : memref<!tpu.dma_semaphore, #tpu.memory_space<semaphore_mem>>
      %dma_start3A_33 = arith.constant 0 : i32
      %dma_start3A_34 = tpu.memref_slice %arg6[%dma_start3A_33] : memref<10240xi32, #tpu.memory_space<vmem>> -> memref<5120xi32, #tpu.memory_space<vmem>>
      %dma_start3A_35 = tpu.memref_slice %arg2[%mul3A_4] : memref<163840xi32, #tpu.memory_space<hbm>> -> memref<5120xi32, #tpu.memory_space<hbm>>
      %dma_start3A_36 = arith.constant 0 : i32
      %dma_start3A_37 = tpu.memref_slice %arg6[%dma_start3A_36] : memref<10240xi32, #tpu.memory_space<vmem>> -> memref<5120xi32, #tpu.memory_space<vmem>>
      %dma_start3A_38 = tpu.memref_slice %arg2[%mul3A_4] : memref<163840xi32, #tpu.memory_space<hbm>> -> memref<5120xi32, #tpu.memory_space<hbm>>
      tpu.enqueue_dma source(%dma_start3A_38 : memref<5120xi32, #tpu.memory_space<hbm>>) target(%dma_start3A_37 : memref<5120xi32, #tpu.memory_space<vmem>>) target_semaphore(%run_scoped3A : memref<!tpu.dma_semaphore, #tpu.memory_space<semaphore_mem>>)
      %dma_wait3A = arith.constant 0 : i32
      %dma_wait3A_39 = tpu.memref_slice %arg6[%dma_wait3A] : memref<10240xi32, #tpu.memory_space<vmem>> -> memref<5120xi32, #tpu.memory_space<vmem>>
      %dma_wait3A_40 = tpu.memref_slice %arg2[%mul3A_4] : memref<163840xi32, #tpu.memory_space<hbm>> -> memref<5120xi32, #tpu.memory_space<hbm>>
      %dma_wait3A_41 = arith.constant 0 : i32
      %dma_wait3A_42 = tpu.memref_slice %arg6[%dma_wait3A_41] : memref<10240xi32, #tpu.memory_space<vmem>> -> memref<5120xi32, #tpu.memory_space<vmem>>
      %dma_wait3A_43 = tpu.memref_slice %arg2[%mul3A_4] : memref<163840xi32, #tpu.memory_space<hbm>> -> memref<5120xi32, #tpu.memory_space<hbm>>
      tpu.wait_dma2 semaphore(%run_scoped3A : memref<!tpu.dma_semaphore, #tpu.memory_space<semaphore_mem>>) src(%dma_wait3A_43 : memref<5120xi32, #tpu.memory_space<hbm>>) dst(%dma_wait3A_42 : memref<5120xi32, #tpu.memory_space<vmem>>)
      tpu.yield
    }) : () -> ()
    %mul3A_5 = arith.constant 10 : i32
    %mul3A_6 = arith.muli %mul3A_2, %mul3A_5 : i32
    "tpu.region"() ({
      %run_scoped3A = tpu.sem_alloc : memref<!tpu.dma_semaphore, #tpu.memory_space<semaphore_mem>>
      %dma_start3A_33 = arith.constant 5120 : i32
      %dma_start3A_34 = tpu.memref_slice %arg6[%dma_start3A_33] : memref<10240xi32, #tpu.memory_space<vmem>> -> memref<5120xi32, #tpu.memory_space<vmem>>
      %dma_start3A_35 = tpu.memref_slice %arg3[%mul3A_6] : memref<163840xi32, #tpu.memory_space<hbm>> -> memref<5120xi32, #tpu.memory_space<hbm>>
      %dma_start3A_36 = arith.constant 5120 : i32
      %dma_start3A_37 = tpu.memref_slice %arg6[%dma_start3A_36] : memref<10240xi32, #tpu.memory_space<vmem>> -> memref<5120xi32, #tpu.memory_space<vmem>>
      %dma_start3A_38 = tpu.memref_slice %arg3[%mul3A_6] : memref<163840xi32, #tpu.memory_space<hbm>> -> memref<5120xi32, #tpu.memory_space<hbm>>
      tpu.enqueue_dma source(%dma_start3A_38 : memref<5120xi32, #tpu.memory_space<hbm>>) target(%dma_start3A_37 : memref<5120xi32, #tpu.memory_space<vmem>>) target_semaphore(%run_scoped3A : memref<!tpu.dma_semaphore, #tpu.memory_space<semaphore_mem>>)
      %dma_wait3A = arith.constant 5120 : i32
      %dma_wait3A_39 = tpu.memref_slice %arg6[%dma_wait3A] : memref<10240xi32, #tpu.memory_space<vmem>> -> memref<5120xi32, #tpu.memory_space<vmem>>
      %dma_wait3A_40 = tpu.memref_slice %arg3[%mul3A_6] : memref<163840xi32, #tpu.memory_space<hbm>> -> memref<5120xi32, #tpu.memory_space<hbm>>
      %dma_wait3A_41 = arith.constant 5120 : i32
      %dma_wait3A_42 = tpu.memref_slice %arg6[%dma_wait3A_41] : memref<10240xi32, #tpu.memory_space<vmem>> -> memref<5120xi32, #tpu.memory_space<vmem>>
      %dma_wait3A_43 = tpu.memref_slice %arg3[%mul3A_6] : memref<163840xi32, #tpu.memory_space<hbm>> -> memref<5120xi32, #tpu.memory_space<hbm>>
      tpu.wait_dma2 semaphore(%run_scoped3A : memref<!tpu.dma_semaphore, #tpu.memory_space<semaphore_mem>>) src(%dma_wait3A_43 : memref<5120xi32, #tpu.memory_space<hbm>>) dst(%dma_wait3A_42 : memref<5120xi32, #tpu.memory_space<vmem>>)
      tpu.yield
    }) : () -> ()
    %dma_start3A = arith.constant 0 : i32
    %dma_start3A_7 = arith.constant 0 : i32
    %dma_start3A_8 = tpu.memref_slice %arg7[%dma_start3A, %dma_start3A_7] : memref<160x128xf32, #tpu.memory_space<vmem>> -> memref<80x128xf32, #tpu.memory_space<vmem>>
    %dma_start3A_9 = arith.constant 0 : i32
    %dma_start3A_10 = tpu.memref_slice %arg6[%dma_start3A_9] : memref<10240xi32, #tpu.memory_space<vmem>> -> memref<80xi32, #tpu.memory_space<vmem>>
    %dma_start3A_11 = arith.constant 0 : i32
    %dma_start3A_12 = arith.constant 0 : i32
    %dma_start3A_13 = tpu.memref_slice %arg4[%dma_start3A_11, %dma_start3A_12] : memref<100000x128xf32, #tpu.memory_space<hbm>> -> memref<100000x128xf32, #tpu.memory_space<hbm>>
    tpu.enqueue_indirect_dma source(%dma_start3A_13 : memref<100000x128xf32, #tpu.memory_space<hbm>>) target(%dma_start3A_8 : memref<80x128xf32, #tpu.memory_space<vmem>>) offsets(%dma_start3A_10 : memref<80xi32, #tpu.memory_space<vmem>>) semaphore(%arg11 : memref<!tpu.dma_semaphore, #tpu.memory_space<semaphore_mem>>)
    %dma_start3A_14 = arith.constant 80 : i32
    %dma_start3A_15 = arith.constant 0 : i32
    %dma_start3A_16 = tpu.memref_slice %arg7[%dma_start3A_14, %dma_start3A_15] : memref<160x128xf32, #tpu.memory_space<vmem>> -> memref<80x128xf32, #tpu.memory_space<vmem>>
    %dma_start3A_17 = arith.constant 80 : i32
    %dma_start3A_18 = tpu.memref_slice %arg6[%dma_start3A_17] : memref<10240xi32, #tpu.memory_space<vmem>> -> memref<80xi32, #tpu.memory_space<vmem>>
    %dma_start3A_19 = arith.constant 0 : i32
    %dma_start3A_20 = arith.constant 0 : i32
    %dma_start3A_21 = tpu.memref_slice %arg4[%dma_start3A_19, %dma_start3A_20] : memref<100000x128xf32, #tpu.memory_space<hbm>> -> memref<100000x128xf32, #tpu.memory_space<hbm>>
    tpu.enqueue_indirect_dma source(%dma_start3A_21 : memref<100000x128xf32, #tpu.memory_space<hbm>>) target(%dma_start3A_16 : memref<80x128xf32, #tpu.memory_space<vmem>>) offsets(%dma_start3A_18 : memref<80xi32, #tpu.memory_space<vmem>>) semaphore(%arg11 : memref<!tpu.dma_semaphore, #tpu.memory_space<semaphore_mem>>)
    %scan3A = arith.constant 0 : i32
    %scan3A_22 = arith.constant 0 : i32
    %scan3A_23 = arith.constant 32 : i32
    %scan3A_24 = arith.addi %scan3A_22, %scan3A_23 : i32
    %scan3A_25 = arith.constant 1 : i32
    scf.for %scan3A_33 = %scan3A_22 to %scan3A_24 step %scan3A_25  : i32 {
      %mul3A_34 = arith.constant 2 : i32
      %mul3A_35 = arith.muli %mul3A_34, %scan3A_33 : i32
      %add3A_36 = arith.constant 1 : i32
      %add3A_37 = arith.addi %mul3A_35, %add3A_36 : i32
      %mul3A_38 = arith.constant 160 : i32
      %mul3A_39 = arith.muli %add3A_37, %mul3A_38 : i32
      %dma_start3A_40 = arith.constant 0 : i32
      %dma_start3A_41 = arith.constant 0 : i32
      %dma_start3A_42 = tpu.memref_slice %arg8[%dma_start3A_40, %dma_start3A_41] : memref<160x128xf32, #tpu.memory_space<vmem>> -> memref<80x128xf32, #tpu.memory_space<vmem>>
      %dma_start3A_43 = tpu.memref_slice %arg6[%mul3A_39] : memref<10240xi32, #tpu.memory_space<vmem>> -> memref<80xi32, #tpu.memory_space<vmem>>
      %dma_start3A_44 = arith.constant 0 : i32
      %dma_start3A_45 = arith.constant 0 : i32
      %dma_start3A_46 = tpu.memref_slice %arg4[%dma_start3A_44, %dma_start3A_45] : memref<100000x128xf32, #tpu.memory_space<hbm>> -> memref<100000x128xf32, #tpu.memory_space<hbm>>
      tpu.enqueue_indirect_dma source(%dma_start3A_46 : memref<100000x128xf32, #tpu.memory_space<hbm>>) target(%dma_start3A_42 : memref<80x128xf32, #tpu.memory_space<vmem>>) offsets(%dma_start3A_43 : memref<80xi32, #tpu.memory_space<vmem>>) semaphore(%arg12 : memref<!tpu.dma_semaphore, #tpu.memory_space<semaphore_mem>>)
      %add3A_47 = arith.constant 80 : i32
      %add3A_48 = arith.addi %mul3A_39, %add3A_47 : i32
      %dma_start3A_49 = arith.constant 80 : i32
      %dma_start3A_50 = arith.constant 0 : i32
      %dma_start3A_51 = tpu.memref_slice %arg8[%dma_start3A_49, %dma_start3A_50] : memref<160x128xf32, #tpu.memory_space<vmem>> -> memref<80x128xf32, #tpu.memory_space<vmem>>
      %dma_start3A_52 = tpu.memref_slice %arg6[%add3A_48] : memref<10240xi32, #tpu.memory_space<vmem>> -> memref<80xi32, #tpu.memory_space<vmem>>
      %dma_start3A_53 = arith.constant 0 : i32
      %dma_start3A_54 = arith.constant 0 : i32
      %dma_start3A_55 = tpu.memref_slice %arg4[%dma_start3A_53, %dma_start3A_54] : memref<100000x128xf32, #tpu.memory_space<hbm>> -> memref<100000x128xf32, #tpu.memory_space<hbm>>
      tpu.enqueue_indirect_dma source(%dma_start3A_55 : memref<100000x128xf32, #tpu.memory_space<hbm>>) target(%dma_start3A_51 : memref<80x128xf32, #tpu.memory_space<vmem>>) offsets(%dma_start3A_52 : memref<80xi32, #tpu.memory_space<vmem>>) semaphore(%arg12 : memref<!tpu.dma_semaphore, #tpu.memory_space<semaphore_mem>>)
      %dma_wait3A = arith.constant 0 : i32
      %dma_wait3A_56 = arith.constant 0 : i32
      %dma_wait3A_57 = tpu.memref_slice %arg7[%dma_wait3A, %dma_wait3A_56] : memref<160x128xf32, #tpu.memory_space<vmem>> -> memref<80x128xf32, #tpu.memory_space<vmem>>
      %dma_wait3A_58 = arith.constant 0 : i32
      %dma_wait3A_59 = arith.constant 0 : i32
      %dma_wait3A_60 = tpu.memref_slice %arg4[%dma_wait3A_58, %dma_wait3A_59] : memref<100000x128xf32, #tpu.memory_space<hbm>> -> memref<80x128xf32, #tpu.memory_space<hbm>>
      %dma_wait3A_61 = arith.constant 0 : i32
      %dma_wait3A_62 = arith.constant 0 : i32
      %dma_wait3A_63 = tpu.memref_slice %arg7[%dma_wait3A_61, %dma_wait3A_62] : memref<160x128xf32, #tpu.memory_space<vmem>> -> memref<80x128xf32, #tpu.memory_space<vmem>>
      %dma_wait3A_64 = arith.constant 0 : i32
      %dma_wait3A_65 = arith.constant 0 : i32
      %dma_wait3A_66 = tpu.memref_slice %arg4[%dma_wait3A_64, %dma_wait3A_65] : memref<100000x128xf32, #tpu.memory_space<hbm>> -> memref<80x128xf32, #tpu.memory_space<hbm>>
      tpu.wait_dma2 semaphore(%arg11 : memref<!tpu.dma_semaphore, #tpu.memory_space<semaphore_mem>>) src(%dma_wait3A_66 : memref<80x128xf32, #tpu.memory_space<hbm>>) dst(%dma_wait3A_63 : memref<80x128xf32, #tpu.memory_space<vmem>>)
      %dma_wait3A_67 = arith.constant 80 : i32
      %dma_wait3A_68 = arith.constant 0 : i32
      %dma_wait3A_69 = tpu.memref_slice %arg7[%dma_wait3A_67, %dma_wait3A_68] : memref<160x128xf32, #tpu.memory_space<vmem>> -> memref<80x128xf32, #tpu.memory_space<vmem>>
      %dma_wait3A_70 = arith.constant 0 : i32
      %dma_wait3A_71 = arith.constant 0 : i32
      %dma_wait3A_72 = tpu.memref_slice %arg4[%dma_wait3A_70, %dma_wait3A_71] : memref<100000x128xf32, #tpu.memory_space<hbm>> -> memref<80x128xf32, #tpu.memory_space<hbm>>
      %dma_wait3A_73 = arith.constant 80 : i32
      %dma_wait3A_74 = arith.constant 0 : i32
      %dma_wait3A_75 = tpu.memref_slice %arg7[%dma_wait3A_73, %dma_wait3A_74] : memref<160x128xf32, #tpu.memory_space<vmem>> -> memref<80x128xf32, #tpu.memory_space<vmem>>
      %dma_wait3A_76 = arith.constant 0 : i32
      %dma_wait3A_77 = arith.constant 0 : i32
      %dma_wait3A_78 = tpu.memref_slice %arg4[%dma_wait3A_76, %dma_wait3A_77] : memref<100000x128xf32, #tpu.memory_space<hbm>> -> memref<80x128xf32, #tpu.memory_space<hbm>>
      tpu.wait_dma2 semaphore(%arg11 : memref<!tpu.dma_semaphore, #tpu.memory_space<semaphore_mem>>) src(%dma_wait3A_78 : memref<80x128xf32, #tpu.memory_space<hbm>>) dst(%dma_wait3A_75 : memref<80x128xf32, #tpu.memory_space<vmem>>)
      %scan3A_79 = arith.constant 0 : i32
      %scan3A_80 = arith.constant 0 : i32
      %scan3A_81 = arith.constant 16 : i32
      %scan3A_82 = arith.addi %scan3A_80, %scan3A_81 : i32
      %scan3A_83 = arith.constant 1 : i32
      scf.for %scan3A_1757 = %scan3A_80 to %scan3A_82 step %scan3A_83  : i32 {
        %mul3A_1758 = arith.constant 10 : i32
        %mul3A_1759 = arith.muli %scan3A_1757, %mul3A_1758 : i32
        %get3A = arith.index_cast %mul3A_1759 : i32 to index
        %get3A_1760 = arith.constant 0 : index
        %get3A_1761 = tpu.vector_load %arg7[%get3A, %get3A_1760] {strides = array<i32>} : memref<160x128xf32, #tpu.memory_space<vmem>>, vector<16xf32>,
        %get3A_1762 = arith.index_cast %mul3A_1759 : i32 to index
        %get3A_1763 = arith.constant 16 : index
        %get3A_1764 = tpu.vector_load %arg7[%get3A_1762, %get3A_1763] {strides = array<i32>} : memref<160x128xf32, #tpu.memory_space<vmem>>, vector<16xf32>,
        %get3A_1765 = arith.index_cast %mul3A_1759 : i32 to index
        %get3A_1766 = arith.constant 32 : index
        %get3A_1767 = tpu.vector_load %arg7[%get3A_1765, %get3A_1766] {strides = array<i32>} : memref<160x128xf32, #tpu.memory_space<vmem>>, vector<16xf32>,
        %get3A_1768 = arith.index_cast %mul3A_1759 : i32 to index
        %get3A_1769 = arith.constant 48 : index
        %get3A_1770 = tpu.vector_load %arg7[%get3A_1768, %get3A_1769] {strides = array<i32>} : memref<160x128xf32, #tpu.memory_space<vmem>>, vector<16xf32>,
        %get3A_1771 = arith.index_cast %mul3A_1759 : i32 to index
        %get3A_1772 = arith.constant 64 : index
        %get3A_1773 = tpu.vector_load %arg7[%get3A_1771, %get3A_1772] {strides = array<i32>} : memref<160x128xf32, #tpu.memory_space<vmem>>, vector<16xf32>,
        %get3A_1774 = arith.index_cast %mul3A_1759 : i32 to index
        %get3A_1775 = arith.constant 80 : index
        %get3A_1776 = tpu.vector_load %arg7[%get3A_1774, %get3A_1775] {strides = array<i32>} : memref<160x128xf32, #tpu.memory_space<vmem>>, vector<16xf32>,
        %get3A_1777 = arith.index_cast %mul3A_1759 : i32 to index
        %get3A_1778 = arith.constant 96 : index
        %get3A_1779 = tpu.vector_load %arg7[%get3A_1777, %get3A_1778] {strides = array<i32>} : memref<160x128xf32, #tpu.memory_space<vmem>>, vector<16xf32>,
        %get3A_1780 = arith.index_cast %mul3A_1759 : i32 to index
        %get3A_1781 = arith.constant 112 : index
        %get3A_1782 = tpu.vector_load %arg7[%get3A_1780, %get3A_1781] {strides = array<i32>} : memref<160x128xf32, #tpu.memory_space<vmem>>, vector<16xf32>,
        %add3A_1783 = arith.constant 1 : i32
        %add3A_1784 = arith.addi %mul3A_1759, %add3A_1783 : i32
        %add3A_1785 = arith.constant 0 : i32
        %add3A_1786 = arith.addi %add3A_1784, %add3A_1785 : i32
        %get3A_1787 = arith.index_cast %add3A_1786 : i32 to index
        %get3A_1788 = arith.constant 0 : index
        %get3A_1789 = tpu.vector_load %arg7[%get3A_1787, %get3A_1788] {strides = array<i32>} : memref<160x128xf32, #tpu.memory_space<vmem>>, vector<16xf32>,
        %mul3A_1790 = arith.mulf %get3A_1761, %get3A_1789 : vector<16xf32>
        %get3A_1791 = arith.index_cast %add3A_1786 : i32 to index
        %get3A_1792 = arith.constant 16 : index
        %get3A_1793 = tpu.vector_load %arg7[%get3A_1791, %get3A_1792] {strides = array<i32>} : memref<160x128xf32, #tpu.memory_space<vmem>>, vector<16xf32>,
        %mul3A_1794 = arith.mulf %get3A_1764, %get3A_1793 : vector<16xf32>
        %get3A_1795 = arith.index_cast %add3A_1786 : i32 to index
        %get3A_1796 = arith.constant 32 : index
        %get3A_1797 = tpu.vector_load %arg7[%get3A_1795, %get3A_1796] {strides = array<i32>} : memref<160x128xf32, #tpu.memory_space<vmem>>, vector<16xf32>,
        %mul3A_1798 = arith.mulf %get3A_1767, %get3A_1797 : vector<16xf32>
        %get3A_1799 = arith.index_cast %add3A_1786 : i32 to index
        %get3A_1800 = arith.constant 48 : index
        %get3A_1801 = tpu.vector_load %arg7[%get3A_1799, %get3A_1800] {strides = array<i32>} : memref<160x128xf32, #tpu.memory_space<vmem>>, vector<16xf32>,
        %mul3A_1802 = arith.mulf %get3A_1770, %get3A_1801 : vector<16xf32>
        %get3A_1803 = arith.index_cast %add3A_1786 : i32 to index
        %get3A_1804 = arith.constant 64 : index
        %get3A_1805 = tpu.vector_load %arg7[%get3A_1803, %get3A_1804] {strides = array<i32>} : memref<160x128xf32, #tpu.memory_space<vmem>>, vector<16xf32>,
        %mul3A_1806 = arith.mulf %get3A_1773, %get3A_1805 : vector<16xf32>
        %get3A_1807 = arith.index_cast %add3A_1786 : i32 to index
        %get3A_1808 = arith.constant 80 : index
        %get3A_1809 = tpu.vector_load %arg7[%get3A_1807, %get3A_1808] {strides = array<i32>} : memref<160x128xf32, #tpu.memory_space<vmem>>, vector<16xf32>,
        %mul3A_1810 = arith.mulf %get3A_1776, %get3A_1809 : vector<16xf32>
        %get3A_1811 = arith.index_cast %add3A_1786 : i32 to index
        %get3A_1812 = arith.constant 96 : index
        %get3A_1813 = tpu.vector_load %arg7[%get3A_1811, %get3A_1812] {strides = array<i32>} : memref<160x128xf32, #tpu.memory_space<vmem>>, vector<16xf32>,
        %mul3A_1814 = arith.mulf %get3A_1779, %get3A_1813 : vector<16xf32>
        %get3A_1815 = arith.index_cast %add3A_1786 : i32 to index
        %get3A_1816 = arith.constant 112 : index
        %get3A_1817 = tpu.vector_load %arg7[%get3A_1815, %get3A_1816] {strides = array<i32>} : memref<160x128xf32, #tpu.memory_space<vmem>>, vector<16xf32>,
        %mul3A_1818 = arith.mulf %get3A_1782, %get3A_1817 : vector<16xf32>
        %add3A_1819 = arith.addf %mul3A_1790, %mul3A_1794 : vector<16xf32>
        %add3A_1820 = arith.addf %mul3A_1798, %mul3A_1802 : vector<16xf32>
        %add3A_1821 = arith.addf %mul3A_1806, %mul3A_1810 : vector<16xf32>
        %add3A_1822 = arith.addf %mul3A_1814, %mul3A_1818 : vector<16xf32>
        %add3A_1823 = arith.addf %add3A_1819, %add3A_1820 : vector<16xf32>
        %add3A_1824 = arith.addf %add3A_1821, %add3A_1822 : vector<16xf32>
        %add3A_1825 = arith.addf %add3A_1823, %add3A_1824 : vector<16xf32>
        %mul3A_1826 = arith.constant 9 : i32
        %mul3A_1827 = arith.muli %scan3A_1757, %mul3A_1826 : i32
        %add3A_1828 = arith.constant 0 : i32
        %add3A_1829 = arith.addi %mul3A_1827, %add3A_1828 : i32
        %mul3A_1830 = arith.constant 16 : i32
        %mul3A_1831 = arith.muli %add3A_1829, %mul3A_1830 : i32
        %swap3A_1832 = arith.index_cast %mul3A_1831 : i32 to index
        %swap3A_1833 = tpu.vector_load %arg9[%swap3A_1832] {strides = array<i32>} : memref<2304xf32, #tpu.memory_space<vmem>>, vector<16xf32>,
        tpu.vector_store %arg9[%swap3A_1832], %add3A_1825 {strides = array<i32>} : memref<2304xf32, #tpu.memory_space<vmem>>, vector<16xf32>,
        %add3A_1834 = arith.constant 1 : i32
        %add3A_1835 = arith.addi %mul3A_1759, %add3A_1834 : i32
        %add3A_1836 = arith.constant 1 : i32
        %add3A_1837 = arith.addi %add3A_1835, %add3A_1836 : i32
        %get3A_1838 = arith.index_cast %add3A_1837 : i32 to index
        %get3A_1839 = arith.constant 0 : index
        %get3A_1840 = tpu.vector_load %arg7[%get3A_1838, %get3A_1839] {strides = array<i32>} : memref<160x128xf32, #tpu.memory_space<vmem>>, vector<16xf32>,
        %mul3A_1841 = arith.mulf %get3A_1761, %get3A_1840 : vector<16xf32>
        %get3A_1842 = arith.index_cast %add3A_1837 : i32 to index
        %get3A_1843 = arith.constant 16 : index
        %get3A_1844 = tpu.vector_load %arg7[%get3A_1842, %get3A_1843] {strides = array<i32>} : memref<160x128xf32, #tpu.memory_space<vmem>>, vector<16xf32>,
        %mul3A_1845 = arith.mulf %get3A_1764, %get3A_1844 : vector<16xf32>
        %get3A_1846 = arith.index_cast %add3A_1837 : i32 to index
        %get3A_1847 = arith.constant 32 : index
        %get3A_1848 = tpu.vector_load %arg7[%get3A_1846, %get3A_1847] {strides = array<i32>} : memref<160x128xf32, #tpu.memory_space<vmem>>, vector<16xf32>,
        %mul3A_1849 = arith.mulf %get3A_1767, %get3A_1848 : vector<16xf32>
        %get3A_1850 = arith.index_cast %add3A_1837 : i32 to index
        %get3A_1851 = arith.constant 48 : index
        %get3A_1852 = tpu.vector_load %arg7[%get3A_1850, %get3A_1851] {strides = array<i32>} : memref<160x128xf32, #tpu.memory_space<vmem>>, vector<16xf32>,
        %mul3A_1853 = arith.mulf %get3A_1770, %get3A_1852 : vector<16xf32>
        %get3A_1854 = arith.index_cast %add3A_1837 : i32 to index
        %get3A_1855 = arith.constant 64 : index
        %get3A_1856 = tpu.vector_load %arg7[%get3A_1854, %get3A_1855] {strides = array<i32>} : memref<160x128xf32, #tpu.memory_space<vmem>>, vector<16xf32>,
        %mul3A_1857 = arith.mulf %get3A_1773, %get3A_1856 : vector<16xf32>
        %get3A_1858 = arith.index_cast %add3A_1837 : i32 to index
        %get3A_1859 = arith.constant 80 : index
        %get3A_1860 = tpu.vector_load %arg7[%get3A_1858, %get3A_1859] {strides = array<i32>} : memref<160x128xf32, #tpu.memory_space<vmem>>, vector<16xf32>,
        %mul3A_1861 = arith.mulf %get3A_1776, %get3A_1860 : vector<16xf32>
        %get3A_1862 = arith.index_cast %add3A_1837 : i32 to index
        %get3A_1863 = arith.constant 96 : index
        %get3A_1864 = tpu.vector_load %arg7[%get3A_1862, %get3A_1863] {strides = array<i32>} : memref<160x128xf32, #tpu.memory_space<vmem>>, vector<16xf32>,
        %mul3A_1865 = arith.mulf %get3A_1779, %get3A_1864 : vector<16xf32>
        %get3A_1866 = arith.index_cast %add3A_1837 : i32 to index
        %get3A_1867 = arith.constant 112 : index
        %get3A_1868 = tpu.vector_load %arg7[%get3A_1866, %get3A_1867] {strides = array<i32>} : memref<160x128xf32, #tpu.memory_space<vmem>>, vector<16xf32>,
        %mul3A_1869 = arith.mulf %get3A_1782, %get3A_1868 : vector<16xf32>
        %add3A_1870 = arith.addf %mul3A_1841, %mul3A_1845 : vector<16xf32>
        %add3A_1871 = arith.addf %mul3A_1849, %mul3A_1853 : vector<16xf32>
        %add3A_1872 = arith.addf %mul3A_1857, %mul3A_1861 : vector<16xf32>
        %add3A_1873 = arith.addf %mul3A_1865, %mul3A_1869 : vector<16xf32>
        %add3A_1874 = arith.addf %add3A_1870, %add3A_1871 : vector<16xf32>
        %add3A_1875 = arith.addf %add3A_1872, %add3A_1873 : vector<16xf32>
        %add3A_1876 = arith.addf %add3A_1874, %add3A_1875 : vector<16xf32>
        %mul3A_1877 = arith.constant 9 : i32
        %mul3A_1878 = arith.muli %scan3A_1757, %mul3A_1877 : i32
        %add3A_1879 = arith.constant 1 : i32
        %add3A_1880 = arith.addi %mul3A_1878, %add3A_1879 : i32
        %mul3A_1881 = arith.constant 16 : i32
        %mul3A_1882 = arith.muli %add3A_1880, %mul3A_1881 : i32
        %swap3A_1883 = arith.index_cast %mul3A_1882 : i32 to index
        %swap3A_1884 = tpu.vector_load %arg9[%swap3A_1883] {strides = array<i32>} : memref<2304xf32, #tpu.memory_space<vmem>>, vector<16xf32>,
        tpu.vector_store %arg9[%swap3A_1883], %add3A_1876 {strides = array<i32>} : memref<2304xf32, #tpu.memory_space<vmem>>, vector<16xf32>,
        %add3A_1885 = arith.constant 1 : i32
        %add3A_1886 = arith.addi %mul3A_1759, %add3A_1885 : i32
        %add3A_1887 = arith.constant 2 : i32
        %add3A_1888 = arith.addi %add3A_1886, %add3A_1887 : i32
        %get3A_1889 = arith.index_cast %add3A_1888 : i32 to index
        %get3A_1890 = arith.constant 0 : index
        %get3A_1891 = tpu.vector_load %arg7[%get3A_1889, %get3A_1890] {strides = array<i32>} : memref<160x128xf32, #tpu.memory_space<vmem>>, vector<16xf32>,
        %mul3A_1892 = arith.mulf %get3A_1761, %get3A_1891 : vector<16xf32>
        %get3A_1893 = arith.index_cast %add3A_1888 : i32 to index
        %get3A_1894 = arith.constant 16 : index
        %get3A_1895 = tpu.vector_load %arg7[%get3A_1893, %get3A_1894] {strides = array<i32>} : memref<160x128xf32, #tpu.memory_space<vmem>>, vector<16xf32>,
        %mul3A_1896 = arith.mulf %get3A_1764, %get3A_1895 : vector<16xf32>
        %get3A_1897 = arith.index_cast %add3A_1888 : i32 to index
        %get3A_1898 = arith.constant 32 : index
        %get3A_1899 = tpu.vector_load %arg7[%get3A_1897, %get3A_1898] {strides = array<i32>} : memref<160x128xf32, #tpu.memory_space<vmem>>, vector<16xf32>,
        %mul3A_1900 = arith.mulf %get3A_1767, %get3A_1899 : vector<16xf32>
        %get3A_1901 = arith.index_cast %add3A_1888 : i32 to index
        %get3A_1902 = arith.constant 48 : index
        %get3A_1903 = tpu.vector_load %arg7[%get3A_1901, %get3A_1902] {strides = array<i32>} : memref<160x128xf32, #tpu.memory_space<vmem>>, vector<16xf32>,
        %mul3A_1904 = arith.mulf %get3A_1770, %get3A_1903 : vector<16xf32>
        %get3A_1905 = arith.index_cast %add3A_1888 : i32 to index
        %get3A_1906 = arith.constant 64 : index
        %get3A_1907 = tpu.vector_load %arg7[%get3A_1905, %get3A_1906] {strides = array<i32>} : memref<160x128xf32, #tpu.memory_space<vmem>>, vector<16xf32>,
        %mul3A_1908 = arith.mulf %get3A_1773, %get3A_1907 : vector<16xf32>
        %get3A_1909 = arith.index_cast %add3A_1888 : i32 to index
        %get3A_1910 = arith.constant 80 : index
        %get3A_1911 = tpu.vector_load %arg7[%get3A_1909, %get3A_1910] {strides = array<i32>} : memref<160x128xf32, #tpu.memory_space<vmem>>, vector<16xf32>,
        %mul3A_1912 = arith.mulf %get3A_1776, %get3A_1911 : vector<16xf32>
        %get3A_1913 = arith.index_cast %add3A_1888 : i32 to index
        %get3A_1914 = arith.constant 96 : index
        %get3A_1915 = tpu.vector_load %arg7[%get3A_1913, %get3A_1914] {strides = array<i32>} : memref<160x128xf32, #tpu.memory_space<vmem>>, vector<16xf32>,
        %mul3A_1916 = arith.mulf %get3A_1779, %get3A_1915 : vector<16xf32>
        %get3A_1917 = arith.index_cast %add3A_1888 : i32 to index
        %get3A_1918 = arith.constant 112 : index
        %get3A_1919 = tpu.vector_load %arg7[%get3A_1917, %get3A_1918] {strides = array<i32>} : memref<160x128xf32, #tpu.memory_space<vmem>>, vector<16xf32>,
        %mul3A_1920 = arith.mulf %get3A_1782, %get3A_1919 : vector<16xf32>
        %add3A_1921 = arith.addf %mul3A_1892, %mul3A_1896 : vector<16xf32>
        %add3A_1922 = arith.addf %mul3A_1900, %mul3A_1904 : vector<16xf32>
        %add3A_1923 = arith.addf %mul3A_1908, %mul3A_1912 : vector<16xf32>
        %add3A_1924 = arith.addf %mul3A_1916, %mul3A_1920 : vector<16xf32>
        %add3A_1925 = arith.addf %add3A_1921, %add3A_1922 : vector<16xf32>
        %add3A_1926 = arith.addf %add3A_1923, %add3A_1924 : vector<16xf32>
        %add3A_1927 = arith.addf %add3A_1925, %add3A_1926 : vector<16xf32>
        %mul3A_1928 = arith.constant 9 : i32
        %mul3A_1929 = arith.muli %scan3A_1757, %mul3A_1928 : i32
        %add3A_1930 = arith.constant 2 : i32
        %add3A_1931 = arith.addi %mul3A_1929, %add3A_1930 : i32
        %mul3A_1932 = arith.constant 16 : i32
        %mul3A_1933 = arith.muli %add3A_1931, %mul3A_1932 : i32
        %swap3A_1934 = arith.index_cast %mul3A_1933 : i32 to index
        %swap3A_1935 = tpu.vector_load %arg9[%swap3A_1934] {strides = array<i32>} : memref<2304xf32, #tpu.memory_space<vmem>>, vector<16xf32>,
        tpu.vector_store %arg9[%swap3A_1934], %add3A_1927 {strides = array<i32>} : memref<2304xf32, #tpu.memory_space<vmem>>, vector<16xf32>,
        %add3A_1936 = arith.constant 1 : i32
        %add3A_1937 = arith.addi %mul3A_1759, %add3A_1936 : i32
        %add3A_1938 = arith.constant 3 : i32
        %add3A_1939 = arith.addi %add3A_1937, %add3A_1938 : i32
        %get3A_1940 = arith.index_cast %add3A_1939 : i32 to index
        %get3A_1941 = arith.constant 0 : index
        %get3A_1942 = tpu.vector_load %arg7[%get3A_1940, %get3A_1941] {strides = array<i32>} : memref<160x128xf32, #tpu.memory_space<vmem>>, vector<16xf32>,
        %mul3A_1943 = arith.mulf %get3A_1761, %get3A_1942 : vector<16xf32>
        %get3A_1944 = arith.index_cast %add3A_1939 : i32 to index
        %get3A_1945 = arith.constant 16 : index
        %get3A_1946 = tpu.vector_load %arg7[%get3A_1944, %get3A_1945] {strides = array<i32>} : memref<160x128xf32, #tpu.memory_space<vmem>>, vector<16xf32>,
        %mul3A_1947 = arith.mulf %get3A_1764, %get3A_1946 : vector<16xf32>
        %get3A_1948 = arith.index_cast %add3A_1939 : i32 to index
        %get3A_1949 = arith.constant 32 : index
        %get3A_1950 = tpu.vector_load %arg7[%get3A_1948, %get3A_1949] {strides = array<i32>} : memref<160x128xf32, #tpu.memory_space<vmem>>, vector<16xf32>,
        %mul3A_1951 = arith.mulf %get3A_1767, %get3A_1950 : vector<16xf32>
        %get3A_1952 = arith.index_cast %add3A_1939 : i32 to index
        %get3A_1953 = arith.constant 48 : index
        %get3A_1954 = tpu.vector_load %arg7[%get3A_1952, %get3A_1953] {strides = array<i32>} : memref<160x128xf32, #tpu.memory_space<vmem>>, vector<16xf32>,
        %mul3A_1955 = arith.mulf %get3A_1770, %get3A_1954 : vector<16xf32>
        %get3A_1956 = arith.index_cast %add3A_1939 : i32 to index
        %get3A_1957 = arith.constant 64 : index
        %get3A_1958 = tpu.vector_load %arg7[%get3A_1956, %get3A_1957] {strides = array<i32>} : memref<160x128xf32, #tpu.memory_space<vmem>>, vector<16xf32>,
        %mul3A_1959 = arith.mulf %get3A_1773, %get3A_1958 : vector<16xf32>
        %get3A_1960 = arith.index_cast %add3A_1939 : i32 to index
        %get3A_1961 = arith.constant 80 : index
        %get3A_1962 = tpu.vector_load %arg7[%get3A_1960, %get3A_1961] {strides = array<i32>} : memref<160x128xf32, #tpu.memory_space<vmem>>, vector<16xf32>,
        %mul3A_1963 = arith.mulf %get3A_1776, %get3A_1962 : vector<16xf32>
        %get3A_1964 = arith.index_cast %add3A_1939 : i32 to index
        %get3A_1965 = arith.constant 96 : index
        %get3A_1966 = tpu.vector_load %arg7[%get3A_1964, %get3A_1965] {strides = array<i32>} : memref<160x128xf32, #tpu.memory_space<vmem>>, vector<16xf32>,
        %mul3A_1967 = arith.mulf %get3A_1779, %get3A_1966 : vector<16xf32>
        %get3A_1968 = arith.index_cast %add3A_1939 : i32 to index
        %get3A_1969 = arith.constant 112 : index
        %get3A_1970 = tpu.vector_load %arg7[%get3A_1968, %get3A_1969] {strides = array<i32>} : memref<160x128xf32, #tpu.memory_space<vmem>>, vector<16xf32>,
        %mul3A_1971 = arith.mulf %get3A_1782, %get3A_1970 : vector<16xf32>
        %add3A_1972 = arith.addf %mul3A_1943, %mul3A_1947 : vector<16xf32>
        %add3A_1973 = arith.addf %mul3A_1951, %mul3A_1955 : vector<16xf32>
        %add3A_1974 = arith.addf %mul3A_1959, %mul3A_1963 : vector<16xf32>
        %add3A_1975 = arith.addf %mul3A_1967, %mul3A_1971 : vector<16xf32>
        %add3A_1976 = arith.addf %add3A_1972, %add3A_1973 : vector<16xf32>
        %add3A_1977 = arith.addf %add3A_1974, %add3A_1975 : vector<16xf32>
        %add3A_1978 = arith.addf %add3A_1976, %add3A_1977 : vector<16xf32>
        %mul3A_1979 = arith.constant 9 : i32
        %mul3A_1980 = arith.muli %scan3A_1757, %mul3A_1979 : i32
        %add3A_1981 = arith.constant 3 : i32
        %add3A_1982 = arith.addi %mul3A_1980, %add3A_1981 : i32
        %mul3A_1983 = arith.constant 16 : i32
        %mul3A_1984 = arith.muli %add3A_1982, %mul3A_1983 : i32
        %swap3A_1985 = arith.index_cast %mul3A_1984 : i32 to index
        %swap3A_1986 = tpu.vector_load %arg9[%swap3A_1985] {strides = array<i32>} : memref<2304xf32, #tpu.memory_space<vmem>>, vector<16xf32>,
        tpu.vector_store %arg9[%swap3A_1985], %add3A_1978 {strides = array<i32>} : memref<2304xf32, #tpu.memory_space<vmem>>, vector<16xf32>,
        %add3A_1987 = arith.constant 1 : i32
        %add3A_1988 = arith.addi %mul3A_1759, %add3A_1987 : i32
        %add3A_1989 = arith.constant 4 : i32
        %add3A_1990 = arith.addi %add3A_1988, %add3A_1989 : i32
        %get3A_1991 = arith.index_cast %add3A_1990 : i32 to index
        %get3A_1992 = arith.constant 0 : index
        %get3A_1993 = tpu.vector_load %arg7[%get3A_1991, %get3A_1992] {strides = array<i32>} : memref<160x128xf32, #tpu.memory_space<vmem>>, vector<16xf32>,
        %mul3A_1994 = arith.mulf %get3A_1761, %get3A_1993 : vector<16xf32>
        %get3A_1995 = arith.index_cast %add3A_1990 : i32 to index
        %get3A_1996 = arith.constant 16 : index
        %get3A_1997 = tpu.vector_load %arg7[%get3A_1995, %get3A_1996] {strides = array<i32>} : memref<160x128xf32, #tpu.memory_space<vmem>>, vector<16xf32>,
        %mul3A_1998 = arith.mulf %get3A_1764, %get3A_1997 : vector<16xf32>
        %get3A_1999 = arith.index_cast %add3A_1990 : i32 to index
        %get3A_2000 = arith.constant 32 : index
        %get3A_2001 = tpu.vector_load %arg7[%get3A_1999, %get3A_2000] {strides = array<i32>} : memref<160x128xf32, #tpu.memory_space<vmem>>, vector<16xf32>,
        %mul3A_2002 = arith.mulf %get3A_1767, %get3A_2001 : vector<16xf32>
        %get3A_2003 = arith.index_cast %add3A_1990 : i32 to index
        %get3A_2004 = arith.constant 48 : index
        %get3A_2005 = tpu.vector_load %arg7[%get3A_2003, %get3A_2004] {strides = array<i32>} : memref<160x128xf32, #tpu.memory_space<vmem>>, vector<16xf32>,
        %mul3A_2006 = arith.mulf %get3A_1770, %get3A_2005 : vector<16xf32>
        %get3A_2007 = arith.index_cast %add3A_1990 : i32 to index
        %get3A_2008 = arith.constant 64 : index
        %get3A_2009 = tpu.vector_load %arg7[%get3A_2007, %get3A_2008] {strides = array<i32>} : memref<160x128xf32, #tpu.memory_space<vmem>>, vector<16xf32>,
        %mul3A_2010 = arith.mulf %get3A_1773, %get3A_2009 : vector<16xf32>
        %get3A_2011 = arith.index_cast %add3A_1990 : i32 to index
        %get3A_2012 = arith.constant 80 : index
        %get3A_2013 = tpu.vector_load %arg7[%get3A_2011, %get3A_2012] {strides = array<i32>} : memref<160x128xf32, #tpu.memory_space<vmem>>, vector<16xf32>,
        %mul3A_2014 = arith.mulf %get3A_1776, %get3A_2013 : vector<16xf32>
        %get3A_2015 = arith.index_cast %add3A_1990 : i32 to index
        %get3A_2016 = arith.constant 96 : index
        %get3A_2017 = tpu.vector_load %arg7[%get3A_2015, %get3A_2016] {strides = array<i32>} : memref<160x128xf32, #tpu.memory_space<vmem>>, vector<16xf32>,
        %mul3A_2018 = arith.mulf %get3A_1779, %get3A_2017 : vector<16xf32>
        %get3A_2019 = arith.index_cast %add3A_1990 : i32 to index
        %get3A_2020 = arith.constant 112 : index
        %get3A_2021 = tpu.vector_load %arg7[%get3A_2019, %get3A_2020] {strides = array<i32>} : memref<160x128xf32, #tpu.memory_space<vmem>>, vector<16xf32>,
        %mul3A_2022 = arith.mulf %get3A_1782, %get3A_2021 : vector<16xf32>
        %add3A_2023 = arith.addf %mul3A_1994, %mul3A_1998 : vector<16xf32>
        %add3A_2024 = arith.addf %mul3A_2002, %mul3A_2006 : vector<16xf32>
        %add3A_2025 = arith.addf %mul3A_2010, %mul3A_2014 : vector<16xf32>
        %add3A_2026 = arith.addf %mul3A_2018, %mul3A_2022 : vector<16xf32>
        %add3A_2027 = arith.addf %add3A_2023, %add3A_2024 : vector<16xf32>
        %add3A_2028 = arith.addf %add3A_2025, %add3A_2026 : vector<16xf32>
        %add3A_2029 = arith.addf %add3A_2027, %add3A_2028 : vector<16xf32>
        %mul3A_2030 = arith.constant 9 : i32
        %mul3A_2031 = arith.muli %scan3A_1757, %mul3A_2030 : i32
        %add3A_2032 = arith.constant 4 : i32
        %add3A_2033 = arith.addi %mul3A_2031, %add3A_2032 : i32
        %mul3A_2034 = arith.constant 16 : i32
        %mul3A_2035 = arith.muli %add3A_2033, %mul3A_2034 : i32
        %swap3A_2036 = arith.index_cast %mul3A_2035 : i32 to index
        %swap3A_2037 = tpu.vector_load %arg9[%swap3A_2036] {strides = array<i32>} : memref<2304xf32, #tpu.memory_space<vmem>>, vector<16xf32>,
        tpu.vector_store %arg9[%swap3A_2036], %add3A_2029 {strides = array<i32>} : memref<2304xf32, #tpu.memory_space<vmem>>, vector<16xf32>,
        %add3A_2038 = arith.constant 1 : i32
        %add3A_2039 = arith.addi %mul3A_1759, %add3A_2038 : i32
        %add3A_2040 = arith.constant 5 : i32
        %add3A_2041 = arith.addi %add3A_2039, %add3A_2040 : i32
        %get3A_2042 = arith.index_cast %add3A_2041 : i32 to index
        %get3A_2043 = arith.constant 0 : index
        %get3A_2044 = tpu.vector_load %arg7[%get3A_2042, %get3A_2043] {strides = array<i32>} : memref<160x128xf32, #tpu.memory_space<vmem>>, vector<16xf32>,
        %mul3A_2045 = arith.mulf %get3A_1761, %get3A_2044 : vector<16xf32>
        %get3A_2046 = arith.index_cast %add3A_2041 : i32 to index
        %get3A_2047 = arith.constant 16 : index
        %get3A_2048 = tpu.vector_load %arg7[%get3A_2046, %get3A_2047] {strides = array<i32>} : memref<160x128xf32, #tpu.memory_space<vmem>>, vector<16xf32>,
        %mul3A_2049 = arith.mulf %get3A_1764, %get3A_2048 : vector<16xf32>
        %get3A_2050 = arith.index_cast %add3A_2041 : i32 to index
        %get3A_2051 = arith.constant 32 : index
        %get3A_2052 = tpu.vector_load %arg7[%get3A_2050, %get3A_2051] {strides = array<i32>} : memref<160x128xf32, #tpu.memory_space<vmem>>, vector<16xf32>,
        %mul3A_2053 = arith.mulf %get3A_1767, %get3A_2052 : vector<16xf32>
        %get3A_2054 = arith.index_cast %add3A_2041 : i32 to index
        %get3A_2055 = arith.constant 48 : index
        %get3A_2056 = tpu.vector_load %arg7[%get3A_2054, %get3A_2055] {strides = array<i32>} : memref<160x128xf32, #tpu.memory_space<vmem>>, vector<16xf32>,
        %mul3A_2057 = arith.mulf %get3A_1770, %get3A_2056 : vector<16xf32>
        %get3A_2058 = arith.index_cast %add3A_2041 : i32 to index
        %get3A_2059 = arith.constant 64 : index
        %get3A_2060 = tpu.vector_load %arg7[%get3A_2058, %get3A_2059] {strides = array<i32>} : memref<160x128xf32, #tpu.memory_space<vmem>>, vector<16xf32>,
        %mul3A_2061 = arith.mulf %get3A_1773, %get3A_2060 : vector<16xf32>
        %get3A_2062 = arith.index_cast %add3A_2041 : i32 to index
        %get3A_2063 = arith.constant 80 : index
        %get3A_2064 = tpu.vector_load %arg7[%get3A_2062, %get3A_2063] {strides = array<i32>} : memref<160x128xf32, #tpu.memory_space<vmem>>, vector<16xf32>,
        %mul3A_2065 = arith.mulf %get3A_1776, %get3A_2064 : vector<16xf32>
        %get3A_2066 = arith.index_cast %add3A_2041 : i32 to index
        %get3A_2067 = arith.constant 96 : index
        %get3A_2068 = tpu.vector_load %arg7[%get3A_2066, %get3A_2067] {strides = array<i32>} : memref<160x128xf32, #tpu.memory_space<vmem>>, vector<16xf32>,
        %mul3A_2069 = arith.mulf %get3A_1779, %get3A_2068 : vector<16xf32>
        %get3A_2070 = arith.index_cast %add3A_2041 : i32 to index
        %get3A_2071 = arith.constant 112 : index
        %get3A_2072 = tpu.vector_load %arg7[%get3A_2070, %get3A_2071] {strides = array<i32>} : memref<160x128xf32, #tpu.memory_space<vmem>>, vector<16xf32>,
        %mul3A_2073 = arith.mulf %get3A_1782, %get3A_2072 : vector<16xf32>
        %add3A_2074 = arith.addf %mul3A_2045, %mul3A_2049 : vector<16xf32>
        %add3A_2075 = arith.addf %mul3A_2053, %mul3A_2057 : vector<16xf32>
        %add3A_2076 = arith.addf %mul3A_2061, %mul3A_2065 : vector<16xf32>
        %add3A_2077 = arith.addf %mul3A_2069, %mul3A_2073 : vector<16xf32>
        %add3A_2078 = arith.addf %add3A_2074, %add3A_2075 : vector<16xf32>
        %add3A_2079 = arith.addf %add3A_2076, %add3A_2077 : vector<16xf32>
        %add3A_2080 = arith.addf %add3A_2078, %add3A_2079 : vector<16xf32>
        %mul3A_2081 = arith.constant 9 : i32
        %mul3A_2082 = arith.muli %scan3A_1757, %mul3A_2081 : i32
        %add3A_2083 = arith.constant 5 : i32
        %add3A_2084 = arith.addi %mul3A_2082, %add3A_2083 : i32
        %mul3A_2085 = arith.constant 16 : i32
        %mul3A_2086 = arith.muli %add3A_2084, %mul3A_2085 : i32
        %swap3A_2087 = arith.index_cast %mul3A_2086 : i32 to index
        %swap3A_2088 = tpu.vector_load %arg9[%swap3A_2087] {strides = array<i32>} : memref<2304xf32, #tpu.memory_space<vmem>>, vector<16xf32>,
        tpu.vector_store %arg9[%swap3A_2087], %add3A_2080 {strides = array<i32>} : memref<2304xf32, #tpu.memory_space<vmem>>, vector<16xf32>,
        %add3A_2089 = arith.constant 1 : i32
        %add3A_2090 = arith.addi %mul3A_1759, %add3A_2089 : i32
        %add3A_2091 = arith.constant 6 : i32
        %add3A_2092 = arith.addi %add3A_2090, %add3A_2091 : i32
        %get3A_2093 = arith.index_cast %add3A_2092 : i32 to index
        %get3A_2094 = arith.constant 0 : index
        %get3A_2095 = tpu.vector_load %arg7[%get3A_2093, %get3A_2094] {strides = array<i32>} : memref<160x128xf32, #tpu.memory_space<vmem>>, vector<16xf32>,
        %mul3A_2096 = arith.mulf %get3A_1761, %get3A_2095 : vector<16xf32>
        %get3A_2097 = arith.index_cast %add3A_2092 : i32 to index
        %get3A_2098 = arith.constant 16 : index
        %get3A_2099 = tpu.vector_load %arg7[%get3A_2097, %get3A_2098] {strides = array<i32>} : memref<160x128xf32, #tpu.memory_space<vmem>>, vector<16xf32>,
        %mul3A_2100 = arith.mulf %get3A_1764, %get3A_2099 : vector<16xf32>
        %get3A_2101 = arith.index_cast %add3A_2092 : i32 to index
        %get3A_2102 = arith.constant 32 : index
        %get3A_2103 = tpu.vector_load %arg7[%get3A_2101, %get3A_2102] {strides = array<i32>} : memref<160x128xf32, #tpu.memory_space<vmem>>, vector<16xf32>,
        %mul3A_2104 = arith.mulf %get3A_1767, %get3A_2103 : vector<16xf32>
        %get3A_2105 = arith.index_cast %add3A_2092 : i32 to index
        %get3A_2106 = arith.constant 48 : index
        %get3A_2107 = tpu.vector_load %arg7[%get3A_2105, %get3A_2106] {strides = array<i32>} : memref<160x128xf32, #tpu.memory_space<vmem>>, vector<16xf32>,
        %mul3A_2108 = arith.mulf %get3A_1770, %get3A_2107 : vector<16xf32>
        %get3A_2109 = arith.index_cast %add3A_2092 : i32 to index
        %get3A_2110 = arith.constant 64 : index
        %get3A_2111 = tpu.vector_load %arg7[%get3A_2109, %get3A_2110] {strides = array<i32>} : memref<160x128xf32, #tpu.memory_space<vmem>>, vector<16xf32>,
        %mul3A_2112 = arith.mulf %get3A_1773, %get3A_2111 : vector<16xf32>
        %get3A_2113 = arith.index_cast %add3A_2092 : i32 to index
        %get3A_2114 = arith.constant 80 : index
        %get3A_2115 = tpu.vector_load %arg7[%get3A_2113, %get3A_2114] {strides = array<i32>} : memref<160x128xf32, #tpu.memory_space<vmem>>, vector<16xf32>,
        %mul3A_2116 = arith.mulf %get3A_1776, %get3A_2115 : vector<16xf32>
        %get3A_2117 = arith.index_cast %add3A_2092 : i32 to index
        %get3A_2118 = arith.constant 96 : index
        %get3A_2119 = tpu.vector_load %arg7[%get3A_2117, %get3A_2118] {strides = array<i32>} : memref<160x128xf32, #tpu.memory_space<vmem>>, vector<16xf32>,
        %mul3A_2120 = arith.mulf %get3A_1779, %get3A_2119 : vector<16xf32>
        %get3A_2121 = arith.index_cast %add3A_2092 : i32 to index
        %get3A_2122 = arith.constant 112 : index
        %get3A_2123 = tpu.vector_load %arg7[%get3A_2121, %get3A_2122] {strides = array<i32>} : memref<160x128xf32, #tpu.memory_space<vmem>>, vector<16xf32>,
        %mul3A_2124 = arith.mulf %get3A_1782, %get3A_2123 : vector<16xf32>
        %add3A_2125 = arith.addf %mul3A_2096, %mul3A_2100 : vector<16xf32>
        %add3A_2126 = arith.addf %mul3A_2104, %mul3A_2108 : vector<16xf32>
        %add3A_2127 = arith.addf %mul3A_2112, %mul3A_2116 : vector<16xf32>
        %add3A_2128 = arith.addf %mul3A_2120, %mul3A_2124 : vector<16xf32>
        %add3A_2129 = arith.addf %add3A_2125, %add3A_2126 : vector<16xf32>
        %add3A_2130 = arith.addf %add3A_2127, %add3A_2128 : vector<16xf32>
        %add3A_2131 = arith.addf %add3A_2129, %add3A_2130 : vector<16xf32>
        %mul3A_2132 = arith.constant 9 : i32
        %mul3A_2133 = arith.muli %scan3A_1757, %mul3A_2132 : i32
        %add3A_2134 = arith.constant 6 : i32
        %add3A_2135 = arith.addi %mul3A_2133, %add3A_2134 : i32
        %mul3A_2136 = arith.constant 16 : i32
        %mul3A_2137 = arith.muli %add3A_2135, %mul3A_2136 : i32
        %swap3A_2138 = arith.index_cast %mul3A_2137 : i32 to index
        %swap3A_2139 = tpu.vector_load %arg9[%swap3A_2138] {strides = array<i32>} : memref<2304xf32, #tpu.memory_space<vmem>>, vector<16xf32>,
        tpu.vector_store %arg9[%swap3A_2138], %add3A_2131 {strides = array<i32>} : memref<2304xf32, #tpu.memory_space<vmem>>, vector<16xf32>,
        %add3A_2140 = arith.constant 1 : i32
        %add3A_2141 = arith.addi %mul3A_1759, %add3A_2140 : i32
        %add3A_2142 = arith.constant 7 : i32
        %add3A_2143 = arith.addi %add3A_2141, %add3A_2142 : i32
        %get3A_2144 = arith.index_cast %add3A_2143 : i32 to index
        %get3A_2145 = arith.constant 0 : index
        %get3A_2146 = tpu.vector_load %arg7[%get3A_2144, %get3A_2145] {strides = array<i32>} : memref<160x128xf32, #tpu.memory_space<vmem>>, vector<16xf32>,
        %mul3A_2147 = arith.mulf %get3A_1761, %get3A_2146 : vector<16xf32>
        %get3A_2148 = arith.index_cast %add3A_2143 : i32 to index
        %get3A_2149 = arith.constant 16 : index
        %get3A_2150 = tpu.vector_load %arg7[%get3A_2148, %get3A_2149] {strides = array<i32>} : memref<160x128xf32, #tpu.memory_space<vmem>>, vector<16xf32>,
        %mul3A_2151 = arith.mulf %get3A_1764, %get3A_2150 : vector<16xf32>
        %get3A_2152 = arith.index_cast %add3A_2143 : i32 to index
        %get3A_2153 = arith.constant 32 : index
        %get3A_2154 = tpu.vector_load %arg7[%get3A_2152, %get3A_2153] {strides = array<i32>} : memref<160x128xf32, #tpu.memory_space<vmem>>, vector<16xf32>,
        %mul3A_2155 = arith.mulf %get3A_1767, %get3A_2154 : vector<16xf32>
        %get3A_2156 = arith.index_cast %add3A_2143 : i32 to index
        %get3A_2157 = arith.constant 48 : index
        %get3A_2158 = tpu.vector_load %arg7[%get3A_2156, %get3A_2157] {strides = array<i32>} : memref<160x128xf32, #tpu.memory_space<vmem>>, vector<16xf32>,
        %mul3A_2159 = arith.mulf %get3A_1770, %get3A_2158 : vector<16xf32>
        %get3A_2160 = arith.index_cast %add3A_2143 : i32 to index
        %get3A_2161 = arith.constant 64 : index
        %get3A_2162 = tpu.vector_load %arg7[%get3A_2160, %get3A_2161] {strides = array<i32>} : memref<160x128xf32, #tpu.memory_space<vmem>>, vector<16xf32>,
        %mul3A_2163 = arith.mulf %get3A_1773, %get3A_2162 : vector<16xf32>
        %get3A_2164 = arith.index_cast %add3A_2143 : i32 to index
        %get3A_2165 = arith.constant 80 : index
        %get3A_2166 = tpu.vector_load %arg7[%get3A_2164, %get3A_2165] {strides = array<i32>} : memref<160x128xf32, #tpu.memory_space<vmem>>, vector<16xf32>,
        %mul3A_2167 = arith.mulf %get3A_1776, %get3A_2166 : vector<16xf32>
        %get3A_2168 = arith.index_cast %add3A_2143 : i32 to index
        %get3A_2169 = arith.constant 96 : index
        %get3A_2170 = tpu.vector_load %arg7[%get3A_2168, %get3A_2169] {strides = array<i32>} : memref<160x128xf32, #tpu.memory_space<vmem>>, vector<16xf32>,
        %mul3A_2171 = arith.mulf %get3A_1779, %get3A_2170 : vector<16xf32>
        %get3A_2172 = arith.index_cast %add3A_2143 : i32 to index
        %get3A_2173 = arith.constant 112 : index
        %get3A_2174 = tpu.vector_load %arg7[%get3A_2172, %get3A_2173] {strides = array<i32>} : memref<160x128xf32, #tpu.memory_space<vmem>>, vector<16xf32>,
        %mul3A_2175 = arith.mulf %get3A_1782, %get3A_2174 : vector<16xf32>
        %add3A_2176 = arith.addf %mul3A_2147, %mul3A_2151 : vector<16xf32>
        %add3A_2177 = arith.addf %mul3A_2155, %mul3A_2159 : vector<16xf32>
        %add3A_2178 = arith.addf %mul3A_2163, %mul3A_2167 : vector<16xf32>
        %add3A_2179 = arith.addf %mul3A_2171, %mul3A_2175 : vector<16xf32>
        %add3A_2180 = arith.addf %add3A_2176, %add3A_2177 : vector<16xf32>
        %add3A_2181 = arith.addf %add3A_2178, %add3A_2179 : vector<16xf32>
        %add3A_2182 = arith.addf %add3A_2180, %add3A_2181 : vector<16xf32>
        %mul3A_2183 = arith.constant 9 : i32
        %mul3A_2184 = arith.muli %scan3A_1757, %mul3A_2183 : i32
        %add3A_2185 = arith.constant 7 : i32
        %add3A_2186 = arith.addi %mul3A_2184, %add3A_2185 : i32
        %mul3A_2187 = arith.constant 16 : i32
        %mul3A_2188 = arith.muli %add3A_2186, %mul3A_2187 : i32
        %swap3A_2189 = arith.index_cast %mul3A_2188 : i32 to index
        %swap3A_2190 = tpu.vector_load %arg9[%swap3A_2189] {strides = array<i32>} : memref<2304xf32, #tpu.memory_space<vmem>>, vector<16xf32>,
        tpu.vector_store %arg9[%swap3A_2189], %add3A_2182 {strides = array<i32>} : memref<2304xf32, #tpu.memory_space<vmem>>, vector<16xf32>,
        %add3A_2191 = arith.constant 1 : i32
        %add3A_2192 = arith.addi %mul3A_1759, %add3A_2191 : i32
        %add3A_2193 = arith.constant 8 : i32
        %add3A_2194 = arith.addi %add3A_2192, %add3A_2193 : i32
        %get3A_2195 = arith.index_cast %add3A_2194 : i32 to index
        %get3A_2196 = arith.constant 0 : index
        %get3A_2197 = tpu.vector_load %arg7[%get3A_2195, %get3A_2196] {strides = array<i32>} : memref<160x128xf32, #tpu.memory_space<vmem>>, vector<16xf32>,
        %mul3A_2198 = arith.mulf %get3A_1761, %get3A_2197 : vector<16xf32>
        %get3A_2199 = arith.index_cast %add3A_2194 : i32 to index
        %get3A_2200 = arith.constant 16 : index
        %get3A_2201 = tpu.vector_load %arg7[%get3A_2199, %get3A_2200] {strides = array<i32>} : memref<160x128xf32, #tpu.memory_space<vmem>>, vector<16xf32>,
        %mul3A_2202 = arith.mulf %get3A_1764, %get3A_2201 : vector<16xf32>
        %get3A_2203 = arith.index_cast %add3A_2194 : i32 to index
        %get3A_2204 = arith.constant 32 : index
        %get3A_2205 = tpu.vector_load %arg7[%get3A_2203, %get3A_2204] {strides = array<i32>} : memref<160x128xf32, #tpu.memory_space<vmem>>, vector<16xf32>,
        %mul3A_2206 = arith.mulf %get3A_1767, %get3A_2205 : vector<16xf32>
        %get3A_2207 = arith.index_cast %add3A_2194 : i32 to index
        %get3A_2208 = arith.constant 48 : index
        %get3A_2209 = tpu.vector_load %arg7[%get3A_2207, %get3A_2208] {strides = array<i32>} : memref<160x128xf32, #tpu.memory_space<vmem>>, vector<16xf32>,
        %mul3A_2210 = arith.mulf %get3A_1770, %get3A_2209 : vector<16xf32>
        %get3A_2211 = arith.index_cast %add3A_2194 : i32 to index
        %get3A_2212 = arith.constant 64 : index
        %get3A_2213 = tpu.vector_load %arg7[%get3A_2211, %get3A_2212] {strides = array<i32>} : memref<160x128xf32, #tpu.memory_space<vmem>>, vector<16xf32>,
        %mul3A_2214 = arith.mulf %get3A_1773, %get3A_2213 : vector<16xf32>
        %get3A_2215 = arith.index_cast %add3A_2194 : i32 to index
        %get3A_2216 = arith.constant 80 : index
        %get3A_2217 = tpu.vector_load %arg7[%get3A_2215, %get3A_2216] {strides = array<i32>} : memref<160x128xf32, #tpu.memory_space<vmem>>, vector<16xf32>,
        %mul3A_2218 = arith.mulf %get3A_1776, %get3A_2217 : vector<16xf32>
        %get3A_2219 = arith.index_cast %add3A_2194 : i32 to index
        %get3A_2220 = arith.constant 96 : index
        %get3A_2221 = tpu.vector_load %arg7[%get3A_2219, %get3A_2220] {strides = array<i32>} : memref<160x128xf32, #tpu.memory_space<vmem>>, vector<16xf32>,
        %mul3A_2222 = arith.mulf %get3A_1779, %get3A_2221 : vector<16xf32>
        %get3A_2223 = arith.index_cast %add3A_2194 : i32 to index
        %get3A_2224 = arith.constant 112 : index
        %get3A_2225 = tpu.vector_load %arg7[%get3A_2223, %get3A_2224] {strides = array<i32>} : memref<160x128xf32, #tpu.memory_space<vmem>>, vector<16xf32>,
        %mul3A_2226 = arith.mulf %get3A_1782, %get3A_2225 : vector<16xf32>
        %add3A_2227 = arith.addf %mul3A_2198, %mul3A_2202 : vector<16xf32>
        %add3A_2228 = arith.addf %mul3A_2206, %mul3A_2210 : vector<16xf32>
        %add3A_2229 = arith.addf %mul3A_2214, %mul3A_2218 : vector<16xf32>
        %add3A_2230 = arith.addf %mul3A_2222, %mul3A_2226 : vector<16xf32>
        %add3A_2231 = arith.addf %add3A_2227, %add3A_2228 : vector<16xf32>
        %add3A_2232 = arith.addf %add3A_2229, %add3A_2230 : vector<16xf32>
        %add3A_2233 = arith.addf %add3A_2231, %add3A_2232 : vector<16xf32>
        %mul3A_2234 = arith.constant 9 : i32
        %mul3A_2235 = arith.muli %scan3A_1757, %mul3A_2234 : i32
        %add3A_2236 = arith.constant 8 : i32
        %add3A_2237 = arith.addi %mul3A_2235, %add3A_2236 : i32
        %mul3A_2238 = arith.constant 16 : i32
        %mul3A_2239 = arith.muli %add3A_2237, %mul3A_2238 : i32
        %swap3A_2240 = arith.index_cast %mul3A_2239 : i32 to index
        %swap3A_2241 = tpu.vector_load %arg9[%swap3A_2240] {strides = array<i32>} : memref<2304xf32, #tpu.memory_space<vmem>>, vector<16xf32>,
        tpu.vector_store %arg9[%swap3A_2240], %add3A_2233 {strides = array<i32>} : memref<2304xf32, #tpu.memory_space<vmem>>, vector<16xf32>,
      }
      %scan3A_84 = arith.constant 16 : i32
      %add3A_85 = arith.constant 0 : i32
      %add3A_86 = vector.broadcast %add3A_85 : i32 to vector<16xi32>
      %add3A_87 = arith.addi %iota3A, %add3A_86 : vector<16xi32>
      %mul3A_88 = arith.constant 16 : i32
      %mul3A_89 = vector.broadcast %mul3A_88 : i32 to vector<16xi32>
      %mul3A_90 = arith.muli %add3A_87, %mul3A_89 : vector<16xi32>
      %add3A_91 = arith.constant 0 : i32
      %add3A_92 = vector.broadcast %add3A_91 : i32 to vector<16xi32>
      %add3A_93 = arith.addi %mul3A_90, %add3A_92 : vector<16xi32>
      %gather3A = tpu.vector_load_idx %arg9[%add3A_93] : memref<2304xf32, #tpu.memory_space<vmem>>[vector<16xi32>], vector<16xf32>,
      %add3A_94 = arith.constant 1 : i32
      %add3A_95 = vector.broadcast %add3A_94 : i32 to vector<16xi32>
      %add3A_96 = arith.addi %mul3A_90, %add3A_95 : vector<16xi32>
      %gather3A_97 = tpu.vector_load_idx %arg9[%add3A_96] : memref<2304xf32, #tpu.memory_space<vmem>>[vector<16xi32>], vector<16xf32>,
      %add3A_98 = arith.constant 2 : i32
      %add3A_99 = vector.broadcast %add3A_98 : i32 to vector<16xi32>
      %add3A_100 = arith.addi %mul3A_90, %add3A_99 : vector<16xi32>
      %gather3A_101 = tpu.vector_load_idx %arg9[%add3A_100] : memref<2304xf32, #tpu.memory_space<vmem>>[vector<16xi32>], vector<16xf32>,
      %add3A_102 = arith.constant 3 : i32
      %add3A_103 = vector.broadcast %add3A_102 : i32 to vector<16xi32>
      %add3A_104 = arith.addi %mul3A_90, %add3A_103 : vector<16xi32>
      %gather3A_105 = tpu.vector_load_idx %arg9[%add3A_104] : memref<2304xf32, #tpu.memory_space<vmem>>[vector<16xi32>], vector<16xf32>,
      %add3A_106 = arith.constant 4 : i32
      %add3A_107 = vector.broadcast %add3A_106 : i32 to vector<16xi32>
      %add3A_108 = arith.addi %mul3A_90, %add3A_107 : vector<16xi32>
      %gather3A_109 = tpu.vector_load_idx %arg9[%add3A_108] : memref<2304xf32, #tpu.memory_space<vmem>>[vector<16xi32>], vector<16xf32>,
      %add3A_110 = arith.constant 5 : i32
      %add3A_111 = vector.broadcast %add3A_110 : i32 to vector<16xi32>
      %add3A_112 = arith.addi %mul3A_90, %add3A_111 : vector<16xi32>
      %gather3A_113 = tpu.vector_load_idx %arg9[%add3A_112] : memref<2304xf32, #tpu.memory_space<vmem>>[vector<16xi32>], vector<16xf32>,
      %add3A_114 = arith.constant 6 : i32
      %add3A_115 = vector.broadcast %add3A_114 : i32 to vector<16xi32>
      %add3A_116 = arith.addi %mul3A_90, %add3A_115 : vector<16xi32>
      %gather3A_117 = tpu.vector_load_idx %arg9[%add3A_116] : memref<2304xf32, #tpu.memory_space<vmem>>[vector<16xi32>], vector<16xf32>,
      %add3A_118 = arith.constant 7 : i32
      %add3A_119 = vector.broadcast %add3A_118 : i32 to vector<16xi32>
      %add3A_120 = arith.addi %mul3A_90, %add3A_119 : vector<16xi32>
      %gather3A_121 = tpu.vector_load_idx %arg9[%add3A_120] : memref<2304xf32, #tpu.memory_space<vmem>>[vector<16xi32>], vector<16xf32>,
      %add3A_122 = arith.constant 8 : i32
      %add3A_123 = vector.broadcast %add3A_122 : i32 to vector<16xi32>
      %add3A_124 = arith.addi %mul3A_90, %add3A_123 : vector<16xi32>
      %gather3A_125 = tpu.vector_load_idx %arg9[%add3A_124] : memref<2304xf32, #tpu.memory_space<vmem>>[vector<16xi32>], vector<16xf32>,
      %add3A_126 = arith.constant 9 : i32
      %add3A_127 = vector.broadcast %add3A_126 : i32 to vector<16xi32>
      %add3A_128 = arith.addi %mul3A_90, %add3A_127 : vector<16xi32>
      %gather3A_129 = tpu.vector_load_idx %arg9[%add3A_128] : memref<2304xf32, #tpu.memory_space<vmem>>[vector<16xi32>], vector<16xf32>,
      %add3A_130 = arith.constant 10 : i32
      %add3A_131 = vector.broadcast %add3A_130 : i32 to vector<16xi32>
      %add3A_132 = arith.addi %mul3A_90, %add3A_131 : vector<16xi32>
      %gather3A_133 = tpu.vector_load_idx %arg9[%add3A_132] : memref<2304xf32, #tpu.memory_space<vmem>>[vector<16xi32>], vector<16xf32>,
      %add3A_134 = arith.constant 11 : i32
      %add3A_135 = vector.broadcast %add3A_134 : i32 to vector<16xi32>
      %add3A_136 = arith.addi %mul3A_90, %add3A_135 : vector<16xi32>
      %gather3A_137 = tpu.vector_load_idx %arg9[%add3A_136] : memref<2304xf32, #tpu.memory_space<vmem>>[vector<16xi32>], vector<16xf32>,
      %add3A_138 = arith.constant 12 : i32
      %add3A_139 = vector.broadcast %add3A_138 : i32 to vector<16xi32>
      %add3A_140 = arith.addi %mul3A_90, %add3A_139 : vector<16xi32>
      %gather3A_141 = tpu.vector_load_idx %arg9[%add3A_140] : memref<2304xf32, #tpu.memory_space<vmem>>[vector<16xi32>], vector<16xf32>,
      %add3A_142 = arith.constant 13 : i32
      %add3A_143 = vector.broadcast %add3A_142 : i32 to vector<16xi32>
      %add3A_144 = arith.addi %mul3A_90, %add3A_143 : vector<16xi32>
      %gather3A_145 = tpu.vector_load_idx %arg9[%add3A_144] : memref<2304xf32, #tpu.memory_space<vmem>>[vector<16xi32>], vector<16xf32>,
      %add3A_146 = arith.constant 14 : i32
      %add3A_147 = vector.broadcast %add3A_146 : i32 to vector<16xi32>
      %add3A_148 = arith.addi %mul3A_90, %add3A_147 : vector<16xi32>
      %gather3A_149 = tpu.vector_load_idx %arg9[%add3A_148] : memref<2304xf32, #tpu.memory_space<vmem>>[vector<16xi32>], vector<16xf32>,
      %add3A_150 = arith.constant 15 : i32
      %add3A_151 = vector.broadcast %add3A_150 : i32 to vector<16xi32>
      %add3A_152 = arith.addi %mul3A_90, %add3A_151 : vector<16xi32>
      %gather3A_153 = tpu.vector_load_idx %arg9[%add3A_152] : memref<2304xf32, #tpu.memory_space<vmem>>[vector<16xi32>], vector<16xf32>,
      %add3A_154 = arith.addf %gather3A, %gather3A_97 : vector<16xf32>
      %add3A_155 = arith.addf %gather3A_101, %gather3A_105 : vector<16xf32>
      %add3A_156 = arith.addf %gather3A_109, %gather3A_113 : vector<16xf32>
      %add3A_157 = arith.addf %gather3A_117, %gather3A_121 : vector<16xf32>
      %add3A_158 = arith.addf %gather3A_125, %gather3A_129 : vector<16xf32>
      %add3A_159 = arith.addf %gather3A_133, %gather3A_137 : vector<16xf32>
      %add3A_160 = arith.addf %gather3A_141, %gather3A_145 : vector<16xf32>
      %add3A_161 = arith.addf %gather3A_149, %gather3A_153 : vector<16xf32>
      %add3A_162 = arith.addf %add3A_154, %add3A_155 : vector<16xf32>
      %add3A_163 = arith.addf %add3A_156, %add3A_157 : vector<16xf32>
      %add3A_164 = arith.addf %add3A_158, %add3A_159 : vector<16xf32>
      %add3A_165 = arith.addf %add3A_160, %add3A_161 : vector<16xf32>
      %add3A_166 = arith.addf %add3A_162, %add3A_163 : vector<16xf32>
      %add3A_167 = arith.addf %add3A_164, %add3A_165 : vector<16xf32>
      %add3A_168 = arith.addf %add3A_166, %add3A_167 : vector<16xf32>
      %mul3A_169 = arith.constant 144 : i32
      %mul3A_170 = arith.muli %mul3A_35, %mul3A_169 : i32
      %add3A_171 = arith.constant 0 : i32
      %add3A_172 = arith.addi %mul3A_170, %add3A_171 : i32
      %swap3A = arith.index_cast %add3A_172 : i32 to index
      %swap3A_173 = tpu.vector_load %arg10[%swap3A] {strides = array<i32>} : memref<9216xf32, #tpu.memory_space<vmem>>, vector<16xf32>,
      tpu.vector_store %arg10[%swap3A], %add3A_168 {strides = array<i32>} : memref<9216xf32, #tpu.memory_space<vmem>>, vector<16xf32>,
      %add3A_174 = arith.constant 16 : i32
      %add3A_175 = vector.broadcast %add3A_174 : i32 to vector<16xi32>
      %add3A_176 = arith.addi %iota3A, %add3A_175 : vector<16xi32>
      %mul3A_177 = arith.constant 16 : i32
      %mul3A_178 = vector.broadcast %mul3A_177 : i32 to vector<16xi32>
      %mul3A_179 = arith.muli %add3A_176, %mul3A_178 : vector<16xi32>
      %add3A_180 = arith.constant 0 : i32
      %add3A_181 = vector.broadcast %add3A_180 : i32 to vector<16xi32>
      %add3A_182 = arith.addi %mul3A_179, %add3A_181 : vector<16xi32>
      %gather3A_183 = tpu.vector_load_idx %arg9[%add3A_182] : memref<2304xf32, #tpu.memory_space<vmem>>[vector<16xi32>], vector<16xf32>,
      %add3A_184 = arith.constant 1 : i32
      %add3A_185 = vector.broadcast %add3A_184 : i32 to vector<16xi32>
      %add3A_186 = arith.addi %mul3A_179, %add3A_185 : vector<16xi32>
      %gather3A_187 = tpu.vector_load_idx %arg9[%add3A_186] : memref<2304xf32, #tpu.memory_space<vmem>>[vector<16xi32>], vector<16xf32>,
      %add3A_188 = arith.constant 2 : i32
      %add3A_189 = vector.broadcast %add3A_188 : i32 to vector<16xi32>
      %add3A_190 = arith.addi %mul3A_179, %add3A_189 : vector<16xi32>
      %gather3A_191 = tpu.vector_load_idx %arg9[%add3A_190] : memref<2304xf32, #tpu.memory_space<vmem>>[vector<16xi32>], vector<16xf32>,
      %add3A_192 = arith.constant 3 : i32
      %add3A_193 = vector.broadcast %add3A_192 : i32 to vector<16xi32>
      %add3A_194 = arith.addi %mul3A_179, %add3A_193 : vector<16xi32>
      %gather3A_195 = tpu.vector_load_idx %arg9[%add3A_194] : memref<2304xf32, #tpu.memory_space<vmem>>[vector<16xi32>], vector<16xf32>,
      %add3A_196 = arith.constant 4 : i32
      %add3A_197 = vector.broadcast %add3A_196 : i32 to vector<16xi32>
      %add3A_198 = arith.addi %mul3A_179, %add3A_197 : vector<16xi32>
      %gather3A_199 = tpu.vector_load_idx %arg9[%add3A_198] : memref<2304xf32, #tpu.memory_space<vmem>>[vector<16xi32>], vector<16xf32>,
      %add3A_200 = arith.constant 5 : i32
      %add3A_201 = vector.broadcast %add3A_200 : i32 to vector<16xi32>
      %add3A_202 = arith.addi %mul3A_179, %add3A_201 : vector<16xi32>
      %gather3A_203 = tpu.vector_load_idx %arg9[%add3A_202] : memref<2304xf32, #tpu.memory_space<vmem>>[vector<16xi32>], vector<16xf32>,
      %add3A_204 = arith.constant 6 : i32
      %add3A_205 = vector.broadcast %add3A_204 : i32 to vector<16xi32>
      %add3A_206 = arith.addi %mul3A_179, %add3A_205 : vector<16xi32>
      %gather3A_207 = tpu.vector_load_idx %arg9[%add3A_206] : memref<2304xf32, #tpu.memory_space<vmem>>[vector<16xi32>], vector<16xf32>,
      %add3A_208 = arith.constant 7 : i32
      %add3A_209 = vector.broadcast %add3A_208 : i32 to vector<16xi32>
      %add3A_210 = arith.addi %mul3A_179, %add3A_209 : vector<16xi32>
      %gather3A_211 = tpu.vector_load_idx %arg9[%add3A_210] : memref<2304xf32, #tpu.memory_space<vmem>>[vector<16xi32>], vector<16xf32>,
      %add3A_212 = arith.constant 8 : i32
      %add3A_213 = vector.broadcast %add3A_212 : i32 to vector<16xi32>
      %add3A_214 = arith.addi %mul3A_179, %add3A_213 : vector<16xi32>
      %gather3A_215 = tpu.vector_load_idx %arg9[%add3A_214] : memref<2304xf32, #tpu.memory_space<vmem>>[vector<16xi32>], vector<16xf32>,
      %add3A_216 = arith.constant 9 : i32
      %add3A_217 = vector.broadcast %add3A_216 : i32 to vector<16xi32>
      %add3A_218 = arith.addi %mul3A_179, %add3A_217 : vector<16xi32>
      %gather3A_219 = tpu.vector_load_idx %arg9[%add3A_218] : memref<2304xf32, #tpu.memory_space<vmem>>[vector<16xi32>], vector<16xf32>,
      %add3A_220 = arith.constant 10 : i32
      %add3A_221 = vector.broadcast %add3A_220 : i32 to vector<16xi32>
      %add3A_222 = arith.addi %mul3A_179, %add3A_221 : vector<16xi32>
      %gather3A_223 = tpu.vector_load_idx %arg9[%add3A_222] : memref<2304xf32, #tpu.memory_space<vmem>>[vector<16xi32>], vector<16xf32>,
      %add3A_224 = arith.constant 11 : i32
      %add3A_225 = vector.broadcast %add3A_224 : i32 to vector<16xi32>
      %add3A_226 = arith.addi %mul3A_179, %add3A_225 : vector<16xi32>
      %gather3A_227 = tpu.vector_load_idx %arg9[%add3A_226] : memref<2304xf32, #tpu.memory_space<vmem>>[vector<16xi32>], vector<16xf32>,
      %add3A_228 = arith.constant 12 : i32
      %add3A_229 = vector.broadcast %add3A_228 : i32 to vector<16xi32>
      %add3A_230 = arith.addi %mul3A_179, %add3A_229 : vector<16xi32>
      %gather3A_231 = tpu.vector_load_idx %arg9[%add3A_230] : memref<2304xf32, #tpu.memory_space<vmem>>[vector<16xi32>], vector<16xf32>,
      %add3A_232 = arith.constant 13 : i32
      %add3A_233 = vector.broadcast %add3A_232 : i32 to vector<16xi32>
      %add3A_234 = arith.addi %mul3A_179, %add3A_233 : vector<16xi32>
      %gather3A_235 = tpu.vector_load_idx %arg9[%add3A_234] : memref<2304xf32, #tpu.memory_space<vmem>>[vector<16xi32>], vector<16xf32>,
      %add3A_236 = arith.constant 14 : i32
      %add3A_237 = vector.broadcast %add3A_236 : i32 to vector<16xi32>
      %add3A_238 = arith.addi %mul3A_179, %add3A_237 : vector<16xi32>
      %gather3A_239 = tpu.vector_load_idx %arg9[%add3A_238] : memref<2304xf32, #tpu.memory_space<vmem>>[vector<16xi32>], vector<16xf32>,
      %add3A_240 = arith.constant 15 : i32
      %add3A_241 = vector.broadcast %add3A_240 : i32 to vector<16xi32>
      %add3A_242 = arith.addi %mul3A_179, %add3A_241 : vector<16xi32>
      %gather3A_243 = tpu.vector_load_idx %arg9[%add3A_242] : memref<2304xf32, #tpu.memory_space<vmem>>[vector<16xi32>], vector<16xf32>,
      %add3A_244 = arith.addf %gather3A_183, %gather3A_187 : vector<16xf32>
      %add3A_245 = arith.addf %gather3A_191, %gather3A_195 : vector<16xf32>
      %add3A_246 = arith.addf %gather3A_199, %gather3A_203 : vector<16xf32>
      %add3A_247 = arith.addf %gather3A_207, %gather3A_211 : vector<16xf32>
      %add3A_248 = arith.addf %gather3A_215, %gather3A_219 : vector<16xf32>
      %add3A_249 = arith.addf %gather3A_223, %gather3A_227 : vector<16xf32>
      %add3A_250 = arith.addf %gather3A_231, %gather3A_235 : vector<16xf32>
      %add3A_251 = arith.addf %gather3A_239, %gather3A_243 : vector<16xf32>
      %add3A_252 = arith.addf %add3A_244, %add3A_245 : vector<16xf32>
      %add3A_253 = arith.addf %add3A_246, %add3A_247 : vector<16xf32>
      %add3A_254 = arith.addf %add3A_248, %add3A_249 : vector<16xf32>
      %add3A_255 = arith.addf %add3A_250, %add3A_251 : vector<16xf32>
      %add3A_256 = arith.addf %add3A_252, %add3A_253 : vector<16xf32>
      %add3A_257 = arith.addf %add3A_254, %add3A_255 : vector<16xf32>
      %add3A_258 = arith.addf %add3A_256, %add3A_257 : vector<16xf32>
      %mul3A_259 = arith.constant 144 : i32
      %mul3A_260 = arith.muli %mul3A_35, %mul3A_259 : i32
      %add3A_261 = arith.constant 16 : i32
      %add3A_262 = arith.addi %mul3A_260, %add3A_261 : i32
      %swap3A_263 = arith.index_cast %add3A_262 : i32 to index
      %swap3A_264 = tpu.vector_load %arg10[%swap3A_263] {strides = array<i32>} : memref<9216xf32, #tpu.memory_space<vmem>>, vector<16xf32>,
      tpu.vector_store %arg10[%swap3A_263], %add3A_258 {strides = array<i32>} : memref<9216xf32, #tpu.memory_space<vmem>>, vector<16xf32>,
      %add3A_265 = arith.constant 32 : i32
      %add3A_266 = vector.broadcast %add3A_265 : i32 to vector<16xi32>
      %add3A_267 = arith.addi %iota3A, %add3A_266 : vector<16xi32>
      %mul3A_268 = arith.constant 16 : i32
      %mul3A_269 = vector.broadcast %mul3A_268 : i32 to vector<16xi32>
      %mul3A_270 = arith.muli %add3A_267, %mul3A_269 : vector<16xi32>
      %add3A_271 = arith.constant 0 : i32
      %add3A_272 = vector.broadcast %add3A_271 : i32 to vector<16xi32>
      %add3A_273 = arith.addi %mul3A_270, %add3A_272 : vector<16xi32>
      %gather3A_274 = tpu.vector_load_idx %arg9[%add3A_273] : memref<2304xf32, #tpu.memory_space<vmem>>[vector<16xi32>], vector<16xf32>,
      %add3A_275 = arith.constant 1 : i32
      %add3A_276 = vector.broadcast %add3A_275 : i32 to vector<16xi32>
      %add3A_277 = arith.addi %mul3A_270, %add3A_276 : vector<16xi32>
      %gather3A_278 = tpu.vector_load_idx %arg9[%add3A_277] : memref<2304xf32, #tpu.memory_space<vmem>>[vector<16xi32>], vector<16xf32>,
      %add3A_279 = arith.constant 2 : i32
      %add3A_280 = vector.broadcast %add3A_279 : i32 to vector<16xi32>
      %add3A_281 = arith.addi %mul3A_270, %add3A_280 : vector<16xi32>
      %gather3A_282 = tpu.vector_load_idx %arg9[%add3A_281] : memref<2304xf32, #tpu.memory_space<vmem>>[vector<16xi32>], vector<16xf32>,
      %add3A_283 = arith.constant 3 : i32
      %add3A_284 = vector.broadcast %add3A_283 : i32 to vector<16xi32>
      %add3A_285 = arith.addi %mul3A_270, %add3A_284 : vector<16xi32>
      %gather3A_286 = tpu.vector_load_idx %arg9[%add3A_285] : memref<2304xf32, #tpu.memory_space<vmem>>[vector<16xi32>], vector<16xf32>,
      %add3A_287 = arith.constant 4 : i32
      %add3A_288 = vector.broadcast %add3A_287 : i32 to vector<16xi32>
      %add3A_289 = arith.addi %mul3A_270, %add3A_288 : vector<16xi32>
      %gather3A_290 = tpu.vector_load_idx %arg9[%add3A_289] : memref<2304xf32, #tpu.memory_space<vmem>>[vector<16xi32>], vector<16xf32>,
      %add3A_291 = arith.constant 5 : i32
      %add3A_292 = vector.broadcast %add3A_291 : i32 to vector<16xi32>
      %add3A_293 = arith.addi %mul3A_270, %add3A_292 : vector<16xi32>
      %gather3A_294 = tpu.vector_load_idx %arg9[%add3A_293] : memref<2304xf32, #tpu.memory_space<vmem>>[vector<16xi32>], vector<16xf32>,
      %add3A_295 = arith.constant 6 : i32
      %add3A_296 = vector.broadcast %add3A_295 : i32 to vector<16xi32>
      %add3A_297 = arith.addi %mul3A_270, %add3A_296 : vector<16xi32>
      %gather3A_298 = tpu.vector_load_idx %arg9[%add3A_297] : memref<2304xf32, #tpu.memory_space<vmem>>[vector<16xi32>], vector<16xf32>,
      %add3A_299 = arith.constant 7 : i32
      %add3A_300 = vector.broadcast %add3A_299 : i32 to vector<16xi32>
      %add3A_301 = arith.addi %mul3A_270, %add3A_300 : vector<16xi32>
      %gather3A_302 = tpu.vector_load_idx %arg9[%add3A_301] : memref<2304xf32, #tpu.memory_space<vmem>>[vector<16xi32>], vector<16xf32>,
      %add3A_303 = arith.constant 8 : i32
      %add3A_304 = vector.broadcast %add3A_303 : i32 to vector<16xi32>
      %add3A_305 = arith.addi %mul3A_270, %add3A_304 : vector<16xi32>
      %gather3A_306 = tpu.vector_load_idx %arg9[%add3A_305] : memref<2304xf32, #tpu.memory_space<vmem>>[vector<16xi32>], vector<16xf32>,
      %add3A_307 = arith.constant 9 : i32
      %add3A_308 = vector.broadcast %add3A_307 : i32 to vector<16xi32>
      %add3A_309 = arith.addi %mul3A_270, %add3A_308 : vector<16xi32>
      %gather3A_310 = tpu.vector_load_idx %arg9[%add3A_309] : memref<2304xf32, #tpu.memory_space<vmem>>[vector<16xi32>], vector<16xf32>,
      %add3A_311 = arith.constant 10 : i32
      %add3A_312 = vector.broadcast %add3A_311 : i32 to vector<16xi32>
      %add3A_313 = arith.addi %mul3A_270, %add3A_312 : vector<16xi32>
      %gather3A_314 = tpu.vector_load_idx %arg9[%add3A_313] : memref<2304xf32, #tpu.memory_space<vmem>>[vector<16xi32>], vector<16xf32>,
      %add3A_315 = arith.constant 11 : i32
      %add3A_316 = vector.broadcast %add3A_315 : i32 to vector<16xi32>
      %add3A_317 = arith.addi %mul3A_270, %add3A_316 : vector<16xi32>
      %gather3A_318 = tpu.vector_load_idx %arg9[%add3A_317] : memref<2304xf32, #tpu.memory_space<vmem>>[vector<16xi32>], vector<16xf32>,
      %add3A_319 = arith.constant 12 : i32
      %add3A_320 = vector.broadcast %add3A_319 : i32 to vector<16xi32>
      %add3A_321 = arith.addi %mul3A_270, %add3A_320 : vector<16xi32>
      %gather3A_322 = tpu.vector_load_idx %arg9[%add3A_321] : memref<2304xf32, #tpu.memory_space<vmem>>[vector<16xi32>], vector<16xf32>,
      %add3A_323 = arith.constant 13 : i32
      %add3A_324 = vector.broadcast %add3A_323 : i32 to vector<16xi32>
      %add3A_325 = arith.addi %mul3A_270, %add3A_324 : vector<16xi32>
      %gather3A_326 = tpu.vector_load_idx %arg9[%add3A_325] : memref<2304xf32, #tpu.memory_space<vmem>>[vector<16xi32>], vector<16xf32>,
      %add3A_327 = arith.constant 14 : i32
      %add3A_328 = vector.broadcast %add3A_327 : i32 to vector<16xi32>
      %add3A_329 = arith.addi %mul3A_270, %add3A_328 : vector<16xi32>
      %gather3A_330 = tpu.vector_load_idx %arg9[%add3A_329] : memref<2304xf32, #tpu.memory_space<vmem>>[vector<16xi32>], vector<16xf32>,
      %add3A_331 = arith.constant 15 : i32
      %add3A_332 = vector.broadcast %add3A_331 : i32 to vector<16xi32>
      %add3A_333 = arith.addi %mul3A_270, %add3A_332 : vector<16xi32>
      %gather3A_334 = tpu.vector_load_idx %arg9[%add3A_333] : memref<2304xf32, #tpu.memory_space<vmem>>[vector<16xi32>], vector<16xf32>,
      %add3A_335 = arith.addf %gather3A_274, %gather3A_278 : vector<16xf32>
      %add3A_336 = arith.addf %gather3A_282, %gather3A_286 : vector<16xf32>
      %add3A_337 = arith.addf %gather3A_290, %gather3A_294 : vector<16xf32>
      %add3A_338 = arith.addf %gather3A_298, %gather3A_302 : vector<16xf32>
      %add3A_339 = arith.addf %gather3A_306, %gather3A_310 : vector<16xf32>
      %add3A_340 = arith.addf %gather3A_314, %gather3A_318 : vector<16xf32>
      %add3A_341 = arith.addf %gather3A_322, %gather3A_326 : vector<16xf32>
      %add3A_342 = arith.addf %gather3A_330, %gather3A_334 : vector<16xf32>
      %add3A_343 = arith.addf %add3A_335, %add3A_336 : vector<16xf32>
      %add3A_344 = arith.addf %add3A_337, %add3A_338 : vector<16xf32>
      %add3A_345 = arith.addf %add3A_339, %add3A_340 : vector<16xf32>
      %add3A_346 = arith.addf %add3A_341, %add3A_342 : vector<16xf32>
      %add3A_347 = arith.addf %add3A_343, %add3A_344 : vector<16xf32>
      %add3A_348 = arith.addf %add3A_345, %add3A_346 : vector<16xf32>
      %add3A_349 = arith.addf %add3A_347, %add3A_348 : vector<16xf32>
      %mul3A_350 = arith.constant 144 : i32
      %mul3A_351 = arith.muli %mul3A_35, %mul3A_350 : i32
      %add3A_352 = arith.constant 32 : i32
      %add3A_353 = arith.addi %mul3A_351, %add3A_352 : i32
      %swap3A_354 = arith.index_cast %add3A_353 : i32 to index
      %swap3A_355 = tpu.vector_load %arg10[%swap3A_354] {strides = array<i32>} : memref<9216xf32, #tpu.memory_space<vmem>>, vector<16xf32>,
      tpu.vector_store %arg10[%swap3A_354], %add3A_349 {strides = array<i32>} : memref<9216xf32, #tpu.memory_space<vmem>>, vector<16xf32>,
      %add3A_356 = arith.constant 48 : i32
      %add3A_357 = vector.broadcast %add3A_356 : i32 to vector<16xi32>
      %add3A_358 = arith.addi %iota3A, %add3A_357 : vector<16xi32>
      %mul3A_359 = arith.constant 16 : i32
      %mul3A_360 = vector.broadcast %mul3A_359 : i32 to vector<16xi32>
      %mul3A_361 = arith.muli %add3A_358, %mul3A_360 : vector<16xi32>
      %add3A_362 = arith.constant 0 : i32
      %add3A_363 = vector.broadcast %add3A_362 : i32 to vector<16xi32>
      %add3A_364 = arith.addi %mul3A_361, %add3A_363 : vector<16xi32>
      %gather3A_365 = tpu.vector_load_idx %arg9[%add3A_364] : memref<2304xf32, #tpu.memory_space<vmem>>[vector<16xi32>], vector<16xf32>,
      %add3A_366 = arith.constant 1 : i32
      %add3A_367 = vector.broadcast %add3A_366 : i32 to vector<16xi32>
      %add3A_368 = arith.addi %mul3A_361, %add3A_367 : vector<16xi32>
      %gather3A_369 = tpu.vector_load_idx %arg9[%add3A_368] : memref<2304xf32, #tpu.memory_space<vmem>>[vector<16xi32>], vector<16xf32>,
      %add3A_370 = arith.constant 2 : i32
      %add3A_371 = vector.broadcast %add3A_370 : i32 to vector<16xi32>
      %add3A_372 = arith.addi %mul3A_361, %add3A_371 : vector<16xi32>
      %gather3A_373 = tpu.vector_load_idx %arg9[%add3A_372] : memref<2304xf32, #tpu.memory_space<vmem>>[vector<16xi32>], vector<16xf32>,
      %add3A_374 = arith.constant 3 : i32
      %add3A_375 = vector.broadcast %add3A_374 : i32 to vector<16xi32>
      %add3A_376 = arith.addi %mul3A_361, %add3A_375 : vector<16xi32>
      %gather3A_377 = tpu.vector_load_idx %arg9[%add3A_376] : memref<2304xf32, #tpu.memory_space<vmem>>[vector<16xi32>], vector<16xf32>,
      %add3A_378 = arith.constant 4 : i32
      %add3A_379 = vector.broadcast %add3A_378 : i32 to vector<16xi32>
      %add3A_380 = arith.addi %mul3A_361, %add3A_379 : vector<16xi32>
      %gather3A_381 = tpu.vector_load_idx %arg9[%add3A_380] : memref<2304xf32, #tpu.memory_space<vmem>>[vector<16xi32>], vector<16xf32>,
      %add3A_382 = arith.constant 5 : i32
      %add3A_383 = vector.broadcast %add3A_382 : i32 to vector<16xi32>
      %add3A_384 = arith.addi %mul3A_361, %add3A_383 : vector<16xi32>
      %gather3A_385 = tpu.vector_load_idx %arg9[%add3A_384] : memref<2304xf32, #tpu.memory_space<vmem>>[vector<16xi32>], vector<16xf32>,
      %add3A_386 = arith.constant 6 : i32
      %add3A_387 = vector.broadcast %add3A_386 : i32 to vector<16xi32>
      %add3A_388 = arith.addi %mul3A_361, %add3A_387 : vector<16xi32>
      %gather3A_389 = tpu.vector_load_idx %arg9[%add3A_388] : memref<2304xf32, #tpu.memory_space<vmem>>[vector<16xi32>], vector<16xf32>,
      %add3A_390 = arith.constant 7 : i32
      %add3A_391 = vector.broadcast %add3A_390 : i32 to vector<16xi32>
      %add3A_392 = arith.addi %mul3A_361, %add3A_391 : vector<16xi32>
      %gather3A_393 = tpu.vector_load_idx %arg9[%add3A_392] : memref<2304xf32, #tpu.memory_space<vmem>>[vector<16xi32>], vector<16xf32>,
      %add3A_394 = arith.constant 8 : i32
      %add3A_395 = vector.broadcast %add3A_394 : i32 to vector<16xi32>
      %add3A_396 = arith.addi %mul3A_361, %add3A_395 : vector<16xi32>
      %gather3A_397 = tpu.vector_load_idx %arg9[%add3A_396] : memref<2304xf32, #tpu.memory_space<vmem>>[vector<16xi32>], vector<16xf32>,
      %add3A_398 = arith.constant 9 : i32
      %add3A_399 = vector.broadcast %add3A_398 : i32 to vector<16xi32>
      %add3A_400 = arith.addi %mul3A_361, %add3A_399 : vector<16xi32>
      %gather3A_401 = tpu.vector_load_idx %arg9[%add3A_400] : memref<2304xf32, #tpu.memory_space<vmem>>[vector<16xi32>], vector<16xf32>,
      %add3A_402 = arith.constant 10 : i32
      %add3A_403 = vector.broadcast %add3A_402 : i32 to vector<16xi32>
      %add3A_404 = arith.addi %mul3A_361, %add3A_403 : vector<16xi32>
      %gather3A_405 = tpu.vector_load_idx %arg9[%add3A_404] : memref<2304xf32, #tpu.memory_space<vmem>>[vector<16xi32>], vector<16xf32>,
      %add3A_406 = arith.constant 11 : i32
      %add3A_407 = vector.broadcast %add3A_406 : i32 to vector<16xi32>
      %add3A_408 = arith.addi %mul3A_361, %add3A_407 : vector<16xi32>
      %gather3A_409 = tpu.vector_load_idx %arg9[%add3A_408] : memref<2304xf32, #tpu.memory_space<vmem>>[vector<16xi32>], vector<16xf32>,
      %add3A_410 = arith.constant 12 : i32
      %add3A_411 = vector.broadcast %add3A_410 : i32 to vector<16xi32>
      %add3A_412 = arith.addi %mul3A_361, %add3A_411 : vector<16xi32>
      %gather3A_413 = tpu.vector_load_idx %arg9[%add3A_412] : memref<2304xf32, #tpu.memory_space<vmem>>[vector<16xi32>], vector<16xf32>,
      %add3A_414 = arith.constant 13 : i32
      %add3A_415 = vector.broadcast %add3A_414 : i32 to vector<16xi32>
      %add3A_416 = arith.addi %mul3A_361, %add3A_415 : vector<16xi32>
      %gather3A_417 = tpu.vector_load_idx %arg9[%add3A_416] : memref<2304xf32, #tpu.memory_space<vmem>>[vector<16xi32>], vector<16xf32>,
      %add3A_418 = arith.constant 14 : i32
      %add3A_419 = vector.broadcast %add3A_418 : i32 to vector<16xi32>
      %add3A_420 = arith.addi %mul3A_361, %add3A_419 : vector<16xi32>
      %gather3A_421 = tpu.vector_load_idx %arg9[%add3A_420] : memref<2304xf32, #tpu.memory_space<vmem>>[vector<16xi32>], vector<16xf32>,
      %add3A_422 = arith.constant 15 : i32
      %add3A_423 = vector.broadcast %add3A_422 : i32 to vector<16xi32>
      %add3A_424 = arith.addi %mul3A_361, %add3A_423 : vector<16xi32>
      %gather3A_425 = tpu.vector_load_idx %arg9[%add3A_424] : memref<2304xf32, #tpu.memory_space<vmem>>[vector<16xi32>], vector<16xf32>,
      %add3A_426 = arith.addf %gather3A_365, %gather3A_369 : vector<16xf32>
      %add3A_427 = arith.addf %gather3A_373, %gather3A_377 : vector<16xf32>
      %add3A_428 = arith.addf %gather3A_381, %gather3A_385 : vector<16xf32>
      %add3A_429 = arith.addf %gather3A_389, %gather3A_393 : vector<16xf32>
      %add3A_430 = arith.addf %gather3A_397, %gather3A_401 : vector<16xf32>
      %add3A_431 = arith.addf %gather3A_405, %gather3A_409 : vector<16xf32>
      %add3A_432 = arith.addf %gather3A_413, %gather3A_417 : vector<16xf32>
      %add3A_433 = arith.addf %gather3A_421, %gather3A_425 : vector<16xf32>
      %add3A_434 = arith.addf %add3A_426, %add3A_427 : vector<16xf32>
      %add3A_435 = arith.addf %add3A_428, %add3A_429 : vector<16xf32>
      %add3A_436 = arith.addf %add3A_430, %add3A_431 : vector<16xf32>
      %add3A_437 = arith.addf %add3A_432, %add3A_433 : vector<16xf32>
      %add3A_438 = arith.addf %add3A_434, %add3A_435 : vector<16xf32>
      %add3A_439 = arith.addf %add3A_436, %add3A_437 : vector<16xf32>
      %add3A_440 = arith.addf %add3A_438, %add3A_439 : vector<16xf32>
      %mul3A_441 = arith.constant 144 : i32
      %mul3A_442 = arith.muli %mul3A_35, %mul3A_441 : i32
      %add3A_443 = arith.constant 48 : i32
      %add3A_444 = arith.addi %mul3A_442, %add3A_443 : i32
      %swap3A_445 = arith.index_cast %add3A_444 : i32 to index
      %swap3A_446 = tpu.vector_load %arg10[%swap3A_445] {strides = array<i32>} : memref<9216xf32, #tpu.memory_space<vmem>>, vector<16xf32>,
      tpu.vector_store %arg10[%swap3A_445], %add3A_440 {strides = array<i32>} : memref<9216xf32, #tpu.memory_space<vmem>>, vector<16xf32>,
      %add3A_447 = arith.constant 64 : i32
      %add3A_448 = vector.broadcast %add3A_447 : i32 to vector<16xi32>
      %add3A_449 = arith.addi %iota3A, %add3A_448 : vector<16xi32>
      %mul3A_450 = arith.constant 16 : i32
      %mul3A_451 = vector.broadcast %mul3A_450 : i32 to vector<16xi32>
      %mul3A_452 = arith.muli %add3A_449, %mul3A_451 : vector<16xi32>
      %add3A_453 = arith.constant 0 : i32
      %add3A_454 = vector.broadcast %add3A_453 : i32 to vector<16xi32>
      %add3A_455 = arith.addi %mul3A_452, %add3A_454 : vector<16xi32>
      %gather3A_456 = tpu.vector_load_idx %arg9[%add3A_455] : memref<2304xf32, #tpu.memory_space<vmem>>[vector<16xi32>], vector<16xf32>,
      %add3A_457 = arith.constant 1 : i32
      %add3A_458 = vector.broadcast %add3A_457 : i32 to vector<16xi32>
      %add3A_459 = arith.addi %mul3A_452, %add3A_458 : vector<16xi32>
      %gather3A_460 = tpu.vector_load_idx %arg9[%add3A_459] : memref<2304xf32, #tpu.memory_space<vmem>>[vector<16xi32>], vector<16xf32>,
      %add3A_461 = arith.constant 2 : i32
      %add3A_462 = vector.broadcast %add3A_461 : i32 to vector<16xi32>
      %add3A_463 = arith.addi %mul3A_452, %add3A_462 : vector<16xi32>
      %gather3A_464 = tpu.vector_load_idx %arg9[%add3A_463] : memref<2304xf32, #tpu.memory_space<vmem>>[vector<16xi32>], vector<16xf32>,
      %add3A_465 = arith.constant 3 : i32
      %add3A_466 = vector.broadcast %add3A_465 : i32 to vector<16xi32>
      %add3A_467 = arith.addi %mul3A_452, %add3A_466 : vector<16xi32>
      %gather3A_468 = tpu.vector_load_idx %arg9[%add3A_467] : memref<2304xf32, #tpu.memory_space<vmem>>[vector<16xi32>], vector<16xf32>,
      %add3A_469 = arith.constant 4 : i32
      %add3A_470 = vector.broadcast %add3A_469 : i32 to vector<16xi32>
      %add3A_471 = arith.addi %mul3A_452, %add3A_470 : vector<16xi32>
      %gather3A_472 = tpu.vector_load_idx %arg9[%add3A_471] : memref<2304xf32, #tpu.memory_space<vmem>>[vector<16xi32>], vector<16xf32>,
      %add3A_473 = arith.constant 5 : i32
      %add3A_474 = vector.broadcast %add3A_473 : i32 to vector<16xi32>
      %add3A_475 = arith.addi %mul3A_452, %add3A_474 : vector<16xi32>
      %gather3A_476 = tpu.vector_load_idx %arg9[%add3A_475] : memref<2304xf32, #tpu.memory_space<vmem>>[vector<16xi32>], vector<16xf32>,
      %add3A_477 = arith.constant 6 : i32
      %add3A_478 = vector.broadcast %add3A_477 : i32 to vector<16xi32>
      %add3A_479 = arith.addi %mul3A_452, %add3A_478 : vector<16xi32>
      %gather3A_480 = tpu.vector_load_idx %arg9[%add3A_479] : memref<2304xf32, #tpu.memory_space<vmem>>[vector<16xi32>], vector<16xf32>,
      %add3A_481 = arith.constant 7 : i32
      %add3A_482 = vector.broadcast %add3A_481 : i32 to vector<16xi32>
      %add3A_483 = arith.addi %mul3A_452, %add3A_482 : vector<16xi32>
      %gather3A_484 = tpu.vector_load_idx %arg9[%add3A_483] : memref<2304xf32, #tpu.memory_space<vmem>>[vector<16xi32>], vector<16xf32>,
      %add3A_485 = arith.constant 8 : i32
      %add3A_486 = vector.broadcast %add3A_485 : i32 to vector<16xi32>
      %add3A_487 = arith.addi %mul3A_452, %add3A_486 : vector<16xi32>
      %gather3A_488 = tpu.vector_load_idx %arg9[%add3A_487] : memref<2304xf32, #tpu.memory_space<vmem>>[vector<16xi32>], vector<16xf32>,
      %add3A_489 = arith.constant 9 : i32
      %add3A_490 = vector.broadcast %add3A_489 : i32 to vector<16xi32>
      %add3A_491 = arith.addi %mul3A_452, %add3A_490 : vector<16xi32>
      %gather3A_492 = tpu.vector_load_idx %arg9[%add3A_491] : memref<2304xf32, #tpu.memory_space<vmem>>[vector<16xi32>], vector<16xf32>,
      %add3A_493 = arith.constant 10 : i32
      %add3A_494 = vector.broadcast %add3A_493 : i32 to vector<16xi32>
      %add3A_495 = arith.addi %mul3A_452, %add3A_494 : vector<16xi32>
      %gather3A_496 = tpu.vector_load_idx %arg9[%add3A_495] : memref<2304xf32, #tpu.memory_space<vmem>>[vector<16xi32>], vector<16xf32>,
      %add3A_497 = arith.constant 11 : i32
      %add3A_498 = vector.broadcast %add3A_497 : i32 to vector<16xi32>
      %add3A_499 = arith.addi %mul3A_452, %add3A_498 : vector<16xi32>
      %gather3A_500 = tpu.vector_load_idx %arg9[%add3A_499] : memref<2304xf32, #tpu.memory_space<vmem>>[vector<16xi32>], vector<16xf32>,
      %add3A_501 = arith.constant 12 : i32
      %add3A_502 = vector.broadcast %add3A_501 : i32 to vector<16xi32>
      %add3A_503 = arith.addi %mul3A_452, %add3A_502 : vector<16xi32>
      %gather3A_504 = tpu.vector_load_idx %arg9[%add3A_503] : memref<2304xf32, #tpu.memory_space<vmem>>[vector<16xi32>], vector<16xf32>,
      %add3A_505 = arith.constant 13 : i32
      %add3A_506 = vector.broadcast %add3A_505 : i32 to vector<16xi32>
      %add3A_507 = arith.addi %mul3A_452, %add3A_506 : vector<16xi32>
      %gather3A_508 = tpu.vector_load_idx %arg9[%add3A_507] : memref<2304xf32, #tpu.memory_space<vmem>>[vector<16xi32>], vector<16xf32>,
      %add3A_509 = arith.constant 14 : i32
      %add3A_510 = vector.broadcast %add3A_509 : i32 to vector<16xi32>
      %add3A_511 = arith.addi %mul3A_452, %add3A_510 : vector<16xi32>
      %gather3A_512 = tpu.vector_load_idx %arg9[%add3A_511] : memref<2304xf32, #tpu.memory_space<vmem>>[vector<16xi32>], vector<16xf32>,
      %add3A_513 = arith.constant 15 : i32
      %add3A_514 = vector.broadcast %add3A_513 : i32 to vector<16xi32>
      %add3A_515 = arith.addi %mul3A_452, %add3A_514 : vector<16xi32>
      %gather3A_516 = tpu.vector_load_idx %arg9[%add3A_515] : memref<2304xf32, #tpu.memory_space<vmem>>[vector<16xi32>], vector<16xf32>,
      %add3A_517 = arith.addf %gather3A_456, %gather3A_460 : vector<16xf32>
      %add3A_518 = arith.addf %gather3A_464, %gather3A_468 : vector<16xf32>
      %add3A_519 = arith.addf %gather3A_472, %gather3A_476 : vector<16xf32>
      %add3A_520 = arith.addf %gather3A_480, %gather3A_484 : vector<16xf32>
      %add3A_521 = arith.addf %gather3A_488, %gather3A_492 : vector<16xf32>
      %add3A_522 = arith.addf %gather3A_496, %gather3A_500 : vector<16xf32>
      %add3A_523 = arith.addf %gather3A_504, %gather3A_508 : vector<16xf32>
      %add3A_524 = arith.addf %gather3A_512, %gather3A_516 : vector<16xf32>
      %add3A_525 = arith.addf %add3A_517, %add3A_518 : vector<16xf32>
      %add3A_526 = arith.addf %add3A_519, %add3A_520 : vector<16xf32>
      %add3A_527 = arith.addf %add3A_521, %add3A_522 : vector<16xf32>
      %add3A_528 = arith.addf %add3A_523, %add3A_524 : vector<16xf32>
      %add3A_529 = arith.addf %add3A_525, %add3A_526 : vector<16xf32>
      %add3A_530 = arith.addf %add3A_527, %add3A_528 : vector<16xf32>
      %add3A_531 = arith.addf %add3A_529, %add3A_530 : vector<16xf32>
      %mul3A_532 = arith.constant 144 : i32
      %mul3A_533 = arith.muli %mul3A_35, %mul3A_532 : i32
      %add3A_534 = arith.constant 64 : i32
      %add3A_535 = arith.addi %mul3A_533, %add3A_534 : i32
      %swap3A_536 = arith.index_cast %add3A_535 : i32 to index
      %swap3A_537 = tpu.vector_load %arg10[%swap3A_536] {strides = array<i32>} : memref<9216xf32, #tpu.memory_space<vmem>>, vector<16xf32>,
      tpu.vector_store %arg10[%swap3A_536], %add3A_531 {strides = array<i32>} : memref<9216xf32, #tpu.memory_space<vmem>>, vector<16xf32>,
      %add3A_538 = arith.constant 80 : i32
      %add3A_539 = vector.broadcast %add3A_538 : i32 to vector<16xi32>
      %add3A_540 = arith.addi %iota3A, %add3A_539 : vector<16xi32>
      %mul3A_541 = arith.constant 16 : i32
      %mul3A_542 = vector.broadcast %mul3A_541 : i32 to vector<16xi32>
      %mul3A_543 = arith.muli %add3A_540, %mul3A_542 : vector<16xi32>
      %add3A_544 = arith.constant 0 : i32
      %add3A_545 = vector.broadcast %add3A_544 : i32 to vector<16xi32>
      %add3A_546 = arith.addi %mul3A_543, %add3A_545 : vector<16xi32>
      %gather3A_547 = tpu.vector_load_idx %arg9[%add3A_546] : memref<2304xf32, #tpu.memory_space<vmem>>[vector<16xi32>], vector<16xf32>,
      %add3A_548 = arith.constant 1 : i32
      %add3A_549 = vector.broadcast %add3A_548 : i32 to vector<16xi32>
      %add3A_550 = arith.addi %mul3A_543, %add3A_549 : vector<16xi32>
      %gather3A_551 = tpu.vector_load_idx %arg9[%add3A_550] : memref<2304xf32, #tpu.memory_space<vmem>>[vector<16xi32>], vector<16xf32>,
      %add3A_552 = arith.constant 2 : i32
      %add3A_553 = vector.broadcast %add3A_552 : i32 to vector<16xi32>
      %add3A_554 = arith.addi %mul3A_543, %add3A_553 : vector<16xi32>
      %gather3A_555 = tpu.vector_load_idx %arg9[%add3A_554] : memref<2304xf32, #tpu.memory_space<vmem>>[vector<16xi32>], vector<16xf32>,
      %add3A_556 = arith.constant 3 : i32
      %add3A_557 = vector.broadcast %add3A_556 : i32 to vector<16xi32>
      %add3A_558 = arith.addi %mul3A_543, %add3A_557 : vector<16xi32>
      %gather3A_559 = tpu.vector_load_idx %arg9[%add3A_558] : memref<2304xf32, #tpu.memory_space<vmem>>[vector<16xi32>], vector<16xf32>,
      %add3A_560 = arith.constant 4 : i32
      %add3A_561 = vector.broadcast %add3A_560 : i32 to vector<16xi32>
      %add3A_562 = arith.addi %mul3A_543, %add3A_561 : vector<16xi32>
      %gather3A_563 = tpu.vector_load_idx %arg9[%add3A_562] : memref<2304xf32, #tpu.memory_space<vmem>>[vector<16xi32>], vector<16xf32>,
      %add3A_564 = arith.constant 5 : i32
      %add3A_565 = vector.broadcast %add3A_564 : i32 to vector<16xi32>
      %add3A_566 = arith.addi %mul3A_543, %add3A_565 : vector<16xi32>
      %gather3A_567 = tpu.vector_load_idx %arg9[%add3A_566] : memref<2304xf32, #tpu.memory_space<vmem>>[vector<16xi32>], vector<16xf32>,
      %add3A_568 = arith.constant 6 : i32
      %add3A_569 = vector.broadcast %add3A_568 : i32 to vector<16xi32>
      %add3A_570 = arith.addi %mul3A_543, %add3A_569 : vector<16xi32>
      %gather3A_571 = tpu.vector_load_idx %arg9[%add3A_570] : memref<2304xf32, #tpu.memory_space<vmem>>[vector<16xi32>], vector<16xf32>,
      %add3A_572 = arith.constant 7 : i32
      %add3A_573 = vector.broadcast %add3A_572 : i32 to vector<16xi32>
      %add3A_574 = arith.addi %mul3A_543, %add3A_573 : vector<16xi32>
      %gather3A_575 = tpu.vector_load_idx %arg9[%add3A_574] : memref<2304xf32, #tpu.memory_space<vmem>>[vector<16xi32>], vector<16xf32>,
      %add3A_576 = arith.constant 8 : i32
      %add3A_577 = vector.broadcast %add3A_576 : i32 to vector<16xi32>
      %add3A_578 = arith.addi %mul3A_543, %add3A_577 : vector<16xi32>
      %gather3A_579 = tpu.vector_load_idx %arg9[%add3A_578] : memref<2304xf32, #tpu.memory_space<vmem>>[vector<16xi32>], vector<16xf32>,
      %add3A_580 = arith.constant 9 : i32
      %add3A_581 = vector.broadcast %add3A_580 : i32 to vector<16xi32>
      %add3A_582 = arith.addi %mul3A_543, %add3A_581 : vector<16xi32>
      %gather3A_583 = tpu.vector_load_idx %arg9[%add3A_582] : memref<2304xf32, #tpu.memory_space<vmem>>[vector<16xi32>], vector<16xf32>,
      %add3A_584 = arith.constant 10 : i32
      %add3A_585 = vector.broadcast %add3A_584 : i32 to vector<16xi32>
      %add3A_586 = arith.addi %mul3A_543, %add3A_585 : vector<16xi32>
      %gather3A_587 = tpu.vector_load_idx %arg9[%add3A_586] : memref<2304xf32, #tpu.memory_space<vmem>>[vector<16xi32>], vector<16xf32>,
      %add3A_588 = arith.constant 11 : i32
      %add3A_589 = vector.broadcast %add3A_588 : i32 to vector<16xi32>
      %add3A_590 = arith.addi %mul3A_543, %add3A_589 : vector<16xi32>
      %gather3A_591 = tpu.vector_load_idx %arg9[%add3A_590] : memref<2304xf32, #tpu.memory_space<vmem>>[vector<16xi32>], vector<16xf32>,
      %add3A_592 = arith.constant 12 : i32
      %add3A_593 = vector.broadcast %add3A_592 : i32 to vector<16xi32>
      %add3A_594 = arith.addi %mul3A_543, %add3A_593 : vector<16xi32>
      %gather3A_595 = tpu.vector_load_idx %arg9[%add3A_594] : memref<2304xf32, #tpu.memory_space<vmem>>[vector<16xi32>], vector<16xf32>,
      %add3A_596 = arith.constant 13 : i32
      %add3A_597 = vector.broadcast %add3A_596 : i32 to vector<16xi32>
      %add3A_598 = arith.addi %mul3A_543, %add3A_597 : vector<16xi32>
      %gather3A_599 = tpu.vector_load_idx %arg9[%add3A_598] : memref<2304xf32, #tpu.memory_space<vmem>>[vector<16xi32>], vector<16xf32>,
      %add3A_600 = arith.constant 14 : i32
      %add3A_601 = vector.broadcast %add3A_600 : i32 to vector<16xi32>
      %add3A_602 = arith.addi %mul3A_543, %add3A_601 : vector<16xi32>
      %gather3A_603 = tpu.vector_load_idx %arg9[%add3A_602] : memref<2304xf32, #tpu.memory_space<vmem>>[vector<16xi32>], vector<16xf32>,
      %add3A_604 = arith.constant 15 : i32
      %add3A_605 = vector.broadcast %add3A_604 : i32 to vector<16xi32>
      %add3A_606 = arith.addi %mul3A_543, %add3A_605 : vector<16xi32>
      %gather3A_607 = tpu.vector_load_idx %arg9[%add3A_606] : memref<2304xf32, #tpu.memory_space<vmem>>[vector<16xi32>], vector<16xf32>,
      %add3A_608 = arith.addf %gather3A_547, %gather3A_551 : vector<16xf32>
      %add3A_609 = arith.addf %gather3A_555, %gather3A_559 : vector<16xf32>
      %add3A_610 = arith.addf %gather3A_563, %gather3A_567 : vector<16xf32>
      %add3A_611 = arith.addf %gather3A_571, %gather3A_575 : vector<16xf32>
      %add3A_612 = arith.addf %gather3A_579, %gather3A_583 : vector<16xf32>
      %add3A_613 = arith.addf %gather3A_587, %gather3A_591 : vector<16xf32>
      %add3A_614 = arith.addf %gather3A_595, %gather3A_599 : vector<16xf32>
      %add3A_615 = arith.addf %gather3A_603, %gather3A_607 : vector<16xf32>
      %add3A_616 = arith.addf %add3A_608, %add3A_609 : vector<16xf32>
      %add3A_617 = arith.addf %add3A_610, %add3A_611 : vector<16xf32>
      %add3A_618 = arith.addf %add3A_612, %add3A_613 : vector<16xf32>
      %add3A_619 = arith.addf %add3A_614, %add3A_615 : vector<16xf32>
      %add3A_620 = arith.addf %add3A_616, %add3A_617 : vector<16xf32>
      %add3A_621 = arith.addf %add3A_618, %add3A_619 : vector<16xf32>
      %add3A_622 = arith.addf %add3A_620, %add3A_621 : vector<16xf32>
      %mul3A_623 = arith.constant 144 : i32
      %mul3A_624 = arith.muli %mul3A_35, %mul3A_623 : i32
      %add3A_625 = arith.constant 80 : i32
      %add3A_626 = arith.addi %mul3A_624, %add3A_625 : i32
      %swap3A_627 = arith.index_cast %add3A_626 : i32 to index
      %swap3A_628 = tpu.vector_load %arg10[%swap3A_627] {strides = array<i32>} : memref<9216xf32, #tpu.memory_space<vmem>>, vector<16xf32>,
      tpu.vector_store %arg10[%swap3A_627], %add3A_622 {strides = array<i32>} : memref<9216xf32, #tpu.memory_space<vmem>>, vector<16xf32>,
      %add3A_629 = arith.constant 96 : i32
      %add3A_630 = vector.broadcast %add3A_629 : i32 to vector<16xi32>
      %add3A_631 = arith.addi %iota3A, %add3A_630 : vector<16xi32>
      %mul3A_632 = arith.constant 16 : i32
      %mul3A_633 = vector.broadcast %mul3A_632 : i32 to vector<16xi32>
      %mul3A_634 = arith.muli %add3A_631, %mul3A_633 : vector<16xi32>
      %add3A_635 = arith.constant 0 : i32
      %add3A_636 = vector.broadcast %add3A_635 : i32 to vector<16xi32>
      %add3A_637 = arith.addi %mul3A_634, %add3A_636 : vector<16xi32>
      %gather3A_638 = tpu.vector_load_idx %arg9[%add3A_637] : memref<2304xf32, #tpu.memory_space<vmem>>[vector<16xi32>], vector<16xf32>,
      %add3A_639 = arith.constant 1 : i32
      %add3A_640 = vector.broadcast %add3A_639 : i32 to vector<16xi32>
      %add3A_641 = arith.addi %mul3A_634, %add3A_640 : vector<16xi32>
      %gather3A_642 = tpu.vector_load_idx %arg9[%add3A_641] : memref<2304xf32, #tpu.memory_space<vmem>>[vector<16xi32>], vector<16xf32>,
      %add3A_643 = arith.constant 2 : i32
      %add3A_644 = vector.broadcast %add3A_643 : i32 to vector<16xi32>
      %add3A_645 = arith.addi %mul3A_634, %add3A_644 : vector<16xi32>
      %gather3A_646 = tpu.vector_load_idx %arg9[%add3A_645] : memref<2304xf32, #tpu.memory_space<vmem>>[vector<16xi32>], vector<16xf32>,
      %add3A_647 = arith.constant 3 : i32
      %add3A_648 = vector.broadcast %add3A_647 : i32 to vector<16xi32>
      %add3A_649 = arith.addi %mul3A_634, %add3A_648 : vector<16xi32>
      %gather3A_650 = tpu.vector_load_idx %arg9[%add3A_649] : memref<2304xf32, #tpu.memory_space<vmem>>[vector<16xi32>], vector<16xf32>,
      %add3A_651 = arith.constant 4 : i32
      %add3A_652 = vector.broadcast %add3A_651 : i32 to vector<16xi32>
      %add3A_653 = arith.addi %mul3A_634, %add3A_652 : vector<16xi32>
      %gather3A_654 = tpu.vector_load_idx %arg9[%add3A_653] : memref<2304xf32, #tpu.memory_space<vmem>>[vector<16xi32>], vector<16xf32>,
      %add3A_655 = arith.constant 5 : i32
      %add3A_656 = vector.broadcast %add3A_655 : i32 to vector<16xi32>
      %add3A_657 = arith.addi %mul3A_634, %add3A_656 : vector<16xi32>
      %gather3A_658 = tpu.vector_load_idx %arg9[%add3A_657] : memref<2304xf32, #tpu.memory_space<vmem>>[vector<16xi32>], vector<16xf32>,
      %add3A_659 = arith.constant 6 : i32
      %add3A_660 = vector.broadcast %add3A_659 : i32 to vector<16xi32>
      %add3A_661 = arith.addi %mul3A_634, %add3A_660 : vector<16xi32>
      %gather3A_662 = tpu.vector_load_idx %arg9[%add3A_661] : memref<2304xf32, #tpu.memory_space<vmem>>[vector<16xi32>], vector<16xf32>,
      %add3A_663 = arith.constant 7 : i32
      %add3A_664 = vector.broadcast %add3A_663 : i32 to vector<16xi32>
      %add3A_665 = arith.addi %mul3A_634, %add3A_664 : vector<16xi32>
      %gather3A_666 = tpu.vector_load_idx %arg9[%add3A_665] : memref<2304xf32, #tpu.memory_space<vmem>>[vector<16xi32>], vector<16xf32>,
      %add3A_667 = arith.constant 8 : i32
      %add3A_668 = vector.broadcast %add3A_667 : i32 to vector<16xi32>
      %add3A_669 = arith.addi %mul3A_634, %add3A_668 : vector<16xi32>
      %gather3A_670 = tpu.vector_load_idx %arg9[%add3A_669] : memref<2304xf32, #tpu.memory_space<vmem>>[vector<16xi32>], vector<16xf32>,
      %add3A_671 = arith.constant 9 : i32
      %add3A_672 = vector.broadcast %add3A_671 : i32 to vector<16xi32>
      %add3A_673 = arith.addi %mul3A_634, %add3A_672 : vector<16xi32>
      %gather3A_674 = tpu.vector_load_idx %arg9[%add3A_673] : memref<2304xf32, #tpu.memory_space<vmem>>[vector<16xi32>], vector<16xf32>,
      %add3A_675 = arith.constant 10 : i32
      %add3A_676 = vector.broadcast %add3A_675 : i32 to vector<16xi32>
      %add3A_677 = arith.addi %mul3A_634, %add3A_676 : vector<16xi32>
      %gather3A_678 = tpu.vector_load_idx %arg9[%add3A_677] : memref<2304xf32, #tpu.memory_space<vmem>>[vector<16xi32>], vector<16xf32>,
      %add3A_679 = arith.constant 11 : i32
      %add3A_680 = vector.broadcast %add3A_679 : i32 to vector<16xi32>
      %add3A_681 = arith.addi %mul3A_634, %add3A_680 : vector<16xi32>
      %gather3A_682 = tpu.vector_load_idx %arg9[%add3A_681] : memref<2304xf32, #tpu.memory_space<vmem>>[vector<16xi32>], vector<16xf32>,
      %add3A_683 = arith.constant 12 : i32
      %add3A_684 = vector.broadcast %add3A_683 : i32 to vector<16xi32>
      %add3A_685 = arith.addi %mul3A_634, %add3A_684 : vector<16xi32>
      %gather3A_686 = tpu.vector_load_idx %arg9[%add3A_685] : memref<2304xf32, #tpu.memory_space<vmem>>[vector<16xi32>], vector<16xf32>,
      %add3A_687 = arith.constant 13 : i32
      %add3A_688 = vector.broadcast %add3A_687 : i32 to vector<16xi32>
      %add3A_689 = arith.addi %mul3A_634, %add3A_688 : vector<16xi32>
      %gather3A_690 = tpu.vector_load_idx %arg9[%add3A_689] : memref<2304xf32, #tpu.memory_space<vmem>>[vector<16xi32>], vector<16xf32>,
      %add3A_691 = arith.constant 14 : i32
      %add3A_692 = vector.broadcast %add3A_691 : i32 to vector<16xi32>
      %add3A_693 = arith.addi %mul3A_634, %add3A_692 : vector<16xi32>
      %gather3A_694 = tpu.vector_load_idx %arg9[%add3A_693] : memref<2304xf32, #tpu.memory_space<vmem>>[vector<16xi32>], vector<16xf32>,
      %add3A_695 = arith.constant 15 : i32
      %add3A_696 = vector.broadcast %add3A_695 : i32 to vector<16xi32>
      %add3A_697 = arith.addi %mul3A_634, %add3A_696 : vector<16xi32>
      %gather3A_698 = tpu.vector_load_idx %arg9[%add3A_697] : memref<2304xf32, #tpu.memory_space<vmem>>[vector<16xi32>], vector<16xf32>,
      %add3A_699 = arith.addf %gather3A_638, %gather3A_642 : vector<16xf32>
      %add3A_700 = arith.addf %gather3A_646, %gather3A_650 : vector<16xf32>
      %add3A_701 = arith.addf %gather3A_654, %gather3A_658 : vector<16xf32>
      %add3A_702 = arith.addf %gather3A_662, %gather3A_666 : vector<16xf32>
      %add3A_703 = arith.addf %gather3A_670, %gather3A_674 : vector<16xf32>
      %add3A_704 = arith.addf %gather3A_678, %gather3A_682 : vector<16xf32>
      %add3A_705 = arith.addf %gather3A_686, %gather3A_690 : vector<16xf32>
      %add3A_706 = arith.addf %gather3A_694, %gather3A_698 : vector<16xf32>
      %add3A_707 = arith.addf %add3A_699, %add3A_700 : vector<16xf32>
      %add3A_708 = arith.addf %add3A_701, %add3A_702 : vector<16xf32>
      %add3A_709 = arith.addf %add3A_703, %add3A_704 : vector<16xf32>
      %add3A_710 = arith.addf %add3A_705, %add3A_706 : vector<16xf32>
      %add3A_711 = arith.addf %add3A_707, %add3A_708 : vector<16xf32>
      %add3A_712 = arith.addf %add3A_709, %add3A_710 : vector<16xf32>
      %add3A_713 = arith.addf %add3A_711, %add3A_712 : vector<16xf32>
      %mul3A_714 = arith.constant 144 : i32
      %mul3A_715 = arith.muli %mul3A_35, %mul3A_714 : i32
      %add3A_716 = arith.constant 96 : i32
      %add3A_717 = arith.addi %mul3A_715, %add3A_716 : i32
      %swap3A_718 = arith.index_cast %add3A_717 : i32 to index
      %swap3A_719 = tpu.vector_load %arg10[%swap3A_718] {strides = array<i32>} : memref<9216xf32, #tpu.memory_space<vmem>>, vector<16xf32>,
      tpu.vector_store %arg10[%swap3A_718], %add3A_713 {strides = array<i32>} : memref<9216xf32, #tpu.memory_space<vmem>>, vector<16xf32>,
      %add3A_720 = arith.constant 112 : i32
      %add3A_721 = vector.broadcast %add3A_720 : i32 to vector<16xi32>
      %add3A_722 = arith.addi %iota3A, %add3A_721 : vector<16xi32>
      %mul3A_723 = arith.constant 16 : i32
      %mul3A_724 = vector.broadcast %mul3A_723 : i32 to vector<16xi32>
      %mul3A_725 = arith.muli %add3A_722, %mul3A_724 : vector<16xi32>
      %add3A_726 = arith.constant 0 : i32
      %add3A_727 = vector.broadcast %add3A_726 : i32 to vector<16xi32>
      %add3A_728 = arith.addi %mul3A_725, %add3A_727 : vector<16xi32>
      %gather3A_729 = tpu.vector_load_idx %arg9[%add3A_728] : memref<2304xf32, #tpu.memory_space<vmem>>[vector<16xi32>], vector<16xf32>,
      %add3A_730 = arith.constant 1 : i32
      %add3A_731 = vector.broadcast %add3A_730 : i32 to vector<16xi32>
      %add3A_732 = arith.addi %mul3A_725, %add3A_731 : vector<16xi32>
      %gather3A_733 = tpu.vector_load_idx %arg9[%add3A_732] : memref<2304xf32, #tpu.memory_space<vmem>>[vector<16xi32>], vector<16xf32>,
      %add3A_734 = arith.constant 2 : i32
      %add3A_735 = vector.broadcast %add3A_734 : i32 to vector<16xi32>
      %add3A_736 = arith.addi %mul3A_725, %add3A_735 : vector<16xi32>
      %gather3A_737 = tpu.vector_load_idx %arg9[%add3A_736] : memref<2304xf32, #tpu.memory_space<vmem>>[vector<16xi32>], vector<16xf32>,
      %add3A_738 = arith.constant 3 : i32
      %add3A_739 = vector.broadcast %add3A_738 : i32 to vector<16xi32>
      %add3A_740 = arith.addi %mul3A_725, %add3A_739 : vector<16xi32>
      %gather3A_741 = tpu.vector_load_idx %arg9[%add3A_740] : memref<2304xf32, #tpu.memory_space<vmem>>[vector<16xi32>], vector<16xf32>,
      %add3A_742 = arith.constant 4 : i32
      %add3A_743 = vector.broadcast %add3A_742 : i32 to vector<16xi32>
      %add3A_744 = arith.addi %mul3A_725, %add3A_743 : vector<16xi32>
      %gather3A_745 = tpu.vector_load_idx %arg9[%add3A_744] : memref<2304xf32, #tpu.memory_space<vmem>>[vector<16xi32>], vector<16xf32>,
      %add3A_746 = arith.constant 5 : i32
      %add3A_747 = vector.broadcast %add3A_746 : i32 to vector<16xi32>
      %add3A_748 = arith.addi %mul3A_725, %add3A_747 : vector<16xi32>
      %gather3A_749 = tpu.vector_load_idx %arg9[%add3A_748] : memref<2304xf32, #tpu.memory_space<vmem>>[vector<16xi32>], vector<16xf32>,
      %add3A_750 = arith.constant 6 : i32
      %add3A_751 = vector.broadcast %add3A_750 : i32 to vector<16xi32>
      %add3A_752 = arith.addi %mul3A_725, %add3A_751 : vector<16xi32>
      %gather3A_753 = tpu.vector_load_idx %arg9[%add3A_752] : memref<2304xf32, #tpu.memory_space<vmem>>[vector<16xi32>], vector<16xf32>,
      %add3A_754 = arith.constant 7 : i32
      %add3A_755 = vector.broadcast %add3A_754 : i32 to vector<16xi32>
      %add3A_756 = arith.addi %mul3A_725, %add3A_755 : vector<16xi32>
      %gather3A_757 = tpu.vector_load_idx %arg9[%add3A_756] : memref<2304xf32, #tpu.memory_space<vmem>>[vector<16xi32>], vector<16xf32>,
      %add3A_758 = arith.constant 8 : i32
      %add3A_759 = vector.broadcast %add3A_758 : i32 to vector<16xi32>
      %add3A_760 = arith.addi %mul3A_725, %add3A_759 : vector<16xi32>
      %gather3A_761 = tpu.vector_load_idx %arg9[%add3A_760] : memref<2304xf32, #tpu.memory_space<vmem>>[vector<16xi32>], vector<16xf32>,
      %add3A_762 = arith.constant 9 : i32
      %add3A_763 = vector.broadcast %add3A_762 : i32 to vector<16xi32>
      %add3A_764 = arith.addi %mul3A_725, %add3A_763 : vector<16xi32>
      %gather3A_765 = tpu.vector_load_idx %arg9[%add3A_764] : memref<2304xf32, #tpu.memory_space<vmem>>[vector<16xi32>], vector<16xf32>,
      %add3A_766 = arith.constant 10 : i32
      %add3A_767 = vector.broadcast %add3A_766 : i32 to vector<16xi32>
      %add3A_768 = arith.addi %mul3A_725, %add3A_767 : vector<16xi32>
      %gather3A_769 = tpu.vector_load_idx %arg9[%add3A_768] : memref<2304xf32, #tpu.memory_space<vmem>>[vector<16xi32>], vector<16xf32>,
      %add3A_770 = arith.constant 11 : i32
      %add3A_771 = vector.broadcast %add3A_770 : i32 to vector<16xi32>
      %add3A_772 = arith.addi %mul3A_725, %add3A_771 : vector<16xi32>
      %gather3A_773 = tpu.vector_load_idx %arg9[%add3A_772] : memref<2304xf32, #tpu.memory_space<vmem>>[vector<16xi32>], vector<16xf32>,
      %add3A_774 = arith.constant 12 : i32
      %add3A_775 = vector.broadcast %add3A_774 : i32 to vector<16xi32>
      %add3A_776 = arith.addi %mul3A_725, %add3A_775 : vector<16xi32>
      %gather3A_777 = tpu.vector_load_idx %arg9[%add3A_776] : memref<2304xf32, #tpu.memory_space<vmem>>[vector<16xi32>], vector<16xf32>,
      %add3A_778 = arith.constant 13 : i32
      %add3A_779 = vector.broadcast %add3A_778 : i32 to vector<16xi32>
      %add3A_780 = arith.addi %mul3A_725, %add3A_779 : vector<16xi32>
      %gather3A_781 = tpu.vector_load_idx %arg9[%add3A_780] : memref<2304xf32, #tpu.memory_space<vmem>>[vector<16xi32>], vector<16xf32>,
      %add3A_782 = arith.constant 14 : i32
      %add3A_783 = vector.broadcast %add3A_782 : i32 to vector<16xi32>
      %add3A_784 = arith.addi %mul3A_725, %add3A_783 : vector<16xi32>
      %gather3A_785 = tpu.vector_load_idx %arg9[%add3A_784] : memref<2304xf32, #tpu.memory_space<vmem>>[vector<16xi32>], vector<16xf32>,
      %add3A_786 = arith.constant 15 : i32
      %add3A_787 = vector.broadcast %add3A_786 : i32 to vector<16xi32>
      %add3A_788 = arith.addi %mul3A_725, %add3A_787 : vector<16xi32>
      %gather3A_789 = tpu.vector_load_idx %arg9[%add3A_788] : memref<2304xf32, #tpu.memory_space<vmem>>[vector<16xi32>], vector<16xf32>,
      %add3A_790 = arith.addf %gather3A_729, %gather3A_733 : vector<16xf32>
      %add3A_791 = arith.addf %gather3A_737, %gather3A_741 : vector<16xf32>
      %add3A_792 = arith.addf %gather3A_745, %gather3A_749 : vector<16xf32>
      %add3A_793 = arith.addf %gather3A_753, %gather3A_757 : vector<16xf32>
      %add3A_794 = arith.addf %gather3A_761, %gather3A_765 : vector<16xf32>
      %add3A_795 = arith.addf %gather3A_769, %gather3A_773 : vector<16xf32>
      %add3A_796 = arith.addf %gather3A_777, %gather3A_781 : vector<16xf32>
      %add3A_797 = arith.addf %gather3A_785, %gather3A_789 : vector<16xf32>
      %add3A_798 = arith.addf %add3A_790, %add3A_791 : vector<16xf32>
      %add3A_799 = arith.addf %add3A_792, %add3A_793 : vector<16xf32>
      %add3A_800 = arith.addf %add3A_794, %add3A_795 : vector<16xf32>
      %add3A_801 = arith.addf %add3A_796, %add3A_797 : vector<16xf32>
      %add3A_802 = arith.addf %add3A_798, %add3A_799 : vector<16xf32>
      %add3A_803 = arith.addf %add3A_800, %add3A_801 : vector<16xf32>
      %add3A_804 = arith.addf %add3A_802, %add3A_803 : vector<16xf32>
      %mul3A_805 = arith.constant 144 : i32
      %mul3A_806 = arith.muli %mul3A_35, %mul3A_805 : i32
      %add3A_807 = arith.constant 112 : i32
      %add3A_808 = arith.addi %mul3A_806, %add3A_807 : i32
      %swap3A_809 = arith.index_cast %add3A_808 : i32 to index
      %swap3A_810 = tpu.vector_load %arg10[%swap3A_809] {strides = array<i32>} : memref<9216xf32, #tpu.memory_space<vmem>>, vector<16xf32>,
      tpu.vector_store %arg10[%swap3A_809], %add3A_804 {strides = array<i32>} : memref<9216xf32, #tpu.memory_space<vmem>>, vector<16xf32>,
      %add3A_811 = arith.constant 128 : i32
      %add3A_812 = vector.broadcast %add3A_811 : i32 to vector<16xi32>
      %add3A_813 = arith.addi %iota3A, %add3A_812 : vector<16xi32>
      %mul3A_814 = arith.constant 16 : i32
      %mul3A_815 = vector.broadcast %mul3A_814 : i32 to vector<16xi32>
      %mul3A_816 = arith.muli %add3A_813, %mul3A_815 : vector<16xi32>
      %add3A_817 = arith.constant 0 : i32
      %add3A_818 = vector.broadcast %add3A_817 : i32 to vector<16xi32>
      %add3A_819 = arith.addi %mul3A_816, %add3A_818 : vector<16xi32>
      %gather3A_820 = tpu.vector_load_idx %arg9[%add3A_819] : memref<2304xf32, #tpu.memory_space<vmem>>[vector<16xi32>], vector<16xf32>,
      %add3A_821 = arith.constant 1 : i32
      %add3A_822 = vector.broadcast %add3A_821 : i32 to vector<16xi32>
      %add3A_823 = arith.addi %mul3A_816, %add3A_822 : vector<16xi32>
      %gather3A_824 = tpu.vector_load_idx %arg9[%add3A_823] : memref<2304xf32, #tpu.memory_space<vmem>>[vector<16xi32>], vector<16xf32>,
      %add3A_825 = arith.constant 2 : i32
      %add3A_826 = vector.broadcast %add3A_825 : i32 to vector<16xi32>
      %add3A_827 = arith.addi %mul3A_816, %add3A_826 : vector<16xi32>
      %gather3A_828 = tpu.vector_load_idx %arg9[%add3A_827] : memref<2304xf32, #tpu.memory_space<vmem>>[vector<16xi32>], vector<16xf32>,
      %add3A_829 = arith.constant 3 : i32
      %add3A_830 = vector.broadcast %add3A_829 : i32 to vector<16xi32>
      %add3A_831 = arith.addi %mul3A_816, %add3A_830 : vector<16xi32>
      %gather3A_832 = tpu.vector_load_idx %arg9[%add3A_831] : memref<2304xf32, #tpu.memory_space<vmem>>[vector<16xi32>], vector<16xf32>,
      %add3A_833 = arith.constant 4 : i32
      %add3A_834 = vector.broadcast %add3A_833 : i32 to vector<16xi32>
      %add3A_835 = arith.addi %mul3A_816, %add3A_834 : vector<16xi32>
      %gather3A_836 = tpu.vector_load_idx %arg9[%add3A_835] : memref<2304xf32, #tpu.memory_space<vmem>>[vector<16xi32>], vector<16xf32>,
      %add3A_837 = arith.constant 5 : i32
      %add3A_838 = vector.broadcast %add3A_837 : i32 to vector<16xi32>
      %add3A_839 = arith.addi %mul3A_816, %add3A_838 : vector<16xi32>
      %gather3A_840 = tpu.vector_load_idx %arg9[%add3A_839] : memref<2304xf32, #tpu.memory_space<vmem>>[vector<16xi32>], vector<16xf32>,
      %add3A_841 = arith.constant 6 : i32
      %add3A_842 = vector.broadcast %add3A_841 : i32 to vector<16xi32>
      %add3A_843 = arith.addi %mul3A_816, %add3A_842 : vector<16xi32>
      %gather3A_844 = tpu.vector_load_idx %arg9[%add3A_843] : memref<2304xf32, #tpu.memory_space<vmem>>[vector<16xi32>], vector<16xf32>,
      %add3A_845 = arith.constant 7 : i32
      %add3A_846 = vector.broadcast %add3A_845 : i32 to vector<16xi32>
      %add3A_847 = arith.addi %mul3A_816, %add3A_846 : vector<16xi32>
      %gather3A_848 = tpu.vector_load_idx %arg9[%add3A_847] : memref<2304xf32, #tpu.memory_space<vmem>>[vector<16xi32>], vector<16xf32>,
      %add3A_849 = arith.constant 8 : i32
      %add3A_850 = vector.broadcast %add3A_849 : i32 to vector<16xi32>
      %add3A_851 = arith.addi %mul3A_816, %add3A_850 : vector<16xi32>
      %gather3A_852 = tpu.vector_load_idx %arg9[%add3A_851] : memref<2304xf32, #tpu.memory_space<vmem>>[vector<16xi32>], vector<16xf32>,
      %add3A_853 = arith.constant 9 : i32
      %add3A_854 = vector.broadcast %add3A_853 : i32 to vector<16xi32>
      %add3A_855 = arith.addi %mul3A_816, %add3A_854 : vector<16xi32>
      %gather3A_856 = tpu.vector_load_idx %arg9[%add3A_855] : memref<2304xf32, #tpu.memory_space<vmem>>[vector<16xi32>], vector<16xf32>,
      %add3A_857 = arith.constant 10 : i32
      %add3A_858 = vector.broadcast %add3A_857 : i32 to vector<16xi32>
      %add3A_859 = arith.addi %mul3A_816, %add3A_858 : vector<16xi32>
      %gather3A_860 = tpu.vector_load_idx %arg9[%add3A_859] : memref<2304xf32, #tpu.memory_space<vmem>>[vector<16xi32>], vector<16xf32>,
      %add3A_861 = arith.constant 11 : i32
      %add3A_862 = vector.broadcast %add3A_861 : i32 to vector<16xi32>
      %add3A_863 = arith.addi %mul3A_816, %add3A_862 : vector<16xi32>
      %gather3A_864 = tpu.vector_load_idx %arg9[%add3A_863] : memref<2304xf32, #tpu.memory_space<vmem>>[vector<16xi32>], vector<16xf32>,
      %add3A_865 = arith.constant 12 : i32
      %add3A_866 = vector.broadcast %add3A_865 : i32 to vector<16xi32>
      %add3A_867 = arith.addi %mul3A_816, %add3A_866 : vector<16xi32>
      %gather3A_868 = tpu.vector_load_idx %arg9[%add3A_867] : memref<2304xf32, #tpu.memory_space<vmem>>[vector<16xi32>], vector<16xf32>,
      %add3A_869 = arith.constant 13 : i32
      %add3A_870 = vector.broadcast %add3A_869 : i32 to vector<16xi32>
      %add3A_871 = arith.addi %mul3A_816, %add3A_870 : vector<16xi32>
      %gather3A_872 = tpu.vector_load_idx %arg9[%add3A_871] : memref<2304xf32, #tpu.memory_space<vmem>>[vector<16xi32>], vector<16xf32>,
      %add3A_873 = arith.constant 14 : i32
      %add3A_874 = vector.broadcast %add3A_873 : i32 to vector<16xi32>
      %add3A_875 = arith.addi %mul3A_816, %add3A_874 : vector<16xi32>
      %gather3A_876 = tpu.vector_load_idx %arg9[%add3A_875] : memref<2304xf32, #tpu.memory_space<vmem>>[vector<16xi32>], vector<16xf32>,
      %add3A_877 = arith.constant 15 : i32
      %add3A_878 = vector.broadcast %add3A_877 : i32 to vector<16xi32>
      %add3A_879 = arith.addi %mul3A_816, %add3A_878 : vector<16xi32>
      %gather3A_880 = tpu.vector_load_idx %arg9[%add3A_879] : memref<2304xf32, #tpu.memory_space<vmem>>[vector<16xi32>], vector<16xf32>,
      %add3A_881 = arith.addf %gather3A_820, %gather3A_824 : vector<16xf32>
      %add3A_882 = arith.addf %gather3A_828, %gather3A_832 : vector<16xf32>
      %add3A_883 = arith.addf %gather3A_836, %gather3A_840 : vector<16xf32>
      %add3A_884 = arith.addf %gather3A_844, %gather3A_848 : vector<16xf32>
      %add3A_885 = arith.addf %gather3A_852, %gather3A_856 : vector<16xf32>
      %add3A_886 = arith.addf %gather3A_860, %gather3A_864 : vector<16xf32>
      %add3A_887 = arith.addf %gather3A_868, %gather3A_872 : vector<16xf32>
      %add3A_888 = arith.addf %gather3A_876, %gather3A_880 : vector<16xf32>
      %add3A_889 = arith.addf %add3A_881, %add3A_882 : vector<16xf32>
      %add3A_890 = arith.addf %add3A_883, %add3A_884 : vector<16xf32>
      %add3A_891 = arith.addf %add3A_885, %add3A_886 : vector<16xf32>
      %add3A_892 = arith.addf %add3A_887, %add3A_888 : vector<16xf32>
      %add3A_893 = arith.addf %add3A_889, %add3A_890 : vector<16xf32>
      %add3A_894 = arith.addf %add3A_891, %add3A_892 : vector<16xf32>
      %add3A_895 = arith.addf %add3A_893, %add3A_894 : vector<16xf32>
      %mul3A_896 = arith.constant 144 : i32
      %mul3A_897 = arith.muli %mul3A_35, %mul3A_896 : i32
      %add3A_898 = arith.constant 128 : i32
      %add3A_899 = arith.addi %mul3A_897, %add3A_898 : i32
      %swap3A_900 = arith.index_cast %add3A_899 : i32 to index
      %swap3A_901 = tpu.vector_load %arg10[%swap3A_900] {strides = array<i32>} : memref<9216xf32, #tpu.memory_space<vmem>>, vector<16xf32>,
      tpu.vector_store %arg10[%swap3A_900], %add3A_895 {strides = array<i32>} : memref<9216xf32, #tpu.memory_space<vmem>>, vector<16xf32>,
      %add3A_902 = arith.constant 1 : i32
      %add3A_903 = arith.addi %scan3A_33, %add3A_902 : i32
      %lt3A = arith.constant 32 : i32
      %lt3A_904 = arith.cmpi slt, %add3A_903, %lt3A : i32
      %convert_element_type3A = arith.extui %lt3A_904 : i1 to i32
      %cond3A = arith.constant 0 : i32
      %cond3A_905 = arith.cmpi ne, %convert_element_type3A, %cond3A : i32
      scf.if %cond3A_905 {
        %add3A_1757 = arith.constant 2 : i32
        %add3A_1758 = arith.addi %mul3A_35, %add3A_1757 : i32
        %mul3A_1759 = arith.constant 160 : i32
        %mul3A_1760 = arith.muli %add3A_1758, %mul3A_1759 : i32
        %dma_start3A_1761 = arith.constant 0 : i32
        %dma_start3A_1762 = arith.constant 0 : i32
        %dma_start3A_1763 = tpu.memref_slice %arg7[%dma_start3A_1761, %dma_start3A_1762] : memref<160x128xf32, #tpu.memory_space<vmem>> -> memref<80x128xf32, #tpu.memory_space<vmem>>
        %dma_start3A_1764 = tpu.memref_slice %arg6[%mul3A_1760] : memref<10240xi32, #tpu.memory_space<vmem>> -> memref<80xi32, #tpu.memory_space<vmem>>
        %dma_start3A_1765 = arith.constant 0 : i32
        %dma_start3A_1766 = arith.constant 0 : i32
        %dma_start3A_1767 = tpu.memref_slice %arg4[%dma_start3A_1765, %dma_start3A_1766] : memref<100000x128xf32, #tpu.memory_space<hbm>> -> memref<100000x128xf32, #tpu.memory_space<hbm>>
        tpu.enqueue_indirect_dma source(%dma_start3A_1767 : memref<100000x128xf32, #tpu.memory_space<hbm>>) target(%dma_start3A_1763 : memref<80x128xf32, #tpu.memory_space<vmem>>) offsets(%dma_start3A_1764 : memref<80xi32, #tpu.memory_space<vmem>>) semaphore(%arg11 : memref<!tpu.dma_semaphore, #tpu.memory_space<semaphore_mem>>)
        %add3A_1768 = arith.constant 80 : i32
        %add3A_1769 = arith.addi %mul3A_1760, %add3A_1768 : i32
        %dma_start3A_1770 = arith.constant 80 : i32
        %dma_start3A_1771 = arith.constant 0 : i32
        %dma_start3A_1772 = tpu.memref_slice %arg7[%dma_start3A_1770, %dma_start3A_1771] : memref<160x128xf32, #tpu.memory_space<vmem>> -> memref<80x128xf32, #tpu.memory_space<vmem>>
        %dma_start3A_1773 = tpu.memref_slice %arg6[%add3A_1769] : memref<10240xi32, #tpu.memory_space<vmem>> -> memref<80xi32, #tpu.memory_space<vmem>>
        %dma_start3A_1774 = arith.constant 0 : i32
        %dma_start3A_1775 = arith.constant 0 : i32
        %dma_start3A_1776 = tpu.memref_slice %arg4[%dma_start3A_1774, %dma_start3A_1775] : memref<100000x128xf32, #tpu.memory_space<hbm>> -> memref<100000x128xf32, #tpu.memory_space<hbm>>
        tpu.enqueue_indirect_dma source(%dma_start3A_1776 : memref<100000x128xf32, #tpu.memory_space<hbm>>) target(%dma_start3A_1772 : memref<80x128xf32, #tpu.memory_space<vmem>>) offsets(%dma_start3A_1773 : memref<80xi32, #tpu.memory_space<vmem>>) semaphore(%arg11 : memref<!tpu.dma_semaphore, #tpu.memory_space<semaphore_mem>>)
      } else {
      }
      %dma_wait3A_906 = arith.constant 0 : i32
      %dma_wait3A_907 = arith.constant 0 : i32
      %dma_wait3A_908 = tpu.memref_slice %arg8[%dma_wait3A_906, %dma_wait3A_907] : memref<160x128xf32, #tpu.memory_space<vmem>> -> memref<80x128xf32, #tpu.memory_space<vmem>>
      %dma_wait3A_909 = arith.constant 0 : i32
      %dma_wait3A_910 = arith.constant 0 : i32
      %dma_wait3A_911 = tpu.memref_slice %arg4[%dma_wait3A_909, %dma_wait3A_910] : memref<100000x128xf32, #tpu.memory_space<hbm>> -> memref<80x128xf32, #tpu.memory_space<hbm>>
      %dma_wait3A_912 = arith.constant 0 : i32
      %dma_wait3A_913 = arith.constant 0 : i32
      %dma_wait3A_914 = tpu.memref_slice %arg8[%dma_wait3A_912, %dma_wait3A_913] : memref<160x128xf32, #tpu.memory_space<vmem>> -> memref<80x128xf32, #tpu.memory_space<vmem>>
      %dma_wait3A_915 = arith.constant 0 : i32
      %dma_wait3A_916 = arith.constant 0 : i32
      %dma_wait3A_917 = tpu.memref_slice %arg4[%dma_wait3A_915, %dma_wait3A_916] : memref<100000x128xf32, #tpu.memory_space<hbm>> -> memref<80x128xf32, #tpu.memory_space<hbm>>
      tpu.wait_dma2 semaphore(%arg12 : memref<!tpu.dma_semaphore, #tpu.memory_space<semaphore_mem>>) src(%dma_wait3A_917 : memref<80x128xf32, #tpu.memory_space<hbm>>) dst(%dma_wait3A_914 : memref<80x128xf32, #tpu.memory_space<vmem>>)
      %dma_wait3A_918 = arith.constant 80 : i32
      %dma_wait3A_919 = arith.constant 0 : i32
      %dma_wait3A_920 = tpu.memref_slice %arg8[%dma_wait3A_918, %dma_wait3A_919] : memref<160x128xf32, #tpu.memory_space<vmem>> -> memref<80x128xf32, #tpu.memory_space<vmem>>
      %dma_wait3A_921 = arith.constant 0 : i32
      %dma_wait3A_922 = arith.constant 0 : i32
      %dma_wait3A_923 = tpu.memref_slice %arg4[%dma_wait3A_921, %dma_wait3A_922] : memref<100000x128xf32, #tpu.memory_space<hbm>> -> memref<80x128xf32, #tpu.memory_space<hbm>>
      %dma_wait3A_924 = arith.constant 80 : i32
      %dma_wait3A_925 = arith.constant 0 : i32
      %dma_wait3A_926 = tpu.memref_slice %arg8[%dma_wait3A_924, %dma_wait3A_925] : memref<160x128xf32, #tpu.memory_space<vmem>> -> memref<80x128xf32, #tpu.memory_space<vmem>>
      %dma_wait3A_927 = arith.constant 0 : i32
      %dma_wait3A_928 = arith.constant 0 : i32
      %dma_wait3A_929 = tpu.memref_slice %arg4[%dma_wait3A_927, %dma_wait3A_928] : memref<100000x128xf32, #tpu.memory_space<hbm>> -> memref<80x128xf32, #tpu.memory_space<hbm>>
      tpu.wait_dma2 semaphore(%arg12 : memref<!tpu.dma_semaphore, #tpu.memory_space<semaphore_mem>>) src(%dma_wait3A_929 : memref<80x128xf32, #tpu.memory_space<hbm>>) dst(%dma_wait3A_926 : memref<80x128xf32, #tpu.memory_space<vmem>>)
      %add3A_930 = arith.constant 1 : i32
      %add3A_931 = arith.addi %mul3A_35, %add3A_930 : i32
      %scan3A_932 = arith.constant 0 : i32
      %scan3A_933 = arith.constant 0 : i32
      %scan3A_934 = arith.constant 16 : i32
      %scan3A_935 = arith.addi %scan3A_933, %scan3A_934 : i32
      %scan3A_936 = arith.constant 1 : i32
      scf.for %scan3A_1757 = %scan3A_933 to %scan3A_935 step %scan3A_936  : i32 {
        %mul3A_1758 = arith.constant 10 : i32
        %mul3A_1759 = arith.muli %scan3A_1757, %mul3A_1758 : i32
        %get3A = arith.index_cast %mul3A_1759 : i32 to index
        %get3A_1760 = arith.constant 0 : index
        %get3A_1761 = tpu.vector_load %arg8[%get3A, %get3A_1760] {strides = array<i32>} : memref<160x128xf32, #tpu.memory_space<vmem>>, vector<16xf32>,
        %get3A_1762 = arith.index_cast %mul3A_1759 : i32 to index
        %get3A_1763 = arith.constant 16 : index
        %get3A_1764 = tpu.vector_load %arg8[%get3A_1762, %get3A_1763] {strides = array<i32>} : memref<160x128xf32, #tpu.memory_space<vmem>>, vector<16xf32>,
        %get3A_1765 = arith.index_cast %mul3A_1759 : i32 to index
        %get3A_1766 = arith.constant 32 : index
        %get3A_1767 = tpu.vector_load %arg8[%get3A_1765, %get3A_1766] {strides = array<i32>} : memref<160x128xf32, #tpu.memory_space<vmem>>, vector<16xf32>,
        %get3A_1768 = arith.index_cast %mul3A_1759 : i32 to index
        %get3A_1769 = arith.constant 48 : index
        %get3A_1770 = tpu.vector_load %arg8[%get3A_1768, %get3A_1769] {strides = array<i32>} : memref<160x128xf32, #tpu.memory_space<vmem>>, vector<16xf32>,
        %get3A_1771 = arith.index_cast %mul3A_1759 : i32 to index
        %get3A_1772 = arith.constant 64 : index
        %get3A_1773 = tpu.vector_load %arg8[%get3A_1771, %get3A_1772] {strides = array<i32>} : memref<160x128xf32, #tpu.memory_space<vmem>>, vector<16xf32>,
        %get3A_1774 = arith.index_cast %mul3A_1759 : i32 to index
        %get3A_1775 = arith.constant 80 : index
        %get3A_1776 = tpu.vector_load %arg8[%get3A_1774, %get3A_1775] {strides = array<i32>} : memref<160x128xf32, #tpu.memory_space<vmem>>, vector<16xf32>,
        %get3A_1777 = arith.index_cast %mul3A_1759 : i32 to index
        %get3A_1778 = arith.constant 96 : index
        %get3A_1779 = tpu.vector_load %arg8[%get3A_1777, %get3A_1778] {strides = array<i32>} : memref<160x128xf32, #tpu.memory_space<vmem>>, vector<16xf32>,
        %get3A_1780 = arith.index_cast %mul3A_1759 : i32 to index
        %get3A_1781 = arith.constant 112 : index
        %get3A_1782 = tpu.vector_load %arg8[%get3A_1780, %get3A_1781] {strides = array<i32>} : memref<160x128xf32, #tpu.memory_space<vmem>>, vector<16xf32>,
        %add3A_1783 = arith.constant 1 : i32
        %add3A_1784 = arith.addi %mul3A_1759, %add3A_1783 : i32
        %add3A_1785 = arith.constant 0 : i32
        %add3A_1786 = arith.addi %add3A_1784, %add3A_1785 : i32
        %get3A_1787 = arith.index_cast %add3A_1786 : i32 to index
        %get3A_1788 = arith.constant 0 : index
        %get3A_1789 = tpu.vector_load %arg8[%get3A_1787, %get3A_1788] {strides = array<i32>} : memref<160x128xf32, #tpu.memory_space<vmem>>, vector<16xf32>,
        %mul3A_1790 = arith.mulf %get3A_1761, %get3A_1789 : vector<16xf32>
        %get3A_1791 = arith.index_cast %add3A_1786 : i32 to index
        %get3A_1792 = arith.constant 16 : index
        %get3A_1793 = tpu.vector_load %arg8[%get3A_1791, %get3A_1792] {strides = array<i32>} : memref<160x128xf32, #tpu.memory_space<vmem>>, vector<16xf32>,
        %mul3A_1794 = arith.mulf %get3A_1764, %get3A_1793 : vector<16xf32>
        %get3A_1795 = arith.index_cast %add3A_1786 : i32 to index
        %get3A_1796 = arith.constant 32 : index
        %get3A_1797 = tpu.vector_load %arg8[%get3A_1795, %get3A_1796] {strides = array<i32>} : memref<160x128xf32, #tpu.memory_space<vmem>>, vector<16xf32>,
        %mul3A_1798 = arith.mulf %get3A_1767, %get3A_1797 : vector<16xf32>
        %get3A_1799 = arith.index_cast %add3A_1786 : i32 to index
        %get3A_1800 = arith.constant 48 : index
        %get3A_1801 = tpu.vector_load %arg8[%get3A_1799, %get3A_1800] {strides = array<i32>} : memref<160x128xf32, #tpu.memory_space<vmem>>, vector<16xf32>,
        %mul3A_1802 = arith.mulf %get3A_1770, %get3A_1801 : vector<16xf32>
        %get3A_1803 = arith.index_cast %add3A_1786 : i32 to index
        %get3A_1804 = arith.constant 64 : index
        %get3A_1805 = tpu.vector_load %arg8[%get3A_1803, %get3A_1804] {strides = array<i32>} : memref<160x128xf32, #tpu.memory_space<vmem>>, vector<16xf32>,
        %mul3A_1806 = arith.mulf %get3A_1773, %get3A_1805 : vector<16xf32>
        %get3A_1807 = arith.index_cast %add3A_1786 : i32 to index
        %get3A_1808 = arith.constant 80 : index
        %get3A_1809 = tpu.vector_load %arg8[%get3A_1807, %get3A_1808] {strides = array<i32>} : memref<160x128xf32, #tpu.memory_space<vmem>>, vector<16xf32>,
        %mul3A_1810 = arith.mulf %get3A_1776, %get3A_1809 : vector<16xf32>
        %get3A_1811 = arith.index_cast %add3A_1786 : i32 to index
        %get3A_1812 = arith.constant 96 : index
        %get3A_1813 = tpu.vector_load %arg8[%get3A_1811, %get3A_1812] {strides = array<i32>} : memref<160x128xf32, #tpu.memory_space<vmem>>, vector<16xf32>,
        %mul3A_1814 = arith.mulf %get3A_1779, %get3A_1813 : vector<16xf32>
        %get3A_1815 = arith.index_cast %add3A_1786 : i32 to index
        %get3A_1816 = arith.constant 112 : index
        %get3A_1817 = tpu.vector_load %arg8[%get3A_1815, %get3A_1816] {strides = array<i32>} : memref<160x128xf32, #tpu.memory_space<vmem>>, vector<16xf32>,
        %mul3A_1818 = arith.mulf %get3A_1782, %get3A_1817 : vector<16xf32>
        %add3A_1819 = arith.addf %mul3A_1790, %mul3A_1794 : vector<16xf32>
        %add3A_1820 = arith.addf %mul3A_1798, %mul3A_1802 : vector<16xf32>
        %add3A_1821 = arith.addf %mul3A_1806, %mul3A_1810 : vector<16xf32>
        %add3A_1822 = arith.addf %mul3A_1814, %mul3A_1818 : vector<16xf32>
        %add3A_1823 = arith.addf %add3A_1819, %add3A_1820 : vector<16xf32>
        %add3A_1824 = arith.addf %add3A_1821, %add3A_1822 : vector<16xf32>
        %add3A_1825 = arith.addf %add3A_1823, %add3A_1824 : vector<16xf32>
        %mul3A_1826 = arith.constant 9 : i32
        %mul3A_1827 = arith.muli %scan3A_1757, %mul3A_1826 : i32
        %add3A_1828 = arith.constant 0 : i32
        %add3A_1829 = arith.addi %mul3A_1827, %add3A_1828 : i32
        %mul3A_1830 = arith.constant 16 : i32
        %mul3A_1831 = arith.muli %add3A_1829, %mul3A_1830 : i32
        %swap3A_1832 = arith.index_cast %mul3A_1831 : i32 to index
        %swap3A_1833 = tpu.vector_load %arg9[%swap3A_1832] {strides = array<i32>} : memref<2304xf32, #tpu.memory_space<vmem>>, vector<16xf32>,
        tpu.vector_store %arg9[%swap3A_1832], %add3A_1825 {strides = array<i32>} : memref<2304xf32, #tpu.memory_space<vmem>>, vector<16xf32>,
        %add3A_1834 = arith.constant 1 : i32
        %add3A_1835 = arith.addi %mul3A_1759, %add3A_1834 : i32
        %add3A_1836 = arith.constant 1 : i32
        %add3A_1837 = arith.addi %add3A_1835, %add3A_1836 : i32
        %get3A_1838 = arith.index_cast %add3A_1837 : i32 to index
        %get3A_1839 = arith.constant 0 : index
        %get3A_1840 = tpu.vector_load %arg8[%get3A_1838, %get3A_1839] {strides = array<i32>} : memref<160x128xf32, #tpu.memory_space<vmem>>, vector<16xf32>,
        %mul3A_1841 = arith.mulf %get3A_1761, %get3A_1840 : vector<16xf32>
        %get3A_1842 = arith.index_cast %add3A_1837 : i32 to index
        %get3A_1843 = arith.constant 16 : index
        %get3A_1844 = tpu.vector_load %arg8[%get3A_1842, %get3A_1843] {strides = array<i32>} : memref<160x128xf32, #tpu.memory_space<vmem>>, vector<16xf32>,
        %mul3A_1845 = arith.mulf %get3A_1764, %get3A_1844 : vector<16xf32>
        %get3A_1846 = arith.index_cast %add3A_1837 : i32 to index
        %get3A_1847 = arith.constant 32 : index
        %get3A_1848 = tpu.vector_load %arg8[%get3A_1846, %get3A_1847] {strides = array<i32>} : memref<160x128xf32, #tpu.memory_space<vmem>>, vector<16xf32>,
        %mul3A_1849 = arith.mulf %get3A_1767, %get3A_1848 : vector<16xf32>
        %get3A_1850 = arith.index_cast %add3A_1837 : i32 to index
        %get3A_1851 = arith.constant 48 : index
        %get3A_1852 = tpu.vector_load %arg8[%get3A_1850, %get3A_1851] {strides = array<i32>} : memref<160x128xf32, #tpu.memory_space<vmem>>, vector<16xf32>,
        %mul3A_1853 = arith.mulf %get3A_1770, %get3A_1852 : vector<16xf32>
        %get3A_1854 = arith.index_cast %add3A_1837 : i32 to index
        %get3A_1855 = arith.constant 64 : index
        %get3A_1856 = tpu.vector_load %arg8[%get3A_1854, %get3A_1855] {strides = array<i32>} : memref<160x128xf32, #tpu.memory_space<vmem>>, vector<16xf32>,
        %mul3A_1857 = arith.mulf %get3A_1773, %get3A_1856 : vector<16xf32>
        %get3A_1858 = arith.index_cast %add3A_1837 : i32 to index
        %get3A_1859 = arith.constant 80 : index
        %get3A_1860 = tpu.vector_load %arg8[%get3A_1858, %get3A_1859] {strides = array<i32>} : memref<160x128xf32, #tpu.memory_space<vmem>>, vector<16xf32>,
        %mul3A_1861 = arith.mulf %get3A_1776, %get3A_1860 : vector<16xf32>
        %get3A_1862 = arith.index_cast %add3A_1837 : i32 to index
        %get3A_1863 = arith.constant 96 : index
        %get3A_1864 = tpu.vector_load %arg8[%get3A_1862, %get3A_1863] {strides = array<i32>} : memref<160x128xf32, #tpu.memory_space<vmem>>, vector<16xf32>,
        %mul3A_1865 = arith.mulf %get3A_1779, %get3A_1864 : vector<16xf32>
        %get3A_1866 = arith.index_cast %add3A_1837 : i32 to index
        %get3A_1867 = arith.constant 112 : index
        %get3A_1868 = tpu.vector_load %arg8[%get3A_1866, %get3A_1867] {strides = array<i32>} : memref<160x128xf32, #tpu.memory_space<vmem>>, vector<16xf32>,
        %mul3A_1869 = arith.mulf %get3A_1782, %get3A_1868 : vector<16xf32>
        %add3A_1870 = arith.addf %mul3A_1841, %mul3A_1845 : vector<16xf32>
        %add3A_1871 = arith.addf %mul3A_1849, %mul3A_1853 : vector<16xf32>
        %add3A_1872 = arith.addf %mul3A_1857, %mul3A_1861 : vector<16xf32>
        %add3A_1873 = arith.addf %mul3A_1865, %mul3A_1869 : vector<16xf32>
        %add3A_1874 = arith.addf %add3A_1870, %add3A_1871 : vector<16xf32>
        %add3A_1875 = arith.addf %add3A_1872, %add3A_1873 : vector<16xf32>
        %add3A_1876 = arith.addf %add3A_1874, %add3A_1875 : vector<16xf32>
        %mul3A_1877 = arith.constant 9 : i32
        %mul3A_1878 = arith.muli %scan3A_1757, %mul3A_1877 : i32
        %add3A_1879 = arith.constant 1 : i32
        %add3A_1880 = arith.addi %mul3A_1878, %add3A_1879 : i32
        %mul3A_1881 = arith.constant 16 : i32
        %mul3A_1882 = arith.muli %add3A_1880, %mul3A_1881 : i32
        %swap3A_1883 = arith.index_cast %mul3A_1882 : i32 to index
        %swap3A_1884 = tpu.vector_load %arg9[%swap3A_1883] {strides = array<i32>} : memref<2304xf32, #tpu.memory_space<vmem>>, vector<16xf32>,
        tpu.vector_store %arg9[%swap3A_1883], %add3A_1876 {strides = array<i32>} : memref<2304xf32, #tpu.memory_space<vmem>>, vector<16xf32>,
        %add3A_1885 = arith.constant 1 : i32
        %add3A_1886 = arith.addi %mul3A_1759, %add3A_1885 : i32
        %add3A_1887 = arith.constant 2 : i32
        %add3A_1888 = arith.addi %add3A_1886, %add3A_1887 : i32
        %get3A_1889 = arith.index_cast %add3A_1888 : i32 to index
        %get3A_1890 = arith.constant 0 : index
        %get3A_1891 = tpu.vector_load %arg8[%get3A_1889, %get3A_1890] {strides = array<i32>} : memref<160x128xf32, #tpu.memory_space<vmem>>, vector<16xf32>,
        %mul3A_1892 = arith.mulf %get3A_1761, %get3A_1891 : vector<16xf32>
        %get3A_1893 = arith.index_cast %add3A_1888 : i32 to index
        %get3A_1894 = arith.constant 16 : index
        %get3A_1895 = tpu.vector_load %arg8[%get3A_1893, %get3A_1894] {strides = array<i32>} : memref<160x128xf32, #tpu.memory_space<vmem>>, vector<16xf32>,
        %mul3A_1896 = arith.mulf %get3A_1764, %get3A_1895 : vector<16xf32>
        %get3A_1897 = arith.index_cast %add3A_1888 : i32 to index
        %get3A_1898 = arith.constant 32 : index
        %get3A_1899 = tpu.vector_load %arg8[%get3A_1897, %get3A_1898] {strides = array<i32>} : memref<160x128xf32, #tpu.memory_space<vmem>>, vector<16xf32>,
        %mul3A_1900 = arith.mulf %get3A_1767, %get3A_1899 : vector<16xf32>
        %get3A_1901 = arith.index_cast %add3A_1888 : i32 to index
        %get3A_1902 = arith.constant 48 : index
        %get3A_1903 = tpu.vector_load %arg8[%get3A_1901, %get3A_1902] {strides = array<i32>} : memref<160x128xf32, #tpu.memory_space<vmem>>, vector<16xf32>,
        %mul3A_1904 = arith.mulf %get3A_1770, %get3A_1903 : vector<16xf32>
        %get3A_1905 = arith.index_cast %add3A_1888 : i32 to index
        %get3A_1906 = arith.constant 64 : index
        %get3A_1907 = tpu.vector_load %arg8[%get3A_1905, %get3A_1906] {strides = array<i32>} : memref<160x128xf32, #tpu.memory_space<vmem>>, vector<16xf32>,
        %mul3A_1908 = arith.mulf %get3A_1773, %get3A_1907 : vector<16xf32>
        %get3A_1909 = arith.index_cast %add3A_1888 : i32 to index
        %get3A_1910 = arith.constant 80 : index
        %get3A_1911 = tpu.vector_load %arg8[%get3A_1909, %get3A_1910] {strides = array<i32>} : memref<160x128xf32, #tpu.memory_space<vmem>>, vector<16xf32>,
        %mul3A_1912 = arith.mulf %get3A_1776, %get3A_1911 : vector<16xf32>
        %get3A_1913 = arith.index_cast %add3A_1888 : i32 to index
        %get3A_1914 = arith.constant 96 : index
        %get3A_1915 = tpu.vector_load %arg8[%get3A_1913, %get3A_1914] {strides = array<i32>} : memref<160x128xf32, #tpu.memory_space<vmem>>, vector<16xf32>,
        %mul3A_1916 = arith.mulf %get3A_1779, %get3A_1915 : vector<16xf32>
        %get3A_1917 = arith.index_cast %add3A_1888 : i32 to index
        %get3A_1918 = arith.constant 112 : index
        %get3A_1919 = tpu.vector_load %arg8[%get3A_1917, %get3A_1918] {strides = array<i32>} : memref<160x128xf32, #tpu.memory_space<vmem>>, vector<16xf32>,
        %mul3A_1920 = arith.mulf %get3A_1782, %get3A_1919 : vector<16xf32>
        %add3A_1921 = arith.addf %mul3A_1892, %mul3A_1896 : vector<16xf32>
        %add3A_1922 = arith.addf %mul3A_1900, %mul3A_1904 : vector<16xf32>
        %add3A_1923 = arith.addf %mul3A_1908, %mul3A_1912 : vector<16xf32>
        %add3A_1924 = arith.addf %mul3A_1916, %mul3A_1920 : vector<16xf32>
        %add3A_1925 = arith.addf %add3A_1921, %add3A_1922 : vector<16xf32>
        %add3A_1926 = arith.addf %add3A_1923, %add3A_1924 : vector<16xf32>
        %add3A_1927 = arith.addf %add3A_1925, %add3A_1926 : vector<16xf32>
        %mul3A_1928 = arith.constant 9 : i32
        %mul3A_1929 = arith.muli %scan3A_1757, %mul3A_1928 : i32
        %add3A_1930 = arith.constant 2 : i32
        %add3A_1931 = arith.addi %mul3A_1929, %add3A_1930 : i32
        %mul3A_1932 = arith.constant 16 : i32
        %mul3A_1933 = arith.muli %add3A_1931, %mul3A_1932 : i32
        %swap3A_1934 = arith.index_cast %mul3A_1933 : i32 to index
        %swap3A_1935 = tpu.vector_load %arg9[%swap3A_1934] {strides = array<i32>} : memref<2304xf32, #tpu.memory_space<vmem>>, vector<16xf32>,
        tpu.vector_store %arg9[%swap3A_1934], %add3A_1927 {strides = array<i32>} : memref<2304xf32, #tpu.memory_space<vmem>>, vector<16xf32>,
        %add3A_1936 = arith.constant 1 : i32
        %add3A_1937 = arith.addi %mul3A_1759, %add3A_1936 : i32
        %add3A_1938 = arith.constant 3 : i32
        %add3A_1939 = arith.addi %add3A_1937, %add3A_1938 : i32
        %get3A_1940 = arith.index_cast %add3A_1939 : i32 to index
        %get3A_1941 = arith.constant 0 : index
        %get3A_1942 = tpu.vector_load %arg8[%get3A_1940, %get3A_1941] {strides = array<i32>} : memref<160x128xf32, #tpu.memory_space<vmem>>, vector<16xf32>,
        %mul3A_1943 = arith.mulf %get3A_1761, %get3A_1942 : vector<16xf32>
        %get3A_1944 = arith.index_cast %add3A_1939 : i32 to index
        %get3A_1945 = arith.constant 16 : index
        %get3A_1946 = tpu.vector_load %arg8[%get3A_1944, %get3A_1945] {strides = array<i32>} : memref<160x128xf32, #tpu.memory_space<vmem>>, vector<16xf32>,
        %mul3A_1947 = arith.mulf %get3A_1764, %get3A_1946 : vector<16xf32>
        %get3A_1948 = arith.index_cast %add3A_1939 : i32 to index
        %get3A_1949 = arith.constant 32 : index
        %get3A_1950 = tpu.vector_load %arg8[%get3A_1948, %get3A_1949] {strides = array<i32>} : memref<160x128xf32, #tpu.memory_space<vmem>>, vector<16xf32>,
        %mul3A_1951 = arith.mulf %get3A_1767, %get3A_1950 : vector<16xf32>
        %get3A_1952 = arith.index_cast %add3A_1939 : i32 to index
        %get3A_1953 = arith.constant 48 : index
        %get3A_1954 = tpu.vector_load %arg8[%get3A_1952, %get3A_1953] {strides = array<i32>} : memref<160x128xf32, #tpu.memory_space<vmem>>, vector<16xf32>,
        %mul3A_1955 = arith.mulf %get3A_1770, %get3A_1954 : vector<16xf32>
        %get3A_1956 = arith.index_cast %add3A_1939 : i32 to index
        %get3A_1957 = arith.constant 64 : index
        %get3A_1958 = tpu.vector_load %arg8[%get3A_1956, %get3A_1957] {strides = array<i32>} : memref<160x128xf32, #tpu.memory_space<vmem>>, vector<16xf32>,
        %mul3A_1959 = arith.mulf %get3A_1773, %get3A_1958 : vector<16xf32>
        %get3A_1960 = arith.index_cast %add3A_1939 : i32 to index
        %get3A_1961 = arith.constant 80 : index
        %get3A_1962 = tpu.vector_load %arg8[%get3A_1960, %get3A_1961] {strides = array<i32>} : memref<160x128xf32, #tpu.memory_space<vmem>>, vector<16xf32>,
        %mul3A_1963 = arith.mulf %get3A_1776, %get3A_1962 : vector<16xf32>
        %get3A_1964 = arith.index_cast %add3A_1939 : i32 to index
        %get3A_1965 = arith.constant 96 : index
        %get3A_1966 = tpu.vector_load %arg8[%get3A_1964, %get3A_1965] {strides = array<i32>} : memref<160x128xf32, #tpu.memory_space<vmem>>, vector<16xf32>,
        %mul3A_1967 = arith.mulf %get3A_1779, %get3A_1966 : vector<16xf32>
        %get3A_1968 = arith.index_cast %add3A_1939 : i32 to index
        %get3A_1969 = arith.constant 112 : index
        %get3A_1970 = tpu.vector_load %arg8[%get3A_1968, %get3A_1969] {strides = array<i32>} : memref<160x128xf32, #tpu.memory_space<vmem>>, vector<16xf32>,
        %mul3A_1971 = arith.mulf %get3A_1782, %get3A_1970 : vector<16xf32>
        %add3A_1972 = arith.addf %mul3A_1943, %mul3A_1947 : vector<16xf32>
        %add3A_1973 = arith.addf %mul3A_1951, %mul3A_1955 : vector<16xf32>
        %add3A_1974 = arith.addf %mul3A_1959, %mul3A_1963 : vector<16xf32>
        %add3A_1975 = arith.addf %mul3A_1967, %mul3A_1971 : vector<16xf32>
        %add3A_1976 = arith.addf %add3A_1972, %add3A_1973 : vector<16xf32>
        %add3A_1977 = arith.addf %add3A_1974, %add3A_1975 : vector<16xf32>
        %add3A_1978 = arith.addf %add3A_1976, %add3A_1977 : vector<16xf32>
        %mul3A_1979 = arith.constant 9 : i32
        %mul3A_1980 = arith.muli %scan3A_1757, %mul3A_1979 : i32
        %add3A_1981 = arith.constant 3 : i32
        %add3A_1982 = arith.addi %mul3A_1980, %add3A_1981 : i32
        %mul3A_1983 = arith.constant 16 : i32
        %mul3A_1984 = arith.muli %add3A_1982, %mul3A_1983 : i32
        %swap3A_1985 = arith.index_cast %mul3A_1984 : i32 to index
        %swap3A_1986 = tpu.vector_load %arg9[%swap3A_1985] {strides = array<i32>} : memref<2304xf32, #tpu.memory_space<vmem>>, vector<16xf32>,
        tpu.vector_store %arg9[%swap3A_1985], %add3A_1978 {strides = array<i32>} : memref<2304xf32, #tpu.memory_space<vmem>>, vector<16xf32>,
        %add3A_1987 = arith.constant 1 : i32
        %add3A_1988 = arith.addi %mul3A_1759, %add3A_1987 : i32
        %add3A_1989 = arith.constant 4 : i32
        %add3A_1990 = arith.addi %add3A_1988, %add3A_1989 : i32
        %get3A_1991 = arith.index_cast %add3A_1990 : i32 to index
        %get3A_1992 = arith.constant 0 : index
        %get3A_1993 = tpu.vector_load %arg8[%get3A_1991, %get3A_1992] {strides = array<i32>} : memref<160x128xf32, #tpu.memory_space<vmem>>, vector<16xf32>,
        %mul3A_1994 = arith.mulf %get3A_1761, %get3A_1993 : vector<16xf32>
        %get3A_1995 = arith.index_cast %add3A_1990 : i32 to index
        %get3A_1996 = arith.constant 16 : index
        %get3A_1997 = tpu.vector_load %arg8[%get3A_1995, %get3A_1996] {strides = array<i32>} : memref<160x128xf32, #tpu.memory_space<vmem>>, vector<16xf32>,
        %mul3A_1998 = arith.mulf %get3A_1764, %get3A_1997 : vector<16xf32>
        %get3A_1999 = arith.index_cast %add3A_1990 : i32 to index
        %get3A_2000 = arith.constant 32 : index
        %get3A_2001 = tpu.vector_load %arg8[%get3A_1999, %get3A_2000] {strides = array<i32>} : memref<160x128xf32, #tpu.memory_space<vmem>>, vector<16xf32>,
        %mul3A_2002 = arith.mulf %get3A_1767, %get3A_2001 : vector<16xf32>
        %get3A_2003 = arith.index_cast %add3A_1990 : i32 to index
        %get3A_2004 = arith.constant 48 : index
        %get3A_2005 = tpu.vector_load %arg8[%get3A_2003, %get3A_2004] {strides = array<i32>} : memref<160x128xf32, #tpu.memory_space<vmem>>, vector<16xf32>,
        %mul3A_2006 = arith.mulf %get3A_1770, %get3A_2005 : vector<16xf32>
        %get3A_2007 = arith.index_cast %add3A_1990 : i32 to index
        %get3A_2008 = arith.constant 64 : index
        %get3A_2009 = tpu.vector_load %arg8[%get3A_2007, %get3A_2008] {strides = array<i32>} : memref<160x128xf32, #tpu.memory_space<vmem>>, vector<16xf32>,
        %mul3A_2010 = arith.mulf %get3A_1773, %get3A_2009 : vector<16xf32>
        %get3A_2011 = arith.index_cast %add3A_1990 : i32 to index
        %get3A_2012 = arith.constant 80 : index
        %get3A_2013 = tpu.vector_load %arg8[%get3A_2011, %get3A_2012] {strides = array<i32>} : memref<160x128xf32, #tpu.memory_space<vmem>>, vector<16xf32>,
        %mul3A_2014 = arith.mulf %get3A_1776, %get3A_2013 : vector<16xf32>
        %get3A_2015 = arith.index_cast %add3A_1990 : i32 to index
        %get3A_2016 = arith.constant 96 : index
        %get3A_2017 = tpu.vector_load %arg8[%get3A_2015, %get3A_2016] {strides = array<i32>} : memref<160x128xf32, #tpu.memory_space<vmem>>, vector<16xf32>,
        %mul3A_2018 = arith.mulf %get3A_1779, %get3A_2017 : vector<16xf32>
        %get3A_2019 = arith.index_cast %add3A_1990 : i32 to index
        %get3A_2020 = arith.constant 112 : index
        %get3A_2021 = tpu.vector_load %arg8[%get3A_2019, %get3A_2020] {strides = array<i32>} : memref<160x128xf32, #tpu.memory_space<vmem>>, vector<16xf32>,
        %mul3A_2022 = arith.mulf %get3A_1782, %get3A_2021 : vector<16xf32>
        %add3A_2023 = arith.addf %mul3A_1994, %mul3A_1998 : vector<16xf32>
        %add3A_2024 = arith.addf %mul3A_2002, %mul3A_2006 : vector<16xf32>
        %add3A_2025 = arith.addf %mul3A_2010, %mul3A_2014 : vector<16xf32>
        %add3A_2026 = arith.addf %mul3A_2018, %mul3A_2022 : vector<16xf32>
        %add3A_2027 = arith.addf %add3A_2023, %add3A_2024 : vector<16xf32>
        %add3A_2028 = arith.addf %add3A_2025, %add3A_2026 : vector<16xf32>
        %add3A_2029 = arith.addf %add3A_2027, %add3A_2028 : vector<16xf32>
        %mul3A_2030 = arith.constant 9 : i32
        %mul3A_2031 = arith.muli %scan3A_1757, %mul3A_2030 : i32
        %add3A_2032 = arith.constant 4 : i32
        %add3A_2033 = arith.addi %mul3A_2031, %add3A_2032 : i32
        %mul3A_2034 = arith.constant 16 : i32
        %mul3A_2035 = arith.muli %add3A_2033, %mul3A_2034 : i32
        %swap3A_2036 = arith.index_cast %mul3A_2035 : i32 to index
        %swap3A_2037 = tpu.vector_load %arg9[%swap3A_2036] {strides = array<i32>} : memref<2304xf32, #tpu.memory_space<vmem>>, vector<16xf32>,
        tpu.vector_store %arg9[%swap3A_2036], %add3A_2029 {strides = array<i32>} : memref<2304xf32, #tpu.memory_space<vmem>>, vector<16xf32>,
        %add3A_2038 = arith.constant 1 : i32
        %add3A_2039 = arith.addi %mul3A_1759, %add3A_2038 : i32
        %add3A_2040 = arith.constant 5 : i32
        %add3A_2041 = arith.addi %add3A_2039, %add3A_2040 : i32
        %get3A_2042 = arith.index_cast %add3A_2041 : i32 to index
        %get3A_2043 = arith.constant 0 : index
        %get3A_2044 = tpu.vector_load %arg8[%get3A_2042, %get3A_2043] {strides = array<i32>} : memref<160x128xf32, #tpu.memory_space<vmem>>, vector<16xf32>,
        %mul3A_2045 = arith.mulf %get3A_1761, %get3A_2044 : vector<16xf32>
        %get3A_2046 = arith.index_cast %add3A_2041 : i32 to index
        %get3A_2047 = arith.constant 16 : index
        %get3A_2048 = tpu.vector_load %arg8[%get3A_2046, %get3A_2047] {strides = array<i32>} : memref<160x128xf32, #tpu.memory_space<vmem>>, vector<16xf32>,
        %mul3A_2049 = arith.mulf %get3A_1764, %get3A_2048 : vector<16xf32>
        %get3A_2050 = arith.index_cast %add3A_2041 : i32 to index
        %get3A_2051 = arith.constant 32 : index
        %get3A_2052 = tpu.vector_load %arg8[%get3A_2050, %get3A_2051] {strides = array<i32>} : memref<160x128xf32, #tpu.memory_space<vmem>>, vector<16xf32>,
        %mul3A_2053 = arith.mulf %get3A_1767, %get3A_2052 : vector<16xf32>
        %get3A_2054 = arith.index_cast %add3A_2041 : i32 to index
        %get3A_2055 = arith.constant 48 : index
        %get3A_2056 = tpu.vector_load %arg8[%get3A_2054, %get3A_2055] {strides = array<i32>} : memref<160x128xf32, #tpu.memory_space<vmem>>, vector<16xf32>,
        %mul3A_2057 = arith.mulf %get3A_1770, %get3A_2056 : vector<16xf32>
        %get3A_2058 = arith.index_cast %add3A_2041 : i32 to index
        %get3A_2059 = arith.constant 64 : index
        %get3A_2060 = tpu.vector_load %arg8[%get3A_2058, %get3A_2059] {strides = array<i32>} : memref<160x128xf32, #tpu.memory_space<vmem>>, vector<16xf32>,
        %mul3A_2061 = arith.mulf %get3A_1773, %get3A_2060 : vector<16xf32>
        %get3A_2062 = arith.index_cast %add3A_2041 : i32 to index
        %get3A_2063 = arith.constant 80 : index
        %get3A_2064 = tpu.vector_load %arg8[%get3A_2062, %get3A_2063] {strides = array<i32>} : memref<160x128xf32, #tpu.memory_space<vmem>>, vector<16xf32>,
        %mul3A_2065 = arith.mulf %get3A_1776, %get3A_2064 : vector<16xf32>
        %get3A_2066 = arith.index_cast %add3A_2041 : i32 to index
        %get3A_2067 = arith.constant 96 : index
        %get3A_2068 = tpu.vector_load %arg8[%get3A_2066, %get3A_2067] {strides = array<i32>} : memref<160x128xf32, #tpu.memory_space<vmem>>, vector<16xf32>,
        %mul3A_2069 = arith.mulf %get3A_1779, %get3A_2068 : vector<16xf32>
        %get3A_2070 = arith.index_cast %add3A_2041 : i32 to index
        %get3A_2071 = arith.constant 112 : index
        %get3A_2072 = tpu.vector_load %arg8[%get3A_2070, %get3A_2071] {strides = array<i32>} : memref<160x128xf32, #tpu.memory_space<vmem>>, vector<16xf32>,
        %mul3A_2073 = arith.mulf %get3A_1782, %get3A_2072 : vector<16xf32>
        %add3A_2074 = arith.addf %mul3A_2045, %mul3A_2049 : vector<16xf32>
        %add3A_2075 = arith.addf %mul3A_2053, %mul3A_2057 : vector<16xf32>
        %add3A_2076 = arith.addf %mul3A_2061, %mul3A_2065 : vector<16xf32>
        %add3A_2077 = arith.addf %mul3A_2069, %mul3A_2073 : vector<16xf32>
        %add3A_2078 = arith.addf %add3A_2074, %add3A_2075 : vector<16xf32>
        %add3A_2079 = arith.addf %add3A_2076, %add3A_2077 : vector<16xf32>
        %add3A_2080 = arith.addf %add3A_2078, %add3A_2079 : vector<16xf32>
        %mul3A_2081 = arith.constant 9 : i32
        %mul3A_2082 = arith.muli %scan3A_1757, %mul3A_2081 : i32
        %add3A_2083 = arith.constant 5 : i32
        %add3A_2084 = arith.addi %mul3A_2082, %add3A_2083 : i32
        %mul3A_2085 = arith.constant 16 : i32
        %mul3A_2086 = arith.muli %add3A_2084, %mul3A_2085 : i32
        %swap3A_2087 = arith.index_cast %mul3A_2086 : i32 to index
        %swap3A_2088 = tpu.vector_load %arg9[%swap3A_2087] {strides = array<i32>} : memref<2304xf32, #tpu.memory_space<vmem>>, vector<16xf32>,
        tpu.vector_store %arg9[%swap3A_2087], %add3A_2080 {strides = array<i32>} : memref<2304xf32, #tpu.memory_space<vmem>>, vector<16xf32>,
        %add3A_2089 = arith.constant 1 : i32
        %add3A_2090 = arith.addi %mul3A_1759, %add3A_2089 : i32
        %add3A_2091 = arith.constant 6 : i32
        %add3A_2092 = arith.addi %add3A_2090, %add3A_2091 : i32
        %get3A_2093 = arith.index_cast %add3A_2092 : i32 to index
        %get3A_2094 = arith.constant 0 : index
        %get3A_2095 = tpu.vector_load %arg8[%get3A_2093, %get3A_2094] {strides = array<i32>} : memref<160x128xf32, #tpu.memory_space<vmem>>, vector<16xf32>,
        %mul3A_2096 = arith.mulf %get3A_1761, %get3A_2095 : vector<16xf32>
        %get3A_2097 = arith.index_cast %add3A_2092 : i32 to index
        %get3A_2098 = arith.constant 16 : index
        %get3A_2099 = tpu.vector_load %arg8[%get3A_2097, %get3A_2098] {strides = array<i32>} : memref<160x128xf32, #tpu.memory_space<vmem>>, vector<16xf32>,
        %mul3A_2100 = arith.mulf %get3A_1764, %get3A_2099 : vector<16xf32>
        %get3A_2101 = arith.index_cast %add3A_2092 : i32 to index
        %get3A_2102 = arith.constant 32 : index
        %get3A_2103 = tpu.vector_load %arg8[%get3A_2101, %get3A_2102] {strides = array<i32>} : memref<160x128xf32, #tpu.memory_space<vmem>>, vector<16xf32>,
        %mul3A_2104 = arith.mulf %get3A_1767, %get3A_2103 : vector<16xf32>
        %get3A_2105 = arith.index_cast %add3A_2092 : i32 to index
        %get3A_2106 = arith.constant 48 : index
        %get3A_2107 = tpu.vector_load %arg8[%get3A_2105, %get3A_2106] {strides = array<i32>} : memref<160x128xf32, #tpu.memory_space<vmem>>, vector<16xf32>,
        %mul3A_2108 = arith.mulf %get3A_1770, %get3A_2107 : vector<16xf32>
        %get3A_2109 = arith.index_cast %add3A_2092 : i32 to index
        %get3A_2110 = arith.constant 64 : index
        %get3A_2111 = tpu.vector_load %arg8[%get3A_2109, %get3A_2110] {strides = array<i32>} : memref<160x128xf32, #tpu.memory_space<vmem>>, vector<16xf32>,
        %mul3A_2112 = arith.mulf %get3A_1773, %get3A_2111 : vector<16xf32>
        %get3A_2113 = arith.index_cast %add3A_2092 : i32 to index
        %get3A_2114 = arith.constant 80 : index
        %get3A_2115 = tpu.vector_load %arg8[%get3A_2113, %get3A_2114] {strides = array<i32>} : memref<160x128xf32, #tpu.memory_space<vmem>>, vector<16xf32>,
        %mul3A_2116 = arith.mulf %get3A_1776, %get3A_2115 : vector<16xf32>
        %get3A_2117 = arith.index_cast %add3A_2092 : i32 to index
        %get3A_2118 = arith.constant 96 : index
        %get3A_2119 = tpu.vector_load %arg8[%get3A_2117, %get3A_2118] {strides = array<i32>} : memref<160x128xf32, #tpu.memory_space<vmem>>, vector<16xf32>,
        %mul3A_2120 = arith.mulf %get3A_1779, %get3A_2119 : vector<16xf32>
        %get3A_2121 = arith.index_cast %add3A_2092 : i32 to index
        %get3A_2122 = arith.constant 112 : index
        %get3A_2123 = tpu.vector_load %arg8[%get3A_2121, %get3A_2122] {strides = array<i32>} : memref<160x128xf32, #tpu.memory_space<vmem>>, vector<16xf32>,
        %mul3A_2124 = arith.mulf %get3A_1782, %get3A_2123 : vector<16xf32>
        %add3A_2125 = arith.addf %mul3A_2096, %mul3A_2100 : vector<16xf32>
        %add3A_2126 = arith.addf %mul3A_2104, %mul3A_2108 : vector<16xf32>
        %add3A_2127 = arith.addf %mul3A_2112, %mul3A_2116 : vector<16xf32>
        %add3A_2128 = arith.addf %mul3A_2120, %mul3A_2124 : vector<16xf32>
        %add3A_2129 = arith.addf %add3A_2125, %add3A_2126 : vector<16xf32>
        %add3A_2130 = arith.addf %add3A_2127, %add3A_2128 : vector<16xf32>
        %add3A_2131 = arith.addf %add3A_2129, %add3A_2130 : vector<16xf32>
        %mul3A_2132 = arith.constant 9 : i32
        %mul3A_2133 = arith.muli %scan3A_1757, %mul3A_2132 : i32
        %add3A_2134 = arith.constant 6 : i32
        %add3A_2135 = arith.addi %mul3A_2133, %add3A_2134 : i32
        %mul3A_2136 = arith.constant 16 : i32
        %mul3A_2137 = arith.muli %add3A_2135, %mul3A_2136 : i32
        %swap3A_2138 = arith.index_cast %mul3A_2137 : i32 to index
        %swap3A_2139 = tpu.vector_load %arg9[%swap3A_2138] {strides = array<i32>} : memref<2304xf32, #tpu.memory_space<vmem>>, vector<16xf32>,
        tpu.vector_store %arg9[%swap3A_2138], %add3A_2131 {strides = array<i32>} : memref<2304xf32, #tpu.memory_space<vmem>>, vector<16xf32>,
        %add3A_2140 = arith.constant 1 : i32
        %add3A_2141 = arith.addi %mul3A_1759, %add3A_2140 : i32
        %add3A_2142 = arith.constant 7 : i32
        %add3A_2143 = arith.addi %add3A_2141, %add3A_2142 : i32
        %get3A_2144 = arith.index_cast %add3A_2143 : i32 to index
        %get3A_2145 = arith.constant 0 : index
        %get3A_2146 = tpu.vector_load %arg8[%get3A_2144, %get3A_2145] {strides = array<i32>} : memref<160x128xf32, #tpu.memory_space<vmem>>, vector<16xf32>,
        %mul3A_2147 = arith.mulf %get3A_1761, %get3A_2146 : vector<16xf32>
        %get3A_2148 = arith.index_cast %add3A_2143 : i32 to index
        %get3A_2149 = arith.constant 16 : index
        %get3A_2150 = tpu.vector_load %arg8[%get3A_2148, %get3A_2149] {strides = array<i32>} : memref<160x128xf32, #tpu.memory_space<vmem>>, vector<16xf32>,
        %mul3A_2151 = arith.mulf %get3A_1764, %get3A_2150 : vector<16xf32>
        %get3A_2152 = arith.index_cast %add3A_2143 : i32 to index
        %get3A_2153 = arith.constant 32 : index
        %get3A_2154 = tpu.vector_load %arg8[%get3A_2152, %get3A_2153] {strides = array<i32>} : memref<160x128xf32, #tpu.memory_space<vmem>>, vector<16xf32>,
        %mul3A_2155 = arith.mulf %get3A_1767, %get3A_2154 : vector<16xf32>
        %get3A_2156 = arith.index_cast %add3A_2143 : i32 to index
        %get3A_2157 = arith.constant 48 : index
        %get3A_2158 = tpu.vector_load %arg8[%get3A_2156, %get3A_2157] {strides = array<i32>} : memref<160x128xf32, #tpu.memory_space<vmem>>, vector<16xf32>,
        %mul3A_2159 = arith.mulf %get3A_1770, %get3A_2158 : vector<16xf32>
        %get3A_2160 = arith.index_cast %add3A_2143 : i32 to index
        %get3A_2161 = arith.constant 64 : index
        %get3A_2162 = tpu.vector_load %arg8[%get3A_2160, %get3A_2161] {strides = array<i32>} : memref<160x128xf32, #tpu.memory_space<vmem>>, vector<16xf32>,
        %mul3A_2163 = arith.mulf %get3A_1773, %get3A_2162 : vector<16xf32>
        %get3A_2164 = arith.index_cast %add3A_2143 : i32 to index
        %get3A_2165 = arith.constant 80 : index
        %get3A_2166 = tpu.vector_load %arg8[%get3A_2164, %get3A_2165] {strides = array<i32>} : memref<160x128xf32, #tpu.memory_space<vmem>>, vector<16xf32>,
        %mul3A_2167 = arith.mulf %get3A_1776, %get3A_2166 : vector<16xf32>
        %get3A_2168 = arith.index_cast %add3A_2143 : i32 to index
        %get3A_2169 = arith.constant 96 : index
        %get3A_2170 = tpu.vector_load %arg8[%get3A_2168, %get3A_2169] {strides = array<i32>} : memref<160x128xf32, #tpu.memory_space<vmem>>, vector<16xf32>,
        %mul3A_2171 = arith.mulf %get3A_1779, %get3A_2170 : vector<16xf32>
        %get3A_2172 = arith.index_cast %add3A_2143 : i32 to index
        %get3A_2173 = arith.constant 112 : index
        %get3A_2174 = tpu.vector_load %arg8[%get3A_2172, %get3A_2173] {strides = array<i32>} : memref<160x128xf32, #tpu.memory_space<vmem>>, vector<16xf32>,
        %mul3A_2175 = arith.mulf %get3A_1782, %get3A_2174 : vector<16xf32>
        %add3A_2176 = arith.addf %mul3A_2147, %mul3A_2151 : vector<16xf32>
        %add3A_2177 = arith.addf %mul3A_2155, %mul3A_2159 : vector<16xf32>
        %add3A_2178 = arith.addf %mul3A_2163, %mul3A_2167 : vector<16xf32>
        %add3A_2179 = arith.addf %mul3A_2171, %mul3A_2175 : vector<16xf32>
        %add3A_2180 = arith.addf %add3A_2176, %add3A_2177 : vector<16xf32>
        %add3A_2181 = arith.addf %add3A_2178, %add3A_2179 : vector<16xf32>
        %add3A_2182 = arith.addf %add3A_2180, %add3A_2181 : vector<16xf32>
        %mul3A_2183 = arith.constant 9 : i32
        %mul3A_2184 = arith.muli %scan3A_1757, %mul3A_2183 : i32
        %add3A_2185 = arith.constant 7 : i32
        %add3A_2186 = arith.addi %mul3A_2184, %add3A_2185 : i32
        %mul3A_2187 = arith.constant 16 : i32
        %mul3A_2188 = arith.muli %add3A_2186, %mul3A_2187 : i32
        %swap3A_2189 = arith.index_cast %mul3A_2188 : i32 to index
        %swap3A_2190 = tpu.vector_load %arg9[%swap3A_2189] {strides = array<i32>} : memref<2304xf32, #tpu.memory_space<vmem>>, vector<16xf32>,
        tpu.vector_store %arg9[%swap3A_2189], %add3A_2182 {strides = array<i32>} : memref<2304xf32, #tpu.memory_space<vmem>>, vector<16xf32>,
        %add3A_2191 = arith.constant 1 : i32
        %add3A_2192 = arith.addi %mul3A_1759, %add3A_2191 : i32
        %add3A_2193 = arith.constant 8 : i32
        %add3A_2194 = arith.addi %add3A_2192, %add3A_2193 : i32
        %get3A_2195 = arith.index_cast %add3A_2194 : i32 to index
        %get3A_2196 = arith.constant 0 : index
        %get3A_2197 = tpu.vector_load %arg8[%get3A_2195, %get3A_2196] {strides = array<i32>} : memref<160x128xf32, #tpu.memory_space<vmem>>, vector<16xf32>,
        %mul3A_2198 = arith.mulf %get3A_1761, %get3A_2197 : vector<16xf32>
        %get3A_2199 = arith.index_cast %add3A_2194 : i32 to index
        %get3A_2200 = arith.constant 16 : index
        %get3A_2201 = tpu.vector_load %arg8[%get3A_2199, %get3A_2200] {strides = array<i32>} : memref<160x128xf32, #tpu.memory_space<vmem>>, vector<16xf32>,
        %mul3A_2202 = arith.mulf %get3A_1764, %get3A_2201 : vector<16xf32>
        %get3A_2203 = arith.index_cast %add3A_2194 : i32 to index
        %get3A_2204 = arith.constant 32 : index
        %get3A_2205 = tpu.vector_load %arg8[%get3A_2203, %get3A_2204] {strides = array<i32>} : memref<160x128xf32, #tpu.memory_space<vmem>>, vector<16xf32>,
        %mul3A_2206 = arith.mulf %get3A_1767, %get3A_2205 : vector<16xf32>
        %get3A_2207 = arith.index_cast %add3A_2194 : i32 to index
        %get3A_2208 = arith.constant 48 : index
        %get3A_2209 = tpu.vector_load %arg8[%get3A_2207, %get3A_2208] {strides = array<i32>} : memref<160x128xf32, #tpu.memory_space<vmem>>, vector<16xf32>,
        %mul3A_2210 = arith.mulf %get3A_1770, %get3A_2209 : vector<16xf32>
        %get3A_2211 = arith.index_cast %add3A_2194 : i32 to index
        %get3A_2212 = arith.constant 64 : index
        %get3A_2213 = tpu.vector_load %arg8[%get3A_2211, %get3A_2212] {strides = array<i32>} : memref<160x128xf32, #tpu.memory_space<vmem>>, vector<16xf32>,
        %mul3A_2214 = arith.mulf %get3A_1773, %get3A_2213 : vector<16xf32>
        %get3A_2215 = arith.index_cast %add3A_2194 : i32 to index
        %get3A_2216 = arith.constant 80 : index
        %get3A_2217 = tpu.vector_load %arg8[%get3A_2215, %get3A_2216] {strides = array<i32>} : memref<160x128xf32, #tpu.memory_space<vmem>>, vector<16xf32>,
        %mul3A_2218 = arith.mulf %get3A_1776, %get3A_2217 : vector<16xf32>
        %get3A_2219 = arith.index_cast %add3A_2194 : i32 to index
        %get3A_2220 = arith.constant 96 : index
        %get3A_2221 = tpu.vector_load %arg8[%get3A_2219, %get3A_2220] {strides = array<i32>} : memref<160x128xf32, #tpu.memory_space<vmem>>, vector<16xf32>,
        %mul3A_2222 = arith.mulf %get3A_1779, %get3A_2221 : vector<16xf32>
        %get3A_2223 = arith.index_cast %add3A_2194 : i32 to index
        %get3A_2224 = arith.constant 112 : index
        %get3A_2225 = tpu.vector_load %arg8[%get3A_2223, %get3A_2224] {strides = array<i32>} : memref<160x128xf32, #tpu.memory_space<vmem>>, vector<16xf32>,
        %mul3A_2226 = arith.mulf %get3A_1782, %get3A_2225 : vector<16xf32>
        %add3A_2227 = arith.addf %mul3A_2198, %mul3A_2202 : vector<16xf32>
        %add3A_2228 = arith.addf %mul3A_2206, %mul3A_2210 : vector<16xf32>
        %add3A_2229 = arith.addf %mul3A_2214, %mul3A_2218 : vector<16xf32>
        %add3A_2230 = arith.addf %mul3A_2222, %mul3A_2226 : vector<16xf32>
        %add3A_2231 = arith.addf %add3A_2227, %add3A_2228 : vector<16xf32>
        %add3A_2232 = arith.addf %add3A_2229, %add3A_2230 : vector<16xf32>
        %add3A_2233 = arith.addf %add3A_2231, %add3A_2232 : vector<16xf32>
        %mul3A_2234 = arith.constant 9 : i32
        %mul3A_2235 = arith.muli %scan3A_1757, %mul3A_2234 : i32
        %add3A_2236 = arith.constant 8 : i32
        %add3A_2237 = arith.addi %mul3A_2235, %add3A_2236 : i32
        %mul3A_2238 = arith.constant 16 : i32
        %mul3A_2239 = arith.muli %add3A_2237, %mul3A_2238 : i32
        %swap3A_2240 = arith.index_cast %mul3A_2239 : i32 to index
        %swap3A_2241 = tpu.vector_load %arg9[%swap3A_2240] {strides = array<i32>} : memref<2304xf32, #tpu.memory_space<vmem>>, vector<16xf32>,
        tpu.vector_store %arg9[%swap3A_2240], %add3A_2233 {strides = array<i32>} : memref<2304xf32, #tpu.memory_space<vmem>>, vector<16xf32>,
      }
      %scan3A_937 = arith.constant 16 : i32
      %add3A_938 = arith.constant 0 : i32
      %add3A_939 = vector.broadcast %add3A_938 : i32 to vector<16xi32>
      %add3A_940 = arith.addi %iota3A, %add3A_939 : vector<16xi32>
      %mul3A_941 = arith.constant 16 : i32
      %mul3A_942 = vector.broadcast %mul3A_941 : i32 to vector<16xi32>
      %mul3A_943 = arith.muli %add3A_940, %mul3A_942 : vector<16xi32>
      %add3A_944 = arith.constant 0 : i32
      %add3A_945 = vector.broadcast %add3A_944 : i32 to vector<16xi32>
      %add3A_946 = arith.addi %mul3A_943, %add3A_945 : vector<16xi32>
      %gather3A_947 = tpu.vector_load_idx %arg9[%add3A_946] : memref<2304xf32, #tpu.memory_space<vmem>>[vector<16xi32>], vector<16xf32>,
      %add3A_948 = arith.constant 1 : i32
      %add3A_949 = vector.broadcast %add3A_948 : i32 to vector<16xi32>
      %add3A_950 = arith.addi %mul3A_943, %add3A_949 : vector<16xi32>
      %gather3A_951 = tpu.vector_load_idx %arg9[%add3A_950] : memref<2304xf32, #tpu.memory_space<vmem>>[vector<16xi32>], vector<16xf32>,
      %add3A_952 = arith.constant 2 : i32
      %add3A_953 = vector.broadcast %add3A_952 : i32 to vector<16xi32>
      %add3A_954 = arith.addi %mul3A_943, %add3A_953 : vector<16xi32>
      %gather3A_955 = tpu.vector_load_idx %arg9[%add3A_954] : memref<2304xf32, #tpu.memory_space<vmem>>[vector<16xi32>], vector<16xf32>,
      %add3A_956 = arith.constant 3 : i32
      %add3A_957 = vector.broadcast %add3A_956 : i32 to vector<16xi32>
      %add3A_958 = arith.addi %mul3A_943, %add3A_957 : vector<16xi32>
      %gather3A_959 = tpu.vector_load_idx %arg9[%add3A_958] : memref<2304xf32, #tpu.memory_space<vmem>>[vector<16xi32>], vector<16xf32>,
      %add3A_960 = arith.constant 4 : i32
      %add3A_961 = vector.broadcast %add3A_960 : i32 to vector<16xi32>
      %add3A_962 = arith.addi %mul3A_943, %add3A_961 : vector<16xi32>
      %gather3A_963 = tpu.vector_load_idx %arg9[%add3A_962] : memref<2304xf32, #tpu.memory_space<vmem>>[vector<16xi32>], vector<16xf32>,
      %add3A_964 = arith.constant 5 : i32
      %add3A_965 = vector.broadcast %add3A_964 : i32 to vector<16xi32>
      %add3A_966 = arith.addi %mul3A_943, %add3A_965 : vector<16xi32>
      %gather3A_967 = tpu.vector_load_idx %arg9[%add3A_966] : memref<2304xf32, #tpu.memory_space<vmem>>[vector<16xi32>], vector<16xf32>,
      %add3A_968 = arith.constant 6 : i32
      %add3A_969 = vector.broadcast %add3A_968 : i32 to vector<16xi32>
      %add3A_970 = arith.addi %mul3A_943, %add3A_969 : vector<16xi32>
      %gather3A_971 = tpu.vector_load_idx %arg9[%add3A_970] : memref<2304xf32, #tpu.memory_space<vmem>>[vector<16xi32>], vector<16xf32>,
      %add3A_972 = arith.constant 7 : i32
      %add3A_973 = vector.broadcast %add3A_972 : i32 to vector<16xi32>
      %add3A_974 = arith.addi %mul3A_943, %add3A_973 : vector<16xi32>
      %gather3A_975 = tpu.vector_load_idx %arg9[%add3A_974] : memref<2304xf32, #tpu.memory_space<vmem>>[vector<16xi32>], vector<16xf32>,
      %add3A_976 = arith.constant 8 : i32
      %add3A_977 = vector.broadcast %add3A_976 : i32 to vector<16xi32>
      %add3A_978 = arith.addi %mul3A_943, %add3A_977 : vector<16xi32>
      %gather3A_979 = tpu.vector_load_idx %arg9[%add3A_978] : memref<2304xf32, #tpu.memory_space<vmem>>[vector<16xi32>], vector<16xf32>,
      %add3A_980 = arith.constant 9 : i32
      %add3A_981 = vector.broadcast %add3A_980 : i32 to vector<16xi32>
      %add3A_982 = arith.addi %mul3A_943, %add3A_981 : vector<16xi32>
      %gather3A_983 = tpu.vector_load_idx %arg9[%add3A_982] : memref<2304xf32, #tpu.memory_space<vmem>>[vector<16xi32>], vector<16xf32>,
      %add3A_984 = arith.constant 10 : i32
      %add3A_985 = vector.broadcast %add3A_984 : i32 to vector<16xi32>
      %add3A_986 = arith.addi %mul3A_943, %add3A_985 : vector<16xi32>
      %gather3A_987 = tpu.vector_load_idx %arg9[%add3A_986] : memref<2304xf32, #tpu.memory_space<vmem>>[vector<16xi32>], vector<16xf32>,
      %add3A_988 = arith.constant 11 : i32
      %add3A_989 = vector.broadcast %add3A_988 : i32 to vector<16xi32>
      %add3A_990 = arith.addi %mul3A_943, %add3A_989 : vector<16xi32>
      %gather3A_991 = tpu.vector_load_idx %arg9[%add3A_990] : memref<2304xf32, #tpu.memory_space<vmem>>[vector<16xi32>], vector<16xf32>,
      %add3A_992 = arith.constant 12 : i32
      %add3A_993 = vector.broadcast %add3A_992 : i32 to vector<16xi32>
      %add3A_994 = arith.addi %mul3A_943, %add3A_993 : vector<16xi32>
      %gather3A_995 = tpu.vector_load_idx %arg9[%add3A_994] : memref<2304xf32, #tpu.memory_space<vmem>>[vector<16xi32>], vector<16xf32>,
      %add3A_996 = arith.constant 13 : i32
      %add3A_997 = vector.broadcast %add3A_996 : i32 to vector<16xi32>
      %add3A_998 = arith.addi %mul3A_943, %add3A_997 : vector<16xi32>
      %gather3A_999 = tpu.vector_load_idx %arg9[%add3A_998] : memref<2304xf32, #tpu.memory_space<vmem>>[vector<16xi32>], vector<16xf32>,
      %add3A_1000 = arith.constant 14 : i32
      %add3A_1001 = vector.broadcast %add3A_1000 : i32 to vector<16xi32>
      %add3A_1002 = arith.addi %mul3A_943, %add3A_1001 : vector<16xi32>
      %gather3A_1003 = tpu.vector_load_idx %arg9[%add3A_1002] : memref<2304xf32, #tpu.memory_space<vmem>>[vector<16xi32>], vector<16xf32>,
      %add3A_1004 = arith.constant 15 : i32
      %add3A_1005 = vector.broadcast %add3A_1004 : i32 to vector<16xi32>
      %add3A_1006 = arith.addi %mul3A_943, %add3A_1005 : vector<16xi32>
      %gather3A_1007 = tpu.vector_load_idx %arg9[%add3A_1006] : memref<2304xf32, #tpu.memory_space<vmem>>[vector<16xi32>], vector<16xf32>,
      %add3A_1008 = arith.addf %gather3A_947, %gather3A_951 : vector<16xf32>
      %add3A_1009 = arith.addf %gather3A_955, %gather3A_959 : vector<16xf32>
      %add3A_1010 = arith.addf %gather3A_963, %gather3A_967 : vector<16xf32>
      %add3A_1011 = arith.addf %gather3A_971, %gather3A_975 : vector<16xf32>
      %add3A_1012 = arith.addf %gather3A_979, %gather3A_983 : vector<16xf32>
      %add3A_1013 = arith.addf %gather3A_987, %gather3A_991 : vector<16xf32>
      %add3A_1014 = arith.addf %gather3A_995, %gather3A_999 : vector<16xf32>
      %add3A_1015 = arith.addf %gather3A_1003, %gather3A_1007 : vector<16xf32>
      %add3A_1016 = arith.addf %add3A_1008, %add3A_1009 : vector<16xf32>
      %add3A_1017 = arith.addf %add3A_1010, %add3A_1011 : vector<16xf32>
      %add3A_1018 = arith.addf %add3A_1012, %add3A_1013 : vector<16xf32>
      %add3A_1019 = arith.addf %add3A_1014, %add3A_1015 : vector<16xf32>
      %add3A_1020 = arith.addf %add3A_1016, %add3A_1017 : vector<16xf32>
      %add3A_1021 = arith.addf %add3A_1018, %add3A_1019 : vector<16xf32>
      %add3A_1022 = arith.addf %add3A_1020, %add3A_1021 : vector<16xf32>
      %mul3A_1023 = arith.constant 144 : i32
      %mul3A_1024 = arith.muli %add3A_931, %mul3A_1023 : i32
      %add3A_1025 = arith.constant 0 : i32
      %add3A_1026 = arith.addi %mul3A_1024, %add3A_1025 : i32
      %swap3A_1027 = arith.index_cast %add3A_1026 : i32 to index
      %swap3A_1028 = tpu.vector_load %arg10[%swap3A_1027] {strides = array<i32>} : memref<9216xf32, #tpu.memory_space<vmem>>, vector<16xf32>,
      tpu.vector_store %arg10[%swap3A_1027], %add3A_1022 {strides = array<i32>} : memref<9216xf32, #tpu.memory_space<vmem>>, vector<16xf32>,
      %add3A_1029 = arith.constant 16 : i32
      %add3A_1030 = vector.broadcast %add3A_1029 : i32 to vector<16xi32>
      %add3A_1031 = arith.addi %iota3A, %add3A_1030 : vector<16xi32>
      %mul3A_1032 = arith.constant 16 : i32
      %mul3A_1033 = vector.broadcast %mul3A_1032 : i32 to vector<16xi32>
      %mul3A_1034 = arith.muli %add3A_1031, %mul3A_1033 : vector<16xi32>
      %add3A_1035 = arith.constant 0 : i32
      %add3A_1036 = vector.broadcast %add3A_1035 : i32 to vector<16xi32>
      %add3A_1037 = arith.addi %mul3A_1034, %add3A_1036 : vector<16xi32>
      %gather3A_1038 = tpu.vector_load_idx %arg9[%add3A_1037] : memref<2304xf32, #tpu.memory_space<vmem>>[vector<16xi32>], vector<16xf32>,
      %add3A_1039 = arith.constant 1 : i32
      %add3A_1040 = vector.broadcast %add3A_1039 : i32 to vector<16xi32>
      %add3A_1041 = arith.addi %mul3A_1034, %add3A_1040 : vector<16xi32>
      %gather3A_1042 = tpu.vector_load_idx %arg9[%add3A_1041] : memref<2304xf32, #tpu.memory_space<vmem>>[vector<16xi32>], vector<16xf32>,
      %add3A_1043 = arith.constant 2 : i32
      %add3A_1044 = vector.broadcast %add3A_1043 : i32 to vector<16xi32>
      %add3A_1045 = arith.addi %mul3A_1034, %add3A_1044 : vector<16xi32>
      %gather3A_1046 = tpu.vector_load_idx %arg9[%add3A_1045] : memref<2304xf32, #tpu.memory_space<vmem>>[vector<16xi32>], vector<16xf32>,
      %add3A_1047 = arith.constant 3 : i32
      %add3A_1048 = vector.broadcast %add3A_1047 : i32 to vector<16xi32>
      %add3A_1049 = arith.addi %mul3A_1034, %add3A_1048 : vector<16xi32>
      %gather3A_1050 = tpu.vector_load_idx %arg9[%add3A_1049] : memref<2304xf32, #tpu.memory_space<vmem>>[vector<16xi32>], vector<16xf32>,
      %add3A_1051 = arith.constant 4 : i32
      %add3A_1052 = vector.broadcast %add3A_1051 : i32 to vector<16xi32>
      %add3A_1053 = arith.addi %mul3A_1034, %add3A_1052 : vector<16xi32>
      %gather3A_1054 = tpu.vector_load_idx %arg9[%add3A_1053] : memref<2304xf32, #tpu.memory_space<vmem>>[vector<16xi32>], vector<16xf32>,
      %add3A_1055 = arith.constant 5 : i32
      %add3A_1056 = vector.broadcast %add3A_1055 : i32 to vector<16xi32>
      %add3A_1057 = arith.addi %mul3A_1034, %add3A_1056 : vector<16xi32>
      %gather3A_1058 = tpu.vector_load_idx %arg9[%add3A_1057] : memref<2304xf32, #tpu.memory_space<vmem>>[vector<16xi32>], vector<16xf32>,
      %add3A_1059 = arith.constant 6 : i32
      %add3A_1060 = vector.broadcast %add3A_1059 : i32 to vector<16xi32>
      %add3A_1061 = arith.addi %mul3A_1034, %add3A_1060 : vector<16xi32>
      %gather3A_1062 = tpu.vector_load_idx %arg9[%add3A_1061] : memref<2304xf32, #tpu.memory_space<vmem>>[vector<16xi32>], vector<16xf32>,
      %add3A_1063 = arith.constant 7 : i32
      %add3A_1064 = vector.broadcast %add3A_1063 : i32 to vector<16xi32>
      %add3A_1065 = arith.addi %mul3A_1034, %add3A_1064 : vector<16xi32>
      %gather3A_1066 = tpu.vector_load_idx %arg9[%add3A_1065] : memref<2304xf32, #tpu.memory_space<vmem>>[vector<16xi32>], vector<16xf32>,
      %add3A_1067 = arith.constant 8 : i32
      %add3A_1068 = vector.broadcast %add3A_1067 : i32 to vector<16xi32>
      %add3A_1069 = arith.addi %mul3A_1034, %add3A_1068 : vector<16xi32>
      %gather3A_1070 = tpu.vector_load_idx %arg9[%add3A_1069] : memref<2304xf32, #tpu.memory_space<vmem>>[vector<16xi32>], vector<16xf32>,
      %add3A_1071 = arith.constant 9 : i32
      %add3A_1072 = vector.broadcast %add3A_1071 : i32 to vector<16xi32>
      %add3A_1073 = arith.addi %mul3A_1034, %add3A_1072 : vector<16xi32>
      %gather3A_1074 = tpu.vector_load_idx %arg9[%add3A_1073] : memref<2304xf32, #tpu.memory_space<vmem>>[vector<16xi32>], vector<16xf32>,
      %add3A_1075 = arith.constant 10 : i32
      %add3A_1076 = vector.broadcast %add3A_1075 : i32 to vector<16xi32>
      %add3A_1077 = arith.addi %mul3A_1034, %add3A_1076 : vector<16xi32>
      %gather3A_1078 = tpu.vector_load_idx %arg9[%add3A_1077] : memref<2304xf32, #tpu.memory_space<vmem>>[vector<16xi32>], vector<16xf32>,
      %add3A_1079 = arith.constant 11 : i32
      %add3A_1080 = vector.broadcast %add3A_1079 : i32 to vector<16xi32>
      %add3A_1081 = arith.addi %mul3A_1034, %add3A_1080 : vector<16xi32>
      %gather3A_1082 = tpu.vector_load_idx %arg9[%add3A_1081] : memref<2304xf32, #tpu.memory_space<vmem>>[vector<16xi32>], vector<16xf32>,
      %add3A_1083 = arith.constant 12 : i32
      %add3A_1084 = vector.broadcast %add3A_1083 : i32 to vector<16xi32>
      %add3A_1085 = arith.addi %mul3A_1034, %add3A_1084 : vector<16xi32>
      %gather3A_1086 = tpu.vector_load_idx %arg9[%add3A_1085] : memref<2304xf32, #tpu.memory_space<vmem>>[vector<16xi32>], vector<16xf32>,
      %add3A_1087 = arith.constant 13 : i32
      %add3A_1088 = vector.broadcast %add3A_1087 : i32 to vector<16xi32>
      %add3A_1089 = arith.addi %mul3A_1034, %add3A_1088 : vector<16xi32>
      %gather3A_1090 = tpu.vector_load_idx %arg9[%add3A_1089] : memref<2304xf32, #tpu.memory_space<vmem>>[vector<16xi32>], vector<16xf32>,
      %add3A_1091 = arith.constant 14 : i32
      %add3A_1092 = vector.broadcast %add3A_1091 : i32 to vector<16xi32>
      %add3A_1093 = arith.addi %mul3A_1034, %add3A_1092 : vector<16xi32>
      %gather3A_1094 = tpu.vector_load_idx %arg9[%add3A_1093] : memref<2304xf32, #tpu.memory_space<vmem>>[vector<16xi32>], vector<16xf32>,
      %add3A_1095 = arith.constant 15 : i32
      %add3A_1096 = vector.broadcast %add3A_1095 : i32 to vector<16xi32>
      %add3A_1097 = arith.addi %mul3A_1034, %add3A_1096 : vector<16xi32>
      %gather3A_1098 = tpu.vector_load_idx %arg9[%add3A_1097] : memref<2304xf32, #tpu.memory_space<vmem>>[vector<16xi32>], vector<16xf32>,
      %add3A_1099 = arith.addf %gather3A_1038, %gather3A_1042 : vector<16xf32>
      %add3A_1100 = arith.addf %gather3A_1046, %gather3A_1050 : vector<16xf32>
      %add3A_1101 = arith.addf %gather3A_1054, %gather3A_1058 : vector<16xf32>
      %add3A_1102 = arith.addf %gather3A_1062, %gather3A_1066 : vector<16xf32>
      %add3A_1103 = arith.addf %gather3A_1070, %gather3A_1074 : vector<16xf32>
      %add3A_1104 = arith.addf %gather3A_1078, %gather3A_1082 : vector<16xf32>
      %add3A_1105 = arith.addf %gather3A_1086, %gather3A_1090 : vector<16xf32>
      %add3A_1106 = arith.addf %gather3A_1094, %gather3A_1098 : vector<16xf32>
      %add3A_1107 = arith.addf %add3A_1099, %add3A_1100 : vector<16xf32>
      %add3A_1108 = arith.addf %add3A_1101, %add3A_1102 : vector<16xf32>
      %add3A_1109 = arith.addf %add3A_1103, %add3A_1104 : vector<16xf32>
      %add3A_1110 = arith.addf %add3A_1105, %add3A_1106 : vector<16xf32>
      %add3A_1111 = arith.addf %add3A_1107, %add3A_1108 : vector<16xf32>
      %add3A_1112 = arith.addf %add3A_1109, %add3A_1110 : vector<16xf32>
      %add3A_1113 = arith.addf %add3A_1111, %add3A_1112 : vector<16xf32>
      %mul3A_1114 = arith.constant 144 : i32
      %mul3A_1115 = arith.muli %add3A_931, %mul3A_1114 : i32
      %add3A_1116 = arith.constant 16 : i32
      %add3A_1117 = arith.addi %mul3A_1115, %add3A_1116 : i32
      %swap3A_1118 = arith.index_cast %add3A_1117 : i32 to index
      %swap3A_1119 = tpu.vector_load %arg10[%swap3A_1118] {strides = array<i32>} : memref<9216xf32, #tpu.memory_space<vmem>>, vector<16xf32>,
      tpu.vector_store %arg10[%swap3A_1118], %add3A_1113 {strides = array<i32>} : memref<9216xf32, #tpu.memory_space<vmem>>, vector<16xf32>,
      %add3A_1120 = arith.constant 32 : i32
      %add3A_1121 = vector.broadcast %add3A_1120 : i32 to vector<16xi32>
      %add3A_1122 = arith.addi %iota3A, %add3A_1121 : vector<16xi32>
      %mul3A_1123 = arith.constant 16 : i32
      %mul3A_1124 = vector.broadcast %mul3A_1123 : i32 to vector<16xi32>
      %mul3A_1125 = arith.muli %add3A_1122, %mul3A_1124 : vector<16xi32>
      %add3A_1126 = arith.constant 0 : i32
      %add3A_1127 = vector.broadcast %add3A_1126 : i32 to vector<16xi32>
      %add3A_1128 = arith.addi %mul3A_1125, %add3A_1127 : vector<16xi32>
      %gather3A_1129 = tpu.vector_load_idx %arg9[%add3A_1128] : memref<2304xf32, #tpu.memory_space<vmem>>[vector<16xi32>], vector<16xf32>,
      %add3A_1130 = arith.constant 1 : i32
      %add3A_1131 = vector.broadcast %add3A_1130 : i32 to vector<16xi32>
      %add3A_1132 = arith.addi %mul3A_1125, %add3A_1131 : vector<16xi32>
      %gather3A_1133 = tpu.vector_load_idx %arg9[%add3A_1132] : memref<2304xf32, #tpu.memory_space<vmem>>[vector<16xi32>], vector<16xf32>,
      %add3A_1134 = arith.constant 2 : i32
      %add3A_1135 = vector.broadcast %add3A_1134 : i32 to vector<16xi32>
      %add3A_1136 = arith.addi %mul3A_1125, %add3A_1135 : vector<16xi32>
      %gather3A_1137 = tpu.vector_load_idx %arg9[%add3A_1136] : memref<2304xf32, #tpu.memory_space<vmem>>[vector<16xi32>], vector<16xf32>,
      %add3A_1138 = arith.constant 3 : i32
      %add3A_1139 = vector.broadcast %add3A_1138 : i32 to vector<16xi32>
      %add3A_1140 = arith.addi %mul3A_1125, %add3A_1139 : vector<16xi32>
      %gather3A_1141 = tpu.vector_load_idx %arg9[%add3A_1140] : memref<2304xf32, #tpu.memory_space<vmem>>[vector<16xi32>], vector<16xf32>,
      %add3A_1142 = arith.constant 4 : i32
      %add3A_1143 = vector.broadcast %add3A_1142 : i32 to vector<16xi32>
      %add3A_1144 = arith.addi %mul3A_1125, %add3A_1143 : vector<16xi32>
      %gather3A_1145 = tpu.vector_load_idx %arg9[%add3A_1144] : memref<2304xf32, #tpu.memory_space<vmem>>[vector<16xi32>], vector<16xf32>,
      %add3A_1146 = arith.constant 5 : i32
      %add3A_1147 = vector.broadcast %add3A_1146 : i32 to vector<16xi32>
      %add3A_1148 = arith.addi %mul3A_1125, %add3A_1147 : vector<16xi32>
      %gather3A_1149 = tpu.vector_load_idx %arg9[%add3A_1148] : memref<2304xf32, #tpu.memory_space<vmem>>[vector<16xi32>], vector<16xf32>,
      %add3A_1150 = arith.constant 6 : i32
      %add3A_1151 = vector.broadcast %add3A_1150 : i32 to vector<16xi32>
      %add3A_1152 = arith.addi %mul3A_1125, %add3A_1151 : vector<16xi32>
      %gather3A_1153 = tpu.vector_load_idx %arg9[%add3A_1152] : memref<2304xf32, #tpu.memory_space<vmem>>[vector<16xi32>], vector<16xf32>,
      %add3A_1154 = arith.constant 7 : i32
      %add3A_1155 = vector.broadcast %add3A_1154 : i32 to vector<16xi32>
      %add3A_1156 = arith.addi %mul3A_1125, %add3A_1155 : vector<16xi32>
      %gather3A_1157 = tpu.vector_load_idx %arg9[%add3A_1156] : memref<2304xf32, #tpu.memory_space<vmem>>[vector<16xi32>], vector<16xf32>,
      %add3A_1158 = arith.constant 8 : i32
      %add3A_1159 = vector.broadcast %add3A_1158 : i32 to vector<16xi32>
      %add3A_1160 = arith.addi %mul3A_1125, %add3A_1159 : vector<16xi32>
      %gather3A_1161 = tpu.vector_load_idx %arg9[%add3A_1160] : memref<2304xf32, #tpu.memory_space<vmem>>[vector<16xi32>], vector<16xf32>,
      %add3A_1162 = arith.constant 9 : i32
      %add3A_1163 = vector.broadcast %add3A_1162 : i32 to vector<16xi32>
      %add3A_1164 = arith.addi %mul3A_1125, %add3A_1163 : vector<16xi32>
      %gather3A_1165 = tpu.vector_load_idx %arg9[%add3A_1164] : memref<2304xf32, #tpu.memory_space<vmem>>[vector<16xi32>], vector<16xf32>,
      %add3A_1166 = arith.constant 10 : i32
      %add3A_1167 = vector.broadcast %add3A_1166 : i32 to vector<16xi32>
      %add3A_1168 = arith.addi %mul3A_1125, %add3A_1167 : vector<16xi32>
      %gather3A_1169 = tpu.vector_load_idx %arg9[%add3A_1168] : memref<2304xf32, #tpu.memory_space<vmem>>[vector<16xi32>], vector<16xf32>,
      %add3A_1170 = arith.constant 11 : i32
      %add3A_1171 = vector.broadcast %add3A_1170 : i32 to vector<16xi32>
      %add3A_1172 = arith.addi %mul3A_1125, %add3A_1171 : vector<16xi32>
      %gather3A_1173 = tpu.vector_load_idx %arg9[%add3A_1172] : memref<2304xf32, #tpu.memory_space<vmem>>[vector<16xi32>], vector<16xf32>,
      %add3A_1174 = arith.constant 12 : i32
      %add3A_1175 = vector.broadcast %add3A_1174 : i32 to vector<16xi32>
      %add3A_1176 = arith.addi %mul3A_1125, %add3A_1175 : vector<16xi32>
      %gather3A_1177 = tpu.vector_load_idx %arg9[%add3A_1176] : memref<2304xf32, #tpu.memory_space<vmem>>[vector<16xi32>], vector<16xf32>,
      %add3A_1178 = arith.constant 13 : i32
      %add3A_1179 = vector.broadcast %add3A_1178 : i32 to vector<16xi32>
      %add3A_1180 = arith.addi %mul3A_1125, %add3A_1179 : vector<16xi32>
      %gather3A_1181 = tpu.vector_load_idx %arg9[%add3A_1180] : memref<2304xf32, #tpu.memory_space<vmem>>[vector<16xi32>], vector<16xf32>,
      %add3A_1182 = arith.constant 14 : i32
      %add3A_1183 = vector.broadcast %add3A_1182 : i32 to vector<16xi32>
      %add3A_1184 = arith.addi %mul3A_1125, %add3A_1183 : vector<16xi32>
      %gather3A_1185 = tpu.vector_load_idx %arg9[%add3A_1184] : memref<2304xf32, #tpu.memory_space<vmem>>[vector<16xi32>], vector<16xf32>,
      %add3A_1186 = arith.constant 15 : i32
      %add3A_1187 = vector.broadcast %add3A_1186 : i32 to vector<16xi32>
      %add3A_1188 = arith.addi %mul3A_1125, %add3A_1187 : vector<16xi32>
      %gather3A_1189 = tpu.vector_load_idx %arg9[%add3A_1188] : memref<2304xf32, #tpu.memory_space<vmem>>[vector<16xi32>], vector<16xf32>,
      %add3A_1190 = arith.addf %gather3A_1129, %gather3A_1133 : vector<16xf32>
      %add3A_1191 = arith.addf %gather3A_1137, %gather3A_1141 : vector<16xf32>
      %add3A_1192 = arith.addf %gather3A_1145, %gather3A_1149 : vector<16xf32>
      %add3A_1193 = arith.addf %gather3A_1153, %gather3A_1157 : vector<16xf32>
      %add3A_1194 = arith.addf %gather3A_1161, %gather3A_1165 : vector<16xf32>
      %add3A_1195 = arith.addf %gather3A_1169, %gather3A_1173 : vector<16xf32>
      %add3A_1196 = arith.addf %gather3A_1177, %gather3A_1181 : vector<16xf32>
      %add3A_1197 = arith.addf %gather3A_1185, %gather3A_1189 : vector<16xf32>
      %add3A_1198 = arith.addf %add3A_1190, %add3A_1191 : vector<16xf32>
      %add3A_1199 = arith.addf %add3A_1192, %add3A_1193 : vector<16xf32>
      %add3A_1200 = arith.addf %add3A_1194, %add3A_1195 : vector<16xf32>
      %add3A_1201 = arith.addf %add3A_1196, %add3A_1197 : vector<16xf32>
      %add3A_1202 = arith.addf %add3A_1198, %add3A_1199 : vector<16xf32>
      %add3A_1203 = arith.addf %add3A_1200, %add3A_1201 : vector<16xf32>
      %add3A_1204 = arith.addf %add3A_1202, %add3A_1203 : vector<16xf32>
      %mul3A_1205 = arith.constant 144 : i32
      %mul3A_1206 = arith.muli %add3A_931, %mul3A_1205 : i32
      %add3A_1207 = arith.constant 32 : i32
      %add3A_1208 = arith.addi %mul3A_1206, %add3A_1207 : i32
      %swap3A_1209 = arith.index_cast %add3A_1208 : i32 to index
      %swap3A_1210 = tpu.vector_load %arg10[%swap3A_1209] {strides = array<i32>} : memref<9216xf32, #tpu.memory_space<vmem>>, vector<16xf32>,
      tpu.vector_store %arg10[%swap3A_1209], %add3A_1204 {strides = array<i32>} : memref<9216xf32, #tpu.memory_space<vmem>>, vector<16xf32>,
      %add3A_1211 = arith.constant 48 : i32
      %add3A_1212 = vector.broadcast %add3A_1211 : i32 to vector<16xi32>
      %add3A_1213 = arith.addi %iota3A, %add3A_1212 : vector<16xi32>
      %mul3A_1214 = arith.constant 16 : i32
      %mul3A_1215 = vector.broadcast %mul3A_1214 : i32 to vector<16xi32>
      %mul3A_1216 = arith.muli %add3A_1213, %mul3A_1215 : vector<16xi32>
      %add3A_1217 = arith.constant 0 : i32
      %add3A_1218 = vector.broadcast %add3A_1217 : i32 to vector<16xi32>
      %add3A_1219 = arith.addi %mul3A_1216, %add3A_1218 : vector<16xi32>
      %gather3A_1220 = tpu.vector_load_idx %arg9[%add3A_1219] : memref<2304xf32, #tpu.memory_space<vmem>>[vector<16xi32>], vector<16xf32>,
      %add3A_1221 = arith.constant 1 : i32
      %add3A_1222 = vector.broadcast %add3A_1221 : i32 to vector<16xi32>
      %add3A_1223 = arith.addi %mul3A_1216, %add3A_1222 : vector<16xi32>
      %gather3A_1224 = tpu.vector_load_idx %arg9[%add3A_1223] : memref<2304xf32, #tpu.memory_space<vmem>>[vector<16xi32>], vector<16xf32>,
      %add3A_1225 = arith.constant 2 : i32
      %add3A_1226 = vector.broadcast %add3A_1225 : i32 to vector<16xi32>
      %add3A_1227 = arith.addi %mul3A_1216, %add3A_1226 : vector<16xi32>
      %gather3A_1228 = tpu.vector_load_idx %arg9[%add3A_1227] : memref<2304xf32, #tpu.memory_space<vmem>>[vector<16xi32>], vector<16xf32>,
      %add3A_1229 = arith.constant 3 : i32
      %add3A_1230 = vector.broadcast %add3A_1229 : i32 to vector<16xi32>
      %add3A_1231 = arith.addi %mul3A_1216, %add3A_1230 : vector<16xi32>
      %gather3A_1232 = tpu.vector_load_idx %arg9[%add3A_1231] : memref<2304xf32, #tpu.memory_space<vmem>>[vector<16xi32>], vector<16xf32>,
      %add3A_1233 = arith.constant 4 : i32
      %add3A_1234 = vector.broadcast %add3A_1233 : i32 to vector<16xi32>
      %add3A_1235 = arith.addi %mul3A_1216, %add3A_1234 : vector<16xi32>
      %gather3A_1236 = tpu.vector_load_idx %arg9[%add3A_1235] : memref<2304xf32, #tpu.memory_space<vmem>>[vector<16xi32>], vector<16xf32>,
      %add3A_1237 = arith.constant 5 : i32
      %add3A_1238 = vector.broadcast %add3A_1237 : i32 to vector<16xi32>
      %add3A_1239 = arith.addi %mul3A_1216, %add3A_1238 : vector<16xi32>
      %gather3A_1240 = tpu.vector_load_idx %arg9[%add3A_1239] : memref<2304xf32, #tpu.memory_space<vmem>>[vector<16xi32>], vector<16xf32>,
      %add3A_1241 = arith.constant 6 : i32
      %add3A_1242 = vector.broadcast %add3A_1241 : i32 to vector<16xi32>
      %add3A_1243 = arith.addi %mul3A_1216, %add3A_1242 : vector<16xi32>
      %gather3A_1244 = tpu.vector_load_idx %arg9[%add3A_1243] : memref<2304xf32, #tpu.memory_space<vmem>>[vector<16xi32>], vector<16xf32>,
      %add3A_1245 = arith.constant 7 : i32
      %add3A_1246 = vector.broadcast %add3A_1245 : i32 to vector<16xi32>
      %add3A_1247 = arith.addi %mul3A_1216, %add3A_1246 : vector<16xi32>
      %gather3A_1248 = tpu.vector_load_idx %arg9[%add3A_1247] : memref<2304xf32, #tpu.memory_space<vmem>>[vector<16xi32>], vector<16xf32>,
      %add3A_1249 = arith.constant 8 : i32
      %add3A_1250 = vector.broadcast %add3A_1249 : i32 to vector<16xi32>
      %add3A_1251 = arith.addi %mul3A_1216, %add3A_1250 : vector<16xi32>
      %gather3A_1252 = tpu.vector_load_idx %arg9[%add3A_1251] : memref<2304xf32, #tpu.memory_space<vmem>>[vector<16xi32>], vector<16xf32>,
      %add3A_1253 = arith.constant 9 : i32
      %add3A_1254 = vector.broadcast %add3A_1253 : i32 to vector<16xi32>
      %add3A_1255 = arith.addi %mul3A_1216, %add3A_1254 : vector<16xi32>
      %gather3A_1256 = tpu.vector_load_idx %arg9[%add3A_1255] : memref<2304xf32, #tpu.memory_space<vmem>>[vector<16xi32>], vector<16xf32>,
      %add3A_1257 = arith.constant 10 : i32
      %add3A_1258 = vector.broadcast %add3A_1257 : i32 to vector<16xi32>
      %add3A_1259 = arith.addi %mul3A_1216, %add3A_1258 : vector<16xi32>
      %gather3A_1260 = tpu.vector_load_idx %arg9[%add3A_1259] : memref<2304xf32, #tpu.memory_space<vmem>>[vector<16xi32>], vector<16xf32>,
      %add3A_1261 = arith.constant 11 : i32
      %add3A_1262 = vector.broadcast %add3A_1261 : i32 to vector<16xi32>
      %add3A_1263 = arith.addi %mul3A_1216, %add3A_1262 : vector<16xi32>
      %gather3A_1264 = tpu.vector_load_idx %arg9[%add3A_1263] : memref<2304xf32, #tpu.memory_space<vmem>>[vector<16xi32>], vector<16xf32>,
      %add3A_1265 = arith.constant 12 : i32
      %add3A_1266 = vector.broadcast %add3A_1265 : i32 to vector<16xi32>
      %add3A_1267 = arith.addi %mul3A_1216, %add3A_1266 : vector<16xi32>
      %gather3A_1268 = tpu.vector_load_idx %arg9[%add3A_1267] : memref<2304xf32, #tpu.memory_space<vmem>>[vector<16xi32>], vector<16xf32>,
      %add3A_1269 = arith.constant 13 : i32
      %add3A_1270 = vector.broadcast %add3A_1269 : i32 to vector<16xi32>
      %add3A_1271 = arith.addi %mul3A_1216, %add3A_1270 : vector<16xi32>
      %gather3A_1272 = tpu.vector_load_idx %arg9[%add3A_1271] : memref<2304xf32, #tpu.memory_space<vmem>>[vector<16xi32>], vector<16xf32>,
      %add3A_1273 = arith.constant 14 : i32
      %add3A_1274 = vector.broadcast %add3A_1273 : i32 to vector<16xi32>
      %add3A_1275 = arith.addi %mul3A_1216, %add3A_1274 : vector<16xi32>
      %gather3A_1276 = tpu.vector_load_idx %arg9[%add3A_1275] : memref<2304xf32, #tpu.memory_space<vmem>>[vector<16xi32>], vector<16xf32>,
      %add3A_1277 = arith.constant 15 : i32
      %add3A_1278 = vector.broadcast %add3A_1277 : i32 to vector<16xi32>
      %add3A_1279 = arith.addi %mul3A_1216, %add3A_1278 : vector<16xi32>
      %gather3A_1280 = tpu.vector_load_idx %arg9[%add3A_1279] : memref<2304xf32, #tpu.memory_space<vmem>>[vector<16xi32>], vector<16xf32>,
      %add3A_1281 = arith.addf %gather3A_1220, %gather3A_1224 : vector<16xf32>
      %add3A_1282 = arith.addf %gather3A_1228, %gather3A_1232 : vector<16xf32>
      %add3A_1283 = arith.addf %gather3A_1236, %gather3A_1240 : vector<16xf32>
      %add3A_1284 = arith.addf %gather3A_1244, %gather3A_1248 : vector<16xf32>
      %add3A_1285 = arith.addf %gather3A_1252, %gather3A_1256 : vector<16xf32>
      %add3A_1286 = arith.addf %gather3A_1260, %gather3A_1264 : vector<16xf32>
      %add3A_1287 = arith.addf %gather3A_1268, %gather3A_1272 : vector<16xf32>
      %add3A_1288 = arith.addf %gather3A_1276, %gather3A_1280 : vector<16xf32>
      %add3A_1289 = arith.addf %add3A_1281, %add3A_1282 : vector<16xf32>
      %add3A_1290 = arith.addf %add3A_1283, %add3A_1284 : vector<16xf32>
      %add3A_1291 = arith.addf %add3A_1285, %add3A_1286 : vector<16xf32>
      %add3A_1292 = arith.addf %add3A_1287, %add3A_1288 : vector<16xf32>
      %add3A_1293 = arith.addf %add3A_1289, %add3A_1290 : vector<16xf32>
      %add3A_1294 = arith.addf %add3A_1291, %add3A_1292 : vector<16xf32>
      %add3A_1295 = arith.addf %add3A_1293, %add3A_1294 : vector<16xf32>
      %mul3A_1296 = arith.constant 144 : i32
      %mul3A_1297 = arith.muli %add3A_931, %mul3A_1296 : i32
      %add3A_1298 = arith.constant 48 : i32
      %add3A_1299 = arith.addi %mul3A_1297, %add3A_1298 : i32
      %swap3A_1300 = arith.index_cast %add3A_1299 : i32 to index
      %swap3A_1301 = tpu.vector_load %arg10[%swap3A_1300] {strides = array<i32>} : memref<9216xf32, #tpu.memory_space<vmem>>, vector<16xf32>,
      tpu.vector_store %arg10[%swap3A_1300], %add3A_1295 {strides = array<i32>} : memref<9216xf32, #tpu.memory_space<vmem>>, vector<16xf32>,
      %add3A_1302 = arith.constant 64 : i32
      %add3A_1303 = vector.broadcast %add3A_1302 : i32 to vector<16xi32>
      %add3A_1304 = arith.addi %iota3A, %add3A_1303 : vector<16xi32>
      %mul3A_1305 = arith.constant 16 : i32
      %mul3A_1306 = vector.broadcast %mul3A_1305 : i32 to vector<16xi32>
      %mul3A_1307 = arith.muli %add3A_1304, %mul3A_1306 : vector<16xi32>
      %add3A_1308 = arith.constant 0 : i32
      %add3A_1309 = vector.broadcast %add3A_1308 : i32 to vector<16xi32>
      %add3A_1310 = arith.addi %mul3A_1307, %add3A_1309 : vector<16xi32>
      %gather3A_1311 = tpu.vector_load_idx %arg9[%add3A_1310] : memref<2304xf32, #tpu.memory_space<vmem>>[vector<16xi32>], vector<16xf32>,
      %add3A_1312 = arith.constant 1 : i32
      %add3A_1313 = vector.broadcast %add3A_1312 : i32 to vector<16xi32>
      %add3A_1314 = arith.addi %mul3A_1307, %add3A_1313 : vector<16xi32>
      %gather3A_1315 = tpu.vector_load_idx %arg9[%add3A_1314] : memref<2304xf32, #tpu.memory_space<vmem>>[vector<16xi32>], vector<16xf32>,
      %add3A_1316 = arith.constant 2 : i32
      %add3A_1317 = vector.broadcast %add3A_1316 : i32 to vector<16xi32>
      %add3A_1318 = arith.addi %mul3A_1307, %add3A_1317 : vector<16xi32>
      %gather3A_1319 = tpu.vector_load_idx %arg9[%add3A_1318] : memref<2304xf32, #tpu.memory_space<vmem>>[vector<16xi32>], vector<16xf32>,
      %add3A_1320 = arith.constant 3 : i32
      %add3A_1321 = vector.broadcast %add3A_1320 : i32 to vector<16xi32>
      %add3A_1322 = arith.addi %mul3A_1307, %add3A_1321 : vector<16xi32>
      %gather3A_1323 = tpu.vector_load_idx %arg9[%add3A_1322] : memref<2304xf32, #tpu.memory_space<vmem>>[vector<16xi32>], vector<16xf32>,
      %add3A_1324 = arith.constant 4 : i32
      %add3A_1325 = vector.broadcast %add3A_1324 : i32 to vector<16xi32>
      %add3A_1326 = arith.addi %mul3A_1307, %add3A_1325 : vector<16xi32>
      %gather3A_1327 = tpu.vector_load_idx %arg9[%add3A_1326] : memref<2304xf32, #tpu.memory_space<vmem>>[vector<16xi32>], vector<16xf32>,
      %add3A_1328 = arith.constant 5 : i32
      %add3A_1329 = vector.broadcast %add3A_1328 : i32 to vector<16xi32>
      %add3A_1330 = arith.addi %mul3A_1307, %add3A_1329 : vector<16xi32>
      %gather3A_1331 = tpu.vector_load_idx %arg9[%add3A_1330] : memref<2304xf32, #tpu.memory_space<vmem>>[vector<16xi32>], vector<16xf32>,
      %add3A_1332 = arith.constant 6 : i32
      %add3A_1333 = vector.broadcast %add3A_1332 : i32 to vector<16xi32>
      %add3A_1334 = arith.addi %mul3A_1307, %add3A_1333 : vector<16xi32>
      %gather3A_1335 = tpu.vector_load_idx %arg9[%add3A_1334] : memref<2304xf32, #tpu.memory_space<vmem>>[vector<16xi32>], vector<16xf32>,
      %add3A_1336 = arith.constant 7 : i32
      %add3A_1337 = vector.broadcast %add3A_1336 : i32 to vector<16xi32>
      %add3A_1338 = arith.addi %mul3A_1307, %add3A_1337 : vector<16xi32>
      %gather3A_1339 = tpu.vector_load_idx %arg9[%add3A_1338] : memref<2304xf32, #tpu.memory_space<vmem>>[vector<16xi32>], vector<16xf32>,
      %add3A_1340 = arith.constant 8 : i32
      %add3A_1341 = vector.broadcast %add3A_1340 : i32 to vector<16xi32>
      %add3A_1342 = arith.addi %mul3A_1307, %add3A_1341 : vector<16xi32>
      %gather3A_1343 = tpu.vector_load_idx %arg9[%add3A_1342] : memref<2304xf32, #tpu.memory_space<vmem>>[vector<16xi32>], vector<16xf32>,
      %add3A_1344 = arith.constant 9 : i32
      %add3A_1345 = vector.broadcast %add3A_1344 : i32 to vector<16xi32>
      %add3A_1346 = arith.addi %mul3A_1307, %add3A_1345 : vector<16xi32>
      %gather3A_1347 = tpu.vector_load_idx %arg9[%add3A_1346] : memref<2304xf32, #tpu.memory_space<vmem>>[vector<16xi32>], vector<16xf32>,
      %add3A_1348 = arith.constant 10 : i32
      %add3A_1349 = vector.broadcast %add3A_1348 : i32 to vector<16xi32>
      %add3A_1350 = arith.addi %mul3A_1307, %add3A_1349 : vector<16xi32>
      %gather3A_1351 = tpu.vector_load_idx %arg9[%add3A_1350] : memref<2304xf32, #tpu.memory_space<vmem>>[vector<16xi32>], vector<16xf32>,
      %add3A_1352 = arith.constant 11 : i32
      %add3A_1353 = vector.broadcast %add3A_1352 : i32 to vector<16xi32>
      %add3A_1354 = arith.addi %mul3A_1307, %add3A_1353 : vector<16xi32>
      %gather3A_1355 = tpu.vector_load_idx %arg9[%add3A_1354] : memref<2304xf32, #tpu.memory_space<vmem>>[vector<16xi32>], vector<16xf32>,
      %add3A_1356 = arith.constant 12 : i32
      %add3A_1357 = vector.broadcast %add3A_1356 : i32 to vector<16xi32>
      %add3A_1358 = arith.addi %mul3A_1307, %add3A_1357 : vector<16xi32>
      %gather3A_1359 = tpu.vector_load_idx %arg9[%add3A_1358] : memref<2304xf32, #tpu.memory_space<vmem>>[vector<16xi32>], vector<16xf32>,
      %add3A_1360 = arith.constant 13 : i32
      %add3A_1361 = vector.broadcast %add3A_1360 : i32 to vector<16xi32>
      %add3A_1362 = arith.addi %mul3A_1307, %add3A_1361 : vector<16xi32>
      %gather3A_1363 = tpu.vector_load_idx %arg9[%add3A_1362] : memref<2304xf32, #tpu.memory_space<vmem>>[vector<16xi32>], vector<16xf32>,
      %add3A_1364 = arith.constant 14 : i32
      %add3A_1365 = vector.broadcast %add3A_1364 : i32 to vector<16xi32>
      %add3A_1366 = arith.addi %mul3A_1307, %add3A_1365 : vector<16xi32>
      %gather3A_1367 = tpu.vector_load_idx %arg9[%add3A_1366] : memref<2304xf32, #tpu.memory_space<vmem>>[vector<16xi32>], vector<16xf32>,
      %add3A_1368 = arith.constant 15 : i32
      %add3A_1369 = vector.broadcast %add3A_1368 : i32 to vector<16xi32>
      %add3A_1370 = arith.addi %mul3A_1307, %add3A_1369 : vector<16xi32>
      %gather3A_1371 = tpu.vector_load_idx %arg9[%add3A_1370] : memref<2304xf32, #tpu.memory_space<vmem>>[vector<16xi32>], vector<16xf32>,
      %add3A_1372 = arith.addf %gather3A_1311, %gather3A_1315 : vector<16xf32>
      %add3A_1373 = arith.addf %gather3A_1319, %gather3A_1323 : vector<16xf32>
      %add3A_1374 = arith.addf %gather3A_1327, %gather3A_1331 : vector<16xf32>
      %add3A_1375 = arith.addf %gather3A_1335, %gather3A_1339 : vector<16xf32>
      %add3A_1376 = arith.addf %gather3A_1343, %gather3A_1347 : vector<16xf32>
      %add3A_1377 = arith.addf %gather3A_1351, %gather3A_1355 : vector<16xf32>
      %add3A_1378 = arith.addf %gather3A_1359, %gather3A_1363 : vector<16xf32>
      %add3A_1379 = arith.addf %gather3A_1367, %gather3A_1371 : vector<16xf32>
      %add3A_1380 = arith.addf %add3A_1372, %add3A_1373 : vector<16xf32>
      %add3A_1381 = arith.addf %add3A_1374, %add3A_1375 : vector<16xf32>
      %add3A_1382 = arith.addf %add3A_1376, %add3A_1377 : vector<16xf32>
      %add3A_1383 = arith.addf %add3A_1378, %add3A_1379 : vector<16xf32>
      %add3A_1384 = arith.addf %add3A_1380, %add3A_1381 : vector<16xf32>
      %add3A_1385 = arith.addf %add3A_1382, %add3A_1383 : vector<16xf32>
      %add3A_1386 = arith.addf %add3A_1384, %add3A_1385 : vector<16xf32>
      %mul3A_1387 = arith.constant 144 : i32
      %mul3A_1388 = arith.muli %add3A_931, %mul3A_1387 : i32
      %add3A_1389 = arith.constant 64 : i32
      %add3A_1390 = arith.addi %mul3A_1388, %add3A_1389 : i32
      %swap3A_1391 = arith.index_cast %add3A_1390 : i32 to index
      %swap3A_1392 = tpu.vector_load %arg10[%swap3A_1391] {strides = array<i32>} : memref<9216xf32, #tpu.memory_space<vmem>>, vector<16xf32>,
      tpu.vector_store %arg10[%swap3A_1391], %add3A_1386 {strides = array<i32>} : memref<9216xf32, #tpu.memory_space<vmem>>, vector<16xf32>,
      %add3A_1393 = arith.constant 80 : i32
      %add3A_1394 = vector.broadcast %add3A_1393 : i32 to vector<16xi32>
      %add3A_1395 = arith.addi %iota3A, %add3A_1394 : vector<16xi32>
      %mul3A_1396 = arith.constant 16 : i32
      %mul3A_1397 = vector.broadcast %mul3A_1396 : i32 to vector<16xi32>
      %mul3A_1398 = arith.muli %add3A_1395, %mul3A_1397 : vector<16xi32>
      %add3A_1399 = arith.constant 0 : i32
      %add3A_1400 = vector.broadcast %add3A_1399 : i32 to vector<16xi32>
      %add3A_1401 = arith.addi %mul3A_1398, %add3A_1400 : vector<16xi32>
      %gather3A_1402 = tpu.vector_load_idx %arg9[%add3A_1401] : memref<2304xf32, #tpu.memory_space<vmem>>[vector<16xi32>], vector<16xf32>,
      %add3A_1403 = arith.constant 1 : i32
      %add3A_1404 = vector.broadcast %add3A_1403 : i32 to vector<16xi32>
      %add3A_1405 = arith.addi %mul3A_1398, %add3A_1404 : vector<16xi32>
      %gather3A_1406 = tpu.vector_load_idx %arg9[%add3A_1405] : memref<2304xf32, #tpu.memory_space<vmem>>[vector<16xi32>], vector<16xf32>,
      %add3A_1407 = arith.constant 2 : i32
      %add3A_1408 = vector.broadcast %add3A_1407 : i32 to vector<16xi32>
      %add3A_1409 = arith.addi %mul3A_1398, %add3A_1408 : vector<16xi32>
      %gather3A_1410 = tpu.vector_load_idx %arg9[%add3A_1409] : memref<2304xf32, #tpu.memory_space<vmem>>[vector<16xi32>], vector<16xf32>,
      %add3A_1411 = arith.constant 3 : i32
      %add3A_1412 = vector.broadcast %add3A_1411 : i32 to vector<16xi32>
      %add3A_1413 = arith.addi %mul3A_1398, %add3A_1412 : vector<16xi32>
      %gather3A_1414 = tpu.vector_load_idx %arg9[%add3A_1413] : memref<2304xf32, #tpu.memory_space<vmem>>[vector<16xi32>], vector<16xf32>,
      %add3A_1415 = arith.constant 4 : i32
      %add3A_1416 = vector.broadcast %add3A_1415 : i32 to vector<16xi32>
      %add3A_1417 = arith.addi %mul3A_1398, %add3A_1416 : vector<16xi32>
      %gather3A_1418 = tpu.vector_load_idx %arg9[%add3A_1417] : memref<2304xf32, #tpu.memory_space<vmem>>[vector<16xi32>], vector<16xf32>,
      %add3A_1419 = arith.constant 5 : i32
      %add3A_1420 = vector.broadcast %add3A_1419 : i32 to vector<16xi32>
      %add3A_1421 = arith.addi %mul3A_1398, %add3A_1420 : vector<16xi32>
      %gather3A_1422 = tpu.vector_load_idx %arg9[%add3A_1421] : memref<2304xf32, #tpu.memory_space<vmem>>[vector<16xi32>], vector<16xf32>,
      %add3A_1423 = arith.constant 6 : i32
      %add3A_1424 = vector.broadcast %add3A_1423 : i32 to vector<16xi32>
      %add3A_1425 = arith.addi %mul3A_1398, %add3A_1424 : vector<16xi32>
      %gather3A_1426 = tpu.vector_load_idx %arg9[%add3A_1425] : memref<2304xf32, #tpu.memory_space<vmem>>[vector<16xi32>], vector<16xf32>,
      %add3A_1427 = arith.constant 7 : i32
      %add3A_1428 = vector.broadcast %add3A_1427 : i32 to vector<16xi32>
      %add3A_1429 = arith.addi %mul3A_1398, %add3A_1428 : vector<16xi32>
      %gather3A_1430 = tpu.vector_load_idx %arg9[%add3A_1429] : memref<2304xf32, #tpu.memory_space<vmem>>[vector<16xi32>], vector<16xf32>,
      %add3A_1431 = arith.constant 8 : i32
      %add3A_1432 = vector.broadcast %add3A_1431 : i32 to vector<16xi32>
      %add3A_1433 = arith.addi %mul3A_1398, %add3A_1432 : vector<16xi32>
      %gather3A_1434 = tpu.vector_load_idx %arg9[%add3A_1433] : memref<2304xf32, #tpu.memory_space<vmem>>[vector<16xi32>], vector<16xf32>,
      %add3A_1435 = arith.constant 9 : i32
      %add3A_1436 = vector.broadcast %add3A_1435 : i32 to vector<16xi32>
      %add3A_1437 = arith.addi %mul3A_1398, %add3A_1436 : vector<16xi32>
      %gather3A_1438 = tpu.vector_load_idx %arg9[%add3A_1437] : memref<2304xf32, #tpu.memory_space<vmem>>[vector<16xi32>], vector<16xf32>,
      %add3A_1439 = arith.constant 10 : i32
      %add3A_1440 = vector.broadcast %add3A_1439 : i32 to vector<16xi32>
      %add3A_1441 = arith.addi %mul3A_1398, %add3A_1440 : vector<16xi32>
      %gather3A_1442 = tpu.vector_load_idx %arg9[%add3A_1441] : memref<2304xf32, #tpu.memory_space<vmem>>[vector<16xi32>], vector<16xf32>,
      %add3A_1443 = arith.constant 11 : i32
      %add3A_1444 = vector.broadcast %add3A_1443 : i32 to vector<16xi32>
      %add3A_1445 = arith.addi %mul3A_1398, %add3A_1444 : vector<16xi32>
      %gather3A_1446 = tpu.vector_load_idx %arg9[%add3A_1445] : memref<2304xf32, #tpu.memory_space<vmem>>[vector<16xi32>], vector<16xf32>,
      %add3A_1447 = arith.constant 12 : i32
      %add3A_1448 = vector.broadcast %add3A_1447 : i32 to vector<16xi32>
      %add3A_1449 = arith.addi %mul3A_1398, %add3A_1448 : vector<16xi32>
      %gather3A_1450 = tpu.vector_load_idx %arg9[%add3A_1449] : memref<2304xf32, #tpu.memory_space<vmem>>[vector<16xi32>], vector<16xf32>,
      %add3A_1451 = arith.constant 13 : i32
      %add3A_1452 = vector.broadcast %add3A_1451 : i32 to vector<16xi32>
      %add3A_1453 = arith.addi %mul3A_1398, %add3A_1452 : vector<16xi32>
      %gather3A_1454 = tpu.vector_load_idx %arg9[%add3A_1453] : memref<2304xf32, #tpu.memory_space<vmem>>[vector<16xi32>], vector<16xf32>,
      %add3A_1455 = arith.constant 14 : i32
      %add3A_1456 = vector.broadcast %add3A_1455 : i32 to vector<16xi32>
      %add3A_1457 = arith.addi %mul3A_1398, %add3A_1456 : vector<16xi32>
      %gather3A_1458 = tpu.vector_load_idx %arg9[%add3A_1457] : memref<2304xf32, #tpu.memory_space<vmem>>[vector<16xi32>], vector<16xf32>,
      %add3A_1459 = arith.constant 15 : i32
      %add3A_1460 = vector.broadcast %add3A_1459 : i32 to vector<16xi32>
      %add3A_1461 = arith.addi %mul3A_1398, %add3A_1460 : vector<16xi32>
      %gather3A_1462 = tpu.vector_load_idx %arg9[%add3A_1461] : memref<2304xf32, #tpu.memory_space<vmem>>[vector<16xi32>], vector<16xf32>,
      %add3A_1463 = arith.addf %gather3A_1402, %gather3A_1406 : vector<16xf32>
      %add3A_1464 = arith.addf %gather3A_1410, %gather3A_1414 : vector<16xf32>
      %add3A_1465 = arith.addf %gather3A_1418, %gather3A_1422 : vector<16xf32>
      %add3A_1466 = arith.addf %gather3A_1426, %gather3A_1430 : vector<16xf32>
      %add3A_1467 = arith.addf %gather3A_1434, %gather3A_1438 : vector<16xf32>
      %add3A_1468 = arith.addf %gather3A_1442, %gather3A_1446 : vector<16xf32>
      %add3A_1469 = arith.addf %gather3A_1450, %gather3A_1454 : vector<16xf32>
      %add3A_1470 = arith.addf %gather3A_1458, %gather3A_1462 : vector<16xf32>
      %add3A_1471 = arith.addf %add3A_1463, %add3A_1464 : vector<16xf32>
      %add3A_1472 = arith.addf %add3A_1465, %add3A_1466 : vector<16xf32>
      %add3A_1473 = arith.addf %add3A_1467, %add3A_1468 : vector<16xf32>
      %add3A_1474 = arith.addf %add3A_1469, %add3A_1470 : vector<16xf32>
      %add3A_1475 = arith.addf %add3A_1471, %add3A_1472 : vector<16xf32>
      %add3A_1476 = arith.addf %add3A_1473, %add3A_1474 : vector<16xf32>
      %add3A_1477 = arith.addf %add3A_1475, %add3A_1476 : vector<16xf32>
      %mul3A_1478 = arith.constant 144 : i32
      %mul3A_1479 = arith.muli %add3A_931, %mul3A_1478 : i32
      %add3A_1480 = arith.constant 80 : i32
      %add3A_1481 = arith.addi %mul3A_1479, %add3A_1480 : i32
      %swap3A_1482 = arith.index_cast %add3A_1481 : i32 to index
      %swap3A_1483 = tpu.vector_load %arg10[%swap3A_1482] {strides = array<i32>} : memref<9216xf32, #tpu.memory_space<vmem>>, vector<16xf32>,
      tpu.vector_store %arg10[%swap3A_1482], %add3A_1477 {strides = array<i32>} : memref<9216xf32, #tpu.memory_space<vmem>>, vector<16xf32>,
      %add3A_1484 = arith.constant 96 : i32
      %add3A_1485 = vector.broadcast %add3A_1484 : i32 to vector<16xi32>
      %add3A_1486 = arith.addi %iota3A, %add3A_1485 : vector<16xi32>
      %mul3A_1487 = arith.constant 16 : i32
      %mul3A_1488 = vector.broadcast %mul3A_1487 : i32 to vector<16xi32>
      %mul3A_1489 = arith.muli %add3A_1486, %mul3A_1488 : vector<16xi32>
      %add3A_1490 = arith.constant 0 : i32
      %add3A_1491 = vector.broadcast %add3A_1490 : i32 to vector<16xi32>
      %add3A_1492 = arith.addi %mul3A_1489, %add3A_1491 : vector<16xi32>
      %gather3A_1493 = tpu.vector_load_idx %arg9[%add3A_1492] : memref<2304xf32, #tpu.memory_space<vmem>>[vector<16xi32>], vector<16xf32>,
      %add3A_1494 = arith.constant 1 : i32
      %add3A_1495 = vector.broadcast %add3A_1494 : i32 to vector<16xi32>
      %add3A_1496 = arith.addi %mul3A_1489, %add3A_1495 : vector<16xi32>
      %gather3A_1497 = tpu.vector_load_idx %arg9[%add3A_1496] : memref<2304xf32, #tpu.memory_space<vmem>>[vector<16xi32>], vector<16xf32>,
      %add3A_1498 = arith.constant 2 : i32
      %add3A_1499 = vector.broadcast %add3A_1498 : i32 to vector<16xi32>
      %add3A_1500 = arith.addi %mul3A_1489, %add3A_1499 : vector<16xi32>
      %gather3A_1501 = tpu.vector_load_idx %arg9[%add3A_1500] : memref<2304xf32, #tpu.memory_space<vmem>>[vector<16xi32>], vector<16xf32>,
      %add3A_1502 = arith.constant 3 : i32
      %add3A_1503 = vector.broadcast %add3A_1502 : i32 to vector<16xi32>
      %add3A_1504 = arith.addi %mul3A_1489, %add3A_1503 : vector<16xi32>
      %gather3A_1505 = tpu.vector_load_idx %arg9[%add3A_1504] : memref<2304xf32, #tpu.memory_space<vmem>>[vector<16xi32>], vector<16xf32>,
      %add3A_1506 = arith.constant 4 : i32
      %add3A_1507 = vector.broadcast %add3A_1506 : i32 to vector<16xi32>
      %add3A_1508 = arith.addi %mul3A_1489, %add3A_1507 : vector<16xi32>
      %gather3A_1509 = tpu.vector_load_idx %arg9[%add3A_1508] : memref<2304xf32, #tpu.memory_space<vmem>>[vector<16xi32>], vector<16xf32>,
      %add3A_1510 = arith.constant 5 : i32
      %add3A_1511 = vector.broadcast %add3A_1510 : i32 to vector<16xi32>
      %add3A_1512 = arith.addi %mul3A_1489, %add3A_1511 : vector<16xi32>
      %gather3A_1513 = tpu.vector_load_idx %arg9[%add3A_1512] : memref<2304xf32, #tpu.memory_space<vmem>>[vector<16xi32>], vector<16xf32>,
      %add3A_1514 = arith.constant 6 : i32
      %add3A_1515 = vector.broadcast %add3A_1514 : i32 to vector<16xi32>
      %add3A_1516 = arith.addi %mul3A_1489, %add3A_1515 : vector<16xi32>
      %gather3A_1517 = tpu.vector_load_idx %arg9[%add3A_1516] : memref<2304xf32, #tpu.memory_space<vmem>>[vector<16xi32>], vector<16xf32>,
      %add3A_1518 = arith.constant 7 : i32
      %add3A_1519 = vector.broadcast %add3A_1518 : i32 to vector<16xi32>
      %add3A_1520 = arith.addi %mul3A_1489, %add3A_1519 : vector<16xi32>
      %gather3A_1521 = tpu.vector_load_idx %arg9[%add3A_1520] : memref<2304xf32, #tpu.memory_space<vmem>>[vector<16xi32>], vector<16xf32>,
      %add3A_1522 = arith.constant 8 : i32
      %add3A_1523 = vector.broadcast %add3A_1522 : i32 to vector<16xi32>
      %add3A_1524 = arith.addi %mul3A_1489, %add3A_1523 : vector<16xi32>
      %gather3A_1525 = tpu.vector_load_idx %arg9[%add3A_1524] : memref<2304xf32, #tpu.memory_space<vmem>>[vector<16xi32>], vector<16xf32>,
      %add3A_1526 = arith.constant 9 : i32
      %add3A_1527 = vector.broadcast %add3A_1526 : i32 to vector<16xi32>
      %add3A_1528 = arith.addi %mul3A_1489, %add3A_1527 : vector<16xi32>
      %gather3A_1529 = tpu.vector_load_idx %arg9[%add3A_1528] : memref<2304xf32, #tpu.memory_space<vmem>>[vector<16xi32>], vector<16xf32>,
      %add3A_1530 = arith.constant 10 : i32
      %add3A_1531 = vector.broadcast %add3A_1530 : i32 to vector<16xi32>
      %add3A_1532 = arith.addi %mul3A_1489, %add3A_1531 : vector<16xi32>
      %gather3A_1533 = tpu.vector_load_idx %arg9[%add3A_1532] : memref<2304xf32, #tpu.memory_space<vmem>>[vector<16xi32>], vector<16xf32>,
      %add3A_1534 = arith.constant 11 : i32
      %add3A_1535 = vector.broadcast %add3A_1534 : i32 to vector<16xi32>
      %add3A_1536 = arith.addi %mul3A_1489, %add3A_1535 : vector<16xi32>
      %gather3A_1537 = tpu.vector_load_idx %arg9[%add3A_1536] : memref<2304xf32, #tpu.memory_space<vmem>>[vector<16xi32>], vector<16xf32>,
      %add3A_1538 = arith.constant 12 : i32
      %add3A_1539 = vector.broadcast %add3A_1538 : i32 to vector<16xi32>
      %add3A_1540 = arith.addi %mul3A_1489, %add3A_1539 : vector<16xi32>
      %gather3A_1541 = tpu.vector_load_idx %arg9[%add3A_1540] : memref<2304xf32, #tpu.memory_space<vmem>>[vector<16xi32>], vector<16xf32>,
      %add3A_1542 = arith.constant 13 : i32
      %add3A_1543 = vector.broadcast %add3A_1542 : i32 to vector<16xi32>
      %add3A_1544 = arith.addi %mul3A_1489, %add3A_1543 : vector<16xi32>
      %gather3A_1545 = tpu.vector_load_idx %arg9[%add3A_1544] : memref<2304xf32, #tpu.memory_space<vmem>>[vector<16xi32>], vector<16xf32>,
      %add3A_1546 = arith.constant 14 : i32
      %add3A_1547 = vector.broadcast %add3A_1546 : i32 to vector<16xi32>
      %add3A_1548 = arith.addi %mul3A_1489, %add3A_1547 : vector<16xi32>
      %gather3A_1549 = tpu.vector_load_idx %arg9[%add3A_1548] : memref<2304xf32, #tpu.memory_space<vmem>>[vector<16xi32>], vector<16xf32>,
      %add3A_1550 = arith.constant 15 : i32
      %add3A_1551 = vector.broadcast %add3A_1550 : i32 to vector<16xi32>
      %add3A_1552 = arith.addi %mul3A_1489, %add3A_1551 : vector<16xi32>
      %gather3A_1553 = tpu.vector_load_idx %arg9[%add3A_1552] : memref<2304xf32, #tpu.memory_space<vmem>>[vector<16xi32>], vector<16xf32>,
      %add3A_1554 = arith.addf %gather3A_1493, %gather3A_1497 : vector<16xf32>
      %add3A_1555 = arith.addf %gather3A_1501, %gather3A_1505 : vector<16xf32>
      %add3A_1556 = arith.addf %gather3A_1509, %gather3A_1513 : vector<16xf32>
      %add3A_1557 = arith.addf %gather3A_1517, %gather3A_1521 : vector<16xf32>
      %add3A_1558 = arith.addf %gather3A_1525, %gather3A_1529 : vector<16xf32>
      %add3A_1559 = arith.addf %gather3A_1533, %gather3A_1537 : vector<16xf32>
      %add3A_1560 = arith.addf %gather3A_1541, %gather3A_1545 : vector<16xf32>
      %add3A_1561 = arith.addf %gather3A_1549, %gather3A_1553 : vector<16xf32>
      %add3A_1562 = arith.addf %add3A_1554, %add3A_1555 : vector<16xf32>
      %add3A_1563 = arith.addf %add3A_1556, %add3A_1557 : vector<16xf32>
      %add3A_1564 = arith.addf %add3A_1558, %add3A_1559 : vector<16xf32>
      %add3A_1565 = arith.addf %add3A_1560, %add3A_1561 : vector<16xf32>
      %add3A_1566 = arith.addf %add3A_1562, %add3A_1563 : vector<16xf32>
      %add3A_1567 = arith.addf %add3A_1564, %add3A_1565 : vector<16xf32>
      %add3A_1568 = arith.addf %add3A_1566, %add3A_1567 : vector<16xf32>
      %mul3A_1569 = arith.constant 144 : i32
      %mul3A_1570 = arith.muli %add3A_931, %mul3A_1569 : i32
      %add3A_1571 = arith.constant 96 : i32
      %add3A_1572 = arith.addi %mul3A_1570, %add3A_1571 : i32
      %swap3A_1573 = arith.index_cast %add3A_1572 : i32 to index
      %swap3A_1574 = tpu.vector_load %arg10[%swap3A_1573] {strides = array<i32>} : memref<9216xf32, #tpu.memory_space<vmem>>, vector<16xf32>,
      tpu.vector_store %arg10[%swap3A_1573], %add3A_1568 {strides = array<i32>} : memref<9216xf32, #tpu.memory_space<vmem>>, vector<16xf32>,
      %add3A_1575 = arith.constant 112 : i32
      %add3A_1576 = vector.broadcast %add3A_1575 : i32 to vector<16xi32>
      %add3A_1577 = arith.addi %iota3A, %add3A_1576 : vector<16xi32>
      %mul3A_1578 = arith.constant 16 : i32
      %mul3A_1579 = vector.broadcast %mul3A_1578 : i32 to vector<16xi32>
      %mul3A_1580 = arith.muli %add3A_1577, %mul3A_1579 : vector<16xi32>
      %add3A_1581 = arith.constant 0 : i32
      %add3A_1582 = vector.broadcast %add3A_1581 : i32 to vector<16xi32>
      %add3A_1583 = arith.addi %mul3A_1580, %add3A_1582 : vector<16xi32>
      %gather3A_1584 = tpu.vector_load_idx %arg9[%add3A_1583] : memref<2304xf32, #tpu.memory_space<vmem>>[vector<16xi32>], vector<16xf32>,
      %add3A_1585 = arith.constant 1 : i32
      %add3A_1586 = vector.broadcast %add3A_1585 : i32 to vector<16xi32>
      %add3A_1587 = arith.addi %mul3A_1580, %add3A_1586 : vector<16xi32>
      %gather3A_1588 = tpu.vector_load_idx %arg9[%add3A_1587] : memref<2304xf32, #tpu.memory_space<vmem>>[vector<16xi32>], vector<16xf32>,
      %add3A_1589 = arith.constant 2 : i32
      %add3A_1590 = vector.broadcast %add3A_1589 : i32 to vector<16xi32>
      %add3A_1591 = arith.addi %mul3A_1580, %add3A_1590 : vector<16xi32>
      %gather3A_1592 = tpu.vector_load_idx %arg9[%add3A_1591] : memref<2304xf32, #tpu.memory_space<vmem>>[vector<16xi32>], vector<16xf32>,
      %add3A_1593 = arith.constant 3 : i32
      %add3A_1594 = vector.broadcast %add3A_1593 : i32 to vector<16xi32>
      %add3A_1595 = arith.addi %mul3A_1580, %add3A_1594 : vector<16xi32>
      %gather3A_1596 = tpu.vector_load_idx %arg9[%add3A_1595] : memref<2304xf32, #tpu.memory_space<vmem>>[vector<16xi32>], vector<16xf32>,
      %add3A_1597 = arith.constant 4 : i32
      %add3A_1598 = vector.broadcast %add3A_1597 : i32 to vector<16xi32>
      %add3A_1599 = arith.addi %mul3A_1580, %add3A_1598 : vector<16xi32>
      %gather3A_1600 = tpu.vector_load_idx %arg9[%add3A_1599] : memref<2304xf32, #tpu.memory_space<vmem>>[vector<16xi32>], vector<16xf32>,
      %add3A_1601 = arith.constant 5 : i32
      %add3A_1602 = vector.broadcast %add3A_1601 : i32 to vector<16xi32>
      %add3A_1603 = arith.addi %mul3A_1580, %add3A_1602 : vector<16xi32>
      %gather3A_1604 = tpu.vector_load_idx %arg9[%add3A_1603] : memref<2304xf32, #tpu.memory_space<vmem>>[vector<16xi32>], vector<16xf32>,
      %add3A_1605 = arith.constant 6 : i32
      %add3A_1606 = vector.broadcast %add3A_1605 : i32 to vector<16xi32>
      %add3A_1607 = arith.addi %mul3A_1580, %add3A_1606 : vector<16xi32>
      %gather3A_1608 = tpu.vector_load_idx %arg9[%add3A_1607] : memref<2304xf32, #tpu.memory_space<vmem>>[vector<16xi32>], vector<16xf32>,
      %add3A_1609 = arith.constant 7 : i32
      %add3A_1610 = vector.broadcast %add3A_1609 : i32 to vector<16xi32>
      %add3A_1611 = arith.addi %mul3A_1580, %add3A_1610 : vector<16xi32>
      %gather3A_1612 = tpu.vector_load_idx %arg9[%add3A_1611] : memref<2304xf32, #tpu.memory_space<vmem>>[vector<16xi32>], vector<16xf32>,
      %add3A_1613 = arith.constant 8 : i32
      %add3A_1614 = vector.broadcast %add3A_1613 : i32 to vector<16xi32>
      %add3A_1615 = arith.addi %mul3A_1580, %add3A_1614 : vector<16xi32>
      %gather3A_1616 = tpu.vector_load_idx %arg9[%add3A_1615] : memref<2304xf32, #tpu.memory_space<vmem>>[vector<16xi32>], vector<16xf32>,
      %add3A_1617 = arith.constant 9 : i32
      %add3A_1618 = vector.broadcast %add3A_1617 : i32 to vector<16xi32>
      %add3A_1619 = arith.addi %mul3A_1580, %add3A_1618 : vector<16xi32>
      %gather3A_1620 = tpu.vector_load_idx %arg9[%add3A_1619] : memref<2304xf32, #tpu.memory_space<vmem>>[vector<16xi32>], vector<16xf32>,
      %add3A_1621 = arith.constant 10 : i32
      %add3A_1622 = vector.broadcast %add3A_1621 : i32 to vector<16xi32>
      %add3A_1623 = arith.addi %mul3A_1580, %add3A_1622 : vector<16xi32>
      %gather3A_1624 = tpu.vector_load_idx %arg9[%add3A_1623] : memref<2304xf32, #tpu.memory_space<vmem>>[vector<16xi32>], vector<16xf32>,
      %add3A_1625 = arith.constant 11 : i32
      %add3A_1626 = vector.broadcast %add3A_1625 : i32 to vector<16xi32>
      %add3A_1627 = arith.addi %mul3A_1580, %add3A_1626 : vector<16xi32>
      %gather3A_1628 = tpu.vector_load_idx %arg9[%add3A_1627] : memref<2304xf32, #tpu.memory_space<vmem>>[vector<16xi32>], vector<16xf32>,
      %add3A_1629 = arith.constant 12 : i32
      %add3A_1630 = vector.broadcast %add3A_1629 : i32 to vector<16xi32>
      %add3A_1631 = arith.addi %mul3A_1580, %add3A_1630 : vector<16xi32>
      %gather3A_1632 = tpu.vector_load_idx %arg9[%add3A_1631] : memref<2304xf32, #tpu.memory_space<vmem>>[vector<16xi32>], vector<16xf32>,
      %add3A_1633 = arith.constant 13 : i32
      %add3A_1634 = vector.broadcast %add3A_1633 : i32 to vector<16xi32>
      %add3A_1635 = arith.addi %mul3A_1580, %add3A_1634 : vector<16xi32>
      %gather3A_1636 = tpu.vector_load_idx %arg9[%add3A_1635] : memref<2304xf32, #tpu.memory_space<vmem>>[vector<16xi32>], vector<16xf32>,
      %add3A_1637 = arith.constant 14 : i32
      %add3A_1638 = vector.broadcast %add3A_1637 : i32 to vector<16xi32>
      %add3A_1639 = arith.addi %mul3A_1580, %add3A_1638 : vector<16xi32>
      %gather3A_1640 = tpu.vector_load_idx %arg9[%add3A_1639] : memref<2304xf32, #tpu.memory_space<vmem>>[vector<16xi32>], vector<16xf32>,
      %add3A_1641 = arith.constant 15 : i32
      %add3A_1642 = vector.broadcast %add3A_1641 : i32 to vector<16xi32>
      %add3A_1643 = arith.addi %mul3A_1580, %add3A_1642 : vector<16xi32>
      %gather3A_1644 = tpu.vector_load_idx %arg9[%add3A_1643] : memref<2304xf32, #tpu.memory_space<vmem>>[vector<16xi32>], vector<16xf32>,
      %add3A_1645 = arith.addf %gather3A_1584, %gather3A_1588 : vector<16xf32>
      %add3A_1646 = arith.addf %gather3A_1592, %gather3A_1596 : vector<16xf32>
      %add3A_1647 = arith.addf %gather3A_1600, %gather3A_1604 : vector<16xf32>
      %add3A_1648 = arith.addf %gather3A_1608, %gather3A_1612 : vector<16xf32>
      %add3A_1649 = arith.addf %gather3A_1616, %gather3A_1620 : vector<16xf32>
      %add3A_1650 = arith.addf %gather3A_1624, %gather3A_1628 : vector<16xf32>
      %add3A_1651 = arith.addf %gather3A_1632, %gather3A_1636 : vector<16xf32>
      %add3A_1652 = arith.addf %gather3A_1640, %gather3A_1644 : vector<16xf32>
      %add3A_1653 = arith.addf %add3A_1645, %add3A_1646 : vector<16xf32>
      %add3A_1654 = arith.addf %add3A_1647, %add3A_1648 : vector<16xf32>
      %add3A_1655 = arith.addf %add3A_1649, %add3A_1650 : vector<16xf32>
      %add3A_1656 = arith.addf %add3A_1651, %add3A_1652 : vector<16xf32>
      %add3A_1657 = arith.addf %add3A_1653, %add3A_1654 : vector<16xf32>
      %add3A_1658 = arith.addf %add3A_1655, %add3A_1656 : vector<16xf32>
      %add3A_1659 = arith.addf %add3A_1657, %add3A_1658 : vector<16xf32>
      %mul3A_1660 = arith.constant 144 : i32
      %mul3A_1661 = arith.muli %add3A_931, %mul3A_1660 : i32
      %add3A_1662 = arith.constant 112 : i32
      %add3A_1663 = arith.addi %mul3A_1661, %add3A_1662 : i32
      %swap3A_1664 = arith.index_cast %add3A_1663 : i32 to index
      %swap3A_1665 = tpu.vector_load %arg10[%swap3A_1664] {strides = array<i32>} : memref<9216xf32, #tpu.memory_space<vmem>>, vector<16xf32>,
      tpu.vector_store %arg10[%swap3A_1664], %add3A_1659 {strides = array<i32>} : memref<9216xf32, #tpu.memory_space<vmem>>, vector<16xf32>,
      %add3A_1666 = arith.constant 128 : i32
      %add3A_1667 = vector.broadcast %add3A_1666 : i32 to vector<16xi32>
      %add3A_1668 = arith.addi %iota3A, %add3A_1667 : vector<16xi32>
      %mul3A_1669 = arith.constant 16 : i32
      %mul3A_1670 = vector.broadcast %mul3A_1669 : i32 to vector<16xi32>
      %mul3A_1671 = arith.muli %add3A_1668, %mul3A_1670 : vector<16xi32>
      %add3A_1672 = arith.constant 0 : i32
      %add3A_1673 = vector.broadcast %add3A_1672 : i32 to vector<16xi32>
      %add3A_1674 = arith.addi %mul3A_1671, %add3A_1673 : vector<16xi32>
      %gather3A_1675 = tpu.vector_load_idx %arg9[%add3A_1674] : memref<2304xf32, #tpu.memory_space<vmem>>[vector<16xi32>], vector<16xf32>,
      %add3A_1676 = arith.constant 1 : i32
      %add3A_1677 = vector.broadcast %add3A_1676 : i32 to vector<16xi32>
      %add3A_1678 = arith.addi %mul3A_1671, %add3A_1677 : vector<16xi32>
      %gather3A_1679 = tpu.vector_load_idx %arg9[%add3A_1678] : memref<2304xf32, #tpu.memory_space<vmem>>[vector<16xi32>], vector<16xf32>,
      %add3A_1680 = arith.constant 2 : i32
      %add3A_1681 = vector.broadcast %add3A_1680 : i32 to vector<16xi32>
      %add3A_1682 = arith.addi %mul3A_1671, %add3A_1681 : vector<16xi32>
      %gather3A_1683 = tpu.vector_load_idx %arg9[%add3A_1682] : memref<2304xf32, #tpu.memory_space<vmem>>[vector<16xi32>], vector<16xf32>,
      %add3A_1684 = arith.constant 3 : i32
      %add3A_1685 = vector.broadcast %add3A_1684 : i32 to vector<16xi32>
      %add3A_1686 = arith.addi %mul3A_1671, %add3A_1685 : vector<16xi32>
      %gather3A_1687 = tpu.vector_load_idx %arg9[%add3A_1686] : memref<2304xf32, #tpu.memory_space<vmem>>[vector<16xi32>], vector<16xf32>,
      %add3A_1688 = arith.constant 4 : i32
      %add3A_1689 = vector.broadcast %add3A_1688 : i32 to vector<16xi32>
      %add3A_1690 = arith.addi %mul3A_1671, %add3A_1689 : vector<16xi32>
      %gather3A_1691 = tpu.vector_load_idx %arg9[%add3A_1690] : memref<2304xf32, #tpu.memory_space<vmem>>[vector<16xi32>], vector<16xf32>,
      %add3A_1692 = arith.constant 5 : i32
      %add3A_1693 = vector.broadcast %add3A_1692 : i32 to vector<16xi32>
      %add3A_1694 = arith.addi %mul3A_1671, %add3A_1693 : vector<16xi32>
      %gather3A_1695 = tpu.vector_load_idx %arg9[%add3A_1694] : memref<2304xf32, #tpu.memory_space<vmem>>[vector<16xi32>], vector<16xf32>,
      %add3A_1696 = arith.constant 6 : i32
      %add3A_1697 = vector.broadcast %add3A_1696 : i32 to vector<16xi32>
      %add3A_1698 = arith.addi %mul3A_1671, %add3A_1697 : vector<16xi32>
      %gather3A_1699 = tpu.vector_load_idx %arg9[%add3A_1698] : memref<2304xf32, #tpu.memory_space<vmem>>[vector<16xi32>], vector<16xf32>,
      %add3A_1700 = arith.constant 7 : i32
      %add3A_1701 = vector.broadcast %add3A_1700 : i32 to vector<16xi32>
      %add3A_1702 = arith.addi %mul3A_1671, %add3A_1701 : vector<16xi32>
      %gather3A_1703 = tpu.vector_load_idx %arg9[%add3A_1702] : memref<2304xf32, #tpu.memory_space<vmem>>[vector<16xi32>], vector<16xf32>,
      %add3A_1704 = arith.constant 8 : i32
      %add3A_1705 = vector.broadcast %add3A_1704 : i32 to vector<16xi32>
      %add3A_1706 = arith.addi %mul3A_1671, %add3A_1705 : vector<16xi32>
      %gather3A_1707 = tpu.vector_load_idx %arg9[%add3A_1706] : memref<2304xf32, #tpu.memory_space<vmem>>[vector<16xi32>], vector<16xf32>,
      %add3A_1708 = arith.constant 9 : i32
      %add3A_1709 = vector.broadcast %add3A_1708 : i32 to vector<16xi32>
      %add3A_1710 = arith.addi %mul3A_1671, %add3A_1709 : vector<16xi32>
      %gather3A_1711 = tpu.vector_load_idx %arg9[%add3A_1710] : memref<2304xf32, #tpu.memory_space<vmem>>[vector<16xi32>], vector<16xf32>,
      %add3A_1712 = arith.constant 10 : i32
      %add3A_1713 = vector.broadcast %add3A_1712 : i32 to vector<16xi32>
      %add3A_1714 = arith.addi %mul3A_1671, %add3A_1713 : vector<16xi32>
      %gather3A_1715 = tpu.vector_load_idx %arg9[%add3A_1714] : memref<2304xf32, #tpu.memory_space<vmem>>[vector<16xi32>], vector<16xf32>,
      %add3A_1716 = arith.constant 11 : i32
      %add3A_1717 = vector.broadcast %add3A_1716 : i32 to vector<16xi32>
      %add3A_1718 = arith.addi %mul3A_1671, %add3A_1717 : vector<16xi32>
      %gather3A_1719 = tpu.vector_load_idx %arg9[%add3A_1718] : memref<2304xf32, #tpu.memory_space<vmem>>[vector<16xi32>], vector<16xf32>,
      %add3A_1720 = arith.constant 12 : i32
      %add3A_1721 = vector.broadcast %add3A_1720 : i32 to vector<16xi32>
      %add3A_1722 = arith.addi %mul3A_1671, %add3A_1721 : vector<16xi32>
      %gather3A_1723 = tpu.vector_load_idx %arg9[%add3A_1722] : memref<2304xf32, #tpu.memory_space<vmem>>[vector<16xi32>], vector<16xf32>,
      %add3A_1724 = arith.constant 13 : i32
      %add3A_1725 = vector.broadcast %add3A_1724 : i32 to vector<16xi32>
      %add3A_1726 = arith.addi %mul3A_1671, %add3A_1725 : vector<16xi32>
      %gather3A_1727 = tpu.vector_load_idx %arg9[%add3A_1726] : memref<2304xf32, #tpu.memory_space<vmem>>[vector<16xi32>], vector<16xf32>,
      %add3A_1728 = arith.constant 14 : i32
      %add3A_1729 = vector.broadcast %add3A_1728 : i32 to vector<16xi32>
      %add3A_1730 = arith.addi %mul3A_1671, %add3A_1729 : vector<16xi32>
      %gather3A_1731 = tpu.vector_load_idx %arg9[%add3A_1730] : memref<2304xf32, #tpu.memory_space<vmem>>[vector<16xi32>], vector<16xf32>,
      %add3A_1732 = arith.constant 15 : i32
      %add3A_1733 = vector.broadcast %add3A_1732 : i32 to vector<16xi32>
      %add3A_1734 = arith.addi %mul3A_1671, %add3A_1733 : vector<16xi32>
      %gather3A_1735 = tpu.vector_load_idx %arg9[%add3A_1734] : memref<2304xf32, #tpu.memory_space<vmem>>[vector<16xi32>], vector<16xf32>,
      %add3A_1736 = arith.addf %gather3A_1675, %gather3A_1679 : vector<16xf32>
      %add3A_1737 = arith.addf %gather3A_1683, %gather3A_1687 : vector<16xf32>
      %add3A_1738 = arith.addf %gather3A_1691, %gather3A_1695 : vector<16xf32>
      %add3A_1739 = arith.addf %gather3A_1699, %gather3A_1703 : vector<16xf32>
      %add3A_1740 = arith.addf %gather3A_1707, %gather3A_1711 : vector<16xf32>
      %add3A_1741 = arith.addf %gather3A_1715, %gather3A_1719 : vector<16xf32>
      %add3A_1742 = arith.addf %gather3A_1723, %gather3A_1727 : vector<16xf32>
      %add3A_1743 = arith.addf %gather3A_1731, %gather3A_1735 : vector<16xf32>
      %add3A_1744 = arith.addf %add3A_1736, %add3A_1737 : vector<16xf32>
      %add3A_1745 = arith.addf %add3A_1738, %add3A_1739 : vector<16xf32>
      %add3A_1746 = arith.addf %add3A_1740, %add3A_1741 : vector<16xf32>
      %add3A_1747 = arith.addf %add3A_1742, %add3A_1743 : vector<16xf32>
      %add3A_1748 = arith.addf %add3A_1744, %add3A_1745 : vector<16xf32>
      %add3A_1749 = arith.addf %add3A_1746, %add3A_1747 : vector<16xf32>
      %add3A_1750 = arith.addf %add3A_1748, %add3A_1749 : vector<16xf32>
      %mul3A_1751 = arith.constant 144 : i32
      %mul3A_1752 = arith.muli %add3A_931, %mul3A_1751 : i32
      %add3A_1753 = arith.constant 128 : i32
      %add3A_1754 = arith.addi %mul3A_1752, %add3A_1753 : i32
      %swap3A_1755 = arith.index_cast %add3A_1754 : i32 to index
      %swap3A_1756 = tpu.vector_load %arg10[%swap3A_1755] {strides = array<i32>} : memref<9216xf32, #tpu.memory_space<vmem>>, vector<16xf32>,
      tpu.vector_store %arg10[%swap3A_1755], %add3A_1750 {strides = array<i32>} : memref<9216xf32, #tpu.memory_space<vmem>>, vector<16xf32>,
    }
    %scan3A_26 = arith.constant 32 : i32
    %mul3A_27 = arith.constant 9 : i32
    %mul3A_28 = arith.muli %mul3A_2, %mul3A_27 : i32
    "tpu.region"() ({
      %run_scoped3A = tpu.sem_alloc : memref<!tpu.dma_semaphore, #tpu.memory_space<semaphore_mem>>
      %dma_start3A_33 = arith.constant 0 : i32
      %dma_start3A_34 = tpu.memref_slice %arg10[%dma_start3A_33] : memref<9216xf32, #tpu.memory_space<vmem>> -> memref<4608xf32, #tpu.memory_space<vmem>>
      %dma_start3A_35 = tpu.memref_slice %arg5[%mul3A_28] : memref<294912xf32, #tpu.memory_space<hbm>> -> memref<4608xf32, #tpu.memory_space<hbm>>
      %dma_start3A_36 = tpu.memref_slice %arg5[%mul3A_28] : memref<294912xf32, #tpu.memory_space<hbm>> -> memref<4608xf32, #tpu.memory_space<hbm>>
      %dma_start3A_37 = arith.constant 0 : i32
      %dma_start3A_38 = tpu.memref_slice %arg10[%dma_start3A_37] : memref<9216xf32, #tpu.memory_space<vmem>> -> memref<4608xf32, #tpu.memory_space<vmem>>
      tpu.enqueue_dma source(%dma_start3A_38 : memref<4608xf32, #tpu.memory_space<vmem>>) target(%dma_start3A_36 : memref<4608xf32, #tpu.memory_space<hbm>>) target_semaphore(%run_scoped3A : memref<!tpu.dma_semaphore, #tpu.memory_space<semaphore_mem>>)
      %dma_wait3A = arith.constant 0 : i32
      %dma_wait3A_39 = tpu.memref_slice %arg10[%dma_wait3A] : memref<9216xf32, #tpu.memory_space<vmem>> -> memref<4608xf32, #tpu.memory_space<vmem>>
      %dma_wait3A_40 = tpu.memref_slice %arg5[%mul3A_28] : memref<294912xf32, #tpu.memory_space<hbm>> -> memref<4608xf32, #tpu.memory_space<hbm>>
      %dma_wait3A_41 = tpu.memref_slice %arg5[%mul3A_28] : memref<294912xf32, #tpu.memory_space<hbm>> -> memref<4608xf32, #tpu.memory_space<hbm>>
      %dma_wait3A_42 = arith.constant 0 : i32
      %dma_wait3A_43 = tpu.memref_slice %arg10[%dma_wait3A_42] : memref<9216xf32, #tpu.memory_space<vmem>> -> memref<4608xf32, #tpu.memory_space<vmem>>
      tpu.wait_dma2 semaphore(%run_scoped3A : memref<!tpu.dma_semaphore, #tpu.memory_space<semaphore_mem>>) src(%dma_wait3A_43 : memref<4608xf32, #tpu.memory_space<vmem>>) dst(%dma_wait3A_41 : memref<4608xf32, #tpu.memory_space<hbm>>)
      tpu.yield
    }) : () -> ()
    %mul3A_29 = arith.constant 9 : i32
    %mul3A_30 = arith.muli %mul3A_2, %mul3A_29 : i32
    %add3A_31 = arith.constant 147456 : i32
    %add3A_32 = arith.addi %add3A_31, %mul3A_30 : i32
    "tpu.region"() ({
      %run_scoped3A = tpu.sem_alloc : memref<!tpu.dma_semaphore, #tpu.memory_space<semaphore_mem>>
      %dma_start3A_33 = arith.constant 4608 : i32
      %dma_start3A_34 = tpu.memref_slice %arg10[%dma_start3A_33] : memref<9216xf32, #tpu.memory_space<vmem>> -> memref<4608xf32, #tpu.memory_space<vmem>>
      %dma_start3A_35 = tpu.memref_slice %arg5[%add3A_32] : memref<294912xf32, #tpu.memory_space<hbm>> -> memref<4608xf32, #tpu.memory_space<hbm>>
      %dma_start3A_36 = tpu.memref_slice %arg5[%add3A_32] : memref<294912xf32, #tpu.memory_space<hbm>> -> memref<4608xf32, #tpu.memory_space<hbm>>
      %dma_start3A_37 = arith.constant 4608 : i32
      %dma_start3A_38 = tpu.memref_slice %arg10[%dma_start3A_37] : memref<9216xf32, #tpu.memory_space<vmem>> -> memref<4608xf32, #tpu.memory_space<vmem>>
      tpu.enqueue_dma source(%dma_start3A_38 : memref<4608xf32, #tpu.memory_space<vmem>>) target(%dma_start3A_36 : memref<4608xf32, #tpu.memory_space<hbm>>) target_semaphore(%run_scoped3A : memref<!tpu.dma_semaphore, #tpu.memory_space<semaphore_mem>>)
      %dma_wait3A = arith.constant 4608 : i32
      %dma_wait3A_39 = tpu.memref_slice %arg10[%dma_wait3A] : memref<9216xf32, #tpu.memory_space<vmem>> -> memref<4608xf32, #tpu.memory_space<vmem>>
      %dma_wait3A_40 = tpu.memref_slice %arg5[%add3A_32] : memref<294912xf32, #tpu.memory_space<hbm>> -> memref<4608xf32, #tpu.memory_space<hbm>>
      %dma_wait3A_41 = tpu.memref_slice %arg5[%add3A_32] : memref<294912xf32, #tpu.memory_space<hbm>> -> memref<4608xf32, #tpu.memory_space<hbm>>
      %dma_wait3A_42 = arith.constant 4608 : i32
      %dma_wait3A_43 = tpu.memref_slice %arg10[%dma_wait3A_42] : memref<9216xf32, #tpu.memory_space<vmem>> -> memref<4608xf32, #tpu.memory_space<vmem>>
      tpu.wait_dma2 semaphore(%run_scoped3A : memref<!tpu.dma_semaphore, #tpu.memory_space<semaphore_mem>>) src(%dma_wait3A_43 : memref<4608xf32, #tpu.memory_space<vmem>>) dst(%dma_wait3A_41 : memref<4608xf32, #tpu.memory_space<hbm>>)
      tpu.yield
    }) : () -> ()
    return
  }
}

module attributes {stable_mosaic.version = 14 : i64} {
  func.func @_tc_loss_body(%arg0: memref<2304x128xf32, #tpu.memory_space<vmem>>, %arg1: memref<1x1xf32, #tpu.memory_space<smem>>) attributes {dimension_semantics = [], scalar_prefetch = 0 : i64, scratch_operands = 0 : i64, tpu.core_type = #tpu.core_type<tc>} {
    %get3A = arith.constant 0 : index
    %get3A_0 = arith.constant 0 : index
    %get3A_1 = vector.load %arg0[%get3A, %get3A_0] : memref<2304x128xf32, #tpu.memory_space<vmem>>, vector<2304x128xf32>
    %neg3A = arith.constant 0.000000e+00 : f32
    %neg3A_2 = vector.broadcast %neg3A : f32 to vector<2304x128xf32>
    %neg3A_3 = arith.subf %neg3A_2, %get3A_1 : vector<2304x128xf32>
    %exp3A = math.exp %neg3A_3 : vector<2304x128xf32>
    %add3A = arith.constant 1.000000e+00 : f32
    %add3A_4 = vector.broadcast %add3A : f32 to vector<2304x128xf32>
    %add3A_5 = arith.addf %add3A_4, %exp3A : vector<2304x128xf32>
    %div3A = arith.constant 1.000000e+00 : f32
    %div3A_6 = vector.broadcast %div3A : f32 to vector<2304x128xf32>
    %div3A_7 = arith.divf %div3A_6, %add3A_5 : vector<2304x128xf32>
    %slice3A = vector.extract_strided_slice %div3A_7 {offsets = [0, 0], sizes = [1152, 128], strides = [1, 1]} : vector<2304x128xf32> to vector<1152x128xf32>
    %slice3A_8 = vector.extract_strided_slice %div3A_7 {offsets = [1152, 0], sizes = [1152, 128], strides = [1, 1]} : vector<2304x128xf32> to vector<1152x128xf32>
    %add3A_9 = arith.constant 1.000000e-15 : f32
    %add3A_10 = vector.broadcast %add3A_9 : f32 to vector<1152x128xf32>
    %add3A_11 = arith.addf %slice3A, %add3A_10 : vector<1152x128xf32>
    %log3A = math.log %add3A_11 : vector<1152x128xf32>
    %reduce_sum3A = vector.shape_cast %log3A : vector<1152x128xf32> to vector<1x1152x128xf32>
    %reduce_sum3A_12 = arith.constant dense<0.000000e+00> : vector<1xf32>
    %reduce_sum3A_13 = vector.multi_reduction <add>, %reduce_sum3A, %reduce_sum3A_12 [1, 2] : vector<1x1152x128xf32> to vector<1xf32>
    %reduce_sum3A_14 = vector.shape_cast %reduce_sum3A_13 : vector<1xf32> to vector<1x1x1xf32>
    %reduce_sum3A_15 = vector.extract %reduce_sum3A_14[0, 0, 0] : f32 from vector<1x1x1xf32>
    %neg3A_16 = arith.constant 0.000000e+00 : f32
    %neg3A_17 = arith.subf %neg3A_16, %reduce_sum3A_15 : f32
    %sub3A = arith.constant 1.000000e+00 : f32
    %sub3A_18 = vector.broadcast %sub3A : f32 to vector<1152x128xf32>
    %sub3A_19 = arith.subf %sub3A_18, %slice3A_8 : vector<1152x128xf32>
    %add3A_20 = arith.constant 1.000000e-15 : f32
    %add3A_21 = vector.broadcast %add3A_20 : f32 to vector<1152x128xf32>
    %add3A_22 = arith.addf %sub3A_19, %add3A_21 : vector<1152x128xf32>
    %log3A_23 = math.log %add3A_22 : vector<1152x128xf32>
    %reduce_sum3A_24 = vector.shape_cast %log3A_23 : vector<1152x128xf32> to vector<1x1152x128xf32>
    %reduce_sum3A_25 = arith.constant dense<0.000000e+00> : vector<1xf32>
    %reduce_sum3A_26 = vector.multi_reduction <add>, %reduce_sum3A_24, %reduce_sum3A_25 [1, 2] : vector<1x1152x128xf32> to vector<1xf32>
    %reduce_sum3A_27 = vector.shape_cast %reduce_sum3A_26 : vector<1xf32> to vector<1x1x1xf32>
    %reduce_sum3A_28 = vector.extract %reduce_sum3A_27[0, 0, 0] : f32 from vector<1x1x1xf32>
    %neg3A_29 = arith.constant 0.000000e+00 : f32
    %neg3A_30 = arith.subf %neg3A_29, %reduce_sum3A_28 : f32
    %add3A_31 = arith.addf %neg3A_17, %neg3A_30 : f32
    %mul3A = arith.constant 6.78168407E-6 : f32
    %mul3A_32 = arith.mulf %add3A_31, %mul3A : f32
    %swap3A = arith.constant 0 : index
    %swap3A_33 = arith.constant 0 : index
    %swap3A_34 = memref.load %arg1[%swap3A, %swap3A_33] : memref<1x1xf32, #tpu.memory_space<smem>>
    memref.store %mul3A_32, %arg1[%swap3A, %swap3A_33] : memref<1x1xf32, #tpu.memory_space<smem>>
    return
  }
}

</mosaic_0001>

<sc_bundles>
// kernel: kernel.4.cloned.1.call-start
scs
__scs_entry_jumppad:
0x0: {  	(pc) =	sbr.rel $0x88, $3  }
0x1: {  	(tag) =	ssettag $0x0;
	lr =	simm.s32 $0x1  }
0x2: {  	[smem:$0x3F9E] =	sst lr;
	_ =	strace $0xD0000000  }
0x3: {  	_ = 	snop  }
0x4: {  	_ = 	snop  }
0x5: {  	_ = 	snop  }
0x6: {  	_ = 	snop  }
0x7: {  	_ = 	snop  }
__scs_overlays_trampoline_lowered:
0x8: {  	[smem:$0x3FAD] =	sst s0  }
0x9: {  	[smem:$0x3FAE] =	sst s1  }
0xa: {  	[smem:$0x3FAF] =	sst s2  }
0xb: {  	[smem:$0x3FB0] =	sst s3  }
0xc: {  	[smem:$0x3FB1] =	sst s4  }
0xd: {  	[smem:$0x3FB2] =	sst s5  }
0xe: {  	[smem:$0x3FB3] =	sst s6  }
0xf: {  	[smem:$0x3FB4] =	sst s7  }
0x10: {  	[smem:$0x3FB5] =	sst s8  }
0x11: {  	[smem:$0x3FB6] =	sst s9;
	s0 =	simm.s32 @!p0 $0x0  }
0x12: {  	s1 =	sld [smem:$0x3F9C];
	s0 =	simm.s32 @p0 $0x1  }
0x13: {  	[smem:$0x3FB7] =	sst s0;
	s0 =	simm.s32 @!p1 $0x0  }
0x14: {  	s2 =	sld [smem:$0x3F9B];
	s0 =	simm.s32 @p1 $0x1  }
0x15: {  	[smem:$0x3FB8] =	sst s0;
	s0 =	simm.s32 @!p2 $0x0  }
0x16: {  	s3 =	sld [smem:$0x3FDB];
	s0 =	simm.s32 @p2 $0x1  }
0x17: {  	s4 =	simm.s32 $0x1BF5;
	[smem:$0x3FBA] =	sst s0  }
0x18: {  	s0 =	sld [smem:$0x3F9D];
	_ =	swait.ge [sflag:s4], $0x0  }
0x19: {  	s7 =	sld [smem:$0x3F9E]  }
0x1a: {  	s8 =	sadd.s32 $0xFFFFE003, lr  }
0x1b: {  	s9 =	sadd.s32 $0xFFFFFEF7, lr;
	s5 =	simm.s32 $0xFFFFFFFF;
	p2 =	slt.u32 s8, $0xFFFFF086  }
0x1c: {  	p1 =	slt.u32 s9, $0xF7A;
	s5 =	simm.s32 @!p2 $0x0  }
0x1d: {  	s5 =	simm.s32 @p1 $0x1;
	p0 =	seq.s32 s7, s2  }
0x1e: {  	s7 =	smul.u32 @!p0 $0xF7A, s2;
	p2 =	seq.s32 @!p0 s5, $0x0  }
0x1f: {  	s9 =	smul.u32 $0xF7A, s1;
	s8 =	simm.s32 @!p0 $0x1BF5;
	p2 =	por !p2, p0  }
0x20: {  	[sflag:s8] =	ssyncset.s32 @!p0 $0xFFFFF086;
	s6 =	sadd.s32 @!p0 s3, s7;
	s7 =	simm.s32 @!p0 $0x108  }
0x21: {  	s3 =	sadd.s32 s3, s9;
	s6 =	sadd.s32 @!p0 $0x88, s6;
	s7 =	simm.s32 @p2 $0x1082  }
0x22: {  	[simem:s7], [sflag:s8] =	dma.local @!p0 [hbm:s6], $0xF7A  }
0x23: {  	s9 =	sor.u32 $0xD0000000, s2;
	s6 =	simm.s32 $0x108;
	_ =	swait.ge @!p0 [sflag:s8], $0x0  }
0x24: {  	s3 =	sadd.s32 $0x88, s3;
	s6 =	simm.s32 @!p1 $0x1082;
	[sflag:s4] =	ssyncset.s32 $0xFFFFF086  }
0x25: {  	[simem:s6], [sflag:s4] =	dma.local [hbm:s3], $0xF7A  }
0x26: {  	[smem:$0x3F9E] =	sst s1;
	(tag) =	ssettag s2;
	_ =	strace s9  }
0x27: {  	s1 =	sld [smem:$0x3FAE]  }
0x28: {  	s2 =	sld [smem:$0x3FAF]  }
0x29: {  	s4 =	sld [smem:$0x3FB1]  }
0x2a: {  	p0 =	seq.s32 s5, $0x0;
	s5 =	sld [smem:$0x3FB2]  }
0x2b: {  	s6 =	sld [smem:$0x3FB3]  }
0x2c: {  	s7 =	sld [smem:$0x3FB4]  }
0x2d: {  	s3 =	simm.s32 $0x108;
	s8 =	sld [smem:$0x3FB5]  }
0x2e: {  	s3 =	simm.s32 @!p0 $0x1082;
	s9 =	sld [smem:$0x3FB6]  }
0x2f: {  	lr =	sadd.s32 s0, s3;
	s0 =	sld [smem:$0x3FAD]  }
0x30: {  	s3 =	sld [smem:$0x3FB0]  }
0x31: {  	[smem:$0x3FB9] =	sst s10  }
0x32: {  	s10 =	sld [smem:$0x3FB7];
	_ =	sdelay $0x3  }
0x33: {  	p0 =	seq.s32 s10, $0x1;
	s10 =	sld [smem:$0x3FB9];
	_ =	sdelay $0x3  }
0x34: {  	[smem:$0x3FB9] =	sst s10  }
0x35: {  	s10 =	sld [smem:$0x3FB8];
	_ =	sdelay $0x3  }
0x36: {  	p1 =	seq.s32 s10, $0x1;
	s10 =	sld [smem:$0x3FB9];
	_ =	sdelay $0x3  }
0x37: {  	[smem:$0x3FB9] =	sst s10  }
0x38: {  	s10 =	sld [smem:$0x3FBA]  }
0x39: {  	_ = 	snop;
	(pc) =	sbr.ind lr, $3  }
0x3a: {  	_ = 	snop  }
0x3b: {  	_ = 	snop  }
0x3c: {  	p2 =	seq.s32 s10, $0x1;
	s10 =	sld [smem:$0x3FB9]  }
0x3d: {  	_ =	shalt  }
0x3e: {  	_ =	shalt  }
0x3f: {  	_ =	shalt  }
0x40: {  	_ =	shalt  }
0x41: {  	_ =	shalt  }
0x42: {  	_ =	shalt  }
0x43: {  	_ =	shalt  }
0x44: {  	_ =	shalt  }
0x45: {  	_ =	shalt  }
0x46: {  	_ =	shalt  }
0x47: {  	_ =	shalt  }
0x48: {  	_ =	shalt  }
0x49: {  	_ =	shalt  }
0x4a: {  	_ =	shalt  }
0x4b: {  	_ =	shalt  }
0x4c: {  	_ =	shalt  }
0x4d: {  	_ =	shalt  }
0x4e: {  	_ =	shalt  }
0x4f: {  	_ =	shalt  }
0x50: {  	_ =	shalt  }
0x51: {  	_ =	shalt  }
0x52: {  	_ =	shalt  }
0x53: {  	_ =	shalt  }
0x54: {  	_ =	shalt  }
0x55: {  	_ =	shalt  }
0x56: {  	_ =	shalt  }
0x57: {  	_ =	shalt  }
0x58: {  	_ =	shalt  }
0x59: {  	_ =	shalt  }
0x5a: {  	_ =	shalt  }
0x5b: {  	_ =	shalt  }
0x5c: {  	_ =	shalt  }
0x5d: {  	_ =	shalt  }
0x5e: {  	_ =	shalt  }
0x5f: {  	_ =	shalt  }
0x60: {  	_ =	shalt  }
0x61: {  	_ =	shalt  }
0x62: {  	_ =	shalt  }
0x63: {  	_ =	shalt  }
0x64: {  	_ =	shalt  }
0x65: {  	_ =	shalt  }
0x66: {  	_ =	shalt  }
0x67: {  	_ =	shalt  }
0x68: {  	_ =	shalt  }
0x69: {  	_ =	shalt  }
0x6a: {  	_ =	shalt  }
0x6b: {  	_ =	shalt  }
0x6c: {  	_ =	shalt  }
0x6d: {  	_ =	shalt  }
0x6e: {  	_ =	shalt  }
0x6f: {  	_ =	shalt  }
0x70: {  	_ =	shalt  }
0x71: {  	_ =	shalt  }
0x72: {  	_ =	shalt  }
0x73: {  	_ =	shalt  }
0x74: {  	_ =	shalt  }
0x75: {  	_ =	shalt  }
0x76: {  	_ =	shalt  }
0x77: {  	_ =	shalt  }
0x78: {  	_ =	shalt  }
0x79: {  	_ =	shalt  }
0x7a: {  	_ =	shalt  }
0x7b: {  	_ =	shalt  }
0x7c: {  	_ =	shalt  }
0x7d: {  	_ =	shalt  }
0x7e: {  	_ =	shalt  }
0x7f: {  	_ =	shalt  }
0x80: {  	_ =	shalt  }
0x81: {  	_ =	shalt  }
0x82: {  	_ =	shalt  }
0x83: {  	_ =	shalt  }
0x84: {  	_ =	shalt  }
0x85: {  	_ =	shalt  }
0x86: {  	_ =	shalt  }
0x87: {  	_ =	shalt  }
.Lfunc_end0:
.L_simem_size_0:
called_computation_lowered:
.L_overlay_start_0:
0x88: {  	s2 =	sld [smem:$0x3FD9]  }
0x89: {  	s3 =	sld [smem:$0x3FFE];
	_ =	sdelay $0x1  }
0x8a: {  	s1 =	srdreg.scid  }
0x8b: {  	s0 =	sand.u32 $0x1, s1  }
0x8c: {  	s17 =	sshll.u32 s0, $0xA;
	s2 =	sadd.s32 s3, s2  }
0x8d: {  	s2 =	sadd.s32 s2, s17  }
0x8e: {  	[smem:$0x3FC5] =	sst s2  }
0x8f: {  	_ = 	snop  }
0x90: {  	s2 =	sld [smem:$0x3FC7];
	(tm) =	ssettm $0x1  }
0x91: {  	s18 =	sld [smem:$0x3FFB];
	_ =	sdelay $0x3  }
0x92: {  	_ =	strace s18  }
0x93: {  	s3 =	sld [smem:$0x3FFC];
	_ =	sdelay $0x3  }
0x94: {  	_ =	strace s3  }
0x95: {  	s3 =	sld [smem:$0x3FFD];
	_ =	sdelay $0x3  }
0x96: {  	_ =	strace s3  }
0x97: {  	_ =	strace $0x8FFFFFFF  }
0x98: {  	s19 =	sld [smem:$0x3FDB];
	_ =	sdelay $0x1  }
0x99: {  	s4 =	simm.s32 $_scs_section_size  }
0x9a: {  	s5 =	simm.s32 $_size__tile_overlayer_lowered;
	s6 =	simm.s32 $_tile_overlayer_lowered  }
0x9b: {  	s22 =	simm.s32 $0x1BFF;
	s21 =	sshll.u32 s6, $0x1;
	s3 =	sadd.s32 s4, s19  }
0x9c: {  	s7 =	simm.s32 $0x0;
	s20 =	sshll.u32 s5, $0x1;
	s5 =	sadd.s32 s21, s3  }
0x9d: {  	[timem:s7], [sflag:s22] =	dma.local [hbm:s5], s20  }
0x9e: {  	_ =	swait.ge [sflag:s22], s20  }
0x9f: {  	s4 =	ssub.s32 $0x0, s20;
	[sflag:s22] =	ssyncset.done $0x0  }
0xa0: {  	[sflag:s22] =	ssyncadd.s32 s4;
	_ =	sdelay $0x1  }
0xa1: {  	s23 =	simm.s32 $0x1B8B  }
0xa2: {  	_ =	swait.ge [sflag:s23], $0x1  }
0xa3: {  	[sflag:s23] =	ssyncset.done $0x0  }
0xa4: {  	s25 =	simm.s32 $0x1B8E;
	s24 =	sld [smem:$0x3FFE];
	[sflag:s23] =	ssyncadd.s32 $0xFFFFFFFF  }
0xa5: {  	s26 =	simm.s32 $execute0_lowered;
	[smem:$0x3FD2] =	sst s25  }
0xa6: {  	s5 =	sshll.u32 s26, $0x1;
	_ =	strace $0x80000046;
	[dreg:$0x1] =	wrdreg $0xFFFFFFFF  }
0xa7: {  	s28 =	simm.s32 $_size_execute0_lowered;
	s3 =	sadd.s32 s3, s5;
	[dreg:$0x0] =	wrdreg $0x0  }
0xa8: {  	s5 =	sshll.u32 s28, $0x1;
	[dreg:$0x2] =	wrdreg s3  }
0xa9: {  	[dreg:$0x3] =	wrdreg s5  }
0xaa: {  	[dreg:$0x4] =	wrdreg $0xC0  }
0xab: {  	_ =	task [dreg:s7], $0x5FFFF  }
0xac: {  	[dreg:$0x1] =	wrdreg $0xFFFFFFFF  }
0xad: {  	[dreg:$0x0] =	wrdreg $0x60  }
0xae: {  	[dreg:$0x2] =	wrdreg s24  }
0xaf: {  	[dreg:$0x3] =	wrdreg s2  }
0xb0: {  	[dreg:$0x4] =	wrdreg $0x9  }
0xb1: {  	_ =	task.clear_ibuf [dreg:s7], $0x5FFFF;
	_ =	strace $0x90000046  }
0xb2: {  	s29 =	simm.s32 $0x9;
	_ =	strace $0x80000048  }
0xb3: {  	_ =	swait.ge [sflag:s29], $0x1  }
0xb4: {  	[sflag:s29] =	ssyncadd.s32 $0xFFFFFFFF  }
0xb5: {  	_ =	strace $0x90000048  }
0xb6: {  	_ =	sfence  }
0xb7: {  	s30 =	sld [smem:$0x0];
	_ =	sdelay $0x2  }
0xb8: {  	s31 =	sshll.u32 s1, $0xD;
	s1 =	sshrl.u32 s1, $0x2  }
0xb9: {  	s3 =	sand.u32 $0x4000, s31;
	s1 =	sadd.s32 s1, s30  }
0xba: {  	s0 =	sor.u32 s3, s0;
	s1 =	sshll.u32 s1, $0x11  }
0xbb: {  	s0 =	sor.u32 s1, s0  }
0xbc: {  	s0 =	sadd.s32 $0x8F2B, s0  }
0xbd: {  	[sflag:s0] =	ssyncadd.remote.s32 $0x1  }
0xbe: {  	_ =	sfence.sel $0xFFFF  }
0xbf: {  	[dreg:$0x0] =	wrdreg $0xFFFFFFFF;
	(pc) =	sbr.abs _section_cstart, $3  }
0xc0: {  	[dreg:$0x1] =	wrdreg $0xFFFFFFFF  }
0xc1: {  	_ =	task.clear_ibuf [dreg:s7], $0x2FFFF;
	_ =	strace $0x9FFFFFFF  }
0xc2: {  	(tm) =	ssettm $0x7FFFFFFF  }
0xc3: {  	_ =	shalt  }
tec
execute0_lowered:
.L_overlay_start_1:
0x0: {  	(tag) =	ssettag $0x1  }
0x1: {  	v0 =	vlaneseq.u32  }
0x2: {  	v0 =	vmul.u32 $0x10, v0;
	_ =	sdelay $0x1  }
0x3: {  	v1 =	vor.u32 $0x1, v0  }
0x4: {  	[tilespmem:$0x1FC90] =	vst v1;
	v1 =	vor.u32 $0x2, v0  }
0x5: {  	[tilespmem:$0x1FCA0] =	vst v1;
	v1 =	vor.u32 $0x3, v0  }
0x6: {  	[tilespmem:$0x1FCB0] =	vst v1;
	v1 =	vor.u32 $0x4, v0  }
0x7: {  	[tilespmem:$0x1FCC0] =	vst v1;
	v1 =	vor.u32 $0x5, v0  }
0x8: {  	[tilespmem:$0x1FCD0] =	vst v1;
	v1 =	vor.u32 $0x6, v0  }
0x9: {  	[tilespmem:$0x1FCE0] =	vst v1;
	v1 =	vor.u32 $0x7, v0  }
0xa: {  	[tilespmem:$0x1FCF0] =	vst v1;
	v1 =	vor.u32 $0x8, v0  }
0xb: {  	[tilespmem:$0x1FD00] =	vst v1;
	v1 =	vor.u32 $0x9, v0  }
0xc: {  	[tilespmem:$0x1FD10] =	vst v1;
	v1 =	vor.u32 $0xA, v0  }
0xd: {  	[tilespmem:$0x1FD20] =	vst v1;
	v1 =	vor.u32 $0xB, v0  }
0xe: {  	[tilespmem:$0x1FD30] =	vst v1;
	v1 =	vor.u32 $0xC, v0  }
0xf: {  	[tilespmem:$0x1FD40] =	vst v1;
	v1 =	vor.u32 $0xD, v0  }
0x10: {  	[tilespmem:$0x1FD50] =	vst v1;
	v1 =	vor.u32 $0xE, v0  }
0x11: {  	[tilespmem:$0x1FD60] =	vst v1;
	v1 =	vor.u32 $0xF, v0  }
0x12: {  	[tilespmem:$0x1FD70] =	vst v1;
	v1 =	vor.u32 $0x100, v0  }
0x13: {  	[tilespmem:$0x1FD80] =	vst v1;
	v1 =	vor.u32 $0x101, v0  }
0x14: {  	[tilespmem:$0x1FD90] =	vst v1;
	v1 =	vor.u32 $0x102, v0  }
0x15: {  	[tilespmem:$0x1FDA0] =	vst v1;
	v1 =	vor.u32 $0x103, v0  }
0x16: {  	[tilespmem:$0x1FDB0] =	vst v1;
	v1 =	vor.u32 $0x104, v0  }
0x17: {  	[tilespmem:$0x1FDC0] =	vst v1;
	v1 =	vor.u32 $0x105, v0  }
0x18: {  	[tilespmem:$0x1FDD0] =	vst v1;
	v1 =	vor.u32 $0x106, v0  }
0x19: {  	[tilespmem:$0x1FDE0] =	vst v1;
	v1 =	vor.u32 $0x107, v0  }
0x1a: {  	[tilespmem:$0x1FDF0] =	vst v1;
	v1 =	vor.u32 $0x108, v0  }
0x1b: {  	[tilespmem:$0x1FE00] =	vst v1;
	v1 =	vor.u32 $0x109, v0  }
0x1c: {  	[tilespmem:$0x1FE10] =	vst v1;
	v1 =	vor.u32 $0x10A, v0  }
0x1d: {  	[tilespmem:$0x1FE20] =	vst v1;
	v1 =	vor.u32 $0x10B, v0  }
0x1e: {  	[tilespmem:$0x1FE30] =	vst v1;
	v1 =	vor.u32 $0x10C, v0  }
0x1f: {  	[tilespmem:$0x1FE40] =	vst v1;
	v1 =	vor.u32 $0x10D, v0  }
0x20: {  	[tilespmem:$0x1FE50] =	vst v1;
	v1 =	vor.u32 $0x10E, v0  }
0x21: {  	s4 =	rddreg [dreg:$0x0];
	s3 =	simm.s32 $0x0;
	[tilespmem:$0x1FE60] =	vst v1;
	v1 =	vor.u32 $0x10F, v0  }
0x22: {  	[smem:$0x7FF] =	sst s3;
	[tilespmem:$0x1FE70] =	vst v1;
	v1 =	vor.u32 $0x200, v0  }
0x23: {  	s2 =	rddreg [dreg:$0x1];
	_ =	strace $0x80000047;
	[tilespmem:$0x1FE80] =	vst v1;
	v1 =	vor.u32 $0x201, v0  }
0x24: {  	[tilespmem:$0x1FE90] =	vst v1;
	v1 =	vor.u32 $0x202, v0  }
0x25: {  	[tilespmem:$0x1FEA0] =	vst v1;
	v1 =	vor.u32 $0x203, v0  }
0x26: {  	[tilespmem:$0x1FEB0] =	vst v1;
	v1 =	vor.u32 $0x204, v0  }
0x27: {  	[tilespmem:$0x1FEC0] =	vst v1;
	v1 =	vor.u32 $0x205, v0  }
0x28: {  	[tilespmem:$0x1FED0] =	vst v1;
	v1 =	vor.u32 $0x206, v0  }
0x29: {  	[tilespmem:$0x1FEE0] =	vst v1;
	v1 =	vor.u32 $0x207, v0  }
0x2a: {  	[tilespmem:$0x1FEF0] =	vst v1;
	v1 =	vor.u32 $0x208, v0  }
0x2b: {  	[tilespmem:$0x1FF00] =	vst v1;
	v1 =	vor.u32 $0x209, v0  }
0x2c: {  	[tilespmem:$0x1FF10] =	vst v1;
	v1 =	vor.u32 $0x20A, v0  }
0x2d: {  	[tilespmem:$0x1FF20] =	vst v1;
	v1 =	vor.u32 $0x20B, v0  }
0x2e: {  	[tilespmem:$0x1FF30] =	vst v1;
	v1 =	vor.u32 $0x20C, v0  }
0x2f: {  	[tilespmem:$0x1FF40] =	vst v1;
	v1 =	vor.u32 $0x20D, v0  }
0x30: {  	s1 =	srdreg.scid;
	[tilespmem:$0x1FF50] =	vst v1;
	v1 =	vor.u32 $0x20E, v0  }
0x31: {  	s0 =	stileid.u32;
	s9 =	simm.s32 $0x3;
	s10 =	simm.s32 $0x1400;
	[tilespmem:$0x1FF60] =	vst v1;
	v1 =	vor.u32 $0x20F, v0  }
0x32: {  	s11 =	simm.s32 $0x50;
	s12 =	simm.s32 $0x2800;
	s13 =	simm.s32 $0x5000;
	[tilespmem:$0x1FF70] =	vst v1;
	v1 =	vor.u32 $0x300, v0  }
0x33: {  	s14 =	simm.s32 $0x7800;
	s5 =	sand.u32 $0x1, s1;
	s31 =	sshll.u32 s0, $0x1;
	[tilespmem:$0x1FF80] =	vst v1;
	v1 =	vor.u32 $0x301, v0  }
0x34: {  	s15 =	simm.s32 $0xA000;
	s16 =	simm.s32 $0x1;
	s6 =	sor.u32 s5, s31;
	[tilespmem:$0x1FF90] =	vst v1;
	v1 =	vor.u32 $0x302, v0  }
0x35: {  	s17 =	simm.s32 $0xC800;
	s18 =	simm.s32 $0x2;
	s7 =	smul.u32 $0x1200, s6;
	[tilespmem:$0x1FFA0] =	vst v1;
	v1 =	vor.u32 $0x303, v0  }
0x36: {  	s19 =	simm.s32 $0xD100;
	s5 =	ssub.s32 $0x2, s5;
	s6 =	smul.u32 $0x280, s6;
	[tilespmem:$0x1FFB0] =	vst v1;
	v1 =	vor.u32 $0x304, v0  }
0x37: {  	s20 =	simm.s32 $0xE300;
	s21 =	simm.s32 $0x0;
	s8 =	sshrl.u32 s5, $0x1;
	[tilespmem:$0x1FFC0] =	vst v1;
	v1 =	vor.u32 $0x305, v0  }
0x38: {  	s8 =	ssub.s32 s5, s8;
	s7 =	sshrl.u32 s7, $0x3;
	s6 =	sadd.s32 s6, s4;
	[tilespmem:$0x1FFD0] =	vst v1;
	v1 =	vor.u32 $0x306, v0  }
0x39: {  	s8 =	smax.u32 s8, $0x1;
	s7 =	sadd.s32 s7, s4;
	s4 =	sadd.s32 $0x800, s6;
	[tilespmem:$0x1FFE0] =	vst v1;
	v1 =	vor.u32 $0x307, v0  }
0x3a: {  	s5 =	sadd.s32 $0x5800, s6;
	s6 =	sadd.s32 $0xA800, s7;
	s7 =	sadd.s32 $0xF000, s7;
	[tilespmem:$0x1FFF0] =	vst v1  }
.LBB2_1:
0x3b: {  	[tilespmem:s3], [sflag:$0x3] =	stream.linear.gather [hbm4b:s4+s3], $0x1400, $0x38;
	[tilespmem:$0xF500] =	vst v63  }
0x3c: {  	_ =	swait.ge [sflag:s9], $0x1400  }
0x3d: {  	[sflag:s9] =	ssyncset.done $0x0  }
0x3e: {  	[sflag:s9] =	ssyncadd.s32 $0xFFFFEC00  }
0x3f: {  	[tilespmem:s10], [sflag:$0x3] =	stream.linear.gather [hbm4b:s5+s3], $0x1400, $0x38;
	[tilespmem:$0xF500] =	vst v63  }
0x40: {  	_ =	swait.ge [sflag:s9], $0x1400  }
0x41: {  	[sflag:s9] =	ssyncset.done $0x0  }
0x42: {  	[sflag:s9] =	ssyncadd.s32 $0xFFFFEC00  }
0x43: {  	[tilespmem:s12], [sflag:$0x1] =	stream.indirect.gather [hbm4b:s2+s11], $0x80, s3, s11, $0xb8;
	[tilespmem:$0xF500] =	vst v63  }
0x44: {  	s23 =	simm.s32 $0x0  }
0x45: {  	[tilespmem:s13], [sflag:$0x1] =	stream.indirect.gather [hbm4b:s2+s11], $0x80, s11, s11, $0xb8;
	[tilespmem:$0xF500] =	vst v63  }
.LBB2_2:
0x46: {  	s22 =	sshllo.u32 s23, $0x1  }
0x47: {  	s24 =	smul.u32 $0x280, s22;
	_ =	sdelay $0x1  }
0x48: {  	s24 =	sshra.s32 s24, $0x2  }
0x49: {  	[tilespmem:s14], [sflag:$0x2] =	stream.indirect.gather [hbm4b:s2+s11], $0x80, s24, s11, $0xb8;
	[tilespmem:$0xF500] =	vst v63  }
0x4a: {  	s24 =	sadd.s32 $0x50, s24  }
0x4b: {  	[tilespmem:s15], [sflag:$0x2] =	stream.indirect.gather [hbm4b:s2+s11], $0x80, s24, s11, $0xb8;
	[tilespmem:$0xF500] =	vst v63  }
0x4c: {  	_ =	swait.ge [sflag:s16], $0x2800  }
0x4d: {  	[sflag:s16] =	ssyncset.done $0x0  }
0x4e: {  	[sflag:s16] =	ssyncadd.s32 $0xFFFFD800  }
0x4f: {  	_ =	swait.ge [sflag:s16], $0x2800  }
0x50: {  	[sflag:s16] =	ssyncset.done $0x0  }
0x51: {  	s24 =	simm.s32 $0x2A80;
	[sflag:s16] =	ssyncadd.s32 $0xFFFFD800  }
0x52: {  	v9 =	vld [tilespmem:s24+$0xFFFFFE30]  }
0x53: {  	v1 =	vld [tilespmem:s24+$0xFFFFFD80]  }
0x54: {  	v10 =	vld [tilespmem:s24+$0xFFFFFE20]  }
0x55: {  	v11 =	vld [tilespmem:s24+$0xFFFFFE70]  }
0x56: {  	v12 =	vld [tilespmem:s24+$0xFFFFFE10]  }
0x57: {  	v13 =	vld [tilespmem:s24+$0xFFFFFE60]  }
0x58: {  	v14 =	vld [tilespmem:s24+$0xFFFFFE50]  }
0x59: {  	v15 =	vld [tilespmem:s24+$0xFFFFFE00]  }
0x5a: {  	v16 =	vld [tilespmem:s24+$0xFFFFFE40]  }
0x5b: {  	v6 =	vld [tilespmem:s24+$0xFFFFFDF0]  }
0x5c: {  	v3 =	vld [tilespmem:s24+$0xFFFFFDE0]  }
0x5d: {  	v2 =	vld [tilespmem:s24+$0xFFFFFDD0]  }
0x5e: {  	v4 =	vld [tilespmem:s24+$0xFFFFFDC0]  }
0x5f: {  	v5 =	vld [tilespmem:s24+$0xFFFFFDB0]  }
0x60: {  	v7 =	vld [tilespmem:s24+$0xFFFFFDA0]  }
0x61: {  	v8 =	vld [tilespmem:s24+$0xFFFFFD90];
	_ =	sdelay $0x1  }
0x62: {  	v13 =	vmul.f32 v13, v3;
	v11 =	vmul.f32 v11, v6  }
0x63: {  	v14 =	vmul.f32 v14, v2;
	v16 =	vmul.f32 v16, v4  }
0x64: {  	v15 =	vmul.f32 v15, v1;
	v10 =	vmul.f32 v10, v7  }
0x65: {  	v12 =	vmul.f32 v12, v8;
	v9 =	vmul.f32 v9, v5  }
0x66: {  	v11 =	vadd.f32 v11, v13;
	v13 =	vadd.f32 v14, v16  }
0x67: {  	v12 =	vadd.f32 v12, v15;
	v9 =	vadd.f32 v9, v10;
	_ =	sdelay $0x1  }
0x68: {  	v10 =	vadd.f32 v11, v13;
	v9 =	vadd.f32 v9, v12;
	_ =	sdelay $0x1  }
0x69: {  	v9 =	vadd.f32 v10, v9  }
0x6a: {  	s25 =	simm.s32 $0xC840  }
0x6b: {  	[tilespmem:s25+$0xFFFFFFC0] =	vst v9  }
0x6c: {  	v9 =	vld [tilespmem:s24+$0xFFFFFEF0]  }
0x6d: {  	v10 =	vld [tilespmem:s24+$0xFFFFFEB0]  }
0x6e: {  	v11 =	vld [tilespmem:s24+$0xFFFFFED0]  }
0x6f: {  	v12 =	vld [tilespmem:s24+$0xFFFFFEA0]  }
0x70: {  	v13 =	vld [tilespmem:s24+$0xFFFFFE90]  }
0x71: {  	v14 =	vld [tilespmem:s24+$0xFFFFFEE0]  }
0x72: {  	v15 =	vld [tilespmem:s24+$0xFFFFFEC0]  }
0x73: {  	v59 =	vld [tilespmem:s24+$0xFFFFFE80];
	_ =	sdelay $0x1  }
0x74: {  	v9 =	vmul.f32 v9, v6;
	v11 =	vmul.f32 v11, v2  }
0x75: {  	v12 =	vmul.f32 v12, v7;
	v13 =	vmul.f32 v13, v8  }
0x76: {  	v14 =	vmul.f32 v14, v3;
	v15 =	vmul.f32 v15, v4  }
0x77: {  	v16 =	vmul.f32 v59, v1;
	v10 =	vmul.f32 v10, v5  }
0x78: {  	v9 =	vadd.f32 v9, v14;
	v11 =	vadd.f32 v11, v15  }
0x79: {  	v13 =	vadd.f32 v13, v16;
	v10 =	vadd.f32 v10, v12;
	_ =	sdelay $0x1  }
0x7a: {  	v10 =	vadd.f32 v10, v13;
	v9 =	vadd.f32 v9, v11;
	_ =	sdelay $0x1  }
0x7b: {  	v9 =	vadd.f32 v9, v10;
	_ =	sdelay $0x1  }
0x7c: {  	[tilespmem:s25+$0xFFFFFFD0] =	vst v9  }
0x7d: {  	v9 =	vld [tilespmem:s24+$0xFFFFFF70]  }
0x7e: {  	v10 =	vld [tilespmem:s24+$0xFFFFFF60]  }
0x7f: {  	v11 =	vld [tilespmem:s24+$0xFFFFFF50]  }
0x80: {  	v12 =	vld [tilespmem:s24+$0xFFFFFF10]  }
0x81: {  	v13 =	vld [tilespmem:s24+$0xFFFFFF40]  }
0x82: {  	v14 =	vld [tilespmem:s24+$0xFFFFFF20]  }
0x83: {  	v15 =	vld [tilespmem:s24+$0xFFFFFF30]  }
0x84: {  	v60 =	vld [tilespmem:s24+$0xFFFFFF00];
	_ =	sdelay $0x1  }
0x85: {  	v10 =	vmul.f32 v10, v3;
	v11 =	vmul.f32 v11, v2  }
0x86: {  	v13 =	vmul.f32 v13, v4;
	v9 =	vmul.f32 v9, v6  }
0x87: {  	v12 =	vmul.f32 v12, v8;
	v14 =	vmul.f32 v14, v7  }
0x88: {  	v15 =	vmul.f32 v15, v5;
	v16 =	vmul.f32 v60, v1  }
0x89: {  	v9 =	vadd.f32 v9, v10;
	v10 =	vadd.f32 v11, v13  }
0x8a: {  	v11 =	vadd.f32 v15, v14;
	v12 =	vadd.f32 v12, v16;
	_ =	sdelay $0x1  }
0x8b: {  	v9 =	vadd.f32 v9, v10;
	v10 =	vadd.f32 v11, v12;
	_ =	sdelay $0x1  }
0x8c: {  	v9 =	vadd.f32 v9, v10;
	_ =	sdelay $0x1  }
0x8d: {  	[tilespmem:s25+$0xFFFFFFE0] =	vst v9  }
0x8e: {  	v9 =	vld [tilespmem:s24+$0xFFFFFFF0]  }
0x8f: {  	v10 =	vld [tilespmem:s24+$0xFFFFFFE0]  }
0x90: {  	v11 =	vld [tilespmem:s24+$0xFFFFFFD0]  }
0x91: {  	v12 =	vld [tilespmem:s24+$0xFFFFFF90]  }
0x92: {  	v13 =	vld [tilespmem:s24+$0xFFFFFFC0]  }
0x93: {  	v14 =	vld [tilespmem:s24+$0xFFFFFFA0]  }
0x94: {  	v15 =	vld [tilespmem:s24+$0xFFFFFF80]  }
0x95: {  	v61 =	vld [tilespmem:s24+$0xFFFFFFB0];
	_ =	sdelay $0x1  }
0x96: {  	v10 =	vmul.f32 v10, v3;
	v11 =	vmul.f32 v11, v2  }
0x97: {  	v12 =	vmul.f32 v12, v8;
	v13 =	vmul.f32 v13, v4  }
0x98: {  	v14 =	vmul.f32 v14, v7;
	v9 =	vmul.f32 v9, v6  }
0x99: {  	v15 =	vmul.f32 v15, v1;
	v16 =	vmul.f32 v61, v5  }
0x9a: {  	v11 =	vadd.f32 v11, v13;
	v9 =	vadd.f32 v9, v10  }
0x9b: {  	v10 =	vadd.f32 v12, v15;
	v12 =	vadd.f32 v16, v14;
	_ =	sdelay $0x1  }
0x9c: {  	v9 =	vadd.f32 v9, v11;
	v10 =	vadd.f32 v12, v10;
	_ =	sdelay $0x1  }
0x9d: {  	v9 =	vadd.f32 v9, v10;
	_ =	sdelay $0x1  }
0x9e: {  	[tilespmem:s25+$0xFFFFFFF0] =	vst v9  }
0x9f: {  	v9 =	vld [tilespmem:s24+$0x40]  }
0xa0: {  	v10 =	vld [tilespmem:s24+$0x70]  }
0xa1: {  	v11 =	vld [tilespmem:s24+$0x60]  }
0xa2: {  	v12 =	vld [tilespmem:s24+$0x10]  }
0xa3: {  	v13 =	vld [tilespmem:s24+$0x20]  }
0xa4: {  	v14 =	vld [tilespmem:s24+$0x50]  }
0xa5: {  	v15 =	vld [tilespmem:s24+$0x30]  }
0xa6: {  	v62 =	vld [tilespmem:s24+$0x0];
	_ =	sdelay $0x1  }
0xa7: {  	v11 =	vmul.f32 v11, v3;
	v10 =	vmul.f32 v10, v6  }
0xa8: {  	v12 =	vmul.f32 v12, v8;
	v13 =	vmul.f32 v13, v7  }
0xa9: {  	v14 =	vmul.f32 v14, v2;
	v15 =	vmul.f32 v15, v5  }
0xaa: {  	v9 =	vmul.f32 v9, v4;
	v16 =	vmul.f32 v62, v1  }
0xab: {  	v10 =	vadd.f32 v10, v11;
	v11 =	vadd.f32 v15, v13  }
0xac: {  	v9 =	vadd.f32 v14, v9;
	v12 =	vadd.f32 v12, v16;
	_ =	sdelay $0x1  }
0xad: {  	v9 =	vadd.f32 v10, v9;
	v10 =	vadd.f32 v11, v12;
	_ =	sdelay $0x1  }
0xae: {  	v9 =	vadd.f32 v9, v10;
	_ =	sdelay $0x1  }
0xaf: {  	[tilespmem:s25+$0x0] =	vst v9  }
0xb0: {  	v9 =	vld [tilespmem:s24+$0xF0]  }
0xb1: {  	v10 =	vld [tilespmem:s24+$0x80]  }
0xb2: {  	v11 =	vld [tilespmem:s24+$0xB0]  }
0xb3: {  	v12 =	vld [tilespmem:s24+$0xE0]  }
0xb4: {  	v13 =	vld [tilespmem:s24+$0xC0]  }
0xb5: {  	v14 =	vld [tilespmem:s24+$0xA0]  }
0xb6: {  	v15 =	vld [tilespmem:s24+$0xD0]  }
0xb7: {  	v63 =	vld [tilespmem:s24+$0x90];
	_ =	sdelay $0x1  }
0xb8: {  	v10 =	vmul.f32 v10, v1;
	v11 =	vmul.f32 v11, v5  }
0xb9: {  	v12 =	vmul.f32 v12, v3;
	v13 =	vmul.f32 v13, v4  }
0xba: {  	v14 =	vmul.f32 v14, v7;
	v9 =	vmul.f32 v9, v6  }
0xbb: {  	v15 =	vmul.f32 v15, v2;
	v16 =	vmul.f32 v63, v8  }
0xbc: {  	v11 =	vadd.f32 v11, v14;
	v9 =	vadd.f32 v9, v12  }
0xbd: {  	v12 =	vadd.f32 v15, v13;
	v10 =	vadd.f32 v16, v10;
	_ =	sdelay $0x1  }
0xbe: {  	v9 =	vadd.f32 v9, v12;
	v10 =	vadd.f32 v11, v10;
	_ =	sdelay $0x1  }
0xbf: {  	v9 =	vadd.f32 v9, v10;
	_ =	sdelay $0x1  }
0xc0: {  	[tilespmem:s25+$0x10] =	vst v9  }
0xc1: {  	v9 =	vld [tilespmem:s24+$0x170]  }
0xc2: {  	v11 =	vld [tilespmem:s24+$0x160]  }
0xc3: {  	v14 =	vld [tilespmem:s24+$0x150]  }
0xc4: {  	v10 =	vld [tilespmem:s24+$0x120]  }
0xc5: {  	s26 =	simm.s32 $0x0;
	v13 =	vld [tilespmem:s24+$0x110]  }
0xc6: {  	s29 =	simm.s32 $0x90;
	s30 =	simm.s32 $0x2A80;
	s28 =	simm.s32 $0xC840;
	v12 =	vld [tilespmem:s24+$0x140]  }
.LBB2_3:
0xc7: {  	p0 =	sne.s32 s29, $0x870;
	v15 =	vld [tilespmem:s24+$0x130];
	s30 =	sadd.s32 $0x500, s30;
	s25 =	sadd.s32 $0x90, s25  }
0xc8: {  	v11 =	vmul.f32 v11, v3;
	s31 =	smov.u32 s29;
	s29 =	sadd.s32 $0x90, s29;
	v16 =	vld [tilespmem:s24+$0x100];
	v14 =	vmul.f32 v14, v2  }
0xc9: {  	v9 =	vmul.f32 v9, v6  }
0xca: {  	v10 =	vmul.f32 v10, v7;
	v13 =	vmul.f32 v13, v8  }
0xcb: {  	v9 =	vadd.f32 v9, v11;
	v12 =	vmul.f32 v12, v4  }
0xcc: {  	v11 =	vmul.f32 v15, v5  }
0xcd: {  	v15 =	vmul.f32 v16, v1;
	v12 =	vadd.f32 v14, v12  }
0xce: {  	v10 =	vadd.f32 v11, v10  }
0xcf: {  	v11 =	vadd.f32 v13, v15;
	v9 =	vadd.f32 v9, v12;
	_ =	sdelay $0x1  }
0xd0: {  	v10 =	vadd.f32 v10, v11;
	_ =	sdelay $0x1  }
0xd1: {  	v9 =	vadd.f32 v9, v10;
	_ =	sdelay $0x1  }
0xd2: {  	[tilespmem:s28+$0x20] =	vst v9  }
0xd3: {  	v9 =	vld [tilespmem:s24+$0x1E0]  }
0xd4: {  	v10 =	vld [tilespmem:s24+$0x1F0]  }
0xd5: {  	v11 =	vld [tilespmem:s24+$0x1B0]  }
0xd6: {  	v12 =	vld [tilespmem:s24+$0x190]  }
0xd7: {  	v13 =	vld [tilespmem:s24+$0x1D0]  }
0xd8: {  	v14 =	vld [tilespmem:s24+$0x1A0]  }
0xd9: {  	v15 =	vld [tilespmem:s24+$0x180];
	v10 =	vmul.f32 v10, v6  }
0xda: {  	v16 =	vld [tilespmem:s24+$0x1C0]  }
0xdb: {  	v12 =	vmul.f32 v12, v8  }
0xdc: {  	v11 =	vmul.f32 v11, v5;
	v13 =	vmul.f32 v13, v2  }
0xdd: {  	v9 =	vmul.f32 v9, v3;
	v14 =	vmul.f32 v14, v7  }
0xde: {  	v15 =	vmul.f32 v15, v1  }
0xdf: {  	v9 =	vadd.f32 v10, v9;
	v16 =	vmul.f32 v16, v4;
	v11 =	vadd.f32 v11, v14  }
0xe0: {  	v10 =	vadd.f32 v12, v15  }
0xe1: {  	v12 =	vadd.f32 v13, v16  }
0xe2: {  	v10 =	vadd.f32 v11, v10  }
0xe3: {  	v9 =	vadd.f32 v9, v12;
	_ =	sdelay $0x1  }
0xe4: {  	v9 =	vadd.f32 v9, v10;
	_ =	sdelay $0x1  }
0xe5: {  	[tilespmem:s28+$0x30] =	vst v9;
	s28 =	smov.u32 s25  }
0xe6: {  	v9 =	vld [tilespmem:s24+$0x260]  }
0xe7: {  	v10 =	vld [tilespmem:s24+$0x270]  }
0xe8: {  	v11 =	vld [tilespmem:s24+$0x200]  }
0xe9: {  	v12 =	vld [tilespmem:s24+$0x210]  }
0xea: {  	v13 =	vld [tilespmem:s24+$0x230]  }
0xeb: {  	v14 =	vld [tilespmem:s24+$0x220]  }
0xec: {  	v15 =	vld [tilespmem:s24+$0x240];
	v6 =	vmul.f32 v10, v6  }
0xed: {  	v1 =	vmul.f32 v11, v1;
	v10 =	vld [tilespmem:s24+$0x250];
	s24 =	smov.u32 s30  }
0xee: {  	v8 =	vmul.f32 v12, v8;
	_ =	sdelay $0x1  }
0xef: {  	v5 =	vmul.f32 v13, v5;
	v7 =	vmul.f32 v14, v7;
	v1 =	vadd.f32 v8, v1  }
0xf0: {  	v3 =	vmul.f32 v9, v3;
	v4 =	vmul.f32 v15, v4  }
0xf1: {  	v2 =	vmul.f32 v10, v2;
	v5 =	vadd.f32 v5, v7  }
0xf2: {  	v3 =	vadd.f32 v6, v3  }
0xf3: {  	v2 =	vadd.f32 v2, v4  }
0xf4: {  	v1 =	vadd.f32 v5, v1  }
0xf5: {  	v2 =	vadd.f32 v3, v2;
	_ =	sdelay $0x1  }
0xf6: {  	s1 =	sand.u32 $0xFF0, s26;
	s26 =	smov.u32 s31;
	v1 =	vadd.f32 v2, v1;
	_ =	sdelay $0x1  }
0xf7: {  	[tilespmem:s1+$0xC880] =	vst v1  }
0xf8: {  	v9 =	vld [tilespmem:s30+$0xFFFFFE30]  }
0xf9: {  	v1 =	vld [tilespmem:s30+$0xFFFFFD80]  }
0xfa: {  	v10 =	vld [tilespmem:s30+$0xFFFFFE20]  }
0xfb: {  	v11 =	vld [tilespmem:s30+$0xFFFFFE70]  }
0xfc: {  	v12 =	vld [tilespmem:s30+$0xFFFFFE10]  }
0xfd: {  	v13 =	vld [tilespmem:s30+$0xFFFFFE60]  }
0xfe: {  	v14 =	vld [tilespmem:s30+$0xFFFFFE50]  }
0xff: {  	v15 =	vld [tilespmem:s30+$0xFFFFFE00]  }
0x100: {  	v16 =	vld [tilespmem:s30+$0xFFFFFE40]  }
0x101: {  	v6 =	vld [tilespmem:s30+$0xFFFFFDF0]  }
0x102: {  	v3 =	vld [tilespmem:s30+$0xFFFFFDE0]  }
0x103: {  	v2 =	vld [tilespmem:s30+$0xFFFFFDD0]  }
0x104: {  	v4 =	vld [tilespmem:s30+$0xFFFFFDC0]  }
0x105: {  	v5 =	vld [tilespmem:s30+$0xFFFFFDB0]  }
0x106: {  	v7 =	vld [tilespmem:s30+$0xFFFFFDA0]  }
0x107: {  	v11 =	vmul.f32 v11, v6;
	v8 =	vld [tilespmem:s30+$0xFFFFFD90];
	v13 =	vmul.f32 v13, v3  }
0x108: {  	v14 =	vmul.f32 v14, v2  }
0x109: {  	v16 =	vmul.f32 v16, v4;
	v11 =	vadd.f32 v11, v13;
	_ =	sdelay $0x1  }
0x10a: {  	v13 =	vmul.f32 v15, v1;
	v10 =	vmul.f32 v10, v7;
	v14 =	vadd.f32 v14, v16  }
0x10b: {  	v9 =	vmul.f32 v9, v5;
	v12 =	vmul.f32 v12, v8  }
0x10c: {  	v11 =	vadd.f32 v11, v14  }
0x10d: {  	v9 =	vadd.f32 v9, v10;
	v12 =	vadd.f32 v12, v13;
	_ =	sdelay $0x1  }
0x10e: {  	v9 =	vadd.f32 v9, v12;
	_ =	sdelay $0x1  }
0x10f: {  	v9 =	vadd.f32 v11, v9;
	_ =	sdelay $0x1  }
0x110: {  	[tilespmem:s25+$0xFFFFFFC0] =	vst v9  }
0x111: {  	v9 =	vld [tilespmem:s30+$0xFFFFFEF0]  }
0x112: {  	v10 =	vld [tilespmem:s30+$0xFFFFFEB0]  }
0x113: {  	v11 =	vld [tilespmem:s30+$0xFFFFFED0]  }
0x114: {  	v12 =	vld [tilespmem:s30+$0xFFFFFEA0]  }
0x115: {  	v13 =	vld [tilespmem:s30+$0xFFFFFE90]  }
0x116: {  	v14 =	vld [tilespmem:s30+$0xFFFFFEE0];
	v9 =	vmul.f32 v9, v6  }
0x117: {  	v15 =	vld [tilespmem:s30+$0xFFFFFEC0]  }
0x118: {  	v16 =	vld [tilespmem:s30+$0xFFFFFE80];
	v11 =	vmul.f32 v11, v2  }
0x119: {  	v12 =	vmul.f32 v12, v7  }
0x11a: {  	v13 =	vmul.f32 v13, v8  }
0x11b: {  	v14 =	vmul.f32 v14, v3  }
0x11c: {  	v15 =	vmul.f32 v15, v4  }
0x11d: {  	v10 =	vmul.f32 v10, v5;
	v16 =	vmul.f32 v16, v1;
	v9 =	vadd.f32 v9, v14  }
0x11e: {  	v11 =	vadd.f32 v11, v15  }
0x11f: {  	v10 =	vadd.f32 v10, v12;
	v13 =	vadd.f32 v13, v16;
	_ =	sdelay $0x1  }
0x120: {  	v9 =	vadd.f32 v9, v11;
	v10 =	vadd.f32 v10, v13;
	_ =	sdelay $0x1  }
0x121: {  	v9 =	vadd.f32 v9, v10;
	_ =	sdelay $0x1  }
0x122: {  	[tilespmem:s25+$0xFFFFFFD0] =	vst v9  }
0x123: {  	v9 =	vld [tilespmem:s30+$0xFFFFFF70]  }
0x124: {  	v10 =	vld [tilespmem:s30+$0xFFFFFF60]  }
0x125: {  	v11 =	vld [tilespmem:s30+$0xFFFFFF50]  }
0x126: {  	v12 =	vld [tilespmem:s30+$0xFFFFFF10]  }
0x127: {  	v13 =	vld [tilespmem:s30+$0xFFFFFF40]  }
0x128: {  	v14 =	vld [tilespmem:s30+$0xFFFFFF20]  }
0x129: {  	v15 =	vld [tilespmem:s30+$0xFFFFFF30];
	v10 =	vmul.f32 v10, v3  }
0x12a: {  	v16 =	vld [tilespmem:s30+$0xFFFFFF00]  }
0x12b: {  	v11 =	vmul.f32 v11, v2  }
0x12c: {  	v9 =	vmul.f32 v9, v6;
	v13 =	vmul.f32 v13, v4  }
0x12d: {  	v12 =	vmul.f32 v12, v8;
	v14 =	vmul.f32 v14, v7  }
0x12e: {  	v9 =	vadd.f32 v9, v10;
	v15 =	vmul.f32 v15, v5  }
0x12f: {  	v11 =	vadd.f32 v11, v13;
	v10 =	vmul.f32 v16, v1  }
0x130: {  	v13 =	vadd.f32 v15, v14  }
0x131: {  	v9 =	vadd.f32 v9, v11;
	v10 =	vadd.f32 v12, v10;
	_ =	sdelay $0x1  }
0x132: {  	v10 =	vadd.f32 v13, v10;
	_ =	sdelay $0x1  }
0x133: {  	v9 =	vadd.f32 v9, v10;
	_ =	sdelay $0x1  }
0x134: {  	[tilespmem:s25+$0xFFFFFFE0] =	vst v9  }
0x135: {  	v9 =	vld [tilespmem:s30+$0xFFFFFFF0]  }
0x136: {  	v10 =	vld [tilespmem:s30+$0xFFFFFFE0]  }
0x137: {  	v11 =	vld [tilespmem:s30+$0xFFFFFFD0]  }
0x138: {  	v12 =	vld [tilespmem:s30+$0xFFFFFF90]  }
0x139: {  	v13 =	vld [tilespmem:s30+$0xFFFFFFC0]  }
0x13a: {  	v14 =	vld [tilespmem:s30+$0xFFFFFFA0]  }
0x13b: {  	v15 =	vld [tilespmem:s30+$0xFFFFFF80];
	v10 =	vmul.f32 v10, v3  }
0x13c: {  	v16 =	vld [tilespmem:s30+$0xFFFFFFB0];
	v11 =	vmul.f32 v11, v2  }
0x13d: {  	v12 =	vmul.f32 v12, v8  }
0x13e: {  	v13 =	vmul.f32 v13, v4  }
0x13f: {  	v9 =	vmul.f32 v9, v6;
	v14 =	vmul.f32 v14, v7  }
0x140: {  	v15 =	vmul.f32 v15, v1;
	v11 =	vadd.f32 v11, v13  }
0x141: {  	v9 =	vadd.f32 v9, v10;
	v13 =	vmul.f32 v16, v5  }
0x142: {  	v10 =	vadd.f32 v12, v15  }
0x143: {  	v12 =	vadd.f32 v13, v14  }
0x144: {  	v9 =	vadd.f32 v9, v11  }
0x145: {  	v10 =	vadd.f32 v12, v10;
	_ =	sdelay $0x1  }
0x146: {  	v9 =	vadd.f32 v9, v10;
	_ =	sdelay $0x1  }
0x147: {  	[tilespmem:s25+$0xFFFFFFF0] =	vst v9  }
0x148: {  	v9 =	vld [tilespmem:s30+$0x40]  }
0x149: {  	v10 =	vld [tilespmem:s30+$0x70]  }
0x14a: {  	v11 =	vld [tilespmem:s30+$0x60]  }
0x14b: {  	v12 =	vld [tilespmem:s30+$0x10]  }
0x14c: {  	v13 =	vld [tilespmem:s30+$0x20]  }
0x14d: {  	v14 =	vld [tilespmem:s30+$0x50]  }
0x14e: {  	v15 =	vld [tilespmem:s30+$0x30]  }
0x14f: {  	v10 =	vmul.f32 v10, v6;
	v16 =	vld [tilespmem:s30+$0x0];
	v11 =	vmul.f32 v11, v3  }
0x150: {  	v12 =	vmul.f32 v12, v8  }
0x151: {  	v13 =	vmul.f32 v13, v7;
	v10 =	vadd.f32 v10, v11  }
0x152: {  	v11 =	vmul.f32 v14, v2  }
0x153: {  	v9 =	vmul.f32 v9, v4;
	v14 =	vmul.f32 v15, v5  }
0x154: {  	v15 =	vmul.f32 v16, v1  }
0x155: {  	v9 =	vadd.f32 v11, v9;
	v13 =	vadd.f32 v14, v13  }
0x156: {  	v11 =	vadd.f32 v12, v15  }
0x157: {  	v9 =	vadd.f32 v10, v9  }
0x158: {  	v10 =	vadd.f32 v13, v11;
	_ =	sdelay $0x1  }
0x159: {  	v9 =	vadd.f32 v9, v10;
	_ =	sdelay $0x1  }
0x15a: {  	[tilespmem:s25+$0x0] =	vst v9  }
0x15b: {  	v9 =	vld [tilespmem:s30+$0xF0]  }
0x15c: {  	v10 =	vld [tilespmem:s30+$0x80]  }
0x15d: {  	v11 =	vld [tilespmem:s30+$0xB0]  }
0x15e: {  	v12 =	vld [tilespmem:s30+$0xE0]  }
0x15f: {  	v13 =	vld [tilespmem:s30+$0xC0]  }
0x160: {  	v14 =	vld [tilespmem:s30+$0xA0]  }
0x161: {  	v10 =	vmul.f32 v10, v1;
	v15 =	vld [tilespmem:s30+$0xD0]  }
0x162: {  	v16 =	vld [tilespmem:s30+$0x90]  }
0x163: {  	v11 =	vmul.f32 v11, v5;
	v12 =	vmul.f32 v12, v3  }
0x164: {  	v13 =	vmul.f32 v13, v4  }
0x165: {  	v9 =	vmul.f32 v9, v6;
	v14 =	vmul.f32 v14, v7  }
0x166: {  	v15 =	vmul.f32 v15, v2  }
0x167: {  	v9 =	vadd.f32 v9, v12;
	v16 =	vmul.f32 v16, v8;
	v11 =	vadd.f32 v11, v14  }
0x168: {  	v12 =	vadd.f32 v15, v13  }
0x169: {  	v10 =	vadd.f32 v16, v10  }
0x16a: {  	v9 =	vadd.f32 v9, v12  }
0x16b: {  	v10 =	vadd.f32 v11, v10;
	_ =	sdelay $0x1  }
0x16c: {  	v9 =	vadd.f32 v9, v10;
	_ =	sdelay $0x1  }
0x16d: {  	[tilespmem:s25+$0x10] =	vst v9  }
0x16e: {  	v9 =	vld [tilespmem:s30+$0x170]  }
.Ltmp0:
0x16f: {  	v11 =	vld [tilespmem:s30+$0x160];
	(pc) =	sbr.rel @p0 .LBB2_3-.Ltmp0, $4  }
0x170: {  	v14 =	vld [tilespmem:s30+$0x150]  }
0x171: {  	v10 =	vld [tilespmem:s30+$0x120]  }
0x172: {  	v13 =	vld [tilespmem:s30+$0x110]  }
0x173: {  	v12 =	vld [tilespmem:s30+$0x140]  }
0x174: {  	v15 =	vld [tilespmem:s24+$0x130]  }
0x175: {  	v16 =	vld [tilespmem:s24+$0x100];
	_ =	sdelay $0x1  }
0x176: {  	v11 =	vmul.f32 v11, v3;
	v9 =	vmul.f32 v9, v6  }
0x177: {  	v14 =	vmul.f32 v14, v2;
	v10 =	vmul.f32 v10, v7  }
0x178: {  	v13 =	vmul.f32 v13, v8;
	v12 =	vmul.f32 v12, v4  }
0x179: {  	v15 =	vmul.f32 v15, v5;
	v16 =	vmul.f32 v16, v1  }
0x17a: {  	v9 =	vadd.f32 v9, v11;
	v11 =	vadd.f32 v14, v12  }
0x17b: {  	v10 =	vadd.f32 v15, v10;
	v12 =	vadd.f32 v13, v16;
	_ =	sdelay $0x1  }
0x17c: {  	v9 =	vadd.f32 v9, v11;
	v10 =	vadd.f32 v10, v12;
	_ =	sdelay $0x1  }
0x17d: {  	v9 =	vadd.f32 v9, v10;
	_ =	sdelay $0x1  }
0x17e: {  	[tilespmem:s28+$0x20] =	vst v9  }
0x17f: {  	v9 =	vld [tilespmem:s24+$0x1E0]  }
0x180: {  	v10 =	vld [tilespmem:s24+$0x1F0]  }
0x181: {  	v11 =	vld [tilespmem:s24+$0x1B0]  }
0x182: {  	v12 =	vld [tilespmem:s24+$0x190]  }
0x183: {  	v13 =	vld [tilespmem:s24+$0x1D0]  }
0x184: {  	v14 =	vld [tilespmem:s24+$0x1A0]  }
0x185: {  	v15 =	vld [tilespmem:s24+$0x180]  }
0x186: {  	v16 =	vld [tilespmem:s24+$0x1C0];
	_ =	sdelay $0x1  }
0x187: {  	v10 =	vmul.f32 v10, v6;
	v12 =	vmul.f32 v12, v8  }
0x188: {  	v11 =	vmul.f32 v11, v5;
	v13 =	vmul.f32 v13, v2  }
0x189: {  	v14 =	vmul.f32 v14, v7;
	v9 =	vmul.f32 v9, v3  }
0x18a: {  	v15 =	vmul.f32 v15, v1;
	v16 =	vmul.f32 v16, v4  }
0x18b: {  	v11 =	vadd.f32 v11, v14;
	v9 =	vadd.f32 v10, v9  }
0x18c: {  	v10 =	vadd.f32 v12, v15;
	v12 =	vadd.f32 v13, v16;
	_ =	sdelay $0x1  }
0x18d: {  	v10 =	vadd.f32 v11, v10;
	v9 =	vadd.f32 v9, v12;
	_ =	sdelay $0x1  }
0x18e: {  	v9 =	vadd.f32 v9, v10;
	_ =	sdelay $0x1  }
0x18f: {  	[tilespmem:s28+$0x30] =	vst v9  }
0x190: {  	v9 =	vld [tilespmem:s24+$0x260]  }
0x191: {  	v10 =	vld [tilespmem:s24+$0x270]  }
0x192: {  	v11 =	vld [tilespmem:s24+$0x200]  }
0x193: {  	v12 =	vld [tilespmem:s24+$0x210]  }
0x194: {  	v13 =	vld [tilespmem:s24+$0x230]  }
0x195: {  	v14 =	vld [tilespmem:s24+$0x220]  }
0x196: {  	v15 =	vld [tilespmem:s24+$0x240]  }
0x197: {  	v16 =	vld [tilespmem:s24+$0x250]  }
0x198: {  	v3 =	vmul.f32 v9, v3;
	v9 =	vld [tilespmem:$0x1FD00]  }
0x199: {  	v6 =	vmul.f32 v10, v6;
	v10 =	vld [tilespmem:$0x1FD10]  }
0x19a: {  	v1 =	vmul.f32 v11, v1;
	v11 =	vld [tilespmem:$0x1FD20]  }
0x19b: {  	v8 =	vmul.f32 v12, v8;
	v12 =	vld [tilespmem:$0x1FD30]  }
0x19c: {  	v5 =	vmul.f32 v13, v5;
	v13 =	vld [tilespmem:$0x1FD40]  }
0x19d: {  	v7 =	vmul.f32 v14, v7;
	v14 =	vld [tilespmem:$0x1FD50]  }
0x19e: {  	v4 =	vmul.f32 v15, v4;
	v2 =	vmul.f32 v16, v2;
	v15 =	vld [tilespmem:$0x1FD60]  }
0x19f: {  	v16 =	vld [tilespmem:$0x1FD70];
	v1 =	vadd.f32 v8, v1;
	v5 =	vadd.f32 v5, v7  }
0x1a0: {  	v3 =	vadd.f32 v6, v3;
	v2 =	vadd.f32 v2, v4;
	v4 =	vld [tilespmem:$0x1FCB0]  }
0x1a1: {  	v6 =	vld [tilespmem:$0x1FCD0]  }
0x1a2: {  	v7 =	vld [tilespmem:$0x1FCE0];
	v1 =	vadd.f32 v5, v1;
	v2 =	vadd.f32 v3, v2  }
0x1a3: {  	v8 =	vld [tilespmem:$0x1FCF0]  }
0x1a4: {  	v3 =	vld [tilespmem:$0x1FCA0];
	v1 =	vadd.f32 v2, v1  }
0x1a5: {  	s1 =	sand.u32 $0xFF0, s26;
	v5 =	vld [tilespmem:$0x1FCC0]  }
0x1a6: {  	v2 =	vld [tilespmem:$0x1FC90];
	[tilespmem:s1+$0xC880] =	vst v1  }
0x1a7: {  	v1 =	vld.idx.msk [tilespmem:v0+s17+$0x0], $0xffff  }
0x1a8: {  	v9 =	vld.idx.msk [tilespmem:v9+s17+$0x0], $0xffff  }
0x1a9: {  	v10 =	vld.idx.msk [tilespmem:v10+s17+$0x0], $0xffff  }
0x1aa: {  	v11 =	vld.idx.msk [tilespmem:v11+s17+$0x0], $0xffff  }
0x1ab: {  	v12 =	vld.idx.msk [tilespmem:v12+s17+$0x0], $0xffff  }
0x1ac: {  	v13 =	vld.idx.msk [tilespmem:v13+s17+$0x0], $0xffff  }
0x1ad: {  	v14 =	vld.idx.msk [tilespmem:v14+s17+$0x0], $0xffff  }
0x1ae: {  	v4 =	vld.idx.msk [tilespmem:v4+s17+$0x0], $0xffff  }
0x1af: {  	v6 =	vld.idx.msk [tilespmem:v6+s17+$0x0], $0xffff  }
0x1b0: {  	v3 =	vld.idx.msk [tilespmem:v3+s17+$0x0], $0xffff  }
0x1b1: {  	v2 =	vld.idx.msk [tilespmem:v2+s17+$0x0], $0xffff  }
0x1b2: {  	v5 =	vld.idx.msk [tilespmem:v5+s17+$0x0], $0xffff  }
0x1b3: {  	v15 =	vld.idx.msk [tilespmem:v15+s17+$0x0], $0xffff  }
0x1b4: {  	v16 =	vld.idx.msk [tilespmem:v16+s17+$0x0], $0xffff  }
0x1b5: {  	v7 =	vld.idx.msk [tilespmem:v7+s17+$0x0], $0xffff  }
0x1b6: {  	v8 =	vld.idx.msk [tilespmem:v8+s17+$0x0], $0xffff;
	v1 =	vadd.f32 v2, v1;
	v2 =	vadd.f32 v4, v3  }
0x1b7: {  	v3 =	vadd.f32 v6, v5;
	v5 =	vadd.f32 v10, v9;
	v9 =	vld [tilespmem:$0x1FE00]  }
0x1b8: {  	v10 =	vld [tilespmem:$0x1FE10]  }
0x1b9: {  	v6 =	vadd.f32 v12, v11;
	v11 =	vld [tilespmem:$0x1FE20]  }
0x1ba: {  	v12 =	vld [tilespmem:$0x1FE30]  }
0x1bb: {  	v4 =	vadd.f32 v8, v7;
	v7 =	vadd.f32 v14, v13;
	v13 =	vld [tilespmem:$0x1FE40]  }
0x1bc: {  	v14 =	vld [tilespmem:$0x1FE50]  }
0x1bd: {  	v8 =	vadd.f32 v16, v15;
	v15 =	vld [tilespmem:$0x1FE60]  }
0x1be: {  	v16 =	vld [tilespmem:$0x1FE70];
	v1 =	vadd.f32 v2, v1  }
0x1bf: {  	v2 =	vadd.f32 v4, v3;
	v3 =	vadd.f32 v6, v5;
	v5 =	vld [tilespmem:$0x1FDC0]  }
0x1c0: {  	v4 =	vadd.f32 v8, v7;
	v6 =	vld [tilespmem:$0x1FDD0]  }
0x1c1: {  	v7 =	vld [tilespmem:$0x1FDE0]  }
0x1c2: {  	v8 =	vld [tilespmem:$0x1FDF0];
	v1 =	vadd.f32 v2, v1;
	v2 =	vadd.f32 v4, v3  }
0x1c3: {  	v3 =	vld [tilespmem:$0x1FDA0]  }
0x1c4: {  	s31 =	smul.u32 $0x120, s23;
	v4 =	vld [tilespmem:$0x1FDB0];
	v1 =	vadd.f32 v2, v1  }
0x1c5: {  	v2 =	vld [tilespmem:$0x1FD90]  }
0x1c6: {  	[tilespmem:s31+$0xD100] =	vst v1;
	v1 =	vld [tilespmem:$0x1FD80]  }
0x1c7: {  	v9 =	vld.idx.msk [tilespmem:v9+s17+$0x0], $0xffff  }
0x1c8: {  	v10 =	vld.idx.msk [tilespmem:v10+s17+$0x0], $0xffff  }
0x1c9: {  	v11 =	vld.idx.msk [tilespmem:v11+s17+$0x0], $0xffff  }
0x1ca: {  	v12 =	vld.idx.msk [tilespmem:v12+s17+$0x0], $0xffff  }
0x1cb: {  	v13 =	vld.idx.msk [tilespmem:v13+s17+$0x0], $0xffff  }
0x1cc: {  	v14 =	vld.idx.msk [tilespmem:v14+s17+$0x0], $0xffff  }
0x1cd: {  	v5 =	vld.idx.msk [tilespmem:v5+s17+$0x0], $0xffff  }
0x1ce: {  	v3 =	vld.idx.msk [tilespmem:v3+s17+$0x0], $0xffff  }
0x1cf: {  	v4 =	vld.idx.msk [tilespmem:v4+s17+$0x0], $0xffff  }
0x1d0: {  	v2 =	vld.idx.msk [tilespmem:v2+s17+$0x0], $0xffff  }
0x1d1: {  	v1 =	vld.idx.msk [tilespmem:v1+s17+$0x0], $0xffff  }
0x1d2: {  	v6 =	vld.idx.msk [tilespmem:v6+s17+$0x0], $0xffff  }
0x1d3: {  	v15 =	vld.idx.msk [tilespmem:v15+s17+$0x0], $0xffff  }
0x1d4: {  	v16 =	vld.idx.msk [tilespmem:v16+s17+$0x0], $0xffff  }
0x1d5: {  	v7 =	vld.idx.msk [tilespmem:v7+s17+$0x0], $0xffff  }
0x1d6: {  	v8 =	vld.idx.msk [tilespmem:v8+s17+$0x0], $0xffff;
	v1 =	vadd.f32 v2, v1;
	v2 =	vadd.f32 v4, v3  }
0x1d7: {  	v3 =	vadd.f32 v6, v5;
	v5 =	vadd.f32 v10, v9;
	v9 =	vld [tilespmem:$0x1FF00]  }
0x1d8: {  	v10 =	vld [tilespmem:$0x1FF10]  }
0x1d9: {  	v6 =	vadd.f32 v12, v11;
	v11 =	vld [tilespmem:$0x1FF20]  }
0x1da: {  	v12 =	vld [tilespmem:$0x1FF30]  }
0x1db: {  	v4 =	vadd.f32 v8, v7;
	v7 =	vadd.f32 v14, v13;
	v13 =	vld [tilespmem:$0x1FF40]  }
0x1dc: {  	v14 =	vld [tilespmem:$0x1FF50]  }
0x1dd: {  	v8 =	vadd.f32 v16, v15;
	v15 =	vld [tilespmem:$0x1FF60]  }
0x1de: {  	v16 =	vld [tilespmem:$0x1FF70];
	v1 =	vadd.f32 v2, v1  }
0x1df: {  	v2 =	vadd.f32 v4, v3;
	v3 =	vadd.f32 v6, v5;
	v5 =	vld [tilespmem:$0x1FEC0]  }
0x1e0: {  	v4 =	vadd.f32 v8, v7;
	v6 =	vld [tilespmem:$0x1FED0]  }
0x1e1: {  	v7 =	vld [tilespmem:$0x1FEE0]  }
0x1e2: {  	v8 =	vld [tilespmem:$0x1FEF0];
	v1 =	vadd.f32 v2, v1;
	v2 =	vadd.f32 v4, v3  }
0x1e3: {  	v3 =	vld [tilespmem:$0x1FEA0]  }
0x1e4: {  	v4 =	vld [tilespmem:$0x1FEB0];
	v1 =	vadd.f32 v2, v1  }
0x1e5: {  	v2 =	vld [tilespmem:$0x1FE90]  }
0x1e6: {  	[tilespmem:s31+$0xD110] =	vst v1;
	v1 =	vld [tilespmem:$0x1FE80]  }
0x1e7: {  	v9 =	vld.idx.msk [tilespmem:v9+s17+$0x0], $0xffff  }
0x1e8: {  	v10 =	vld.idx.msk [tilespmem:v10+s17+$0x0], $0xffff  }
0x1e9: {  	v11 =	vld.idx.msk [tilespmem:v11+s17+$0x0], $0xffff  }
0x1ea: {  	v12 =	vld.idx.msk [tilespmem:v12+s17+$0x0], $0xffff  }
0x1eb: {  	v13 =	vld.idx.msk [tilespmem:v13+s17+$0x0], $0xffff  }
0x1ec: {  	v14 =	vld.idx.msk [tilespmem:v14+s17+$0x0], $0xffff  }
0x1ed: {  	v5 =	vld.idx.msk [tilespmem:v5+s17+$0x0], $0xffff  }
0x1ee: {  	v6 =	vld.idx.msk [tilespmem:v6+s17+$0x0], $0xffff  }
0x1ef: {  	v7 =	vld.idx.msk [tilespmem:v7+s17+$0x0], $0xffff  }
0x1f0: {  	v3 =	vld.idx.msk [tilespmem:v3+s17+$0x0], $0xffff  }
0x1f1: {  	v2 =	vld.idx.msk [tilespmem:v2+s17+$0x0], $0xffff  }
0x1f2: {  	v1 =	vld.idx.msk [tilespmem:v1+s17+$0x0], $0xffff  }
0x1f3: {  	v4 =	vld.idx.msk [tilespmem:v4+s17+$0x0], $0xffff  }
0x1f4: {  	v8 =	vld.idx.msk [tilespmem:v8+s17+$0x0], $0xffff  }
0x1f5: {  	v15 =	vld.idx.msk [tilespmem:v15+s17+$0x0], $0xffff  }
0x1f6: {  	v16 =	vld.idx.msk [tilespmem:v16+s17+$0x0], $0xffff  }
0x1f7: {  	v1 =	vadd.f32 v2, v1  }
0x1f8: {  	v2 =	vadd.f32 v4, v3;
	v3 =	vadd.f32 v6, v5  }
0x1f9: {  	v4 =	vadd.f32 v8, v7;
	v5 =	vadd.f32 v10, v9  }
0x1fa: {  	v6 =	vadd.f32 v12, v11;
	v7 =	vadd.f32 v14, v13  }
0x1fb: {  	v8 =	vadd.f32 v16, v15;
	v1 =	vadd.f32 v2, v1  }
0x1fc: {  	v2 =	vadd.f32 v4, v3;
	v3 =	vadd.f32 v6, v5;
	v5 =	vld [tilespmem:$0x1FFC0]  }
0x1fd: {  	v4 =	vadd.f32 v8, v7;
	v6 =	vld [tilespmem:$0x1FFD0]  }
0x1fe: {  	v7 =	vld [tilespmem:$0x1FFE0]  }
0x1ff: {  	v9 =	vor.u32 $0x308, v0;
	v8 =	vld [tilespmem:$0x1FFF0];
	v1 =	vadd.f32 v2, v1;
	v2 =	vadd.f32 v4, v3  }
0x200: {  	v10 =	vor.u32 $0x309, v0;
	v3 =	vld [tilespmem:$0x1FFA0]  }
0x201: {  	v11 =	vor.u32 $0x30A, v0;
	v4 =	vld [tilespmem:$0x1FFB0];
	v1 =	vadd.f32 v2, v1  }
0x202: {  	v12 =	vor.u32 $0x30B, v0;
	v2 =	vld [tilespmem:$0x1FF90]  }
0x203: {  	v13 =	vor.u32 $0x30C, v0;
	[tilespmem:s31+$0xD120] =	vst v1;
	v1 =	vld [tilespmem:$0x1FF80]  }
0x204: {  	v14 =	vor.u32 $0x30D, v0;
	[tilespmem:$0x1FA00] =	vst v9;
	v9 =	vld.idx.msk [tilespmem:v9+s17+$0x0], $0xffff  }
0x205: {  	[tilespmem:$0x1FA10] =	vst v10;
	v10 =	vld.idx.msk [tilespmem:v10+s17+$0x0], $0xffff  }
0x206: {  	[tilespmem:$0x1FA20] =	vst v11;
	v11 =	vld.idx.msk [tilespmem:v11+s17+$0x0], $0xffff  }
0x207: {  	[tilespmem:$0x1FA30] =	vst v12;
	v12 =	vld.idx.msk [tilespmem:v12+s17+$0x0], $0xffff  }
0x208: {  	[tilespmem:$0x1FA40] =	vst v13;
	v13 =	vld.idx.msk [tilespmem:v13+s17+$0x0], $0xffff  }
0x209: {  	[tilespmem:$0x1FA50] =	vst v14;
	v14 =	vld.idx.msk [tilespmem:v14+s17+$0x0], $0xffff  }
0x20a: {  	v5 =	vld.idx.msk [tilespmem:v5+s17+$0x0], $0xffff  }
0x20b: {  	v6 =	vld.idx.msk [tilespmem:v6+s17+$0x0], $0xffff  }
0x20c: {  	v7 =	vld.idx.msk [tilespmem:v7+s17+$0x0], $0xffff  }
0x20d: {  	v15 =	vor.u32 $0x30E, v0;
	v3 =	vld.idx.msk [tilespmem:v3+s17+$0x0], $0xffff  }
0x20e: {  	v16 =	vor.u32 $0x30F, v0;
	v4 =	vld.idx.msk [tilespmem:v4+s17+$0x0], $0xffff  }
0x20f: {  	v2 =	vld.idx.msk [tilespmem:v2+s17+$0x0], $0xffff  }
0x210: {  	v1 =	vld.idx.msk [tilespmem:v1+s17+$0x0], $0xffff  }
0x211: {  	v8 =	vld.idx.msk [tilespmem:v8+s17+$0x0], $0xffff  }
0x212: {  	[tilespmem:$0x1FA60] =	vst v15;
	v15 =	vld.idx.msk [tilespmem:v15+s17+$0x0], $0xffff  }
0x213: {  	[tilespmem:$0x1FA70] =	vst v16;
	v16 =	vld.idx.msk [tilespmem:v16+s17+$0x0], $0xffff;
	_ =	sdelay $0x1  }
0x214: {  	v1 =	vadd.f32 v2, v1;
	v2 =	vadd.f32 v4, v3  }
0x215: {  	v3 =	vadd.f32 v6, v5;
	v4 =	vadd.f32 v8, v7  }
0x216: {  	v5 =	vadd.f32 v10, v9;
	v6 =	vadd.f32 v12, v11  }
0x217: {  	v7 =	vadd.f32 v14, v13;
	v8 =	vadd.f32 v16, v15  }
0x218: {  	v1 =	vadd.f32 v2, v1;
	v2 =	vadd.f32 v4, v3  }
0x219: {  	v3 =	vadd.f32 v6, v5;
	v4 =	vadd.f32 v8, v7;
	_ =	sdelay $0x1  }
0x21a: {  	v1 =	vadd.f32 v2, v1;
	v2 =	vadd.f32 v4, v3;
	v3 =	vor.u32 $0x400, v0  }
0x21b: {  	v4 =	vor.u32 $0x401, v0  }
0x21c: {  	v5 =	vor.u32 $0x402, v0;
	v1 =	vadd.f32 v2, v1  }
0x21d: {  	v6 =	vor.u32 $0x403, v0  }
0x21e: {  	v7 =	vor.u32 $0x404, v0;
	[tilespmem:s31+$0xD130] =	vst v1  }
0x21f: {  	v8 =	vor.u32 $0x405, v0;
	v1 =	vld.idx.msk [tilespmem:v3+s17+$0x0], $0xffff  }
0x220: {  	v9 =	vor.u32 $0x406, v0;
	v2 =	vld.idx.msk [tilespmem:v4+s17+$0x0], $0xffff  }
0x221: {  	v10 =	vor.u32 $0x407, v0;
	[tilespmem:$0x1FA80] =	vst v3;
	v3 =	vld.idx.msk [tilespmem:v5+s17+$0x0], $0xffff  }
0x222: {  	v11 =	vor.u32 $0x408, v0;
	[tilespmem:$0x1FA90] =	vst v4;
	v4 =	vld.idx.msk [tilespmem:v6+s17+$0x0], $0xffff  }
0x223: {  	v12 =	vor.u32 $0x409, v0;
	[tilespmem:$0x1FAA0] =	vst v5;
	v5 =	vld.idx.msk [tilespmem:v7+s17+$0x0], $0xffff  }
0x224: {  	v13 =	vor.u32 $0x40A, v0;
	[tilespmem:$0x1FAB0] =	vst v6;
	v6 =	vld.idx.msk [tilespmem:v8+s17+$0x0], $0xffff  }
0x225: {  	v14 =	vor.u32 $0x40B, v0;
	[tilespmem:$0x1FAC0] =	vst v7;
	v7 =	vld.idx.msk [tilespmem:v9+s17+$0x0], $0xffff  }
0x226: {  	v15 =	vor.u32 $0x40C, v0;
	[tilespmem:$0x1FAD0] =	vst v8;
	v8 =	vld.idx.msk [tilespmem:v10+s17+$0x0], $0xffff  }
0x227: {  	v16 =	vor.u32 $0x40D, v0;
	[tilespmem:$0x1FAE0] =	vst v9;
	v9 =	vld.idx.msk [tilespmem:v11+s17+$0x0], $0xffff  }
0x228: {  	v17 =	vor.u32 $0x40E, v0;
	[tilespmem:$0x1FAF0] =	vst v10;
	v10 =	vld.idx.msk [tilespmem:v12+s17+$0x0], $0xffff  }
0x229: {  	v18 =	vor.u32 $0x40F, v0;
	[tilespmem:$0x1FB00] =	vst v11;
	v11 =	vld.idx.msk [tilespmem:v13+s17+$0x0], $0xffff  }
0x22a: {  	[tilespmem:$0x1FB10] =	vst v12;
	v12 =	vld.idx.msk [tilespmem:v14+s17+$0x0], $0xffff  }
0x22b: {  	[tilespmem:$0x1FB20] =	vst v13;
	v13 =	vld.idx.msk [tilespmem:v15+s17+$0x0], $0xffff  }
0x22c: {  	[tilespmem:$0x1FB30] =	vst v14;
	v14 =	vld.idx.msk [tilespmem:v16+s17+$0x0], $0xffff  }
0x22d: {  	[tilespmem:$0x1FB40] =	vst v15;
	v15 =	vld.idx.msk [tilespmem:v17+s17+$0x0], $0xffff  }
0x22e: {  	[tilespmem:$0x1FB50] =	vst v16;
	v16 =	vld.idx.msk [tilespmem:v18+s17+$0x0], $0xffff;
	_ =	sdelay $0x1  }
0x22f: {  	v1 =	vadd.f32 v2, v1;
	v2 =	vadd.f32 v4, v3  }
0x230: {  	v3 =	vadd.f32 v6, v5;
	v4 =	vadd.f32 v8, v7  }
0x231: {  	v5 =	vadd.f32 v10, v9;
	v6 =	vadd.f32 v12, v11  }
0x232: {  	v7 =	vadd.f32 v14, v13;
	v8 =	vadd.f32 v16, v15  }
0x233: {  	v1 =	vadd.f32 v2, v1;
	v2 =	vadd.f32 v4, v3  }
0x234: {  	v3 =	vadd.f32 v6, v5;
	v4 =	vadd.f32 v8, v7;
	_ =	sdelay $0x1  }
0x235: {  	v1 =	vadd.f32 v2, v1;
	v2 =	vadd.f32 v4, v3;
	v3 =	vor.u32 $0x500, v0  }
0x236: {  	v4 =	vor.u32 $0x501, v0  }
0x237: {  	v5 =	vor.u32 $0x502, v0;
	v1 =	vadd.f32 v2, v1  }
0x238: {  	v6 =	vor.u32 $0x503, v0  }
0x239: {  	v7 =	vor.u32 $0x504, v0;
	[tilespmem:s31+$0xD140] =	vst v1  }
0x23a: {  	[tilespmem:$0x1FB60] =	vst v17;
	v8 =	vor.u32 $0x505, v0;
	v1 =	vld.idx.msk [tilespmem:v3+s17+$0x0], $0xffff  }
0x23b: {  	[tilespmem:$0x1FB70] =	vst v18;
	v9 =	vor.u32 $0x506, v0;
	v2 =	vld.idx.msk [tilespmem:v4+s17+$0x0], $0xffff  }
0x23c: {  	v10 =	vor.u32 $0x507, v0;
	[tilespmem:$0x1FB80] =	vst v3;
	v3 =	vld.idx.msk [tilespmem:v5+s17+$0x0], $0xffff  }
0x23d: {  	v11 =	vor.u32 $0x508, v0;
	[tilespmem:$0x1FB90] =	vst v4;
	v4 =	vld.idx.msk [tilespmem:v6+s17+$0x0], $0xffff  }
0x23e: {  	v12 =	vor.u32 $0x509, v0;
	[tilespmem:$0x1FBA0] =	vst v5;
	v5 =	vld.idx.msk [tilespmem:v7+s17+$0x0], $0xffff  }
0x23f: {  	v13 =	vor.u32 $0x50A, v0;
	[tilespmem:$0x1FBB0] =	vst v6;
	v6 =	vld.idx.msk [tilespmem:v8+s17+$0x0], $0xffff  }
0x240: {  	v14 =	vor.u32 $0x50B, v0;
	[tilespmem:$0x1FBC0] =	vst v7;
	v7 =	vld.idx.msk [tilespmem:v9+s17+$0x0], $0xffff  }
0x241: {  	v15 =	vor.u32 $0x50C, v0;
	[tilespmem:$0x1FBD0] =	vst v8;
	v8 =	vld.idx.msk [tilespmem:v10+s17+$0x0], $0xffff  }
0x242: {  	v16 =	vor.u32 $0x50D, v0;
	[tilespmem:$0x1FBE0] =	vst v9;
	v9 =	vld.idx.msk [tilespmem:v11+s17+$0x0], $0xffff  }
0x243: {  	v17 =	vor.u32 $0x50E, v0;
	[tilespmem:$0x1FBF0] =	vst v10;
	v10 =	vld.idx.msk [tilespmem:v12+s17+$0x0], $0xffff  }
0x244: {  	v18 =	vor.u32 $0x50F, v0;
	[tilespmem:$0x1FC00] =	vst v11;
	v11 =	vld.idx.msk [tilespmem:v13+s17+$0x0], $0xffff  }
0x245: {  	[tilespmem:$0x1FC10] =	vst v12;
	v12 =	vld.idx.msk [tilespmem:v14+s17+$0x0], $0xffff  }
0x246: {  	[tilespmem:$0x1FC20] =	vst v13;
	v13 =	vld.idx.msk [tilespmem:v15+s17+$0x0], $0xffff  }
0x247: {  	[tilespmem:$0x1FC30] =	vst v14;
	v14 =	vld.idx.msk [tilespmem:v16+s17+$0x0], $0xffff  }
0x248: {  	[tilespmem:$0x1FC40] =	vst v15;
	v15 =	vld.idx.msk [tilespmem:v17+s17+$0x0], $0xffff  }
0x249: {  	[tilespmem:$0x1FC50] =	vst v16;
	v16 =	vld.idx.msk [tilespmem:v18+s17+$0x0], $0xffff;
	_ =	sdelay $0x1  }
0x24a: {  	v1 =	vadd.f32 v2, v1;
	v2 =	vadd.f32 v4, v3  }
0x24b: {  	v3 =	vadd.f32 v6, v5;
	v4 =	vadd.f32 v8, v7  }
0x24c: {  	v5 =	vadd.f32 v10, v9;
	v6 =	vadd.f32 v12, v11  }
0x24d: {  	v7 =	vadd.f32 v14, v13;
	v8 =	vadd.f32 v16, v15  }
0x24e: {  	v1 =	vadd.f32 v2, v1;
	v2 =	vadd.f32 v4, v3  }
0x24f: {  	v3 =	vadd.f32 v6, v5;
	v4 =	vadd.f32 v8, v7;
	_ =	sdelay $0x1  }
0x250: {  	v1 =	vadd.f32 v2, v1;
	v2 =	vadd.f32 v4, v3;
	v3 =	vor.u32 $0x600, v0  }
0x251: {  	v34 =	vor.u32 $0x601, v0  }
0x252: {  	v35 =	vor.u32 $0x602, v0;
	v1 =	vadd.f32 v2, v1  }
0x253: {  	v36 =	vor.u32 $0x603, v0  }
0x254: {  	v37 =	vor.u32 $0x604, v0;
	[tilespmem:s31+$0xD150] =	vst v1  }
0x255: {  	v38 =	vor.u32 $0x605, v0;
	v1 =	vld.idx.msk [tilespmem:v3+s17+$0x0], $0xffff  }
0x256: {  	v39 =	vor.u32 $0x606, v0;
	v2 =	vld.idx.msk [tilespmem:v34+s17+$0x0], $0xffff  }
0x257: {  	v40 =	vor.u32 $0x607, v0;
	[tilespmem:$0x1FC80] =	vst v3;
	v3 =	vld.idx.msk [tilespmem:v35+s17+$0x0], $0xffff  }
0x258: {  	v41 =	vor.u32 $0x608, v0;
	v4 =	vld.idx.msk [tilespmem:v36+s17+$0x0], $0xffff  }
0x259: {  	v42 =	vor.u32 $0x609, v0;
	v5 =	vld.idx.msk [tilespmem:v37+s17+$0x0], $0xffff  }
0x25a: {  	v43 =	vor.u32 $0x60A, v0;
	v6 =	vld.idx.msk [tilespmem:v38+s17+$0x0], $0xffff  }
0x25b: {  	v44 =	vor.u32 $0x60B, v0;
	v7 =	vld.idx.msk [tilespmem:v39+s17+$0x0], $0xffff  }
0x25c: {  	v45 =	vor.u32 $0x60C, v0;
	v8 =	vld.idx.msk [tilespmem:v40+s17+$0x0], $0xffff  }
0x25d: {  	v46 =	vor.u32 $0x60D, v0;
	v9 =	vld.idx.msk [tilespmem:v41+s17+$0x0], $0xffff  }
0x25e: {  	v47 =	vor.u32 $0x60E, v0;
	v10 =	vld.idx.msk [tilespmem:v42+s17+$0x0], $0xffff  }
0x25f: {  	v48 =	vor.u32 $0x60F, v0;
	v11 =	vld.idx.msk [tilespmem:v43+s17+$0x0], $0xffff  }
0x260: {  	v12 =	vld.idx.msk [tilespmem:v44+s17+$0x0], $0xffff  }
0x261: {  	v13 =	vld.idx.msk [tilespmem:v45+s17+$0x0], $0xffff  }
0x262: {  	v14 =	vld.idx.msk [tilespmem:v46+s17+$0x0], $0xffff  }
0x263: {  	v15 =	vld.idx.msk [tilespmem:v47+s17+$0x0], $0xffff  }
0x264: {  	v16 =	vld.idx.msk [tilespmem:v48+s17+$0x0], $0xffff;
	_ =	sdelay $0x1  }
0x265: {  	v1 =	vadd.f32 v2, v1;
	v2 =	vadd.f32 v4, v3  }
0x266: {  	v3 =	vadd.f32 v6, v5;
	v4 =	vadd.f32 v8, v7  }
0x267: {  	v5 =	vadd.f32 v10, v9;
	v6 =	vadd.f32 v12, v11  }
0x268: {  	v7 =	vadd.f32 v14, v13;
	v8 =	vadd.f32 v16, v15  }
0x269: {  	v1 =	vadd.f32 v2, v1;
	v2 =	vadd.f32 v4, v3  }
0x26a: {  	v3 =	vadd.f32 v6, v5;
	v4 =	vadd.f32 v8, v7;
	_ =	sdelay $0x1  }
0x26b: {  	v49 =	vor.u32 $0x700, v0;
	v1 =	vadd.f32 v2, v1;
	v2 =	vadd.f32 v4, v3  }
0x26c: {  	v50 =	vor.u32 $0x701, v0  }
0x26d: {  	v51 =	vor.u32 $0x702, v0;
	v1 =	vadd.f32 v2, v1  }
0x26e: {  	v52 =	vor.u32 $0x703, v0  }
0x26f: {  	v53 =	vor.u32 $0x704, v0;
	[tilespmem:s31+$0xD160] =	vst v1  }
0x270: {  	v54 =	vor.u32 $0x705, v0;
	v3 =	vld.idx.msk [tilespmem:v49+s17+$0x0], $0xffff  }
0x271: {  	v55 =	vor.u32 $0x706, v0;
	v4 =	vld.idx.msk [tilespmem:v50+s17+$0x0], $0xffff  }
0x272: {  	v56 =	vor.u32 $0x707, v0;
	v5 =	vld.idx.msk [tilespmem:v51+s17+$0x0], $0xffff  }
0x273: {  	v57 =	vor.u32 $0x708, v0;
	v6 =	vld.idx.msk [tilespmem:v52+s17+$0x0], $0xffff  }
0x274: {  	v58 =	vor.u32 $0x709, v0;
	v7 =	vld.idx.msk [tilespmem:v53+s17+$0x0], $0xffff  }
0x275: {  	v59 =	vor.u32 $0x70A, v0;
	v8 =	vld.idx.msk [tilespmem:v54+s17+$0x0], $0xffff  }
0x276: {  	v60 =	vor.u32 $0x70B, v0;
	v9 =	vld.idx.msk [tilespmem:v55+s17+$0x0], $0xffff  }
0x277: {  	v61 =	vor.u32 $0x70C, v0;
	v10 =	vld.idx.msk [tilespmem:v56+s17+$0x0], $0xffff  }
0x278: {  	v62 =	vor.u32 $0x70D, v0;
	v11 =	vld.idx.msk [tilespmem:v57+s17+$0x0], $0xffff  }
0x279: {  	v2 =	vor.u32 $0x70F, v0;
	v12 =	vld.idx.msk [tilespmem:v58+s17+$0x0], $0xffff  }
0x27a: {  	v1 =	vor.u32 $0x70E, v0;
	v13 =	vld.idx.msk [tilespmem:v59+s17+$0x0], $0xffff  }
0x27b: {  	v14 =	vld.idx.msk [tilespmem:v60+s17+$0x0], $0xffff  }
0x27c: {  	v15 =	vld.idx.msk [tilespmem:v61+s17+$0x0], $0xffff  }
0x27d: {  	v16 =	vld.idx.msk [tilespmem:v62+s17+$0x0], $0xffff  }
0x27e: {  	[tilespmem:$0x1FC70] =	vst v18;
	v18 =	vld.idx.msk [tilespmem:v2+s17+$0x0], $0xffff  }
0x27f: {  	[tilespmem:$0x1FC60] =	vst v17;
	v17 =	vld.idx.msk [tilespmem:v1+s17+$0x0], $0xffff;
	_ =	sdelay $0x1  }
0x280: {  	v3 =	vadd.f32 v4, v3;
	v4 =	vadd.f32 v6, v5  }
0x281: {  	v5 =	vadd.f32 v8, v7;
	v6 =	vadd.f32 v10, v9  }
0x282: {  	v7 =	vadd.f32 v12, v11;
	v8 =	vadd.f32 v14, v13  }
0x283: {  	v9 =	vadd.f32 v16, v15;
	v10 =	vadd.f32 v18, v17  }
0x284: {  	v3 =	vadd.f32 v4, v3;
	v4 =	vadd.f32 v6, v5  }
0x285: {  	v5 =	vadd.f32 v8, v7;
	v6 =	vadd.f32 v10, v9;
	_ =	sdelay $0x1  }
0x286: {  	v63 =	vor.u32 $0x800, v0;
	v4 =	vadd.f32 v4, v3;
	v5 =	vadd.f32 v6, v5  }
0x287: {  	v3 =	vor.u32 $0x801, v0  }
0x288: {  	v7 =	vor.u32 $0x805, v0;
	v6 =	vadd.f32 v5, v4  }
0x289: {  	v8 =	vor.u32 $0x806, v0  }
0x28a: {  	v9 =	vor.u32 $0x807, v0;
	[tilespmem:s31+$0xD170] =	vst v6  }
0x28b: {  	v10 =	vor.u32 $0x808, v0;
	v18 =	vld.idx.msk [tilespmem:v63+s17+$0x0], $0xffff  }
0x28c: {  	v11 =	vor.u32 $0x809, v0;
	v19 =	vld.idx.msk [tilespmem:v3+s17+$0x0], $0xffff  }
0x28d: {  	v12 =	vor.u32 $0x80A, v0;
	v23 =	vld.idx.msk [tilespmem:v7+s17+$0x0], $0xffff  }
0x28e: {  	v14 =	vor.u32 $0x80C, v0;
	v24 =	vld.idx.msk [tilespmem:v8+s17+$0x0], $0xffff  }
0x28f: {  	v15 =	vor.u32 $0x80D, v0;
	v25 =	vld.idx.msk [tilespmem:v9+s17+$0x0], $0xffff  }
0x290: {  	v16 =	vor.u32 $0x80E, v0;
	v26 =	vld.idx.msk [tilespmem:v10+s17+$0x0], $0xffff  }
0x291: {  	v4 =	vor.u32 $0x802, v0;
	v27 =	vld.idx.msk [tilespmem:v11+s17+$0x0], $0xffff  }
0x292: {  	v5 =	vor.u32 $0x803, v0;
	v28 =	vld.idx.msk [tilespmem:v12+s17+$0x0], $0xffff  }
0x293: {  	v17 =	vor.u32 $0x80F, v0;
	v30 =	vld.idx.msk [tilespmem:v14+s17+$0x0], $0xffff  }
0x294: {  	v6 =	vor.u32 $0x804, v0;
	v31 =	vld.idx.msk [tilespmem:v15+s17+$0x0], $0xffff  }
0x295: {  	v13 =	vor.u32 $0x80B, v0;
	v32 =	vld.idx.msk [tilespmem:v16+s17+$0x0], $0xffff  }
0x296: {  	v20 =	vld.idx.msk [tilespmem:v4+s17+$0x0], $0xffff  }
0x297: {  	v21 =	vld.idx.msk [tilespmem:v5+s17+$0x0], $0xffff  }
0x298: {  	v33 =	vld.idx.msk [tilespmem:v17+s17+$0x0], $0xffff  }
0x299: {  	v22 =	vld.idx.msk [tilespmem:v6+s17+$0x0], $0xffff  }
0x29a: {  	v29 =	vld.idx.msk [tilespmem:v13+s17+$0x0], $0xffff;
	_ =	sdelay $0x1  }
0x29b: {  	v18 =	vadd.f32 v19, v18;
	v19 =	vadd.f32 v21, v20  }
0x29c: {  	v21 =	vadd.f32 v25, v24;
	v24 =	vadd.f32 v31, v30  }
0x29d: {  	v25 =	vadd.f32 v33, v32;
	v20 =	vadd.f32 v23, v22  }
0x29e: {  	v22 =	vadd.f32 v27, v26;
	v23 =	vadd.f32 v29, v28  }
0x29f: {  	v18 =	vadd.f32 v19, v18;
	v19 =	vadd.f32 v21, v20  }
0x2a0: {  	v20 =	vadd.f32 v23, v22;
	v21 =	vadd.f32 v25, v24;
	_ =	sdelay $0x1  }
0x2a1: {  	p0 =	seq.s32 s23, $0x1F;
	v18 =	vadd.f32 v19, v18;
	v19 =	vadd.f32 v21, v20  }
0x2a2: {  	s1 =	smul.u32 @!p0 $0x500, s23  }
0x2a3: {  	v18 =	vadd.f32 v19, v18  }
0x2a4: {  	s24 =	sand.u32 $0x3FE0, s31;
	s1 =	sshra.s32 @!p0 s1, $0x2  }
0x2a5: {  	s25 =	simm.s32 @!p0 $0x50;
	s26 =	simm.s32 @!p0 $0x2800;
	[tilespmem:s24+$0xD180] =	vst v18;
	s24 =	sadd.s32 @!p0 $0x140, s1  }
0x2a6: {  	[tilespmem:s26], [sflag:$0x1] =	stream.indirect.gather @!p0 [hbm4b:s2+s25], $0x80, s24, s25, $0xb8;
	[tilespmem:$0xF500] =	vst v63  }
0x2a7: {  	s1 =	sadd.s32 @!p0 $0x190, s1;
	s24 =	simm.s32 @!p0 $0x5000  }
0x2a8: {  	[tilespmem:s24], [sflag:$0x1] =	stream.indirect.gather @!p0 [hbm4b:s2+s25], $0x80, s1, s25, $0xb8;
	[tilespmem:$0xF500] =	vst v63  }
0x2a9: {  	_ =	swait.ge [sflag:s18], $0x2800  }
0x2aa: {  	[sflag:s18] =	ssyncset.done $0x0  }
0x2ab: {  	[sflag:s18] =	ssyncadd.s32 $0xFFFFD800  }
0x2ac: {  	_ =	swait.ge [sflag:s18], $0x2800  }
0x2ad: {  	[sflag:s18] =	ssyncset.done $0x0  }
0x2ae: {  	s24 =	simm.s32 $0x7A80;
	[sflag:s18] =	ssyncadd.s32 $0xFFFFD800  }
0x2af: {  	v26 =	vld [tilespmem:s24+$0xFFFFFE30]  }
0x2b0: {  	v18 =	vld [tilespmem:s24+$0xFFFFFD80]  }
0x2b1: {  	v27 =	vld [tilespmem:s24+$0xFFFFFE20]  }
0x2b2: {  	v28 =	vld [tilespmem:s24+$0xFFFFFE70]  }
0x2b3: {  	v29 =	vld [tilespmem:s24+$0xFFFFFE10]  }
0x2b4: {  	v30 =	vld [tilespmem:s24+$0xFFFFFE60]  }
0x2b5: {  	v31 =	vld [tilespmem:s24+$0xFFFFFE50]  }
0x2b6: {  	v32 =	vld [tilespmem:s24+$0xFFFFFE00]  }
0x2b7: {  	v33 =	vld [tilespmem:s24+$0xFFFFFE40]  }
0x2b8: {  	v23 =	vld [tilespmem:s24+$0xFFFFFDF0]  }
0x2b9: {  	v20 =	vld [tilespmem:s24+$0xFFFFFDE0]  }
0x2ba: {  	v19 =	vld [tilespmem:s24+$0xFFFFFDD0]  }
0x2bb: {  	v21 =	vld [tilespmem:s24+$0xFFFFFDC0]  }
0x2bc: {  	v22 =	vld [tilespmem:s24+$0xFFFFFDB0]  }
0x2bd: {  	v24 =	vld [tilespmem:s24+$0xFFFFFDA0]  }
0x2be: {  	v25 =	vld [tilespmem:s24+$0xFFFFFD90];
	_ =	sdelay $0x1  }
0x2bf: {  	v30 =	vmul.f32 v30, v20;
	v28 =	vmul.f32 v28, v23  }
0x2c0: {  	v31 =	vmul.f32 v31, v19;
	v33 =	vmul.f32 v33, v21  }
0x2c1: {  	v32 =	vmul.f32 v32, v18;
	v27 =	vmul.f32 v27, v24  }
0x2c2: {  	v29 =	vmul.f32 v29, v25;
	v26 =	vmul.f32 v26, v22  }
0x2c3: {  	v28 =	vadd.f32 v28, v30;
	v30 =	vadd.f32 v31, v33  }
0x2c4: {  	v29 =	vadd.f32 v29, v32;
	v26 =	vadd.f32 v26, v27;
	_ =	sdelay $0x1  }
0x2c5: {  	v27 =	vadd.f32 v28, v30;
	v26 =	vadd.f32 v26, v29;
	_ =	sdelay $0x1  }
0x2c6: {  	v26 =	vadd.f32 v27, v26  }
0x2c7: {  	s25 =	simm.s32 $0xC840  }
0x2c8: {  	[tilespmem:s25+$0xFFFFFFC0] =	vst v26  }
0x2c9: {  	v26 =	vld [tilespmem:s24+$0xFFFFFEF0]  }
0x2ca: {  	v27 =	vld [tilespmem:s24+$0xFFFFFEB0]  }
0x2cb: {  	v28 =	vld [tilespmem:s24+$0xFFFFFED0]  }
0x2cc: {  	v29 =	vld [tilespmem:s24+$0xFFFFFEA0]  }
0x2cd: {  	v30 =	vld [tilespmem:s24+$0xFFFFFE90]  }
0x2ce: {  	v31 =	vld [tilespmem:s24+$0xFFFFFEE0]  }
0x2cf: {  	v32 =	vld [tilespmem:s24+$0xFFFFFEC0]  }
0x2d0: {  	v33 =	vld [tilespmem:s24+$0xFFFFFE80];
	_ =	sdelay $0x1  }
0x2d1: {  	v26 =	vmul.f32 v26, v23;
	v28 =	vmul.f32 v28, v19  }
0x2d2: {  	v29 =	vmul.f32 v29, v24;
	v30 =	vmul.f32 v30, v25  }
0x2d3: {  	v31 =	vmul.f32 v31, v20;
	v32 =	vmul.f32 v32, v21  }
0x2d4: {  	v33 =	vmul.f32 v33, v18;
	v27 =	vmul.f32 v27, v22  }
0x2d5: {  	v26 =	vadd.f32 v26, v31;
	v28 =	vadd.f32 v28, v32  }
0x2d6: {  	v30 =	vadd.f32 v30, v33;
	v27 =	vadd.f32 v27, v29;
	_ =	sdelay $0x1  }
0x2d7: {  	v27 =	vadd.f32 v27, v30;
	v26 =	vadd.f32 v26, v28;
	_ =	sdelay $0x1  }
0x2d8: {  	v26 =	vadd.f32 v26, v27;
	_ =	sdelay $0x1  }
0x2d9: {  	[tilespmem:s25+$0xFFFFFFD0] =	vst v26  }
0x2da: {  	v26 =	vld [tilespmem:s24+$0xFFFFFF70]  }
0x2db: {  	v27 =	vld [tilespmem:s24+$0xFFFFFF60]  }
0x2dc: {  	v28 =	vld [tilespmem:s24+$0xFFFFFF50]  }
0x2dd: {  	v29 =	vld [tilespmem:s24+$0xFFFFFF10]  }
0x2de: {  	v30 =	vld [tilespmem:s24+$0xFFFFFF40]  }
0x2df: {  	v31 =	vld [tilespmem:s24+$0xFFFFFF20]  }
0x2e0: {  	v32 =	vld [tilespmem:s24+$0xFFFFFF30]  }
0x2e1: {  	v33 =	vld [tilespmem:s24+$0xFFFFFF00];
	_ =	sdelay $0x1  }
0x2e2: {  	v27 =	vmul.f32 v27, v20;
	v28 =	vmul.f32 v28, v19  }
0x2e3: {  	v30 =	vmul.f32 v30, v21;
	v26 =	vmul.f32 v26, v23  }
0x2e4: {  	v29 =	vmul.f32 v29, v25;
	v31 =	vmul.f32 v31, v24  }
0x2e5: {  	v32 =	vmul.f32 v32, v22;
	v33 =	vmul.f32 v33, v18  }
0x2e6: {  	v26 =	vadd.f32 v26, v27;
	v27 =	vadd.f32 v28, v30  }
0x2e7: {  	v28 =	vadd.f32 v32, v31;
	v29 =	vadd.f32 v29, v33;
	_ =	sdelay $0x1  }
0x2e8: {  	v26 =	vadd.f32 v26, v27;
	v27 =	vadd.f32 v28, v29;
	_ =	sdelay $0x1  }
0x2e9: {  	v26 =	vadd.f32 v26, v27;
	_ =	sdelay $0x1  }
0x2ea: {  	[tilespmem:s25+$0xFFFFFFE0] =	vst v26  }
0x2eb: {  	v26 =	vld [tilespmem:s24+$0xFFFFFFF0]  }
0x2ec: {  	v27 =	vld [tilespmem:s24+$0xFFFFFFE0]  }
0x2ed: {  	v28 =	vld [tilespmem:s24+$0xFFFFFFD0]  }
0x2ee: {  	v29 =	vld [tilespmem:s24+$0xFFFFFF90]  }
0x2ef: {  	v30 =	vld [tilespmem:s24+$0xFFFFFFC0]  }
0x2f0: {  	v31 =	vld [tilespmem:s24+$0xFFFFFFA0]  }
0x2f1: {  	v32 =	vld [tilespmem:s24+$0xFFFFFF80]  }
0x2f2: {  	v33 =	vld [tilespmem:s24+$0xFFFFFFB0];
	_ =	sdelay $0x1  }
0x2f3: {  	v27 =	vmul.f32 v27, v20;
	v28 =	vmul.f32 v28, v19  }
0x2f4: {  	v29 =	vmul.f32 v29, v25;
	v30 =	vmul.f32 v30, v21  }
0x2f5: {  	v31 =	vmul.f32 v31, v24;
	v26 =	vmul.f32 v26, v23  }
0x2f6: {  	v32 =	vmul.f32 v32, v18;
	v33 =	vmul.f32 v33, v22  }
0x2f7: {  	v28 =	vadd.f32 v28, v30;
	v26 =	vadd.f32 v26, v27  }
0x2f8: {  	v27 =	vadd.f32 v29, v32;
	v29 =	vadd.f32 v33, v31;
	_ =	sdelay $0x1  }
0x2f9: {  	v26 =	vadd.f32 v26, v28;
	v27 =	vadd.f32 v29, v27;
	_ =	sdelay $0x1  }
0x2fa: {  	v26 =	vadd.f32 v26, v27;
	_ =	sdelay $0x1  }
0x2fb: {  	[tilespmem:s25+$0xFFFFFFF0] =	vst v26  }
0x2fc: {  	v26 =	vld [tilespmem:s24+$0x40]  }
0x2fd: {  	v27 =	vld [tilespmem:s24+$0x70]  }
0x2fe: {  	v28 =	vld [tilespmem:s24+$0x60]  }
0x2ff: {  	v29 =	vld [tilespmem:s24+$0x10]  }
0x300: {  	v30 =	vld [tilespmem:s24+$0x20]  }
0x301: {  	v31 =	vld [tilespmem:s24+$0x50]  }
0x302: {  	v32 =	vld [tilespmem:s24+$0x30]  }
0x303: {  	v33 =	vld [tilespmem:s24+$0x0];
	_ =	sdelay $0x1  }
0x304: {  	v28 =	vmul.f32 v28, v20;
	v27 =	vmul.f32 v27, v23  }
0x305: {  	v29 =	vmul.f32 v29, v25;
	v30 =	vmul.f32 v30, v24  }
0x306: {  	v31 =	vmul.f32 v31, v19;
	v32 =	vmul.f32 v32, v22  }
0x307: {  	v26 =	vmul.f32 v26, v21;
	v33 =	vmul.f32 v33, v18  }
0x308: {  	v27 =	vadd.f32 v27, v28;
	v28 =	vadd.f32 v32, v30  }
0x309: {  	v26 =	vadd.f32 v31, v26;
	v29 =	vadd.f32 v29, v33;
	_ =	sdelay $0x1  }
0x30a: {  	v26 =	vadd.f32 v27, v26;
	v27 =	vadd.f32 v28, v29;
	_ =	sdelay $0x1  }
0x30b: {  	v26 =	vadd.f32 v26, v27;
	_ =	sdelay $0x1  }
0x30c: {  	[tilespmem:s25+$0x0] =	vst v26  }
0x30d: {  	v26 =	vld [tilespmem:s24+$0xF0]  }
0x30e: {  	v27 =	vld [tilespmem:s24+$0x80]  }
0x30f: {  	v28 =	vld [tilespmem:s24+$0xB0]  }
0x310: {  	v29 =	vld [tilespmem:s24+$0xE0]  }
0x311: {  	v30 =	vld [tilespmem:s24+$0xC0]  }
0x312: {  	v31 =	vld [tilespmem:s24+$0xA0]  }
0x313: {  	v32 =	vld [tilespmem:s24+$0xD0]  }
0x314: {  	v33 =	vld [tilespmem:s24+$0x90];
	_ =	sdelay $0x1  }
0x315: {  	v27 =	vmul.f32 v27, v18;
	v28 =	vmul.f32 v28, v22  }
0x316: {  	v29 =	vmul.f32 v29, v20;
	v30 =	vmul.f32 v30, v21  }
0x317: {  	v31 =	vmul.f32 v31, v24;
	v26 =	vmul.f32 v26, v23  }
0x318: {  	v32 =	vmul.f32 v32, v19;
	v33 =	vmul.f32 v33, v25  }
0x319: {  	v28 =	vadd.f32 v28, v31;
	v26 =	vadd.f32 v26, v29  }
0x31a: {  	v29 =	vadd.f32 v32, v30;
	v27 =	vadd.f32 v33, v27;
	_ =	sdelay $0x1  }
0x31b: {  	v26 =	vadd.f32 v26, v29;
	v27 =	vadd.f32 v28, v27;
	_ =	sdelay $0x1  }
0x31c: {  	v26 =	vadd.f32 v26, v27;
	_ =	sdelay $0x1  }
0x31d: {  	[tilespmem:s25+$0x10] =	vst v26  }
0x31e: {  	v26 =	vld [tilespmem:s24+$0x170]  }
0x31f: {  	v28 =	vld [tilespmem:s24+$0x160]  }
0x320: {  	v31 =	vld [tilespmem:s24+$0x150]  }
0x321: {  	v27 =	vld [tilespmem:s24+$0x120]  }
0x322: {  	s29 =	simm.s32 $0x90;
	s30 =	simm.s32 $0x7A80;
	v29 =	vld [tilespmem:s24+$0x110]  }
0x323: {  	s28 =	simm.s32 $0xC840;
	s23 =	sadd.s32 $0x1, s23;
	s26 =	simm.s32 $0x0;
	v30 =	vld [tilespmem:s24+$0x140]  }
.LBB2_5:
0x324: {  	p0 =	sne.s32 s29, $0x870;
	v32 =	vld [tilespmem:s24+$0x130];
	s30 =	sadd.s32 $0x500, s30;
	s25 =	sadd.s32 $0x90, s25  }
0x325: {  	v28 =	vmul.f32 v28, v20;
	s31 =	smov.u32 s29;
	s29 =	sadd.s32 $0x90, s29;
	v33 =	vld [tilespmem:s24+$0x100];
	v31 =	vmul.f32 v31, v19  }
0x326: {  	v26 =	vmul.f32 v26, v23  }
0x327: {  	v27 =	vmul.f32 v27, v24;
	v29 =	vmul.f32 v29, v25  }
0x328: {  	v26 =	vadd.f32 v26, v28;
	v30 =	vmul.f32 v30, v21  }
0x329: {  	v28 =	vmul.f32 v32, v22  }
0x32a: {  	v32 =	vmul.f32 v33, v18;
	v30 =	vadd.f32 v31, v30  }
0x32b: {  	v27 =	vadd.f32 v28, v27  }
0x32c: {  	v28 =	vadd.f32 v29, v32;
	v26 =	vadd.f32 v26, v30;
	_ =	sdelay $0x1  }
0x32d: {  	v27 =	vadd.f32 v27, v28;
	_ =	sdelay $0x1  }
0x32e: {  	v26 =	vadd.f32 v26, v27;
	_ =	sdelay $0x1  }
0x32f: {  	[tilespmem:s28+$0x20] =	vst v26  }
0x330: {  	v26 =	vld [tilespmem:s24+$0x1E0]  }
0x331: {  	v27 =	vld [tilespmem:s24+$0x1F0]  }
0x332: {  	v28 =	vld [tilespmem:s24+$0x1B0]  }
0x333: {  	v29 =	vld [tilespmem:s24+$0x190]  }
0x334: {  	v30 =	vld [tilespmem:s24+$0x1D0]  }
0x335: {  	v31 =	vld [tilespmem:s24+$0x1A0]  }
0x336: {  	v32 =	vld [tilespmem:s24+$0x180];
	v27 =	vmul.f32 v27, v23  }
0x337: {  	v33 =	vld [tilespmem:s24+$0x1C0]  }
0x338: {  	v29 =	vmul.f32 v29, v25  }
0x339: {  	v28 =	vmul.f32 v28, v22;
	v30 =	vmul.f32 v30, v19  }
0x33a: {  	v26 =	vmul.f32 v26, v20;
	v31 =	vmul.f32 v31, v24  }
0x33b: {  	v32 =	vmul.f32 v32, v18  }
0x33c: {  	v26 =	vadd.f32 v27, v26;
	v33 =	vmul.f32 v33, v21;
	v28 =	vadd.f32 v28, v31  }
0x33d: {  	v27 =	vadd.f32 v29, v32  }
0x33e: {  	v29 =	vadd.f32 v30, v33  }
0x33f: {  	v27 =	vadd.f32 v28, v27  }
0x340: {  	v26 =	vadd.f32 v26, v29;
	_ =	sdelay $0x1  }
0x341: {  	v26 =	vadd.f32 v26, v27;
	_ =	sdelay $0x1  }
0x342: {  	[tilespmem:s28+$0x30] =	vst v26;
	s28 =	smov.u32 s25  }
0x343: {  	v26 =	vld [tilespmem:s24+$0x260]  }
0x344: {  	v27 =	vld [tilespmem:s24+$0x270]  }
0x345: {  	v28 =	vld [tilespmem:s24+$0x200]  }
0x346: {  	v29 =	vld [tilespmem:s24+$0x210]  }
0x347: {  	v30 =	vld [tilespmem:s24+$0x230]  }
0x348: {  	v31 =	vld [tilespmem:s24+$0x220]  }
0x349: {  	v32 =	vld [tilespmem:s24+$0x240];
	v23 =	vmul.f32 v27, v23  }
0x34a: {  	v18 =	vmul.f32 v28, v18;
	v27 =	vld [tilespmem:s24+$0x250];
	s24 =	smov.u32 s30  }
0x34b: {  	v25 =	vmul.f32 v29, v25;
	_ =	sdelay $0x1  }
0x34c: {  	v22 =	vmul.f32 v30, v22;
	v24 =	vmul.f32 v31, v24;
	v18 =	vadd.f32 v25, v18  }
0x34d: {  	v20 =	vmul.f32 v26, v20;
	v21 =	vmul.f32 v32, v21  }
0x34e: {  	v19 =	vmul.f32 v27, v19;
	v22 =	vadd.f32 v22, v24  }
0x34f: {  	v20 =	vadd.f32 v23, v20  }
0x350: {  	v19 =	vadd.f32 v19, v21  }
0x351: {  	v18 =	vadd.f32 v22, v18  }
0x352: {  	v19 =	vadd.f32 v20, v19;
	_ =	sdelay $0x1  }
0x353: {  	s1 =	sand.u32 $0xFF0, s26;
	s26 =	smov.u32 s31;
	v18 =	vadd.f32 v19, v18;
	_ =	sdelay $0x1  }
0x354: {  	[tilespmem:s1+$0xC880] =	vst v18  }
0x355: {  	v26 =	vld [tilespmem:s30+$0xFFFFFE30]  }
0x356: {  	v18 =	vld [tilespmem:s30+$0xFFFFFD80]  }
0x357: {  	v27 =	vld [tilespmem:s30+$0xFFFFFE20]  }
0x358: {  	v28 =	vld [tilespmem:s30+$0xFFFFFE70]  }
0x359: {  	v29 =	vld [tilespmem:s30+$0xFFFFFE10]  }
0x35a: {  	v30 =	vld [tilespmem:s30+$0xFFFFFE60]  }
0x35b: {  	v31 =	vld [tilespmem:s30+$0xFFFFFE50]  }
0x35c: {  	v32 =	vld [tilespmem:s30+$0xFFFFFE00]  }
0x35d: {  	v33 =	vld [tilespmem:s30+$0xFFFFFE40]  }
0x35e: {  	v23 =	vld [tilespmem:s30+$0xFFFFFDF0]  }
0x35f: {  	v20 =	vld [tilespmem:s30+$0xFFFFFDE0]  }
0x360: {  	v19 =	vld [tilespmem:s30+$0xFFFFFDD0]  }
0x361: {  	v21 =	vld [tilespmem:s30+$0xFFFFFDC0]  }
0x362: {  	v22 =	vld [tilespmem:s30+$0xFFFFFDB0]  }
0x363: {  	v24 =	vld [tilespmem:s30+$0xFFFFFDA0]  }
0x364: {  	v28 =	vmul.f32 v28, v23;
	v25 =	vld [tilespmem:s30+$0xFFFFFD90];
	v30 =	vmul.f32 v30, v20  }
0x365: {  	v31 =	vmul.f32 v31, v19  }
0x366: {  	v33 =	vmul.f32 v33, v21;
	v28 =	vadd.f32 v28, v30;
	_ =	sdelay $0x1  }
0x367: {  	v30 =	vmul.f32 v32, v18;
	v27 =	vmul.f32 v27, v24;
	v31 =	vadd.f32 v31, v33  }
0x368: {  	v26 =	vmul.f32 v26, v22;
	v29 =	vmul.f32 v29, v25  }
0x369: {  	v28 =	vadd.f32 v28, v31  }
0x36a: {  	v26 =	vadd.f32 v26, v27;
	v29 =	vadd.f32 v29, v30;
	_ =	sdelay $0x1  }
0x36b: {  	v26 =	vadd.f32 v26, v29;
	_ =	sdelay $0x1  }
0x36c: {  	v26 =	vadd.f32 v28, v26;
	_ =	sdelay $0x1  }
0x36d: {  	[tilespmem:s25+$0xFFFFFFC0] =	vst v26  }
0x36e: {  	v26 =	vld [tilespmem:s30+$0xFFFFFEF0]  }
0x36f: {  	v27 =	vld [tilespmem:s30+$0xFFFFFEB0]  }
0x370: {  	v28 =	vld [tilespmem:s30+$0xFFFFFED0]  }
0x371: {  	v29 =	vld [tilespmem:s30+$0xFFFFFEA0]  }
0x372: {  	v30 =	vld [tilespmem:s30+$0xFFFFFE90]  }
0x373: {  	v31 =	vld [tilespmem:s30+$0xFFFFFEE0];
	v26 =	vmul.f32 v26, v23  }
0x374: {  	v32 =	vld [tilespmem:s30+$0xFFFFFEC0]  }
0x375: {  	v33 =	vld [tilespmem:s30+$0xFFFFFE80];
	v28 =	vmul.f32 v28, v19  }
0x376: {  	v29 =	vmul.f32 v29, v24  }
0x377: {  	v30 =	vmul.f32 v30, v25  }
0x378: {  	v31 =	vmul.f32 v31, v20  }
0x379: {  	v32 =	vmul.f32 v32, v21  }
0x37a: {  	v27 =	vmul.f32 v27, v22;
	v33 =	vmul.f32 v33, v18;
	v26 =	vadd.f32 v26, v31  }
0x37b: {  	v28 =	vadd.f32 v28, v32  }
0x37c: {  	v27 =	vadd.f32 v27, v29;
	v30 =	vadd.f32 v30, v33;
	_ =	sdelay $0x1  }
0x37d: {  	v26 =	vadd.f32 v26, v28;
	v27 =	vadd.f32 v27, v30;
	_ =	sdelay $0x1  }
0x37e: {  	v26 =	vadd.f32 v26, v27;
	_ =	sdelay $0x1  }
0x37f: {  	[tilespmem:s25+$0xFFFFFFD0] =	vst v26  }
0x380: {  	v26 =	vld [tilespmem:s30+$0xFFFFFF70]  }
0x381: {  	v27 =	vld [tilespmem:s30+$0xFFFFFF60]  }
0x382: {  	v28 =	vld [tilespmem:s30+$0xFFFFFF50]  }
0x383: {  	v29 =	vld [tilespmem:s30+$0xFFFFFF10]  }
0x384: {  	v30 =	vld [tilespmem:s30+$0xFFFFFF40]  }
0x385: {  	v31 =	vld [tilespmem:s30+$0xFFFFFF20]  }
0x386: {  	v32 =	vld [tilespmem:s30+$0xFFFFFF30];
	v27 =	vmul.f32 v27, v20  }
0x387: {  	v33 =	vld [tilespmem:s30+$0xFFFFFF00]  }
0x388: {  	v28 =	vmul.f32 v28, v19  }
0x389: {  	v26 =	vmul.f32 v26, v23;
	v30 =	vmul.f32 v30, v21  }
0x38a: {  	v29 =	vmul.f32 v29, v25;
	v31 =	vmul.f32 v31, v24  }
0x38b: {  	v26 =	vadd.f32 v26, v27;
	v32 =	vmul.f32 v32, v22  }
0x38c: {  	v28 =	vadd.f32 v28, v30;
	v27 =	vmul.f32 v33, v18  }
0x38d: {  	v30 =	vadd.f32 v32, v31  }
0x38e: {  	v26 =	vadd.f32 v26, v28;
	v27 =	vadd.f32 v29, v27;
	_ =	sdelay $0x1  }
0x38f: {  	v27 =	vadd.f32 v30, v27;
	_ =	sdelay $0x1  }
0x390: {  	v26 =	vadd.f32 v26, v27;
	_ =	sdelay $0x1  }
0x391: {  	[tilespmem:s25+$0xFFFFFFE0] =	vst v26  }
0x392: {  	v26 =	vld [tilespmem:s30+$0xFFFFFFF0]  }
0x393: {  	v27 =	vld [tilespmem:s30+$0xFFFFFFE0]  }
0x394: {  	v28 =	vld [tilespmem:s30+$0xFFFFFFD0]  }
0x395: {  	v29 =	vld [tilespmem:s30+$0xFFFFFF90]  }
0x396: {  	v30 =	vld [tilespmem:s30+$0xFFFFFFC0]  }
0x397: {  	v31 =	vld [tilespmem:s30+$0xFFFFFFA0]  }
0x398: {  	v32 =	vld [tilespmem:s30+$0xFFFFFF80];
	v27 =	vmul.f32 v27, v20  }
0x399: {  	v33 =	vld [tilespmem:s30+$0xFFFFFFB0];
	v28 =	vmul.f32 v28, v19  }
0x39a: {  	v29 =	vmul.f32 v29, v25  }
0x39b: {  	v30 =	vmul.f32 v30, v21  }
0x39c: {  	v26 =	vmul.f32 v26, v23;
	v31 =	vmul.f32 v31, v24  }
0x39d: {  	v32 =	vmul.f32 v32, v18;
	v28 =	vadd.f32 v28, v30  }
0x39e: {  	v26 =	vadd.f32 v26, v27;
	v30 =	vmul.f32 v33, v22  }
0x39f: {  	v27 =	vadd.f32 v29, v32  }
0x3a0: {  	v29 =	vadd.f32 v30, v31  }
0x3a1: {  	v26 =	vadd.f32 v26, v28  }
0x3a2: {  	v27 =	vadd.f32 v29, v27;
	_ =	sdelay $0x1  }
0x3a3: {  	v26 =	vadd.f32 v26, v27;
	_ =	sdelay $0x1  }
0x3a4: {  	[tilespmem:s25+$0xFFFFFFF0] =	vst v26  }
0x3a5: {  	v26 =	vld [tilespmem:s30+$0x40]  }
0x3a6: {  	v27 =	vld [tilespmem:s30+$0x70]  }
0x3a7: {  	v28 =	vld [tilespmem:s30+$0x60]  }
0x3a8: {  	v29 =	vld [tilespmem:s30+$0x10]  }
0x3a9: {  	v30 =	vld [tilespmem:s30+$0x20]  }
0x3aa: {  	v31 =	vld [tilespmem:s30+$0x50]  }
0x3ab: {  	v32 =	vld [tilespmem:s30+$0x30]  }
0x3ac: {  	v27 =	vmul.f32 v27, v23;
	v33 =	vld [tilespmem:s30+$0x0];
	v28 =	vmul.f32 v28, v20  }
0x3ad: {  	v29 =	vmul.f32 v29, v25  }
0x3ae: {  	v30 =	vmul.f32 v30, v24;
	v27 =	vadd.f32 v27, v28  }
0x3af: {  	v28 =	vmul.f32 v31, v19  }
0x3b0: {  	v26 =	vmul.f32 v26, v21;
	v31 =	vmul.f32 v32, v22  }
0x3b1: {  	v32 =	vmul.f32 v33, v18  }
0x3b2: {  	v26 =	vadd.f32 v28, v26;
	v30 =	vadd.f32 v31, v30  }
0x3b3: {  	v28 =	vadd.f32 v29, v32  }
0x3b4: {  	v26 =	vadd.f32 v27, v26  }
0x3b5: {  	v27 =	vadd.f32 v30, v28;
	_ =	sdelay $0x1  }
0x3b6: {  	v26 =	vadd.f32 v26, v27;
	_ =	sdelay $0x1  }
0x3b7: {  	[tilespmem:s25+$0x0] =	vst v26  }
0x3b8: {  	v26 =	vld [tilespmem:s30+$0xF0]  }
0x3b9: {  	v27 =	vld [tilespmem:s30+$0x80]  }
0x3ba: {  	v28 =	vld [tilespmem:s30+$0xB0]  }
0x3bb: {  	v29 =	vld [tilespmem:s30+$0xE0]  }
0x3bc: {  	v30 =	vld [tilespmem:s30+$0xC0]  }
0x3bd: {  	v31 =	vld [tilespmem:s30+$0xA0]  }
0x3be: {  	v27 =	vmul.f32 v27, v18;
	v32 =	vld [tilespmem:s30+$0xD0]  }
0x3bf: {  	v33 =	vld [tilespmem:s30+$0x90]  }
0x3c0: {  	v28 =	vmul.f32 v28, v22;
	v29 =	vmul.f32 v29, v20  }
0x3c1: {  	v30 =	vmul.f32 v30, v21  }
0x3c2: {  	v26 =	vmul.f32 v26, v23;
	v31 =	vmul.f32 v31, v24  }
0x3c3: {  	v32 =	vmul.f32 v32, v19  }
0x3c4: {  	v26 =	vadd.f32 v26, v29;
	v33 =	vmul.f32 v33, v25;
	v28 =	vadd.f32 v28, v31  }
0x3c5: {  	v29 =	vadd.f32 v32, v30  }
0x3c6: {  	v27 =	vadd.f32 v33, v27  }
0x3c7: {  	v26 =	vadd.f32 v26, v29  }
0x3c8: {  	v27 =	vadd.f32 v28, v27;
	_ =	sdelay $0x1  }
0x3c9: {  	v26 =	vadd.f32 v26, v27;
	_ =	sdelay $0x1  }
0x3ca: {  	[tilespmem:s25+$0x10] =	vst v26  }
0x3cb: {  	v26 =	vld [tilespmem:s30+$0x170]  }
.Ltmp1:
0x3cc: {  	v28 =	vld [tilespmem:s30+$0x160];
	(pc) =	sbr.rel @p0 .LBB2_5-.Ltmp1, $4  }
0x3cd: {  	v31 =	vld [tilespmem:s30+$0x150]  }
0x3ce: {  	v27 =	vld [tilespmem:s30+$0x120]  }
0x3cf: {  	v29 =	vld [tilespmem:s30+$0x110]  }
0x3d0: {  	v30 =	vld [tilespmem:s30+$0x140]  }
0x3d1: {  	v32 =	vld [tilespmem:s24+$0x130]  }
0x3d2: {  	v33 =	vld [tilespmem:s24+$0x100];
	_ =	sdelay $0x1  }
0x3d3: {  	v28 =	vmul.f32 v28, v20;
	v26 =	vmul.f32 v26, v23  }
0x3d4: {  	v31 =	vmul.f32 v31, v19;
	v27 =	vmul.f32 v27, v24  }
0x3d5: {  	v29 =	vmul.f32 v29, v25;
	v30 =	vmul.f32 v30, v21  }
0x3d6: {  	v32 =	vmul.f32 v32, v22;
	v33 =	vmul.f32 v33, v18  }
0x3d7: {  	v26 =	vadd.f32 v26, v28;
	v28 =	vadd.f32 v31, v30  }
0x3d8: {  	v27 =	vadd.f32 v32, v27;
	v29 =	vadd.f32 v29, v33;
	_ =	sdelay $0x1  }
0x3d9: {  	v26 =	vadd.f32 v26, v28;
	v27 =	vadd.f32 v27, v29;
	_ =	sdelay $0x1  }
0x3da: {  	v26 =	vadd.f32 v26, v27;
	_ =	sdelay $0x1  }
0x3db: {  	[tilespmem:s28+$0x20] =	vst v26  }
0x3dc: {  	v26 =	vld [tilespmem:s24+$0x1E0]  }
0x3dd: {  	v27 =	vld [tilespmem:s24+$0x1F0]  }
0x3de: {  	v28 =	vld [tilespmem:s24+$0x1B0]  }
0x3df: {  	v29 =	vld [tilespmem:s24+$0x190]  }
0x3e0: {  	v30 =	vld [tilespmem:s24+$0x1D0]  }
0x3e1: {  	v31 =	vld [tilespmem:s24+$0x1A0]  }
0x3e2: {  	v32 =	vld [tilespmem:s24+$0x180]  }
0x3e3: {  	v33 =	vld [tilespmem:s24+$0x1C0];
	_ =	sdelay $0x1  }
0x3e4: {  	v27 =	vmul.f32 v27, v23;
	v29 =	vmul.f32 v29, v25  }
0x3e5: {  	v28 =	vmul.f32 v28, v22;
	v30 =	vmul.f32 v30, v19  }
0x3e6: {  	v31 =	vmul.f32 v31, v24;
	v26 =	vmul.f32 v26, v20  }
0x3e7: {  	v32 =	vmul.f32 v32, v18;
	v33 =	vmul.f32 v33, v21  }
0x3e8: {  	v28 =	vadd.f32 v28, v31;
	v26 =	vadd.f32 v27, v26  }
0x3e9: {  	v32 =	vadd.f32 v29, v32;
	v33 =	vadd.f32 v30, v33;
	_ =	sdelay $0x1  }
0x3ea: {  	v27 =	vadd.f32 v28, v32;
	v26 =	vadd.f32 v26, v33;
	_ =	sdelay $0x1  }
0x3eb: {  	v26 =	vadd.f32 v26, v27;
	_ =	sdelay $0x1  }
0x3ec: {  	[tilespmem:s28+$0x30] =	vst v26  }
0x3ed: {  	v26 =	vld [tilespmem:s24+$0x260]  }
0x3ee: {  	v27 =	vld [tilespmem:s24+$0x270]  }
0x3ef: {  	v28 =	vld [tilespmem:s24+$0x200]  }
0x3f0: {  	v29 =	vld [tilespmem:s24+$0x210]  }
0x3f1: {  	v30 =	vld [tilespmem:s24+$0x230]  }
0x3f2: {  	v31 =	vld [tilespmem:s24+$0x220]  }
0x3f3: {  	v32 =	vld [tilespmem:s24+$0x240]  }
0x3f4: {  	v33 =	vld [tilespmem:s24+$0x250];
	_ =	sdelay $0x1  }
0x3f5: {  	v23 =	vmul.f32 v27, v23;
	v18 =	vmul.f32 v28, v18  }
0x3f6: {  	v28 =	vmul.f32 v29, v25;
	v29 =	vmul.f32 v31, v24  }
0x3f7: {  	v30 =	vmul.f32 v30, v22;
	v31 =	vmul.f32 v32, v21  }
0x3f8: {  	v32 =	vmul.f32 v26, v20;
	v33 =	vmul.f32 v33, v19  }
0x3f9: {  	v18 =	vadd.f32 v28, v18;
	v22 =	vadd.f32 v30, v29;
	v28 =	vld [tilespmem:$0x1FCD0]  }
0x3fa: {  	v20 =	vadd.f32 v23, v32;
	v19 =	vadd.f32 v33, v31;
	v33 =	vld [tilespmem:$0x1FD20]  }
0x3fb: {  	v24 =	vld [tilespmem:$0x1FC90]  }
0x3fc: {  	v25 =	vld [tilespmem:$0x1FCA0];
	v18 =	vadd.f32 v22, v18;
	v19 =	vadd.f32 v20, v19  }
0x3fd: {  	v26 =	vld [tilespmem:$0x1FCB0]  }
0x3fe: {  	v27 =	vld [tilespmem:$0x1FCC0];
	v18 =	vadd.f32 v19, v18  }
0x3ff: {  	s1 =	sand.u32 $0xFF0, s26;
	v30 =	vld [tilespmem:$0x1FCF0]  }
0x400: {  	v32 =	vld [tilespmem:$0x1FD10];
	[tilespmem:s1+$0xC880] =	vst v18  }
0x401: {  	v23 =	vld.idx.msk [tilespmem:v28+s17+$0x0], $0xffff  }
0x402: {  	v28 =	vld.idx.msk [tilespmem:v33+s17+$0x0], $0xffff  }
0x403: {  	v33 =	vld [tilespmem:$0x1FD40]  }
0x404: {  	v29 =	vld [tilespmem:$0x1FCE0]  }
0x405: {  	v31 =	vld [tilespmem:$0x1FD00]  }
0x406: {  	v20 =	vld.idx.msk [tilespmem:v25+s17+$0x0], $0xffff  }
0x407: {  	v22 =	vld.idx.msk [tilespmem:v27+s17+$0x0], $0xffff  }
0x408: {  	v25 =	vld.idx.msk [tilespmem:v30+s17+$0x0], $0xffff  }
0x409: {  	v27 =	vld.idx.msk [tilespmem:v32+s17+$0x0], $0xffff  }
0x40a: {  	v32 =	vld [tilespmem:$0x1FD30]  }
0x40b: {  	v30 =	vld.idx.msk [tilespmem:v33+s17+$0x0], $0xffff  }
0x40c: {  	v33 =	vld [tilespmem:$0x1FD50];
	_ =	sdelay $0x1  }
0x40d: {  	v19 =	vld.idx.msk [tilespmem:v24+s17+$0x0], $0xffff  }
0x40e: {  	v21 =	vld.idx.msk [tilespmem:v26+s17+$0x0], $0xffff  }
0x40f: {  	v24 =	vld.idx.msk [tilespmem:v29+s17+$0x0], $0xffff  }
0x410: {  	v26 =	vld.idx.msk [tilespmem:v31+s17+$0x0], $0xffff  }
0x411: {  	v29 =	vld.idx.msk [tilespmem:v32+s17+$0x0], $0xffff  }
0x412: {  	v32 =	vld [tilespmem:$0x1FD60]  }
0x413: {  	v31 =	vld.idx.msk [tilespmem:v33+s17+$0x0], $0xffff  }
0x414: {  	v33 =	vld [tilespmem:$0x1FD70];
	_ =	sdelay $0x4  }
0x415: {  	v18 =	vld.idx.msk [tilespmem:v0+s17+$0x0], $0xffff;
	_ =	sdelay $0x1  }
0x416: {  	v32 =	vld.idx.msk [tilespmem:v32+s17+$0x0], $0xffff  }
0x417: {  	v33 =	vld.idx.msk [tilespmem:v33+s17+$0x0], $0xffff;
	_ =	sdelay $0x1  }
0x418: {  	v18 =	vadd.f32 v19, v18  }
0x419: {  	v19 =	vadd.f32 v21, v20;
	v20 =	vadd.f32 v23, v22  }
0x41a: {  	v22 =	vadd.f32 v27, v26;
	v28 =	vadd.f32 v29, v28  }
0x41b: {  	v29 =	vadd.f32 v31, v30;
	v30 =	vadd.f32 v33, v32  }
0x41c: {  	v21 =	vadd.f32 v25, v24;
	v23 =	vld [tilespmem:$0x1FD80]  }
0x41d: {  	v24 =	vld [tilespmem:$0x1FD90];
	v32 =	vadd.f32 v28, v22;
	v33 =	vadd.f32 v30, v29  }
0x41e: {  	v18 =	vadd.f32 v19, v18;
	v31 =	vadd.f32 v21, v20;
	v28 =	vld [tilespmem:$0x1FDD0]  }
0x41f: {  	v22 =	vadd.f32 v33, v32;
	v33 =	vld [tilespmem:$0x1FE20]  }
0x420: {  	v25 =	vld [tilespmem:$0x1FDA0];
	v18 =	vadd.f32 v31, v18  }
0x421: {  	v26 =	vld [tilespmem:$0x1FDB0]  }
0x422: {  	s22 =	smul.u32 $0x90, s22;
	v27 =	vld [tilespmem:$0x1FDC0];
	v18 =	vadd.f32 v22, v18  }
0x423: {  	v30 =	vld [tilespmem:$0x1FDF0]  }
0x424: {  	v32 =	vld [tilespmem:$0x1FE10];
	[tilespmem:s22+$0xD100] =	vst v18  }
0x425: {  	v18 =	vld.idx.msk [tilespmem:v23+s17+$0x0], $0xffff  }
0x426: {  	v23 =	vld.idx.msk [tilespmem:v28+s17+$0x0], $0xffff  }
0x427: {  	v28 =	vld.idx.msk [tilespmem:v33+s17+$0x0], $0xffff  }
0x428: {  	v33 =	vld [tilespmem:$0x1FE40]  }
0x429: {  	v31 =	vld [tilespmem:$0x1FE00]  }
0x42a: {  	v29 =	vld [tilespmem:$0x1FDE0]  }
0x42b: {  	v20 =	vld.idx.msk [tilespmem:v25+s17+$0x0], $0xffff  }
0x42c: {  	v22 =	vld.idx.msk [tilespmem:v27+s17+$0x0], $0xffff  }
0x42d: {  	v25 =	vld.idx.msk [tilespmem:v30+s17+$0x0], $0xffff  }
0x42e: {  	v27 =	vld.idx.msk [tilespmem:v32+s17+$0x0], $0xffff  }
0x42f: {  	v32 =	vld [tilespmem:$0x1FE30]  }
0x430: {  	v30 =	vld.idx.msk [tilespmem:v33+s17+$0x0], $0xffff  }
0x431: {  	v33 =	vld [tilespmem:$0x1FE50];
	_ =	sdelay $0x1  }
0x432: {  	v19 =	vld.idx.msk [tilespmem:v24+s17+$0x0], $0xffff  }
0x433: {  	v21 =	vld.idx.msk [tilespmem:v26+s17+$0x0], $0xffff  }
0x434: {  	v26 =	vld.idx.msk [tilespmem:v31+s17+$0x0], $0xffff  }
0x435: {  	v24 =	vld.idx.msk [tilespmem:v29+s17+$0x0], $0xffff  }
0x436: {  	v29 =	vld.idx.msk [tilespmem:v32+s17+$0x0], $0xffff  }
0x437: {  	v32 =	vld [tilespmem:$0x1FE60]  }
0x438: {  	v31 =	vld.idx.msk [tilespmem:v33+s17+$0x0], $0xffff  }
0x439: {  	v33 =	vld [tilespmem:$0x1FE70];
	_ =	sdelay $0x6  }
0x43a: {  	v32 =	vld.idx.msk [tilespmem:v32+s17+$0x0], $0xffff  }
0x43b: {  	v33 =	vld.idx.msk [tilespmem:v33+s17+$0x0], $0xffff;
	_ =	sdelay $0x1  }
0x43c: {  	v18 =	vadd.f32 v19, v18  }
0x43d: {  	v19 =	vadd.f32 v21, v20;
	v20 =	vadd.f32 v23, v22  }
0x43e: {  	v22 =	vadd.f32 v27, v26;
	v28 =	vadd.f32 v29, v28  }
0x43f: {  	v29 =	vadd.f32 v31, v30;
	v30 =	vadd.f32 v33, v32  }
0x440: {  	v23 =	vld [tilespmem:$0x1FE80];
	v21 =	vadd.f32 v25, v24  }
0x441: {  	v24 =	vld [tilespmem:$0x1FE90];
	v32 =	vadd.f32 v28, v22;
	v33 =	vadd.f32 v30, v29  }
0x442: {  	v18 =	vadd.f32 v19, v18;
	v31 =	vadd.f32 v21, v20;
	v28 =	vld [tilespmem:$0x1FED0]  }
0x443: {  	v22 =	vadd.f32 v33, v32;
	v33 =	vld [tilespmem:$0x1FF20]  }
0x444: {  	v25 =	vld [tilespmem:$0x1FEA0];
	v18 =	vadd.f32 v31, v18  }
0x445: {  	v26 =	vld [tilespmem:$0x1FEB0]  }
0x446: {  	v27 =	vld [tilespmem:$0x1FEC0];
	v18 =	vadd.f32 v22, v18  }
0x447: {  	v30 =	vld [tilespmem:$0x1FEF0]  }
0x448: {  	v32 =	vld [tilespmem:$0x1FF10];
	[tilespmem:s22+$0xD110] =	vst v18  }
0x449: {  	v18 =	vld.idx.msk [tilespmem:v23+s17+$0x0], $0xffff  }
0x44a: {  	v23 =	vld.idx.msk [tilespmem:v28+s17+$0x0], $0xffff  }
0x44b: {  	v28 =	vld.idx.msk [tilespmem:v33+s17+$0x0], $0xffff  }
0x44c: {  	v33 =	vld [tilespmem:$0x1FF40]  }
0x44d: {  	v31 =	vld [tilespmem:$0x1FF00]  }
0x44e: {  	v29 =	vld [tilespmem:$0x1FEE0]  }
0x44f: {  	v20 =	vld.idx.msk [tilespmem:v25+s17+$0x0], $0xffff  }
0x450: {  	v22 =	vld.idx.msk [tilespmem:v27+s17+$0x0], $0xffff  }
0x451: {  	v25 =	vld.idx.msk [tilespmem:v30+s17+$0x0], $0xffff  }
0x452: {  	v27 =	vld.idx.msk [tilespmem:v32+s17+$0x0], $0xffff  }
0x453: {  	v32 =	vld [tilespmem:$0x1FF30]  }
0x454: {  	v30 =	vld.idx.msk [tilespmem:v33+s17+$0x0], $0xffff  }
0x455: {  	v33 =	vld [tilespmem:$0x1FF50];
	_ =	sdelay $0x1  }
0x456: {  	v19 =	vld.idx.msk [tilespmem:v24+s17+$0x0], $0xffff  }
0x457: {  	v21 =	vld.idx.msk [tilespmem:v26+s17+$0x0], $0xffff  }
0x458: {  	v26 =	vld.idx.msk [tilespmem:v31+s17+$0x0], $0xffff  }
0x459: {  	v24 =	vld.idx.msk [tilespmem:v29+s17+$0x0], $0xffff  }
0x45a: {  	v29 =	vld.idx.msk [tilespmem:v32+s17+$0x0], $0xffff  }
0x45b: {  	v32 =	vld [tilespmem:$0x1FF60]  }
0x45c: {  	v31 =	vld.idx.msk [tilespmem:v33+s17+$0x0], $0xffff  }
0x45d: {  	v33 =	vld [tilespmem:$0x1FF70];
	_ =	sdelay $0x6  }
0x45e: {  	v32 =	vld.idx.msk [tilespmem:v32+s17+$0x0], $0xffff  }
0x45f: {  	v33 =	vld.idx.msk [tilespmem:v33+s17+$0x0], $0xffff;
	_ =	sdelay $0x1  }
0x460: {  	v18 =	vadd.f32 v19, v18  }
0x461: {  	v19 =	vadd.f32 v21, v20;
	v20 =	vadd.f32 v23, v22  }
0x462: {  	v22 =	vadd.f32 v27, v26;
	v28 =	vadd.f32 v29, v28  }
0x463: {  	v29 =	vadd.f32 v31, v30;
	v30 =	vadd.f32 v33, v32  }
0x464: {  	v23 =	vld [tilespmem:$0x1FA00];
	v21 =	vadd.f32 v25, v24  }
0x465: {  	v24 =	vld [tilespmem:$0x1FA10];
	v32 =	vadd.f32 v28, v22;
	v33 =	vadd.f32 v30, v29  }
0x466: {  	v18 =	vadd.f32 v19, v18;
	v31 =	vadd.f32 v21, v20;
	v28 =	vld [tilespmem:$0x1FA50]  }
0x467: {  	v22 =	vadd.f32 v33, v32;
	v33 =	vld [tilespmem:$0x1FFC0]  }
0x468: {  	v25 =	vld [tilespmem:$0x1FA20];
	v18 =	vadd.f32 v31, v18  }
0x469: {  	v26 =	vld [tilespmem:$0x1FA30]  }
0x46a: {  	v27 =	vld [tilespmem:$0x1FA40];
	v18 =	vadd.f32 v22, v18  }
0x46b: {  	v30 =	vld [tilespmem:$0x1FF90]  }
0x46c: {  	v32 =	vld [tilespmem:$0x1FFB0];
	[tilespmem:s22+$0xD120] =	vst v18  }
0x46d: {  	v18 =	vld.idx.msk [tilespmem:v23+s17+$0x0], $0xffff  }
0x46e: {  	v23 =	vld.idx.msk [tilespmem:v28+s17+$0x0], $0xffff  }
0x46f: {  	v28 =	vld.idx.msk [tilespmem:v33+s17+$0x0], $0xffff  }
0x470: {  	v33 =	vld [tilespmem:$0x1FFE0]  }
0x471: {  	v31 =	vld [tilespmem:$0x1FFA0]  }
0x472: {  	v29 =	vld [tilespmem:$0x1FF80]  }
0x473: {  	v20 =	vld.idx.msk [tilespmem:v25+s17+$0x0], $0xffff  }
0x474: {  	v22 =	vld.idx.msk [tilespmem:v27+s17+$0x0], $0xffff  }
0x475: {  	v25 =	vld.idx.msk [tilespmem:v30+s17+$0x0], $0xffff  }
0x476: {  	v27 =	vld.idx.msk [tilespmem:v32+s17+$0x0], $0xffff  }
0x477: {  	v32 =	vld [tilespmem:$0x1FFD0]  }
0x478: {  	v30 =	vld.idx.msk [tilespmem:v33+s17+$0x0], $0xffff  }
0x479: {  	v33 =	vld [tilespmem:$0x1FFF0];
	_ =	sdelay $0x1  }
0x47a: {  	v19 =	vld.idx.msk [tilespmem:v24+s17+$0x0], $0xffff  }
0x47b: {  	v21 =	vld.idx.msk [tilespmem:v26+s17+$0x0], $0xffff  }
0x47c: {  	v26 =	vld.idx.msk [tilespmem:v31+s17+$0x0], $0xffff  }
0x47d: {  	v24 =	vld.idx.msk [tilespmem:v29+s17+$0x0], $0xffff  }
0x47e: {  	v29 =	vld.idx.msk [tilespmem:v32+s17+$0x0], $0xffff  }
0x47f: {  	v32 =	vld [tilespmem:$0x1FA60]  }
0x480: {  	v31 =	vld.idx.msk [tilespmem:v33+s17+$0x0], $0xffff  }
0x481: {  	v33 =	vld [tilespmem:$0x1FA70];
	_ =	sdelay $0x6  }
0x482: {  	v32 =	vld.idx.msk [tilespmem:v32+s17+$0x0], $0xffff  }
0x483: {  	v33 =	vld.idx.msk [tilespmem:v33+s17+$0x0], $0xffff;
	_ =	sdelay $0x1  }
0x484: {  	v18 =	vadd.f32 v19, v18;
	v19 =	vadd.f32 v21, v20  }
0x485: {  	v24 =	vadd.f32 v25, v24;
	v25 =	vadd.f32 v27, v26  }
0x486: {  	v26 =	vadd.f32 v29, v28;
	v28 =	vadd.f32 v23, v22  }
0x487: {  	v31 =	vadd.f32 v31, v30;
	v29 =	vadd.f32 v33, v32  }
0x488: {  	v18 =	vadd.f32 v19, v18;
	v30 =	vadd.f32 v25, v24  }
0x489: {  	v31 =	vadd.f32 v31, v26;
	v32 =	vadd.f32 v29, v28  }
0x48a: {  	v27 =	vld [tilespmem:$0x1FAC0]  }
0x48b: {  	v23 =	vld [tilespmem:$0x1FA80];
	v33 =	vadd.f32 v31, v30;
	v18 =	vadd.f32 v32, v18  }
0x48c: {  	v28 =	vld [tilespmem:$0x1FAD0]  }
0x48d: {  	v18 =	vadd.f32 v18, v33;
	v33 =	vld [tilespmem:$0x1FB20]  }
0x48e: {  	v24 =	vld [tilespmem:$0x1FA90]  }
0x48f: {  	v25 =	vld [tilespmem:$0x1FAA0]  }
0x490: {  	v26 =	vld [tilespmem:$0x1FAB0]  }
0x491: {  	v30 =	vld [tilespmem:$0x1FAF0]  }
0x492: {  	v32 =	vld [tilespmem:$0x1FB10];
	[tilespmem:s22+$0xD130] =	vst v18  }
0x493: {  	v18 =	vld.idx.msk [tilespmem:v23+s17+$0x0], $0xffff  }
0x494: {  	v23 =	vld.idx.msk [tilespmem:v28+s17+$0x0], $0xffff  }
0x495: {  	v28 =	vld.idx.msk [tilespmem:v33+s17+$0x0], $0xffff  }
0x496: {  	v33 =	vld [tilespmem:$0x1FB40]  }
0x497: {  	v31 =	vld [tilespmem:$0x1FB00]  }
0x498: {  	v29 =	vld [tilespmem:$0x1FAE0]  }
0x499: {  	v20 =	vld.idx.msk [tilespmem:v25+s17+$0x0], $0xffff  }
0x49a: {  	v22 =	vld.idx.msk [tilespmem:v27+s17+$0x0], $0xffff  }
0x49b: {  	v25 =	vld.idx.msk [tilespmem:v30+s17+$0x0], $0xffff  }
0x49c: {  	v27 =	vld.idx.msk [tilespmem:v32+s17+$0x0], $0xffff  }
0x49d: {  	v32 =	vld [tilespmem:$0x1FB30]  }
0x49e: {  	v30 =	vld.idx.msk [tilespmem:v33+s17+$0x0], $0xffff  }
0x49f: {  	v33 =	vld [tilespmem:$0x1FB50];
	_ =	sdelay $0x1  }
0x4a0: {  	v19 =	vld.idx.msk [tilespmem:v24+s17+$0x0], $0xffff  }
0x4a1: {  	v21 =	vld.idx.msk [tilespmem:v26+s17+$0x0], $0xffff  }
0x4a2: {  	v26 =	vld.idx.msk [tilespmem:v31+s17+$0x0], $0xffff  }
0x4a3: {  	v24 =	vld.idx.msk [tilespmem:v29+s17+$0x0], $0xffff  }
0x4a4: {  	v29 =	vld.idx.msk [tilespmem:v32+s17+$0x0], $0xffff  }
0x4a5: {  	v32 =	vld [tilespmem:$0x1FB60]  }
0x4a6: {  	v31 =	vld.idx.msk [tilespmem:v33+s17+$0x0], $0xffff  }
0x4a7: {  	v33 =	vld [tilespmem:$0x1FB70];
	_ =	sdelay $0x6  }
0x4a8: {  	v32 =	vld.idx.msk [tilespmem:v32+s17+$0x0], $0xffff  }
0x4a9: {  	v33 =	vld.idx.msk [tilespmem:v33+s17+$0x0], $0xffff;
	_ =	sdelay $0x1  }
0x4aa: {  	v18 =	vadd.f32 v19, v18  }
0x4ab: {  	v19 =	vadd.f32 v21, v20;
	v20 =	vadd.f32 v23, v22  }
0x4ac: {  	v22 =	vadd.f32 v27, v26;
	v28 =	vadd.f32 v29, v28  }
0x4ad: {  	v29 =	vadd.f32 v31, v30;
	v30 =	vadd.f32 v33, v32  }
0x4ae: {  	v21 =	vadd.f32 v25, v24;
	v23 =	vld [tilespmem:$0x1FB80]  }
0x4af: {  	v24 =	vld [tilespmem:$0x1FB90];
	v32 =	vadd.f32 v28, v22;
	v33 =	vadd.f32 v30, v29  }
0x4b0: {  	v18 =	vadd.f32 v19, v18;
	v31 =	vadd.f32 v21, v20;
	v28 =	vld [tilespmem:$0x1FBD0]  }
0x4b1: {  	v22 =	vadd.f32 v33, v32;
	v33 =	vld [tilespmem:$0x1FC20]  }
0x4b2: {  	v25 =	vld [tilespmem:$0x1FBA0];
	v18 =	vadd.f32 v31, v18  }
0x4b3: {  	v26 =	vld [tilespmem:$0x1FBB0]  }
0x4b4: {  	v27 =	vld [tilespmem:$0x1FBC0];
	v18 =	vadd.f32 v22, v18  }
0x4b5: {  	v30 =	vld [tilespmem:$0x1FBF0]  }
0x4b6: {  	v32 =	vld [tilespmem:$0x1FC10];
	[tilespmem:s22+$0xD140] =	vst v18  }
0x4b7: {  	v18 =	vld.idx.msk [tilespmem:v23+s17+$0x0], $0xffff  }
0x4b8: {  	v23 =	vld.idx.msk [tilespmem:v28+s17+$0x0], $0xffff  }
0x4b9: {  	v28 =	vld.idx.msk [tilespmem:v33+s17+$0x0], $0xffff  }
0x4ba: {  	v33 =	vld [tilespmem:$0x1FC40]  }
0x4bb: {  	v31 =	vld [tilespmem:$0x1FC00]  }
0x4bc: {  	v29 =	vld [tilespmem:$0x1FBE0]  }
0x4bd: {  	v20 =	vld.idx.msk [tilespmem:v25+s17+$0x0], $0xffff  }
0x4be: {  	v22 =	vld.idx.msk [tilespmem:v27+s17+$0x0], $0xffff  }
0x4bf: {  	v25 =	vld.idx.msk [tilespmem:v30+s17+$0x0], $0xffff  }
0x4c0: {  	v27 =	vld.idx.msk [tilespmem:v32+s17+$0x0], $0xffff  }
0x4c1: {  	v32 =	vld [tilespmem:$0x1FC30]  }
0x4c2: {  	v30 =	vld.idx.msk [tilespmem:v33+s17+$0x0], $0xffff  }
0x4c3: {  	v33 =	vld [tilespmem:$0x1FC50];
	_ =	sdelay $0x1  }
0x4c4: {  	v19 =	vld.idx.msk [tilespmem:v24+s17+$0x0], $0xffff  }
0x4c5: {  	v21 =	vld.idx.msk [tilespmem:v26+s17+$0x0], $0xffff  }
0x4c6: {  	v26 =	vld.idx.msk [tilespmem:v31+s17+$0x0], $0xffff  }
0x4c7: {  	v24 =	vld.idx.msk [tilespmem:v29+s17+$0x0], $0xffff  }
0x4c8: {  	v29 =	vld.idx.msk [tilespmem:v32+s17+$0x0], $0xffff  }
0x4c9: {  	v32 =	vld [tilespmem:$0x1FC60]  }
0x4ca: {  	v31 =	vld.idx.msk [tilespmem:v33+s17+$0x0], $0xffff  }
0x4cb: {  	v33 =	vld [tilespmem:$0x1FC70];
	_ =	sdelay $0x6  }
0x4cc: {  	v32 =	vld.idx.msk [tilespmem:v32+s17+$0x0], $0xffff  }
0x4cd: {  	v33 =	vld.idx.msk [tilespmem:v33+s17+$0x0], $0xffff;
	_ =	sdelay $0x1  }
0x4ce: {  	v18 =	vadd.f32 v19, v18;
	v19 =	vadd.f32 v21, v20  }
0x4cf: {  	v20 =	vadd.f32 v23, v22;
	v21 =	vadd.f32 v25, v24  }
0x4d0: {  	v22 =	vadd.f32 v27, v26;
	v23 =	vadd.f32 v29, v28  }
0x4d1: {  	v31 =	vadd.f32 v31, v30;
	v28 =	vadd.f32 v33, v32  }
0x4d2: {  	v18 =	vadd.f32 v19, v18;
	v29 =	vadd.f32 v21, v20;
	v33 =	vld [tilespmem:$0x1FC80]  }
0x4d3: {  	v30 =	vadd.f32 v23, v22;
	v31 =	vadd.f32 v28, v31;
	_ =	sdelay $0x1  }
0x4d4: {  	v18 =	vadd.f32 v29, v18;
	v32 =	vadd.f32 v31, v30;
	_ =	sdelay $0x1  }
0x4d5: {  	v18 =	vadd.f32 v32, v18;
	_ =	sdelay $0x1  }
0x4d6: {  	[tilespmem:s22+$0xD150] =	vst v18  }
0x4d7: {  	v18 =	vld.idx.msk [tilespmem:v33+s17+$0x0], $0xffff  }
0x4d8: {  	v19 =	vld.idx.msk [tilespmem:v34+s17+$0x0], $0xffff  }
0x4d9: {  	v20 =	vld.idx.msk [tilespmem:v35+s17+$0x0], $0xffff  }
0x4da: {  	v21 =	vld.idx.msk [tilespmem:v36+s17+$0x0], $0xffff  }
0x4db: {  	v22 =	vld.idx.msk [tilespmem:v37+s17+$0x0], $0xffff  }
0x4dc: {  	v23 =	vld.idx.msk [tilespmem:v38+s17+$0x0], $0xffff  }
0x4dd: {  	v24 =	vld.idx.msk [tilespmem:v39+s17+$0x0], $0xffff  }
0x4de: {  	v40 =	vld.idx.msk [tilespmem:v40+s17+$0x0], $0xffff  }
0x4df: {  	v41 =	vld.idx.msk [tilespmem:v41+s17+$0x0], $0xffff  }
0x4e0: {  	v42 =	vld.idx.msk [tilespmem:v42+s17+$0x0], $0xffff  }
0x4e1: {  	v43 =	vld.idx.msk [tilespmem:v43+s17+$0x0], $0xffff  }
0x4e2: {  	v44 =	vld.idx.msk [tilespmem:v44+s17+$0x0], $0xffff  }
0x4e3: {  	v45 =	vld.idx.msk [tilespmem:v45+s17+$0x0], $0xffff  }
0x4e4: {  	v46 =	vld.idx.msk [tilespmem:v46+s17+$0x0], $0xffff  }
0x4e5: {  	v36 =	vld.idx.msk [tilespmem:v47+s17+$0x0], $0xffff  }
0x4e6: {  	v37 =	vld.idx.msk [tilespmem:v48+s17+$0x0], $0xffff;
	_ =	sdelay $0x1  }
0x4e7: {  	v18 =	vadd.f32 v19, v18;
	v38 =	vadd.f32 v21, v20  }
0x4e8: {  	v39 =	vadd.f32 v23, v22;
	v40 =	vadd.f32 v40, v24  }
0x4e9: {  	v41 =	vadd.f32 v42, v41;
	v42 =	vadd.f32 v44, v43  }
0x4ea: {  	v43 =	vadd.f32 v46, v45;
	v44 =	vadd.f32 v37, v36  }
0x4eb: {  	v18 =	vadd.f32 v38, v18;
	v45 =	vadd.f32 v40, v39  }
0x4ec: {  	v46 =	vadd.f32 v42, v41;
	v47 =	vadd.f32 v44, v43;
	_ =	sdelay $0x1  }
0x4ed: {  	v18 =	vadd.f32 v45, v18;
	v48 =	vadd.f32 v47, v46;
	_ =	sdelay $0x1  }
0x4ee: {  	v18 =	vadd.f32 v48, v18;
	_ =	sdelay $0x1  }
0x4ef: {  	[tilespmem:s22+$0xD160] =	vst v18  }
0x4f0: {  	v18 =	vld.idx.msk [tilespmem:v49+s17+$0x0], $0xffff  }
0x4f1: {  	v50 =	vld.idx.msk [tilespmem:v50+s17+$0x0], $0xffff  }
0x4f2: {  	v51 =	vld.idx.msk [tilespmem:v51+s17+$0x0], $0xffff  }
0x4f3: {  	v52 =	vld.idx.msk [tilespmem:v52+s17+$0x0], $0xffff  }
0x4f4: {  	v53 =	vld.idx.msk [tilespmem:v53+s17+$0x0], $0xffff  }
0x4f5: {  	v54 =	vld.idx.msk [tilespmem:v54+s17+$0x0], $0xffff  }
0x4f6: {  	v55 =	vld.idx.msk [tilespmem:v55+s17+$0x0], $0xffff  }
0x4f7: {  	v56 =	vld.idx.msk [tilespmem:v56+s17+$0x0], $0xffff  }
0x4f8: {  	v57 =	vld.idx.msk [tilespmem:v57+s17+$0x0], $0xffff  }
0x4f9: {  	v58 =	vld.idx.msk [tilespmem:v58+s17+$0x0], $0xffff  }
0x4fa: {  	v33 =	vld.idx.msk [tilespmem:v59+s17+$0x0], $0xffff  }
0x4fb: {  	v34 =	vld.idx.msk [tilespmem:v60+s17+$0x0], $0xffff  }
0x4fc: {  	v35 =	vld.idx.msk [tilespmem:v61+s17+$0x0], $0xffff  }
0x4fd: {  	v36 =	vld.idx.msk [tilespmem:v62+s17+$0x0], $0xffff  }
0x4fe: {  	v1 =	vld.idx.msk [tilespmem:v1+s17+$0x0], $0xffff  }
0x4ff: {  	v2 =	vld.idx.msk [tilespmem:v2+s17+$0x0], $0xffff;
	_ =	sdelay $0x1  }
0x500: {  	v18 =	vadd.f32 v50, v18;
	v37 =	vadd.f32 v52, v51  }
0x501: {  	v38 =	vadd.f32 v54, v53;
	v39 =	vadd.f32 v56, v55  }
0x502: {  	v40 =	vadd.f32 v58, v57;
	v41 =	vadd.f32 v34, v33  }
0x503: {  	v42 =	vadd.f32 v36, v35;
	v1 =	vadd.f32 v2, v1  }
0x504: {  	v2 =	vadd.f32 v37, v18;
	v43 =	vadd.f32 v39, v38  }
0x505: {  	v44 =	vadd.f32 v41, v40;
	v1 =	vadd.f32 v1, v42;
	_ =	sdelay $0x1  }
0x506: {  	v2 =	vadd.f32 v43, v2;
	v1 =	vadd.f32 v1, v44;
	_ =	sdelay $0x1  }
0x507: {  	v1 =	vadd.f32 v1, v2;
	_ =	sdelay $0x1  }
0x508: {  	[tilespmem:s22+$0xD170] =	vst v1  }
0x509: {  	v1 =	vld.idx.msk [tilespmem:v63+s17+$0x0], $0xffff  }
0x50a: {  	v2 =	vld.idx.msk [tilespmem:v3+s17+$0x0], $0xffff  }
0x50b: {  	v3 =	vld.idx.msk [tilespmem:v4+s17+$0x0], $0xffff  }
0x50c: {  	v45 =	vld.idx.msk [tilespmem:v5+s17+$0x0], $0xffff  }
0x50d: {  	v46 =	vld.idx.msk [tilespmem:v6+s17+$0x0], $0xffff  }
0x50e: {  	v47 =	vld.idx.msk [tilespmem:v7+s17+$0x0], $0xffff  }
0x50f: {  	v48 =	vld.idx.msk [tilespmem:v8+s17+$0x0], $0xffff  }
0x510: {  	v49 =	vld.idx.msk [tilespmem:v9+s17+$0x0], $0xffff  }
0x511: {  	v50 =	vld.idx.msk [tilespmem:v10+s17+$0x0], $0xffff  }
0x512: {  	v51 =	vld.idx.msk [tilespmem:v11+s17+$0x0], $0xffff  }
0x513: {  	v52 =	vld.idx.msk [tilespmem:v12+s17+$0x0], $0xffff  }
0x514: {  	v53 =	vld.idx.msk [tilespmem:v13+s17+$0x0], $0xffff  }
0x515: {  	v54 =	vld.idx.msk [tilespmem:v14+s17+$0x0], $0xffff  }
0x516: {  	v55 =	vld.idx.msk [tilespmem:v15+s17+$0x0], $0xffff  }
0x517: {  	v56 =	vld.idx.msk [tilespmem:v16+s17+$0x0], $0xffff  }
0x518: {  	v57 =	vld.idx.msk [tilespmem:v17+s17+$0x0], $0xffff;
	_ =	sdelay $0x1  }
0x519: {  	v1 =	vadd.f32 v2, v1;
	v2 =	vadd.f32 v45, v3  }
0x51a: {  	v3 =	vadd.f32 v47, v46;
	v58 =	vadd.f32 v49, v48  }
0x51b: {  	v59 =	vadd.f32 v51, v50;
	v60 =	vadd.f32 v53, v52  }
0x51c: {  	v61 =	vadd.f32 v55, v54;
	v62 =	vadd.f32 v57, v56  }
0x51d: {  	v1 =	vadd.f32 v2, v1;
	v2 =	vadd.f32 v58, v3  }
0x51e: {  	v3 =	vadd.f32 v60, v59;
	v63 =	vadd.f32 v62, v61  }
0x51f: {  	p0 =	sne.s32 s23, $0x20  }
.Ltmp2:
0x520: {  	v1 =	vadd.f32 v2, v1;
	v2 =	vadd.f32 v63, v3;
	(pc) =	sbr.rel @p0 .LBB2_2-.Ltmp2, $4  }
0x521: {  	_ = 	snop  }
0x522: {  	v1 =	vadd.f32 v2, v1  }
0x523: {  	s31 =	sand.u32 $0x3FF0, s22  }
0x524: {  	[tilespmem:s31+$0xD180] =	vst v1  }
0x525: {  	[hbm4b:s6+s3] =	stream.linear.scatter [tilespmem:s19], [sflag:$0x3], $0x1200, $0x38;
	[tilespmem:$0xF500] =	vst v63  }
0x526: {  	s21 =	sadd.s32 $0x1, s21;
	_ =	swait.ge [sflag:s9], $0x1200  }
0x527: {  	p0 =	sne.s32 s21, s8;
	[sflag:s9] =	ssyncset.done $0x0  }
.Ltmp3:
0x528: {  	[sflag:s9] =	ssyncadd.s32 $0xFFFFEE00;
	(pc) =	sbr.rel @p0 .LBB2_1-.Ltmp3, $4  }
0x529: {  	[hbm4b:s7+s3] =	stream.linear.scatter [tilespmem:s20], [sflag:$0x3], $0x1200, $0x38;
	[tilespmem:$0xF500] =	vst v63  }
0x52a: {  	_ =	swait.ge [sflag:s9], $0x1200  }
0x52b: {  	[sflag:s9] =	ssyncset.done $0x0  }
0x52c: {  	[sflag:s9] =	ssyncadd.s32 $0xFFFFEE00  }
0x52d: {  	_ =	sfence.sel $0x180000  }
0x52e: {  	[bflag:$0x0] =	sbarrier.arrive $0xFFFF  }
0x52f: {  	_ =	strace $0x90000047  }
0x530: {  	[bflag:$0x2] =	sbarrier.arrive $0xFFFF  }
0x531: {  	p0 =	sne.s32 s0, $0x0;
	s0 =	rddreg [dreg:$0x2]  }
0x532: {  	s0 =	sadd.s32 @!p0 $0x100000, s0  }
0x533: {  	[sflag:s0] =	ssyncadd.tile.s32 @!p0 $0x1;
	_ =	shalt  }
.Lfunc_end2:
_tile_overlayer_lowered:
.L_overlay_start_2:
0x534: {  	(tag) =	ssettag $0x2  }
0x535: {  	s0 =	rddreg [dreg:$0x0];
	s2 =	stileid.u32  }
0x536: {  	s1 =	rddreg [dreg:$0x1];
	p0 =	sne.s32 s2, $0x0  }
0x537: {  	s3 =	rddreg [dreg:$0x2];
	[bflag:$0x3] =	sbarrier.arrive $0xFFFF;
	s2 =	simm.s32 @!p0 $0x1C03  }
0x538: {  	[timem:s3], [sflag:s2] =	dma.local @!p0 [hbm:s0], s1  }
0x539: {  	s0 =	simm.s32 @!p0 $0x3  }
0x53a: {  	_ =	swait.ge @!p0 [sflag:s0], s1  }
0x53b: {  	s1 =	ssub.s32 @!p0 $0x0, s1;
	[sflag:s0] =	ssyncset.done @!p0 $0x0  }
0x53c: {  	[sflag:s0] =	ssyncadd.s32 @!p0 s1  }
0x53d: {  	[bflag:$0x3] =	sbarrier.arrive $0xFFFF  }
0x53e: {  	_ =	shalt  }

</sc_bundles>
